<compile_context>
chip_gen: v7x
topology: tpu7x:2x2x1
jax: 0.10.2.dev20260603
libtpu: 0.0.44.dev20260713+nightly
codegen_flags: <defaults>
</compile_context>

<pallas_src>
import functools

import jax
import jax.numpy as jnp
from jax import lax
from jax.experimental import pallas as pl
from jax.experimental.pallas import tpu as pltpu
from jax.experimental.pallas import tpu_sc as plsc

_N = 5000
_IOU_THR = 0.5
_B = 512
_NP = 5120
_W = 128


def _pack_rank_body(boxes_ref, scol_ref, srow_ref, vals_ref, cp_ref, rp_ref,
                    colacc_ref):
    nblk = _NP // _B
    pad = _NP - _N
    ones_bb = jnp.ones((_B, _B), jnp.float32)
    ones_row = jnp.ones((1, _B), jnp.float32)
    ones_col = jnp.ones((_B, 1), jnp.float32)
    sr = jnp.concatenate(
        [srow_ref[...], jnp.full((1, pad), -1.0, jnp.float32)], axis=1)
    i_col = lax.broadcasted_iota(jnp.int32, (1, _NP), 1)

    colacc_ref[...] = jnp.zeros((1, _NP), jnp.float32)
    for u in range(nblk):
        if (u + 1) * _B <= _N:
            b = boxes_ref[pl.ds(u * _B, _B), :]
            sc = scol_ref[pl.ds(u * _B, _B), :]
        else:
            nv = _N - u * _B
            b = jnp.concatenate(
                [boxes_ref[pl.ds(u * _B, nv), :],
                 jnp.zeros((_B - nv, 4), jnp.float32)], axis=0)
            sc = jnp.concatenate(
                [scol_ref[pl.ds(u * _B, nv), :],
                 jnp.full((_B - nv, 1), -1.0, jnp.float32)], axis=0)
        vals_ref[pl.ds(u * _B, _B), :] = jnp.concatenate(
            [b, sc, jnp.zeros((_B, _W - 5), jnp.float32)], axis=1)

        su_bb = sc * ones_bb
        rowsum = jnp.zeros((_B, 1), jnp.float32)
        for v in range(u, nblk):
            sv = sr[0:1, v * _B:(v + 1) * _B]
            if v == u:
                iu_bb = lax.broadcasted_iota(jnp.int32, (_B, _B), 0) + u * _B
                iv = i_col[0:1, v * _B:(v + 1) * _B]
                p = ((su_bb > sv) | ((su_bb == sv) & (iu_bb < iv))
                     ).astype(jnp.float32)
            else:
                p = (su_bb >= sv).astype(jnp.float32)
            csum = jnp.dot(ones_row, p, preferred_element_type=jnp.float32)
            colacc_ref[0:1, v * _B:(v + 1) * _B] += csum
            if v > u:
                rowsum = rowsum + jnp.dot(
                    p, ones_col, preferred_element_type=jnp.float32)
        rp_ref[pl.ds(u * _B, _B), :] = (
            (nblk - 1 - u) * _B - rowsum).astype(jnp.int32)
    cp_ref[...] = colacc_ref[...].astype(jnp.int32)


def _nms_body(sv_ref, st_ref, out_ref, keep_ref):
    nblk = _NP // _B
    ones_bb = jnp.ones((_B, _B), jnp.float32)

    for t in range(nblk):
        ax1 = sv_ref[pl.ds(t * _B, _B), 0:1] * ones_bb
        ay1 = sv_ref[pl.ds(t * _B, _B), 1:2] * ones_bb
        ax2 = sv_ref[pl.ds(t * _B, _B), 2:3] * ones_bb
        ay2 = sv_ref[pl.ds(t * _B, _B), 3:4] * ones_bb
        ha = (_IOU_THR * (ax2 - ax1)) * (ay2 - ay1)

        def iou_gt(u, ax1=ax1, ay1=ay1, ax2=ax2, ay2=ay2, ha=ha):
            bx1 = st_ref[0:1, u * _B:(u + 1) * _B]
            by1 = st_ref[1:2, u * _B:(u + 1) * _B]
            bx2 = st_ref[2:3, u * _B:(u + 1) * _B]
            by2 = st_ref[3:4, u * _B:(u + 1) * _B]
            hb = (_IOU_THR * (bx2 - bx1)) * (by2 - by1)
            wx = jnp.maximum(jnp.minimum(ax2, bx2) - jnp.maximum(ax1, bx1), 0.0)
            wy = jnp.maximum(jnp.minimum(ay2, by2) - jnp.maximum(ay1, by1), 0.0)
            inter = wx * wy
            return (1.0 + _IOU_THR) * inter > ha + hb

        sup = jnp.zeros((_B, 1), jnp.float32)
        for u in range(t):
            m = iou_gt(u).astype(jnp.float32)
            ku = keep_ref[pl.ds(u * _B, _B), :]
            sup = sup + jnp.dot(m, ku, preferred_element_type=jnp.float32)
        ext_ok = (sup == 0.0).astype(jnp.float32)

        r_j = lax.broadcasted_iota(jnp.int32, (_B, _B), 0)
        c_i = lax.broadcasted_iota(jnp.int32, (_B, _B), 1)
        mtt = (iou_gt(t) & (c_i < r_j)).astype(jnp.float32)

        def step(k, mtt=mtt, ext_ok=ext_ok):
            s = jnp.dot(mtt, k, preferred_element_type=jnp.float32)
            return ext_ok * (s == 0.0).astype(jnp.float32)

        def wcond(carry):
            return carry[1]

        def wbody(carry, step=step):
            k, _ = carry
            k2 = step(step(k))
            return (k2, jnp.any(k2 != k))

        kf, _ = lax.while_loop(wcond, wbody, (ext_ok, jnp.full((), True)))
        keep_ref[pl.ds(t * _B, _B), :] = kf
        outrow = sv_ref[pl.ds(t * _B, _B), 0:5] * kf
        if (t + 1) * _B <= _N:
            out_ref[pl.ds(t * _B, _B), :] = outrow
        elif t * _B < _N:
            nv = _N - t * _B
            out_ref[pl.ds(t * _B, nv), :] = outrow[0:nv, :]


def _sc_rank_scatter(vals, colpart, rowpart):
    info = plsc.get_sparse_core_info()
    nw = info.num_cores * info.num_subcores
    nl = info.num_lanes
    rows_per = _NP // nw
    mesh = plsc.VectorSubcoreMesh(core_axis_name="c", subcore_axis_name="s")

    @functools.partial(
        pl.kernel,
        mesh=mesh,
        out_type=jax.ShapeDtypeStruct((_NP, _W), jnp.float32),
        scratch_types=[
            pltpu.VMEM((rows_per,), jnp.int32),
            pltpu.VMEM((rows_per,), jnp.int32),
            pltpu.VMEM((rows_per,), jnp.int32),
            pltpu.VMEM((rows_per, _W), jnp.float32),
            pltpu.SemaphoreType.DMA,
        ],
    )
    def scat(vals_hbm, cp_hbm, rp_hbm, out_hbm, cp_v, rp_v, idx_v, rows_v, sem):
        wid = lax.axis_index("s") * info.num_cores + lax.axis_index("c")
        base = wid * rows_per
        pltpu.sync_copy(cp_hbm.at[pl.ds(base, rows_per)], cp_v)
        pltpu.sync_copy(rp_hbm.at[pl.ds(base, rows_per)], rp_v)
        pltpu.sync_copy(vals_hbm.at[pl.ds(base, rows_per)], rows_v)
        for k in range(rows_per // nl):
            idx_v[pl.ds(k * nl, nl)] = (cp_v[pl.ds(k * nl, nl)]
                                        + rp_v[pl.ds(k * nl, nl)])
        pltpu.async_copy(rows_v, out_hbm.at[idx_v], sem).wait()

    return scat(vals, colpart, rowpart)


def kernel(boxes, scores):
    n = boxes.shape[0]
    s_col = scores.reshape(n, 1)
    s_row = scores.reshape(1, n)

    vals, colpart, rowpart = pl.pallas_call(
        _pack_rank_body,
        out_shape=[
            jax.ShapeDtypeStruct((_NP, _W), jnp.float32),
            jax.ShapeDtypeStruct((1, _NP), jnp.int32),
            jax.ShapeDtypeStruct((_NP, 1), jnp.int32),
        ],
        scratch_shapes=[pltpu.VMEM((1, _NP), jnp.float32)],
    )(boxes, s_col, s_row)

    sorted_vals = _sc_rank_scatter(
        vals, colpart.reshape(_NP), rowpart.reshape(_NP))
    sorted_t = sorted_vals[:, :8].T

    out = pl.pallas_call(
        _nms_body,
        out_shape=jax.ShapeDtypeStruct((_N, 5), jnp.float32),
        scratch_shapes=[pltpu.VMEM((_NP, 1), jnp.float32)],
    )(sorted_vals, sorted_t)
    return out

# --- scband reference (transcript-rebuilt; emitter-appended) ---
"""Pipeline reference for scband-faster-rcnn-62165356642599 (READ-ONLY COPY).

The authoritative reference and input builder live on the scoring server;
editing this copy changes nothing except your own understanding.
"""

import jax, jax.numpy as jnp
import numpy as np

N = 5000
IOU_THR = 0.5


def setup_inputs(seed: int = 0) -> dict:
    key = jax.random.key(seed)
    k1, k2 = jax.random.split(key)
    raw = jax.random.uniform(k1, (N, 4), dtype=jnp.float32)
    x1y1 = raw[:, :2] * 800.0
    wh = raw[:, 2:] * 128.0 + 1.0
    boxes = jnp.concatenate([x1y1, x1y1 + wh], axis=1)
    scores = jax.random.uniform(k2, (N,), dtype=jnp.float32)
    return {"boxes": boxes, "scores": scores}


def _pairwise_iou(a, b):
    area_a = (a[:, 2] - a[:, 0]) * (a[:, 3] - a[:, 1])
    area_b = (b[:, 2] - b[:, 0]) * (b[:, 3] - b[:, 1])
    lt = jnp.maximum(a[:, None, :2], b[None, :, :2])
    rb = jnp.minimum(a[:, None, 2:], b[None, :, 2:])
    wh = jnp.clip(rb - lt, 0.0)
    inter = wh[..., 0] * wh[..., 1]
    union = area_a[:, None] + area_b[None, :] - inter
    return inter / jnp.maximum(union, 1e-9)


def reference(boxes, scores):
    # greedy NMS: sort by score desc, suppress boxes overlapping an earlier kept box
    order = jnp.argsort(-scores)
    b = jnp.take(boxes, order, axis=0)
    s = jnp.take(scores, order, axis=0)
    iou = _pairwise_iou(b, b)
    n = b.shape[0]
    idxs = jnp.arange(n)

    def step(keep, i):
        suppressed = jnp.any((iou[:, i] > IOU_THR) & keep & (idxs < i))
        keep = keep.at[i].set(jnp.logical_not(suppressed))
        return keep, None

    keep0 = jnp.zeros((n,), dtype=bool)
    keep, _ = jax.lax.scan(step, keep0, idxs)
    keepf = keep.astype(b.dtype)
    out = jnp.concatenate([b * keepf[:, None], (s * keepf)[:, None]], axis=1)
    return out

if __name__ == "__main__":
    import jax
    _d = setup_inputs()
    print(jax.jit(kernel)(*tuple(_d.values())))

</pallas_src>

<mosaic_0001>
#map = affine_map<(d0, d1) -> (0, 0)>
#map1 = affine_map<(d0, d1) -> (0)>
module attributes {stable_mosaic.version = 14 : i64} {
  func.func @scat(%arg0: i32, %arg1: i32, %arg2: memref<5120x128xf32, #tpu.memory_space<hbm>>, %arg3: memref<5120xi32, #tpu.memory_space<hbm>>, %arg4: memref<5120xi32, #tpu.memory_space<hbm>>, %arg5: memref<5120x128xf32, #tpu.memory_space<hbm>>, %arg6: memref<160xi32, #tpu.memory_space<vmem>>, %arg7: memref<160xi32, #tpu.memory_space<vmem>>, %arg8: memref<160xi32, #tpu.memory_space<vmem>>, %arg9: memref<160x128xf32, #tpu.memory_space<vmem>>, %arg10: memref<!tpu.dma_semaphore, #tpu.memory_space<semaphore_mem>>) attributes {dimension_semantics = [#tpu.dimension_semantics<core_parallel>, #tpu.dimension_semantics<subcore_parallel>], iteration_bounds = array<i64: 2, 16>, scalar_prefetch = 0 : i64, scratch_operands = 5 : i64, tpu.core_type = #tpu.core_type<sc_vector_subcore>, window_params = [{transform_indices = #map}, {transform_indices = #map1}, {transform_indices = #map1}, {transform_indices = #map}]} {
    %mul3A = arith.constant 2 : i32
    %mul3A_0 = arith.muli %arg1, %mul3A : i32
    %add3A = arith.addi %mul3A_0, %arg0 : i32
    %mul3A_1 = arith.constant 160 : i32
    %mul3A_2 = arith.muli %add3A, %mul3A_1 : i32
    "tpu.region"() ({
      %run_scoped3A = tpu.sem_alloc : memref<!tpu.dma_semaphore, #tpu.memory_space<semaphore_mem>>
      %dma_start3A_115 = tpu.memref_slice %arg3[%mul3A_2] : memref<5120xi32, #tpu.memory_space<hbm>> -> memref<160xi32, #tpu.memory_space<hbm>>
      %dma_start3A_116 = tpu.memref_slice %arg3[%mul3A_2] : memref<5120xi32, #tpu.memory_space<hbm>> -> memref<160xi32, #tpu.memory_space<hbm>>
      tpu.enqueue_dma source(%dma_start3A_116 : memref<160xi32, #tpu.memory_space<hbm>>) target(%arg6 : memref<160xi32, #tpu.memory_space<vmem>>) target_semaphore(%run_scoped3A : memref<!tpu.dma_semaphore, #tpu.memory_space<semaphore_mem>>)
      %dma_wait3A_117 = tpu.memref_slice %arg3[%mul3A_2] : memref<5120xi32, #tpu.memory_space<hbm>> -> memref<160xi32, #tpu.memory_space<hbm>>
      %dma_wait3A_118 = tpu.memref_slice %arg3[%mul3A_2] : memref<5120xi32, #tpu.memory_space<hbm>> -> memref<160xi32, #tpu.memory_space<hbm>>
      tpu.wait_dma2 semaphore(%run_scoped3A : memref<!tpu.dma_semaphore, #tpu.memory_space<semaphore_mem>>) src(%dma_wait3A_118 : memref<160xi32, #tpu.memory_space<hbm>>) dst(%arg6 : memref<160xi32, #tpu.memory_space<vmem>>)
      tpu.yield
    }) : () -> ()
    "tpu.region"() ({
      %run_scoped3A = tpu.sem_alloc : memref<!tpu.dma_semaphore, #tpu.memory_space<semaphore_mem>>
      %dma_start3A_115 = tpu.memref_slice %arg4[%mul3A_2] : memref<5120xi32, #tpu.memory_space<hbm>> -> memref<160xi32, #tpu.memory_space<hbm>>
      %dma_start3A_116 = tpu.memref_slice %arg4[%mul3A_2] : memref<5120xi32, #tpu.memory_space<hbm>> -> memref<160xi32, #tpu.memory_space<hbm>>
      tpu.enqueue_dma source(%dma_start3A_116 : memref<160xi32, #tpu.memory_space<hbm>>) target(%arg7 : memref<160xi32, #tpu.memory_space<vmem>>) target_semaphore(%run_scoped3A : memref<!tpu.dma_semaphore, #tpu.memory_space<semaphore_mem>>)
      %dma_wait3A_117 = tpu.memref_slice %arg4[%mul3A_2] : memref<5120xi32, #tpu.memory_space<hbm>> -> memref<160xi32, #tpu.memory_space<hbm>>
      %dma_wait3A_118 = tpu.memref_slice %arg4[%mul3A_2] : memref<5120xi32, #tpu.memory_space<hbm>> -> memref<160xi32, #tpu.memory_space<hbm>>
      tpu.wait_dma2 semaphore(%run_scoped3A : memref<!tpu.dma_semaphore, #tpu.memory_space<semaphore_mem>>) src(%dma_wait3A_118 : memref<160xi32, #tpu.memory_space<hbm>>) dst(%arg7 : memref<160xi32, #tpu.memory_space<vmem>>)
      tpu.yield
    }) : () -> ()
    "tpu.region"() ({
      %run_scoped3A = tpu.sem_alloc : memref<!tpu.dma_semaphore, #tpu.memory_space<semaphore_mem>>
      %dma_start3A_115 = arith.constant 0 : i32
      %dma_start3A_116 = tpu.memref_slice %arg2[%mul3A_2, %dma_start3A_115] : memref<5120x128xf32, #tpu.memory_space<hbm>> -> memref<160x128xf32, #tpu.memory_space<hbm>>
      %dma_start3A_117 = arith.constant 0 : i32
      %dma_start3A_118 = tpu.memref_slice %arg2[%mul3A_2, %dma_start3A_117] : memref<5120x128xf32, #tpu.memory_space<hbm>> -> memref<160x128xf32, #tpu.memory_space<hbm>>
      tpu.enqueue_dma source(%dma_start3A_118 : memref<160x128xf32, #tpu.memory_space<hbm>>) target(%arg9 : memref<160x128xf32, #tpu.memory_space<vmem>>) target_semaphore(%run_scoped3A : memref<!tpu.dma_semaphore, #tpu.memory_space<semaphore_mem>>)
      %dma_wait3A_119 = arith.constant 0 : i32
      %dma_wait3A_120 = tpu.memref_slice %arg2[%mul3A_2, %dma_wait3A_119] : memref<5120x128xf32, #tpu.memory_space<hbm>> -> memref<160x128xf32, #tpu.memory_space<hbm>>
      %dma_wait3A_121 = arith.constant 0 : i32
      %dma_wait3A_122 = tpu.memref_slice %arg2[%mul3A_2, %dma_wait3A_121] : memref<5120x128xf32, #tpu.memory_space<hbm>> -> memref<160x128xf32, #tpu.memory_space<hbm>>
      tpu.wait_dma2 semaphore(%run_scoped3A : memref<!tpu.dma_semaphore, #tpu.memory_space<semaphore_mem>>) src(%dma_wait3A_122 : memref<160x128xf32, #tpu.memory_space<hbm>>) dst(%arg9 : memref<160x128xf32, #tpu.memory_space<vmem>>)
      tpu.yield
    }) : () -> ()
    %get3A = arith.constant 0 : index
    %get3A_3 = tpu.vector_load %arg6[%get3A] {strides = array<i32>} : memref<160xi32, #tpu.memory_space<vmem>>, vector<16xi32>,
    %get3A_4 = vector.shape_cast %get3A_3 : vector<16xi32> to vector<16xi32>
    %get3A_5 = arith.constant 0 : index
    %get3A_6 = tpu.vector_load %arg7[%get3A_5] {strides = array<i32>} : memref<160xi32, #tpu.memory_space<vmem>>, vector<16xi32>,
    %get3A_7 = vector.shape_cast %get3A_6 : vector<16xi32> to vector<16xi32>
    %add3A_8 = arith.addi %get3A_4, %get3A_7 : vector<16xi32>
    %swap3A = arith.constant 0 : index
    %swap3A_9 = tpu.vector_load %arg8[%swap3A] {strides = array<i32>} : memref<160xi32, #tpu.memory_space<vmem>>, vector<16xi32>,
    %swap3A_10 = vector.shape_cast %swap3A_9 : vector<16xi32> to vector<16xi32>
    %swap3A_11 = vector.shape_cast %add3A_8 : vector<16xi32> to vector<16xi32>
    tpu.vector_store %arg8[%swap3A], %swap3A_11 {strides = array<i32>} : memref<160xi32, #tpu.memory_space<vmem>>, vector<16xi32>,
    %get3A_12 = arith.constant 16 : index
    %get3A_13 = tpu.vector_load %arg6[%get3A_12] {strides = array<i32>} : memref<160xi32, #tpu.memory_space<vmem>>, vector<16xi32>,
    %get3A_14 = vector.shape_cast %get3A_13 : vector<16xi32> to vector<16xi32>
    %get3A_15 = arith.constant 16 : index
    %get3A_16 = tpu.vector_load %arg7[%get3A_15] {strides = array<i32>} : memref<160xi32, #tpu.memory_space<vmem>>, vector<16xi32>,
    %get3A_17 = vector.shape_cast %get3A_16 : vector<16xi32> to vector<16xi32>
    %add3A_18 = arith.addi %get3A_14, %get3A_17 : vector<16xi32>
    %swap3A_19 = arith.constant 16 : index
    %swap3A_20 = tpu.vector_load %arg8[%swap3A_19] {strides = array<i32>} : memref<160xi32, #tpu.memory_space<vmem>>, vector<16xi32>,
    %swap3A_21 = vector.shape_cast %swap3A_20 : vector<16xi32> to vector<16xi32>
    %swap3A_22 = vector.shape_cast %add3A_18 : vector<16xi32> to vector<16xi32>
    tpu.vector_store %arg8[%swap3A_19], %swap3A_22 {strides = array<i32>} : memref<160xi32, #tpu.memory_space<vmem>>, vector<16xi32>,
    %get3A_23 = arith.constant 32 : index
    %get3A_24 = tpu.vector_load %arg6[%get3A_23] {strides = array<i32>} : memref<160xi32, #tpu.memory_space<vmem>>, vector<16xi32>,
    %get3A_25 = vector.shape_cast %get3A_24 : vector<16xi32> to vector<16xi32>
    %get3A_26 = arith.constant 32 : index
    %get3A_27 = tpu.vector_load %arg7[%get3A_26] {strides = array<i32>} : memref<160xi32, #tpu.memory_space<vmem>>, vector<16xi32>,
    %get3A_28 = vector.shape_cast %get3A_27 : vector<16xi32> to vector<16xi32>
    %add3A_29 = arith.addi %get3A_25, %get3A_28 : vector<16xi32>
    %swap3A_30 = arith.constant 32 : index
    %swap3A_31 = tpu.vector_load %arg8[%swap3A_30] {strides = array<i32>} : memref<160xi32, #tpu.memory_space<vmem>>, vector<16xi32>,
    %swap3A_32 = vector.shape_cast %swap3A_31 : vector<16xi32> to vector<16xi32>
    %swap3A_33 = vector.shape_cast %add3A_29 : vector<16xi32> to vector<16xi32>
    tpu.vector_store %arg8[%swap3A_30], %swap3A_33 {strides = array<i32>} : memref<160xi32, #tpu.memory_space<vmem>>, vector<16xi32>,
    %get3A_34 = arith.constant 48 : index
    %get3A_35 = tpu.vector_load %arg6[%get3A_34] {strides = array<i32>} : memref<160xi32, #tpu.memory_space<vmem>>, vector<16xi32>,
    %get3A_36 = vector.shape_cast %get3A_35 : vector<16xi32> to vector<16xi32>
    %get3A_37 = arith.constant 48 : index
    %get3A_38 = tpu.vector_load %arg7[%get3A_37] {strides = array<i32>} : memref<160xi32, #tpu.memory_space<vmem>>, vector<16xi32>,
    %get3A_39 = vector.shape_cast %get3A_38 : vector<16xi32> to vector<16xi32>
    %add3A_40 = arith.addi %get3A_36, %get3A_39 : vector<16xi32>
    %swap3A_41 = arith.constant 48 : index
    %swap3A_42 = tpu.vector_load %arg8[%swap3A_41] {strides = array<i32>} : memref<160xi32, #tpu.memory_space<vmem>>, vector<16xi32>,
    %swap3A_43 = vector.shape_cast %swap3A_42 : vector<16xi32> to vector<16xi32>
    %swap3A_44 = vector.shape_cast %add3A_40 : vector<16xi32> to vector<16xi32>
    tpu.vector_store %arg8[%swap3A_41], %swap3A_44 {strides = array<i32>} : memref<160xi32, #tpu.memory_space<vmem>>, vector<16xi32>,
    %get3A_45 = arith.constant 64 : index
    %get3A_46 = tpu.vector_load %arg6[%get3A_45] {strides = array<i32>} : memref<160xi32, #tpu.memory_space<vmem>>, vector<16xi32>,
    %get3A_47 = vector.shape_cast %get3A_46 : vector<16xi32> to vector<16xi32>
    %get3A_48 = arith.constant 64 : index
    %get3A_49 = tpu.vector_load %arg7[%get3A_48] {strides = array<i32>} : memref<160xi32, #tpu.memory_space<vmem>>, vector<16xi32>,
    %get3A_50 = vector.shape_cast %get3A_49 : vector<16xi32> to vector<16xi32>
    %add3A_51 = arith.addi %get3A_47, %get3A_50 : vector<16xi32>
    %swap3A_52 = arith.constant 64 : index
    %swap3A_53 = tpu.vector_load %arg8[%swap3A_52] {strides = array<i32>} : memref<160xi32, #tpu.memory_space<vmem>>, vector<16xi32>,
    %swap3A_54 = vector.shape_cast %swap3A_53 : vector<16xi32> to vector<16xi32>
    %swap3A_55 = vector.shape_cast %add3A_51 : vector<16xi32> to vector<16xi32>
    tpu.vector_store %arg8[%swap3A_52], %swap3A_55 {strides = array<i32>} : memref<160xi32, #tpu.memory_space<vmem>>, vector<16xi32>,
    %get3A_56 = arith.constant 80 : index
    %get3A_57 = tpu.vector_load %arg6[%get3A_56] {strides = array<i32>} : memref<160xi32, #tpu.memory_space<vmem>>, vector<16xi32>,
    %get3A_58 = vector.shape_cast %get3A_57 : vector<16xi32> to vector<16xi32>
    %get3A_59 = arith.constant 80 : index
    %get3A_60 = tpu.vector_load %arg7[%get3A_59] {strides = array<i32>} : memref<160xi32, #tpu.memory_space<vmem>>, vector<16xi32>,
    %get3A_61 = vector.shape_cast %get3A_60 : vector<16xi32> to vector<16xi32>
    %add3A_62 = arith.addi %get3A_58, %get3A_61 : vector<16xi32>
    %swap3A_63 = arith.constant 80 : index
    %swap3A_64 = tpu.vector_load %arg8[%swap3A_63] {strides = array<i32>} : memref<160xi32, #tpu.memory_space<vmem>>, vector<16xi32>,
    %swap3A_65 = vector.shape_cast %swap3A_64 : vector<16xi32> to vector<16xi32>
    %swap3A_66 = vector.shape_cast %add3A_62 : vector<16xi32> to vector<16xi32>
    tpu.vector_store %arg8[%swap3A_63], %swap3A_66 {strides = array<i32>} : memref<160xi32, #tpu.memory_space<vmem>>, vector<16xi32>,
    %get3A_67 = arith.constant 96 : index
    %get3A_68 = tpu.vector_load %arg6[%get3A_67] {strides = array<i32>} : memref<160xi32, #tpu.memory_space<vmem>>, vector<16xi32>,
    %get3A_69 = vector.shape_cast %get3A_68 : vector<16xi32> to vector<16xi32>
    %get3A_70 = arith.constant 96 : index
    %get3A_71 = tpu.vector_load %arg7[%get3A_70] {strides = array<i32>} : memref<160xi32, #tpu.memory_space<vmem>>, vector<16xi32>,
    %get3A_72 = vector.shape_cast %get3A_71 : vector<16xi32> to vector<16xi32>
    %add3A_73 = arith.addi %get3A_69, %get3A_72 : vector<16xi32>
    %swap3A_74 = arith.constant 96 : index
    %swap3A_75 = tpu.vector_load %arg8[%swap3A_74] {strides = array<i32>} : memref<160xi32, #tpu.memory_space<vmem>>, vector<16xi32>,
    %swap3A_76 = vector.shape_cast %swap3A_75 : vector<16xi32> to vector<16xi32>
    %swap3A_77 = vector.shape_cast %add3A_73 : vector<16xi32> to vector<16xi32>
    tpu.vector_store %arg8[%swap3A_74], %swap3A_77 {strides = array<i32>} : memref<160xi32, #tpu.memory_space<vmem>>, vector<16xi32>,
    %get3A_78 = arith.constant 112 : index
    %get3A_79 = tpu.vector_load %arg6[%get3A_78] {strides = array<i32>} : memref<160xi32, #tpu.memory_space<vmem>>, vector<16xi32>,
    %get3A_80 = vector.shape_cast %get3A_79 : vector<16xi32> to vector<16xi32>
    %get3A_81 = arith.constant 112 : index
    %get3A_82 = tpu.vector_load %arg7[%get3A_81] {strides = array<i32>} : memref<160xi32, #tpu.memory_space<vmem>>, vector<16xi32>,
    %get3A_83 = vector.shape_cast %get3A_82 : vector<16xi32> to vector<16xi32>
    %add3A_84 = arith.addi %get3A_80, %get3A_83 : vector<16xi32>
    %swap3A_85 = arith.constant 112 : index
    %swap3A_86 = tpu.vector_load %arg8[%swap3A_85] {strides = array<i32>} : memref<160xi32, #tpu.memory_space<vmem>>, vector<16xi32>,
    %swap3A_87 = vector.shape_cast %swap3A_86 : vector<16xi32> to vector<16xi32>
    %swap3A_88 = vector.shape_cast %add3A_84 : vector<16xi32> to vector<16xi32>
    tpu.vector_store %arg8[%swap3A_85], %swap3A_88 {strides = array<i32>} : memref<160xi32, #tpu.memory_space<vmem>>, vector<16xi32>,
    %get3A_89 = arith.constant 128 : index
    %get3A_90 = tpu.vector_load %arg6[%get3A_89] {strides = array<i32>} : memref<160xi32, #tpu.memory_space<vmem>>, vector<16xi32>,
    %get3A_91 = vector.shape_cast %get3A_90 : vector<16xi32> to vector<16xi32>
    %get3A_92 = arith.constant 128 : index
    %get3A_93 = tpu.vector_load %arg7[%get3A_92] {strides = array<i32>} : memref<160xi32, #tpu.memory_space<vmem>>, vector<16xi32>,
    %get3A_94 = vector.shape_cast %get3A_93 : vector<16xi32> to vector<16xi32>
    %add3A_95 = arith.addi %get3A_91, %get3A_94 : vector<16xi32>
    %swap3A_96 = arith.constant 128 : index
    %swap3A_97 = tpu.vector_load %arg8[%swap3A_96] {strides = array<i32>} : memref<160xi32, #tpu.memory_space<vmem>>, vector<16xi32>,
    %swap3A_98 = vector.shape_cast %swap3A_97 : vector<16xi32> to vector<16xi32>
    %swap3A_99 = vector.shape_cast %add3A_95 : vector<16xi32> to vector<16xi32>
    tpu.vector_store %arg8[%swap3A_96], %swap3A_99 {strides = array<i32>} : memref<160xi32, #tpu.memory_space<vmem>>, vector<16xi32>,
    %get3A_100 = arith.constant 144 : index
    %get3A_101 = tpu.vector_load %arg6[%get3A_100] {strides = array<i32>} : memref<160xi32, #tpu.memory_space<vmem>>, vector<16xi32>,
    %get3A_102 = vector.shape_cast %get3A_101 : vector<16xi32> to vector<16xi32>
    %get3A_103 = arith.constant 144 : index
    %get3A_104 = tpu.vector_load %arg7[%get3A_103] {strides = array<i32>} : memref<160xi32, #tpu.memory_space<vmem>>, vector<16xi32>,
    %get3A_105 = vector.shape_cast %get3A_104 : vector<16xi32> to vector<16xi32>
    %add3A_106 = arith.addi %get3A_102, %get3A_105 : vector<16xi32>
    %swap3A_107 = arith.constant 144 : index
    %swap3A_108 = tpu.vector_load %arg8[%swap3A_107] {strides = array<i32>} : memref<160xi32, #tpu.memory_space<vmem>>, vector<16xi32>,
    %swap3A_109 = vector.shape_cast %swap3A_108 : vector<16xi32> to vector<16xi32>
    %swap3A_110 = vector.shape_cast %add3A_106 : vector<16xi32> to vector<16xi32>
    tpu.vector_store %arg8[%swap3A_107], %swap3A_110 {strides = array<i32>} : memref<160xi32, #tpu.memory_space<vmem>>, vector<16xi32>,
    %dma_start3A = arith.constant 0 : i32
    %dma_start3A_111 = arith.constant 0 : i32
    %dma_start3A_112 = tpu.memref_slice %arg5[%dma_start3A, %dma_start3A_111] : memref<5120x128xf32, #tpu.memory_space<hbm>> -> memref<5120x128xf32, #tpu.memory_space<hbm>>
    tpu.enqueue_indirect_dma source(%arg9 : memref<160x128xf32, #tpu.memory_space<vmem>>) target(%dma_start3A_112 : memref<5120x128xf32, #tpu.memory_space<hbm>>) offsets(%arg8 : memref<160xi32, #tpu.memory_space<vmem>>) semaphore(%arg10 : memref<!tpu.dma_semaphore, #tpu.memory_space<semaphore_mem>>)
    %dma_wait3A = arith.constant 0 : i32
    %dma_wait3A_113 = arith.constant 0 : i32
    %dma_wait3A_114 = tpu.memref_slice %arg5[%dma_wait3A, %dma_wait3A_113] : memref<5120x128xf32, #tpu.memory_space<hbm>> -> memref<5120x128xf32, #tpu.memory_space<hbm>>
    tpu.wait_indirect_dma semaphore(%arg10 : memref<!tpu.dma_semaphore, #tpu.memory_space<semaphore_mem>>) src(%arg9 : memref<160x128xf32, #tpu.memory_space<vmem>>) dst(%dma_wait3A_114 : memref<5120x128xf32, #tpu.memory_space<hbm>>)
    return
  }
}

module attributes {stable_mosaic.version = 14 : i64} {
  func.func @_pack_rank_body(%arg0: memref<5000x4xf32, #tpu.memory_space<vmem>>, %arg1: memref<5000x1xf32, #tpu.memory_space<vmem>>, %arg2: memref<1x5000xf32, #tpu.memory_space<vmem>>, %arg3: memref<5120x128xf32, #tpu.memory_space<vmem>>, %arg4: memref<1x5120xi32, #tpu.memory_space<vmem>>, %arg5: memref<5120x1xi32, #tpu.memory_space<vmem>>, %arg6: memref<1x5120xf32, #tpu.memory_space<vmem>>) attributes {dimension_semantics = [], scalar_prefetch = 0 : i64, scratch_operands = 1 : i64, tpu.core_type = #tpu.core_type<tc>} {
    %broadcast_in_dim3A = arith.constant 1.000000e+00 : f32
    %broadcast_in_dim3A_0 = vector.broadcast %broadcast_in_dim3A : f32 to vector<512x512xf32>
    %broadcast_in_dim3A_1 = arith.constant 1.000000e+00 : f32
    %broadcast_in_dim3A_2 = vector.broadcast %broadcast_in_dim3A_1 : f32 to vector<1x512xf32>
    %broadcast_in_dim3A_3 = arith.constant 1.000000e+00 : f32
    %broadcast_in_dim3A_4 = vector.broadcast %broadcast_in_dim3A_3 : f32 to vector<512x1xf32>
    %get3A = arith.constant 0 : index
    %get3A_5 = arith.constant 0 : index
    %get3A_6 = vector.load %arg2[%get3A, %get3A_5] : memref<1x5000xf32, #tpu.memory_space<vmem>>, vector<1x5000xf32>
    %broadcast_in_dim3A_7 = arith.constant -1.000000e+00 : f32
    %broadcast_in_dim3A_8 = vector.broadcast %broadcast_in_dim3A_7 : f32 to vector<1x120xf32>
    %concatenate3A = tpu.concatenate %get3A_6, %broadcast_in_dim3A_8 in 1 : vector<1x5000xf32>, vector<1x120xf32> -> vector<1x5120xf32>
    %iota3A = tpu.iota {dimensions = array<i32: 1>} : vector<1x5120xi32>
    %broadcast_in_dim3A_9 = arith.constant 0.000000e+00 : f32
    %broadcast_in_dim3A_10 = vector.broadcast %broadcast_in_dim3A_9 : f32 to vector<1x5120xf32>
    %swap3A = arith.constant 0 : index
    %swap3A_11 = arith.constant 0 : index
    %swap3A_12 = vector.load %arg6[%swap3A, %swap3A_11] : memref<1x5120xf32, #tpu.memory_space<vmem>>, vector<1x5120xf32>
    tpu.vector_store %arg6[%swap3A, %swap3A_11], %broadcast_in_dim3A_10 {strides = array<i32>} : memref<1x5120xf32, #tpu.memory_space<vmem>>, vector<1x5120xf32>,
    %get3A_13 = arith.constant 0 : index
    %get3A_14 = arith.constant 0 : index
    %get3A_15 = vector.load %arg0[%get3A_13, %get3A_14] : memref<5000x4xf32, #tpu.memory_space<vmem>>, vector<512x4xf32>
    %get3A_16 = arith.constant 0 : index
    %get3A_17 = arith.constant 0 : index
    %get3A_18 = vector.load %arg1[%get3A_16, %get3A_17] : memref<5000x1xf32, #tpu.memory_space<vmem>>, vector<512x1xf32>
    %broadcast_in_dim3A_19 = arith.constant 0.000000e+00 : f32
    %broadcast_in_dim3A_20 = vector.broadcast %broadcast_in_dim3A_19 : f32 to vector<512x123xf32>
    %concatenate3A_21 = tpu.concatenate %get3A_15, %get3A_18, %broadcast_in_dim3A_20 in 1 : vector<512x4xf32>, vector<512x1xf32>, vector<512x123xf32> -> vector<512x128xf32>
    %swap3A_22 = arith.constant 0 : index
    %swap3A_23 = arith.constant 0 : index
    %swap3A_24 = vector.load %arg3[%swap3A_22, %swap3A_23] : memref<5120x128xf32, #tpu.memory_space<vmem>>, vector<512x128xf32>
    tpu.vector_store %arg3[%swap3A_22, %swap3A_23], %concatenate3A_21 {strides = array<i32>} : memref<5120x128xf32, #tpu.memory_space<vmem>>, vector<512x128xf32>,
    %mul3A = vector.broadcast %get3A_18 : vector<512x1xf32> to vector<512x512xf32>
    %mul3A_25 = arith.mulf %mul3A, %broadcast_in_dim3A_0 : vector<512x512xf32>
    %broadcast_in_dim3A_26 = arith.constant 0.000000e+00 : f32
    %broadcast_in_dim3A_27 = vector.broadcast %broadcast_in_dim3A_26 : f32 to vector<512x1xf32>
    %slice3A = vector.extract_strided_slice %concatenate3A {offsets = [0, 0], sizes = [1, 512], strides = [1, 1]} : vector<1x5120xf32> to vector<1x512xf32>
    %iota3A_28 = tpu.iota {dimensions = array<i32: 0>} : vector<512x512xi32>
    %add3A = arith.constant 0 : i32
    %add3A_29 = vector.broadcast %add3A : i32 to vector<512x512xi32>
    %add3A_30 = arith.addi %iota3A_28, %add3A_29 : vector<512x512xi32>
    %slice3A_31 = vector.extract_strided_slice %iota3A {offsets = [0, 0], sizes = [1, 512], strides = [1, 1]} : vector<1x5120xi32> to vector<1x512xi32>
    %gt3A = vector.broadcast %slice3A : vector<1x512xf32> to vector<512x512xf32>
    %gt3A_32 = arith.cmpf ogt, %mul3A_25, %gt3A : vector<512x512xf32>
    %eq3A = vector.broadcast %slice3A : vector<1x512xf32> to vector<512x512xf32>
    %eq3A_33 = arith.cmpf oeq, %mul3A_25, %eq3A : vector<512x512xf32>
    %lt3A = vector.broadcast %slice3A_31 : vector<1x512xi32> to vector<512x512xi32>
    %lt3A_34 = arith.cmpi slt, %add3A_30, %lt3A : vector<512x512xi32>
    %and3A = arith.andi %eq3A_33, %lt3A_34 : vector<512x512xi1>
    %or3A = arith.ori %gt3A_32, %and3A : vector<512x512xi1>
    %convert_element_type3A = arith.extui %or3A : vector<512x512xi1> to vector<512x512xi32>
    %convert_element_type3A_35 = arith.sitofp %convert_element_type3A : vector<512x512xi32> to vector<512x512xf32>
    %dot_general3A = arith.constant dense<0.000000e+00> : vector<1x512xf32>
    %dot_general3A_36 = tpu.matmul %broadcast_in_dim3A_2, %convert_element_type3A_35, %dot_general3A {dimension_numbers = #tpu.dot_dimension_numbers<[1], [0], [0], [1], [0, 0, 1, 1], [], []>, transpose_lhs_hint = false} : vector<1x512xf32>, vector<512x512xf32>, vector<1x512xf32> -> vector<1x512xf32>
    %get3A_37 = arith.constant 0 : index
    %get3A_38 = arith.constant 0 : index
    %get3A_39 = vector.load %arg6[%get3A_37, %get3A_38] : memref<1x5120xf32, #tpu.memory_space<vmem>>, vector<1x512xf32>
    %add3A_40 = arith.addf %get3A_39, %dot_general3A_36 : vector<1x512xf32>
    %swap3A_41 = arith.constant 0 : index
    %swap3A_42 = arith.constant 0 : index
    %swap3A_43 = vector.load %arg6[%swap3A_41, %swap3A_42] : memref<1x5120xf32, #tpu.memory_space<vmem>>, vector<1x512xf32>
    tpu.vector_store %arg6[%swap3A_41, %swap3A_42], %add3A_40 {strides = array<i32>} : memref<1x5120xf32, #tpu.memory_space<vmem>>, vector<1x512xf32>,
    %slice3A_44 = vector.extract_strided_slice %concatenate3A {offsets = [0, 512], sizes = [1, 512], strides = [1, 1]} : vector<1x5120xf32> to vector<1x512xf32>
    %ge3A = vector.broadcast %slice3A_44 : vector<1x512xf32> to vector<512x512xf32>
    %ge3A_45 = arith.cmpf oge, %mul3A_25, %ge3A : vector<512x512xf32>
    %convert_element_type3A_46 = arith.extui %ge3A_45 : vector<512x512xi1> to vector<512x512xi32>
    %convert_element_type3A_47 = arith.sitofp %convert_element_type3A_46 : vector<512x512xi32> to vector<512x512xf32>
    %dot_general3A_48 = arith.constant dense<0.000000e+00> : vector<1x512xf32>
    %dot_general3A_49 = tpu.matmul %broadcast_in_dim3A_2, %convert_element_type3A_47, %dot_general3A_48 {dimension_numbers = #tpu.dot_dimension_numbers<[1], [0], [0], [1], [0, 0, 1, 1], [], []>, transpose_lhs_hint = false} : vector<1x512xf32>, vector<512x512xf32>, vector<1x512xf32> -> vector<1x512xf32>
    %get3A_50 = arith.constant 0 : index
    %get3A_51 = arith.constant 512 : index
    %get3A_52 = vector.load %arg6[%get3A_50, %get3A_51] : memref<1x5120xf32, #tpu.memory_space<vmem>>, vector<1x512xf32>
    %add3A_53 = arith.addf %get3A_52, %dot_general3A_49 : vector<1x512xf32>
    %swap3A_54 = arith.constant 0 : index
    %swap3A_55 = arith.constant 512 : index
    %swap3A_56 = vector.load %arg6[%swap3A_54, %swap3A_55] : memref<1x5120xf32, #tpu.memory_space<vmem>>, vector<1x512xf32>
    tpu.vector_store %arg6[%swap3A_54, %swap3A_55], %add3A_53 {strides = array<i32>} : memref<1x5120xf32, #tpu.memory_space<vmem>>, vector<1x512xf32>,
    %dot_general3A_57 = arith.constant dense<0.000000e+00> : vector<512x1xf32>
    %dot_general3A_58 = tpu.matmul %convert_element_type3A_47, %broadcast_in_dim3A_4, %dot_general3A_57 {dimension_numbers = #tpu.dot_dimension_numbers<[1], [0], [0], [1], [0, 0, 1, 1], [], []>, transpose_lhs_hint = false} : vector<512x512xf32>, vector<512x1xf32>, vector<512x1xf32> -> vector<512x1xf32>
    %add3A_59 = arith.addf %broadcast_in_dim3A_27, %dot_general3A_58 : vector<512x1xf32>
    %slice3A_60 = vector.extract_strided_slice %concatenate3A {offsets = [0, 1024], sizes = [1, 512], strides = [1, 1]} : vector<1x5120xf32> to vector<1x512xf32>
    %ge3A_61 = vector.broadcast %slice3A_60 : vector<1x512xf32> to vector<512x512xf32>
    %ge3A_62 = arith.cmpf oge, %mul3A_25, %ge3A_61 : vector<512x512xf32>
    %convert_element_type3A_63 = arith.extui %ge3A_62 : vector<512x512xi1> to vector<512x512xi32>
    %convert_element_type3A_64 = arith.sitofp %convert_element_type3A_63 : vector<512x512xi32> to vector<512x512xf32>
    %dot_general3A_65 = arith.constant dense<0.000000e+00> : vector<1x512xf32>
    %dot_general3A_66 = tpu.matmul %broadcast_in_dim3A_2, %convert_element_type3A_64, %dot_general3A_65 {dimension_numbers = #tpu.dot_dimension_numbers<[1], [0], [0], [1], [0, 0, 1, 1], [], []>, transpose_lhs_hint = false} : vector<1x512xf32>, vector<512x512xf32>, vector<1x512xf32> -> vector<1x512xf32>
    %get3A_67 = arith.constant 0 : index
    %get3A_68 = arith.constant 1024 : index
    %get3A_69 = vector.load %arg6[%get3A_67, %get3A_68] : memref<1x5120xf32, #tpu.memory_space<vmem>>, vector<1x512xf32>
    %add3A_70 = arith.addf %get3A_69, %dot_general3A_66 : vector<1x512xf32>
    %swap3A_71 = arith.constant 0 : index
    %swap3A_72 = arith.constant 1024 : index
    %swap3A_73 = vector.load %arg6[%swap3A_71, %swap3A_72] : memref<1x5120xf32, #tpu.memory_space<vmem>>, vector<1x512xf32>
    tpu.vector_store %arg6[%swap3A_71, %swap3A_72], %add3A_70 {strides = array<i32>} : memref<1x5120xf32, #tpu.memory_space<vmem>>, vector<1x512xf32>,
    %dot_general3A_74 = arith.constant dense<0.000000e+00> : vector<512x1xf32>
    %dot_general3A_75 = tpu.matmul %convert_element_type3A_64, %broadcast_in_dim3A_4, %dot_general3A_74 {dimension_numbers = #tpu.dot_dimension_numbers<[1], [0], [0], [1], [0, 0, 1, 1], [], []>, transpose_lhs_hint = false} : vector<512x512xf32>, vector<512x1xf32>, vector<512x1xf32> -> vector<512x1xf32>
    %add3A_76 = arith.addf %add3A_59, %dot_general3A_75 : vector<512x1xf32>
    %slice3A_77 = vector.extract_strided_slice %concatenate3A {offsets = [0, 1536], sizes = [1, 512], strides = [1, 1]} : vector<1x5120xf32> to vector<1x512xf32>
    %ge3A_78 = vector.broadcast %slice3A_77 : vector<1x512xf32> to vector<512x512xf32>
    %ge3A_79 = arith.cmpf oge, %mul3A_25, %ge3A_78 : vector<512x512xf32>
    %convert_element_type3A_80 = arith.extui %ge3A_79 : vector<512x512xi1> to vector<512x512xi32>
    %convert_element_type3A_81 = arith.sitofp %convert_element_type3A_80 : vector<512x512xi32> to vector<512x512xf32>
    %dot_general3A_82 = arith.constant dense<0.000000e+00> : vector<1x512xf32>
    %dot_general3A_83 = tpu.matmul %broadcast_in_dim3A_2, %convert_element_type3A_81, %dot_general3A_82 {dimension_numbers = #tpu.dot_dimension_numbers<[1], [0], [0], [1], [0, 0, 1, 1], [], []>, transpose_lhs_hint = false} : vector<1x512xf32>, vector<512x512xf32>, vector<1x512xf32> -> vector<1x512xf32>
    %get3A_84 = arith.constant 0 : index
    %get3A_85 = arith.constant 1536 : index
    %get3A_86 = vector.load %arg6[%get3A_84, %get3A_85] : memref<1x5120xf32, #tpu.memory_space<vmem>>, vector<1x512xf32>
    %add3A_87 = arith.addf %get3A_86, %dot_general3A_83 : vector<1x512xf32>
    %swap3A_88 = arith.constant 0 : index
    %swap3A_89 = arith.constant 1536 : index
    %swap3A_90 = vector.load %arg6[%swap3A_88, %swap3A_89] : memref<1x5120xf32, #tpu.memory_space<vmem>>, vector<1x512xf32>
    tpu.vector_store %arg6[%swap3A_88, %swap3A_89], %add3A_87 {strides = array<i32>} : memref<1x5120xf32, #tpu.memory_space<vmem>>, vector<1x512xf32>,
    %dot_general3A_91 = arith.constant dense<0.000000e+00> : vector<512x1xf32>
    %dot_general3A_92 = tpu.matmul %convert_element_type3A_81, %broadcast_in_dim3A_4, %dot_general3A_91 {dimension_numbers = #tpu.dot_dimension_numbers<[1], [0], [0], [1], [0, 0, 1, 1], [], []>, transpose_lhs_hint = false} : vector<512x512xf32>, vector<512x1xf32>, vector<512x1xf32> -> vector<512x1xf32>
    %add3A_93 = arith.addf %add3A_76, %dot_general3A_92 : vector<512x1xf32>
    %slice3A_94 = vector.extract_strided_slice %concatenate3A {offsets = [0, 2048], sizes = [1, 512], strides = [1, 1]} : vector<1x5120xf32> to vector<1x512xf32>
    %ge3A_95 = vector.broadcast %slice3A_94 : vector<1x512xf32> to vector<512x512xf32>
    %ge3A_96 = arith.cmpf oge, %mul3A_25, %ge3A_95 : vector<512x512xf32>
    %convert_element_type3A_97 = arith.extui %ge3A_96 : vector<512x512xi1> to vector<512x512xi32>
    %convert_element_type3A_98 = arith.sitofp %convert_element_type3A_97 : vector<512x512xi32> to vector<512x512xf32>
    %dot_general3A_99 = arith.constant dense<0.000000e+00> : vector<1x512xf32>
    %dot_general3A_100 = tpu.matmul %broadcast_in_dim3A_2, %convert_element_type3A_98, %dot_general3A_99 {dimension_numbers = #tpu.dot_dimension_numbers<[1], [0], [0], [1], [0, 0, 1, 1], [], []>, transpose_lhs_hint = false} : vector<1x512xf32>, vector<512x512xf32>, vector<1x512xf32> -> vector<1x512xf32>
    %get3A_101 = arith.constant 0 : index
    %get3A_102 = arith.constant 2048 : index
    %get3A_103 = vector.load %arg6[%get3A_101, %get3A_102] : memref<1x5120xf32, #tpu.memory_space<vmem>>, vector<1x512xf32>
    %add3A_104 = arith.addf %get3A_103, %dot_general3A_100 : vector<1x512xf32>
    %swap3A_105 = arith.constant 0 : index
    %swap3A_106 = arith.constant 2048 : index
    %swap3A_107 = vector.load %arg6[%swap3A_105, %swap3A_106] : memref<1x5120xf32, #tpu.memory_space<vmem>>, vector<1x512xf32>
    tpu.vector_store %arg6[%swap3A_105, %swap3A_106], %add3A_104 {strides = array<i32>} : memref<1x5120xf32, #tpu.memory_space<vmem>>, vector<1x512xf32>,
    %dot_general3A_108 = arith.constant dense<0.000000e+00> : vector<512x1xf32>
    %dot_general3A_109 = tpu.matmul %convert_element_type3A_98, %broadcast_in_dim3A_4, %dot_general3A_108 {dimension_numbers = #tpu.dot_dimension_numbers<[1], [0], [0], [1], [0, 0, 1, 1], [], []>, transpose_lhs_hint = false} : vector<512x512xf32>, vector<512x1xf32>, vector<512x1xf32> -> vector<512x1xf32>
    %add3A_110 = arith.addf %add3A_93, %dot_general3A_109 : vector<512x1xf32>
    %slice3A_111 = vector.extract_strided_slice %concatenate3A {offsets = [0, 2560], sizes = [1, 512], strides = [1, 1]} : vector<1x5120xf32> to vector<1x512xf32>
    %ge3A_112 = vector.broadcast %slice3A_111 : vector<1x512xf32> to vector<512x512xf32>
    %ge3A_113 = arith.cmpf oge, %mul3A_25, %ge3A_112 : vector<512x512xf32>
    %convert_element_type3A_114 = arith.extui %ge3A_113 : vector<512x512xi1> to vector<512x512xi32>
    %convert_element_type3A_115 = arith.sitofp %convert_element_type3A_114 : vector<512x512xi32> to vector<512x512xf32>
    %dot_general3A_116 = arith.constant dense<0.000000e+00> : vector<1x512xf32>
    %dot_general3A_117 = tpu.matmul %broadcast_in_dim3A_2, %convert_element_type3A_115, %dot_general3A_116 {dimension_numbers = #tpu.dot_dimension_numbers<[1], [0], [0], [1], [0, 0, 1, 1], [], []>, transpose_lhs_hint = false} : vector<1x512xf32>, vector<512x512xf32>, vector<1x512xf32> -> vector<1x512xf32>
    %get3A_118 = arith.constant 0 : index
    %get3A_119 = arith.constant 2560 : index
    %get3A_120 = vector.load %arg6[%get3A_118, %get3A_119] : memref<1x5120xf32, #tpu.memory_space<vmem>>, vector<1x512xf32>
    %add3A_121 = arith.addf %get3A_120, %dot_general3A_117 : vector<1x512xf32>
    %swap3A_122 = arith.constant 0 : index
    %swap3A_123 = arith.constant 2560 : index
    %swap3A_124 = vector.load %arg6[%swap3A_122, %swap3A_123] : memref<1x5120xf32, #tpu.memory_space<vmem>>, vector<1x512xf32>
    tpu.vector_store %arg6[%swap3A_122, %swap3A_123], %add3A_121 {strides = array<i32>} : memref<1x5120xf32, #tpu.memory_space<vmem>>, vector<1x512xf32>,
    %dot_general3A_125 = arith.constant dense<0.000000e+00> : vector<512x1xf32>
    %dot_general3A_126 = tpu.matmul %convert_element_type3A_115, %broadcast_in_dim3A_4, %dot_general3A_125 {dimension_numbers = #tpu.dot_dimension_numbers<[1], [0], [0], [1], [0, 0, 1, 1], [], []>, transpose_lhs_hint = false} : vector<512x512xf32>, vector<512x1xf32>, vector<512x1xf32> -> vector<512x1xf32>
    %add3A_127 = arith.addf %add3A_110, %dot_general3A_126 : vector<512x1xf32>
    %slice3A_128 = vector.extract_strided_slice %concatenate3A {offsets = [0, 3072], sizes = [1, 512], strides = [1, 1]} : vector<1x5120xf32> to vector<1x512xf32>
    %ge3A_129 = vector.broadcast %slice3A_128 : vector<1x512xf32> to vector<512x512xf32>
    %ge3A_130 = arith.cmpf oge, %mul3A_25, %ge3A_129 : vector<512x512xf32>
    %convert_element_type3A_131 = arith.extui %ge3A_130 : vector<512x512xi1> to vector<512x512xi32>
    %convert_element_type3A_132 = arith.sitofp %convert_element_type3A_131 : vector<512x512xi32> to vector<512x512xf32>
    %dot_general3A_133 = arith.constant dense<0.000000e+00> : vector<1x512xf32>
    %dot_general3A_134 = tpu.matmul %broadcast_in_dim3A_2, %convert_element_type3A_132, %dot_general3A_133 {dimension_numbers = #tpu.dot_dimension_numbers<[1], [0], [0], [1], [0, 0, 1, 1], [], []>, transpose_lhs_hint = false} : vector<1x512xf32>, vector<512x512xf32>, vector<1x512xf32> -> vector<1x512xf32>
    %get3A_135 = arith.constant 0 : index
    %get3A_136 = arith.constant 3072 : index
    %get3A_137 = vector.load %arg6[%get3A_135, %get3A_136] : memref<1x5120xf32, #tpu.memory_space<vmem>>, vector<1x512xf32>
    %add3A_138 = arith.addf %get3A_137, %dot_general3A_134 : vector<1x512xf32>
    %swap3A_139 = arith.constant 0 : index
    %swap3A_140 = arith.constant 3072 : index
    %swap3A_141 = vector.load %arg6[%swap3A_139, %swap3A_140] : memref<1x5120xf32, #tpu.memory_space<vmem>>, vector<1x512xf32>
    tpu.vector_store %arg6[%swap3A_139, %swap3A_140], %add3A_138 {strides = array<i32>} : memref<1x5120xf32, #tpu.memory_space<vmem>>, vector<1x512xf32>,
    %dot_general3A_142 = arith.constant dense<0.000000e+00> : vector<512x1xf32>
    %dot_general3A_143 = tpu.matmul %convert_element_type3A_132, %broadcast_in_dim3A_4, %dot_general3A_142 {dimension_numbers = #tpu.dot_dimension_numbers<[1], [0], [0], [1], [0, 0, 1, 1], [], []>, transpose_lhs_hint = false} : vector<512x512xf32>, vector<512x1xf32>, vector<512x1xf32> -> vector<512x1xf32>
    %add3A_144 = arith.addf %add3A_127, %dot_general3A_143 : vector<512x1xf32>
    %slice3A_145 = vector.extract_strided_slice %concatenate3A {offsets = [0, 3584], sizes = [1, 512], strides = [1, 1]} : vector<1x5120xf32> to vector<1x512xf32>
    %ge3A_146 = vector.broadcast %slice3A_145 : vector<1x512xf32> to vector<512x512xf32>
    %ge3A_147 = arith.cmpf oge, %mul3A_25, %ge3A_146 : vector<512x512xf32>
    %convert_element_type3A_148 = arith.extui %ge3A_147 : vector<512x512xi1> to vector<512x512xi32>
    %convert_element_type3A_149 = arith.sitofp %convert_element_type3A_148 : vector<512x512xi32> to vector<512x512xf32>
    %dot_general3A_150 = arith.constant dense<0.000000e+00> : vector<1x512xf32>
    %dot_general3A_151 = tpu.matmul %broadcast_in_dim3A_2, %convert_element_type3A_149, %dot_general3A_150 {dimension_numbers = #tpu.dot_dimension_numbers<[1], [0], [0], [1], [0, 0, 1, 1], [], []>, transpose_lhs_hint = false} : vector<1x512xf32>, vector<512x512xf32>, vector<1x512xf32> -> vector<1x512xf32>
    %get3A_152 = arith.constant 0 : index
    %get3A_153 = arith.constant 3584 : index
    %get3A_154 = vector.load %arg6[%get3A_152, %get3A_153] : memref<1x5120xf32, #tpu.memory_space<vmem>>, vector<1x512xf32>
    %add3A_155 = arith.addf %get3A_154, %dot_general3A_151 : vector<1x512xf32>
    %swap3A_156 = arith.constant 0 : index
    %swap3A_157 = arith.constant 3584 : index
    %swap3A_158 = vector.load %arg6[%swap3A_156, %swap3A_157] : memref<1x5120xf32, #tpu.memory_space<vmem>>, vector<1x512xf32>
    tpu.vector_store %arg6[%swap3A_156, %swap3A_157], %add3A_155 {strides = array<i32>} : memref<1x5120xf32, #tpu.memory_space<vmem>>, vector<1x512xf32>,
    %dot_general3A_159 = arith.constant dense<0.000000e+00> : vector<512x1xf32>
    %dot_general3A_160 = tpu.matmul %convert_element_type3A_149, %broadcast_in_dim3A_4, %dot_general3A_159 {dimension_numbers = #tpu.dot_dimension_numbers<[1], [0], [0], [1], [0, 0, 1, 1], [], []>, transpose_lhs_hint = false} : vector<512x512xf32>, vector<512x1xf32>, vector<512x1xf32> -> vector<512x1xf32>
    %add3A_161 = arith.addf %add3A_144, %dot_general3A_160 : vector<512x1xf32>
    %slice3A_162 = vector.extract_strided_slice %concatenate3A {offsets = [0, 4096], sizes = [1, 512], strides = [1, 1]} : vector<1x5120xf32> to vector<1x512xf32>
    %ge3A_163 = vector.broadcast %slice3A_162 : vector<1x512xf32> to vector<512x512xf32>
    %ge3A_164 = arith.cmpf oge, %mul3A_25, %ge3A_163 : vector<512x512xf32>
    %convert_element_type3A_165 = arith.extui %ge3A_164 : vector<512x512xi1> to vector<512x512xi32>
    %convert_element_type3A_166 = arith.sitofp %convert_element_type3A_165 : vector<512x512xi32> to vector<512x512xf32>
    %dot_general3A_167 = arith.constant dense<0.000000e+00> : vector<1x512xf32>
    %dot_general3A_168 = tpu.matmul %broadcast_in_dim3A_2, %convert_element_type3A_166, %dot_general3A_167 {dimension_numbers = #tpu.dot_dimension_numbers<[1], [0], [0], [1], [0, 0, 1, 1], [], []>, transpose_lhs_hint = false} : vector<1x512xf32>, vector<512x512xf32>, vector<1x512xf32> -> vector<1x512xf32>
    %get3A_169 = arith.constant 0 : index
    %get3A_170 = arith.constant 4096 : index
    %get3A_171 = vector.load %arg6[%get3A_169, %get3A_170] : memref<1x5120xf32, #tpu.memory_space<vmem>>, vector<1x512xf32>
    %add3A_172 = arith.addf %get3A_171, %dot_general3A_168 : vector<1x512xf32>
    %swap3A_173 = arith.constant 0 : index
    %swap3A_174 = arith.constant 4096 : index
    %swap3A_175 = vector.load %arg6[%swap3A_173, %swap3A_174] : memref<1x5120xf32, #tpu.memory_space<vmem>>, vector<1x512xf32>
    tpu.vector_store %arg6[%swap3A_173, %swap3A_174], %add3A_172 {strides = array<i32>} : memref<1x5120xf32, #tpu.memory_space<vmem>>, vector<1x512xf32>,
    %dot_general3A_176 = arith.constant dense<0.000000e+00> : vector<512x1xf32>
    %dot_general3A_177 = tpu.matmul %convert_element_type3A_166, %broadcast_in_dim3A_4, %dot_general3A_176 {dimension_numbers = #tpu.dot_dimension_numbers<[1], [0], [0], [1], [0, 0, 1, 1], [], []>, transpose_lhs_hint = false} : vector<512x512xf32>, vector<512x1xf32>, vector<512x1xf32> -> vector<512x1xf32>
    %add3A_178 = arith.addf %add3A_161, %dot_general3A_177 : vector<512x1xf32>
    %slice3A_179 = vector.extract_strided_slice %concatenate3A {offsets = [0, 4608], sizes = [1, 512], strides = [1, 1]} : vector<1x5120xf32> to vector<1x512xf32>
    %ge3A_180 = vector.broadcast %slice3A_179 : vector<1x512xf32> to vector<512x512xf32>
    %ge3A_181 = arith.cmpf oge, %mul3A_25, %ge3A_180 : vector<512x512xf32>
    %convert_element_type3A_182 = arith.extui %ge3A_181 : vector<512x512xi1> to vector<512x512xi32>
    %convert_element_type3A_183 = arith.sitofp %convert_element_type3A_182 : vector<512x512xi32> to vector<512x512xf32>
    %dot_general3A_184 = arith.constant dense<0.000000e+00> : vector<1x512xf32>
    %dot_general3A_185 = tpu.matmul %broadcast_in_dim3A_2, %convert_element_type3A_183, %dot_general3A_184 {dimension_numbers = #tpu.dot_dimension_numbers<[1], [0], [0], [1], [0, 0, 1, 1], [], []>, transpose_lhs_hint = false} : vector<1x512xf32>, vector<512x512xf32>, vector<1x512xf32> -> vector<1x512xf32>
    %get3A_186 = arith.constant 0 : index
    %get3A_187 = arith.constant 4608 : index
    %get3A_188 = vector.load %arg6[%get3A_186, %get3A_187] : memref<1x5120xf32, #tpu.memory_space<vmem>>, vector<1x512xf32>
    %add3A_189 = arith.addf %get3A_188, %dot_general3A_185 : vector<1x512xf32>
    %swap3A_190 = arith.constant 0 : index
    %swap3A_191 = arith.constant 4608 : index
    %swap3A_192 = vector.load %arg6[%swap3A_190, %swap3A_191] : memref<1x5120xf32, #tpu.memory_space<vmem>>, vector<1x512xf32>
    tpu.vector_store %arg6[%swap3A_190, %swap3A_191], %add3A_189 {strides = array<i32>} : memref<1x5120xf32, #tpu.memory_space<vmem>>, vector<1x512xf32>,
    %dot_general3A_193 = arith.constant dense<0.000000e+00> : vector<512x1xf32>
    %dot_general3A_194 = tpu.matmul %convert_element_type3A_183, %broadcast_in_dim3A_4, %dot_general3A_193 {dimension_numbers = #tpu.dot_dimension_numbers<[1], [0], [0], [1], [0, 0, 1, 1], [], []>, transpose_lhs_hint = false} : vector<512x512xf32>, vector<512x1xf32>, vector<512x1xf32> -> vector<512x1xf32>
    %add3A_195 = arith.addf %add3A_178, %dot_general3A_194 : vector<512x1xf32>
    %sub3A = arith.constant 4.608000e+03 : f32
    %sub3A_196 = vector.broadcast %sub3A : f32 to vector<512x1xf32>
    %sub3A_197 = arith.subf %sub3A_196, %add3A_195 : vector<512x1xf32>
    %convert_element_type3A_198 = arith.fptosi %sub3A_197 : vector<512x1xf32> to vector<512x1xi32>
    %swap3A_199 = arith.constant 0 : index
    %swap3A_200 = arith.constant 0 : index
    %swap3A_201 = vector.load %arg5[%swap3A_199, %swap3A_200] : memref<5120x1xi32, #tpu.memory_space<vmem>>, vector<512x1xi32>
    tpu.vector_store %arg5[%swap3A_199, %swap3A_200], %convert_element_type3A_198 {strides = array<i32>} : memref<5120x1xi32, #tpu.memory_space<vmem>>, vector<512x1xi32>,
    %get3A_202 = arith.constant 512 : index
    %get3A_203 = arith.constant 0 : index
    %get3A_204 = vector.load %arg0[%get3A_202, %get3A_203] : memref<5000x4xf32, #tpu.memory_space<vmem>>, vector<512x4xf32>
    %get3A_205 = arith.constant 512 : index
    %get3A_206 = arith.constant 0 : index
    %get3A_207 = vector.load %arg1[%get3A_205, %get3A_206] : memref<5000x1xf32, #tpu.memory_space<vmem>>, vector<512x1xf32>
    %broadcast_in_dim3A_208 = arith.constant 0.000000e+00 : f32
    %broadcast_in_dim3A_209 = vector.broadcast %broadcast_in_dim3A_208 : f32 to vector<512x123xf32>
    %concatenate3A_210 = tpu.concatenate %get3A_204, %get3A_207, %broadcast_in_dim3A_209 in 1 : vector<512x4xf32>, vector<512x1xf32>, vector<512x123xf32> -> vector<512x128xf32>
    %swap3A_211 = arith.constant 512 : index
    %swap3A_212 = arith.constant 0 : index
    %swap3A_213 = vector.load %arg3[%swap3A_211, %swap3A_212] : memref<5120x128xf32, #tpu.memory_space<vmem>>, vector<512x128xf32>
    tpu.vector_store %arg3[%swap3A_211, %swap3A_212], %concatenate3A_210 {strides = array<i32>} : memref<5120x128xf32, #tpu.memory_space<vmem>>, vector<512x128xf32>,
    %mul3A_214 = vector.broadcast %get3A_207 : vector<512x1xf32> to vector<512x512xf32>
    %mul3A_215 = arith.mulf %mul3A_214, %broadcast_in_dim3A_0 : vector<512x512xf32>
    %broadcast_in_dim3A_216 = arith.constant 0.000000e+00 : f32
    %broadcast_in_dim3A_217 = vector.broadcast %broadcast_in_dim3A_216 : f32 to vector<512x1xf32>
    %slice3A_218 = vector.extract_strided_slice %concatenate3A {offsets = [0, 512], sizes = [1, 512], strides = [1, 1]} : vector<1x5120xf32> to vector<1x512xf32>
    %iota3A_219 = tpu.iota {dimensions = array<i32: 0>} : vector<512x512xi32>
    %add3A_220 = arith.constant 512 : i32
    %add3A_221 = vector.broadcast %add3A_220 : i32 to vector<512x512xi32>
    %add3A_222 = arith.addi %iota3A_219, %add3A_221 : vector<512x512xi32>
    %slice3A_223 = vector.extract_strided_slice %iota3A {offsets = [0, 512], sizes = [1, 512], strides = [1, 1]} : vector<1x5120xi32> to vector<1x512xi32>
    %gt3A_224 = vector.broadcast %slice3A_218 : vector<1x512xf32> to vector<512x512xf32>
    %gt3A_225 = arith.cmpf ogt, %mul3A_215, %gt3A_224 : vector<512x512xf32>
    %eq3A_226 = vector.broadcast %slice3A_218 : vector<1x512xf32> to vector<512x512xf32>
    %eq3A_227 = arith.cmpf oeq, %mul3A_215, %eq3A_226 : vector<512x512xf32>
    %lt3A_228 = vector.broadcast %slice3A_223 : vector<1x512xi32> to vector<512x512xi32>
    %lt3A_229 = arith.cmpi slt, %add3A_222, %lt3A_228 : vector<512x512xi32>
    %and3A_230 = arith.andi %eq3A_227, %lt3A_229 : vector<512x512xi1>
    %or3A_231 = arith.ori %gt3A_225, %and3A_230 : vector<512x512xi1>
    %convert_element_type3A_232 = arith.extui %or3A_231 : vector<512x512xi1> to vector<512x512xi32>
    %convert_element_type3A_233 = arith.sitofp %convert_element_type3A_232 : vector<512x512xi32> to vector<512x512xf32>
    %dot_general3A_234 = arith.constant dense<0.000000e+00> : vector<1x512xf32>
    %dot_general3A_235 = tpu.matmul %broadcast_in_dim3A_2, %convert_element_type3A_233, %dot_general3A_234 {dimension_numbers = #tpu.dot_dimension_numbers<[1], [0], [0], [1], [0, 0, 1, 1], [], []>, transpose_lhs_hint = false} : vector<1x512xf32>, vector<512x512xf32>, vector<1x512xf32> -> vector<1x512xf32>
    %get3A_236 = arith.constant 0 : index
    %get3A_237 = arith.constant 512 : index
    %get3A_238 = vector.load %arg6[%get3A_236, %get3A_237] : memref<1x5120xf32, #tpu.memory_space<vmem>>, vector<1x512xf32>
    %add3A_239 = arith.addf %get3A_238, %dot_general3A_235 : vector<1x512xf32>
    %swap3A_240 = arith.constant 0 : index
    %swap3A_241 = arith.constant 512 : index
    %swap3A_242 = vector.load %arg6[%swap3A_240, %swap3A_241] : memref<1x5120xf32, #tpu.memory_space<vmem>>, vector<1x512xf32>
    tpu.vector_store %arg6[%swap3A_240, %swap3A_241], %add3A_239 {strides = array<i32>} : memref<1x5120xf32, #tpu.memory_space<vmem>>, vector<1x512xf32>,
    %slice3A_243 = vector.extract_strided_slice %concatenate3A {offsets = [0, 1024], sizes = [1, 512], strides = [1, 1]} : vector<1x5120xf32> to vector<1x512xf32>
    %ge3A_244 = vector.broadcast %slice3A_243 : vector<1x512xf32> to vector<512x512xf32>
    %ge3A_245 = arith.cmpf oge, %mul3A_215, %ge3A_244 : vector<512x512xf32>
    %convert_element_type3A_246 = arith.extui %ge3A_245 : vector<512x512xi1> to vector<512x512xi32>
    %convert_element_type3A_247 = arith.sitofp %convert_element_type3A_246 : vector<512x512xi32> to vector<512x512xf32>
    %dot_general3A_248 = arith.constant dense<0.000000e+00> : vector<1x512xf32>
    %dot_general3A_249 = tpu.matmul %broadcast_in_dim3A_2, %convert_element_type3A_247, %dot_general3A_248 {dimension_numbers = #tpu.dot_dimension_numbers<[1], [0], [0], [1], [0, 0, 1, 1], [], []>, transpose_lhs_hint = false} : vector<1x512xf32>, vector<512x512xf32>, vector<1x512xf32> -> vector<1x512xf32>
    %get3A_250 = arith.constant 0 : index
    %get3A_251 = arith.constant 1024 : index
    %get3A_252 = vector.load %arg6[%get3A_250, %get3A_251] : memref<1x5120xf32, #tpu.memory_space<vmem>>, vector<1x512xf32>
    %add3A_253 = arith.addf %get3A_252, %dot_general3A_249 : vector<1x512xf32>
    %swap3A_254 = arith.constant 0 : index
    %swap3A_255 = arith.constant 1024 : index
    %swap3A_256 = vector.load %arg6[%swap3A_254, %swap3A_255] : memref<1x5120xf32, #tpu.memory_space<vmem>>, vector<1x512xf32>
    tpu.vector_store %arg6[%swap3A_254, %swap3A_255], %add3A_253 {strides = array<i32>} : memref<1x5120xf32, #tpu.memory_space<vmem>>, vector<1x512xf32>,
    %dot_general3A_257 = arith.constant dense<0.000000e+00> : vector<512x1xf32>
    %dot_general3A_258 = tpu.matmul %convert_element_type3A_247, %broadcast_in_dim3A_4, %dot_general3A_257 {dimension_numbers = #tpu.dot_dimension_numbers<[1], [0], [0], [1], [0, 0, 1, 1], [], []>, transpose_lhs_hint = false} : vector<512x512xf32>, vector<512x1xf32>, vector<512x1xf32> -> vector<512x1xf32>
    %add3A_259 = arith.addf %broadcast_in_dim3A_217, %dot_general3A_258 : vector<512x1xf32>
    %slice3A_260 = vector.extract_strided_slice %concatenate3A {offsets = [0, 1536], sizes = [1, 512], strides = [1, 1]} : vector<1x5120xf32> to vector<1x512xf32>
    %ge3A_261 = vector.broadcast %slice3A_260 : vector<1x512xf32> to vector<512x512xf32>
    %ge3A_262 = arith.cmpf oge, %mul3A_215, %ge3A_261 : vector<512x512xf32>
    %convert_element_type3A_263 = arith.extui %ge3A_262 : vector<512x512xi1> to vector<512x512xi32>
    %convert_element_type3A_264 = arith.sitofp %convert_element_type3A_263 : vector<512x512xi32> to vector<512x512xf32>
    %dot_general3A_265 = arith.constant dense<0.000000e+00> : vector<1x512xf32>
    %dot_general3A_266 = tpu.matmul %broadcast_in_dim3A_2, %convert_element_type3A_264, %dot_general3A_265 {dimension_numbers = #tpu.dot_dimension_numbers<[1], [0], [0], [1], [0, 0, 1, 1], [], []>, transpose_lhs_hint = false} : vector<1x512xf32>, vector<512x512xf32>, vector<1x512xf32> -> vector<1x512xf32>
    %get3A_267 = arith.constant 0 : index
    %get3A_268 = arith.constant 1536 : index
    %get3A_269 = vector.load %arg6[%get3A_267, %get3A_268] : memref<1x5120xf32, #tpu.memory_space<vmem>>, vector<1x512xf32>
    %add3A_270 = arith.addf %get3A_269, %dot_general3A_266 : vector<1x512xf32>
    %swap3A_271 = arith.constant 0 : index
    %swap3A_272 = arith.constant 1536 : index
    %swap3A_273 = vector.load %arg6[%swap3A_271, %swap3A_272] : memref<1x5120xf32, #tpu.memory_space<vmem>>, vector<1x512xf32>
    tpu.vector_store %arg6[%swap3A_271, %swap3A_272], %add3A_270 {strides = array<i32>} : memref<1x5120xf32, #tpu.memory_space<vmem>>, vector<1x512xf32>,
    %dot_general3A_274 = arith.constant dense<0.000000e+00> : vector<512x1xf32>
    %dot_general3A_275 = tpu.matmul %convert_element_type3A_264, %broadcast_in_dim3A_4, %dot_general3A_274 {dimension_numbers = #tpu.dot_dimension_numbers<[1], [0], [0], [1], [0, 0, 1, 1], [], []>, transpose_lhs_hint = false} : vector<512x512xf32>, vector<512x1xf32>, vector<512x1xf32> -> vector<512x1xf32>
    %add3A_276 = arith.addf %add3A_259, %dot_general3A_275 : vector<512x1xf32>
    %slice3A_277 = vector.extract_strided_slice %concatenate3A {offsets = [0, 2048], sizes = [1, 512], strides = [1, 1]} : vector<1x5120xf32> to vector<1x512xf32>
    %ge3A_278 = vector.broadcast %slice3A_277 : vector<1x512xf32> to vector<512x512xf32>
    %ge3A_279 = arith.cmpf oge, %mul3A_215, %ge3A_278 : vector<512x512xf32>
    %convert_element_type3A_280 = arith.extui %ge3A_279 : vector<512x512xi1> to vector<512x512xi32>
    %convert_element_type3A_281 = arith.sitofp %convert_element_type3A_280 : vector<512x512xi32> to vector<512x512xf32>
    %dot_general3A_282 = arith.constant dense<0.000000e+00> : vector<1x512xf32>
    %dot_general3A_283 = tpu.matmul %broadcast_in_dim3A_2, %convert_element_type3A_281, %dot_general3A_282 {dimension_numbers = #tpu.dot_dimension_numbers<[1], [0], [0], [1], [0, 0, 1, 1], [], []>, transpose_lhs_hint = false} : vector<1x512xf32>, vector<512x512xf32>, vector<1x512xf32> -> vector<1x512xf32>
    %get3A_284 = arith.constant 0 : index
    %get3A_285 = arith.constant 2048 : index
    %get3A_286 = vector.load %arg6[%get3A_284, %get3A_285] : memref<1x5120xf32, #tpu.memory_space<vmem>>, vector<1x512xf32>
    %add3A_287 = arith.addf %get3A_286, %dot_general3A_283 : vector<1x512xf32>
    %swap3A_288 = arith.constant 0 : index
    %swap3A_289 = arith.constant 2048 : index
    %swap3A_290 = vector.load %arg6[%swap3A_288, %swap3A_289] : memref<1x5120xf32, #tpu.memory_space<vmem>>, vector<1x512xf32>
    tpu.vector_store %arg6[%swap3A_288, %swap3A_289], %add3A_287 {strides = array<i32>} : memref<1x5120xf32, #tpu.memory_space<vmem>>, vector<1x512xf32>,
    %dot_general3A_291 = arith.constant dense<0.000000e+00> : vector<512x1xf32>
    %dot_general3A_292 = tpu.matmul %convert_element_type3A_281, %broadcast_in_dim3A_4, %dot_general3A_291 {dimension_numbers = #tpu.dot_dimension_numbers<[1], [0], [0], [1], [0, 0, 1, 1], [], []>, transpose_lhs_hint = false} : vector<512x512xf32>, vector<512x1xf32>, vector<512x1xf32> -> vector<512x1xf32>
    %add3A_293 = arith.addf %add3A_276, %dot_general3A_292 : vector<512x1xf32>
    %slice3A_294 = vector.extract_strided_slice %concatenate3A {offsets = [0, 2560], sizes = [1, 512], strides = [1, 1]} : vector<1x5120xf32> to vector<1x512xf32>
    %ge3A_295 = vector.broadcast %slice3A_294 : vector<1x512xf32> to vector<512x512xf32>
    %ge3A_296 = arith.cmpf oge, %mul3A_215, %ge3A_295 : vector<512x512xf32>
    %convert_element_type3A_297 = arith.extui %ge3A_296 : vector<512x512xi1> to vector<512x512xi32>
    %convert_element_type3A_298 = arith.sitofp %convert_element_type3A_297 : vector<512x512xi32> to vector<512x512xf32>
    %dot_general3A_299 = arith.constant dense<0.000000e+00> : vector<1x512xf32>
    %dot_general3A_300 = tpu.matmul %broadcast_in_dim3A_2, %convert_element_type3A_298, %dot_general3A_299 {dimension_numbers = #tpu.dot_dimension_numbers<[1], [0], [0], [1], [0, 0, 1, 1], [], []>, transpose_lhs_hint = false} : vector<1x512xf32>, vector<512x512xf32>, vector<1x512xf32> -> vector<1x512xf32>
    %get3A_301 = arith.constant 0 : index
    %get3A_302 = arith.constant 2560 : index
    %get3A_303 = vector.load %arg6[%get3A_301, %get3A_302] : memref<1x5120xf32, #tpu.memory_space<vmem>>, vector<1x512xf32>
    %add3A_304 = arith.addf %get3A_303, %dot_general3A_300 : vector<1x512xf32>
    %swap3A_305 = arith.constant 0 : index
    %swap3A_306 = arith.constant 2560 : index
    %swap3A_307 = vector.load %arg6[%swap3A_305, %swap3A_306] : memref<1x5120xf32, #tpu.memory_space<vmem>>, vector<1x512xf32>
    tpu.vector_store %arg6[%swap3A_305, %swap3A_306], %add3A_304 {strides = array<i32>} : memref<1x5120xf32, #tpu.memory_space<vmem>>, vector<1x512xf32>,
    %dot_general3A_308 = arith.constant dense<0.000000e+00> : vector<512x1xf32>
    %dot_general3A_309 = tpu.matmul %convert_element_type3A_298, %broadcast_in_dim3A_4, %dot_general3A_308 {dimension_numbers = #tpu.dot_dimension_numbers<[1], [0], [0], [1], [0, 0, 1, 1], [], []>, transpose_lhs_hint = false} : vector<512x512xf32>, vector<512x1xf32>, vector<512x1xf32> -> vector<512x1xf32>
    %add3A_310 = arith.addf %add3A_293, %dot_general3A_309 : vector<512x1xf32>
    %slice3A_311 = vector.extract_strided_slice %concatenate3A {offsets = [0, 3072], sizes = [1, 512], strides = [1, 1]} : vector<1x5120xf32> to vector<1x512xf32>
    %ge3A_312 = vector.broadcast %slice3A_311 : vector<1x512xf32> to vector<512x512xf32>
    %ge3A_313 = arith.cmpf oge, %mul3A_215, %ge3A_312 : vector<512x512xf32>
    %convert_element_type3A_314 = arith.extui %ge3A_313 : vector<512x512xi1> to vector<512x512xi32>
    %convert_element_type3A_315 = arith.sitofp %convert_element_type3A_314 : vector<512x512xi32> to vector<512x512xf32>
    %dot_general3A_316 = arith.constant dense<0.000000e+00> : vector<1x512xf32>
    %dot_general3A_317 = tpu.matmul %broadcast_in_dim3A_2, %convert_element_type3A_315, %dot_general3A_316 {dimension_numbers = #tpu.dot_dimension_numbers<[1], [0], [0], [1], [0, 0, 1, 1], [], []>, transpose_lhs_hint = false} : vector<1x512xf32>, vector<512x512xf32>, vector<1x512xf32> -> vector<1x512xf32>
    %get3A_318 = arith.constant 0 : index
    %get3A_319 = arith.constant 3072 : index
    %get3A_320 = vector.load %arg6[%get3A_318, %get3A_319] : memref<1x5120xf32, #tpu.memory_space<vmem>>, vector<1x512xf32>
    %add3A_321 = arith.addf %get3A_320, %dot_general3A_317 : vector<1x512xf32>
    %swap3A_322 = arith.constant 0 : index
    %swap3A_323 = arith.constant 3072 : index
    %swap3A_324 = vector.load %arg6[%swap3A_322, %swap3A_323] : memref<1x5120xf32, #tpu.memory_space<vmem>>, vector<1x512xf32>
    tpu.vector_store %arg6[%swap3A_322, %swap3A_323], %add3A_321 {strides = array<i32>} : memref<1x5120xf32, #tpu.memory_space<vmem>>, vector<1x512xf32>,
    %dot_general3A_325 = arith.constant dense<0.000000e+00> : vector<512x1xf32>
    %dot_general3A_326 = tpu.matmul %convert_element_type3A_315, %broadcast_in_dim3A_4, %dot_general3A_325 {dimension_numbers = #tpu.dot_dimension_numbers<[1], [0], [0], [1], [0, 0, 1, 1], [], []>, transpose_lhs_hint = false} : vector<512x512xf32>, vector<512x1xf32>, vector<512x1xf32> -> vector<512x1xf32>
    %add3A_327 = arith.addf %add3A_310, %dot_general3A_326 : vector<512x1xf32>
    %slice3A_328 = vector.extract_strided_slice %concatenate3A {offsets = [0, 3584], sizes = [1, 512], strides = [1, 1]} : vector<1x5120xf32> to vector<1x512xf32>
    %ge3A_329 = vector.broadcast %slice3A_328 : vector<1x512xf32> to vector<512x512xf32>
    %ge3A_330 = arith.cmpf oge, %mul3A_215, %ge3A_329 : vector<512x512xf32>
    %convert_element_type3A_331 = arith.extui %ge3A_330 : vector<512x512xi1> to vector<512x512xi32>
    %convert_element_type3A_332 = arith.sitofp %convert_element_type3A_331 : vector<512x512xi32> to vector<512x512xf32>
    %dot_general3A_333 = arith.constant dense<0.000000e+00> : vector<1x512xf32>
    %dot_general3A_334 = tpu.matmul %broadcast_in_dim3A_2, %convert_element_type3A_332, %dot_general3A_333 {dimension_numbers = #tpu.dot_dimension_numbers<[1], [0], [0], [1], [0, 0, 1, 1], [], []>, transpose_lhs_hint = false} : vector<1x512xf32>, vector<512x512xf32>, vector<1x512xf32> -> vector<1x512xf32>
    %get3A_335 = arith.constant 0 : index
    %get3A_336 = arith.constant 3584 : index
    %get3A_337 = vector.load %arg6[%get3A_335, %get3A_336] : memref<1x5120xf32, #tpu.memory_space<vmem>>, vector<1x512xf32>
    %add3A_338 = arith.addf %get3A_337, %dot_general3A_334 : vector<1x512xf32>
    %swap3A_339 = arith.constant 0 : index
    %swap3A_340 = arith.constant 3584 : index
    %swap3A_341 = vector.load %arg6[%swap3A_339, %swap3A_340] : memref<1x5120xf32, #tpu.memory_space<vmem>>, vector<1x512xf32>
    tpu.vector_store %arg6[%swap3A_339, %swap3A_340], %add3A_338 {strides = array<i32>} : memref<1x5120xf32, #tpu.memory_space<vmem>>, vector<1x512xf32>,
    %dot_general3A_342 = arith.constant dense<0.000000e+00> : vector<512x1xf32>
    %dot_general3A_343 = tpu.matmul %convert_element_type3A_332, %broadcast_in_dim3A_4, %dot_general3A_342 {dimension_numbers = #tpu.dot_dimension_numbers<[1], [0], [0], [1], [0, 0, 1, 1], [], []>, transpose_lhs_hint = false} : vector<512x512xf32>, vector<512x1xf32>, vector<512x1xf32> -> vector<512x1xf32>
    %add3A_344 = arith.addf %add3A_327, %dot_general3A_343 : vector<512x1xf32>
    %slice3A_345 = vector.extract_strided_slice %concatenate3A {offsets = [0, 4096], sizes = [1, 512], strides = [1, 1]} : vector<1x5120xf32> to vector<1x512xf32>
    %ge3A_346 = vector.broadcast %slice3A_345 : vector<1x512xf32> to vector<512x512xf32>
    %ge3A_347 = arith.cmpf oge, %mul3A_215, %ge3A_346 : vector<512x512xf32>
    %convert_element_type3A_348 = arith.extui %ge3A_347 : vector<512x512xi1> to vector<512x512xi32>
    %convert_element_type3A_349 = arith.sitofp %convert_element_type3A_348 : vector<512x512xi32> to vector<512x512xf32>
    %dot_general3A_350 = arith.constant dense<0.000000e+00> : vector<1x512xf32>
    %dot_general3A_351 = tpu.matmul %broadcast_in_dim3A_2, %convert_element_type3A_349, %dot_general3A_350 {dimension_numbers = #tpu.dot_dimension_numbers<[1], [0], [0], [1], [0, 0, 1, 1], [], []>, transpose_lhs_hint = false} : vector<1x512xf32>, vector<512x512xf32>, vector<1x512xf32> -> vector<1x512xf32>
    %get3A_352 = arith.constant 0 : index
    %get3A_353 = arith.constant 4096 : index
    %get3A_354 = vector.load %arg6[%get3A_352, %get3A_353] : memref<1x5120xf32, #tpu.memory_space<vmem>>, vector<1x512xf32>
    %add3A_355 = arith.addf %get3A_354, %dot_general3A_351 : vector<1x512xf32>
    %swap3A_356 = arith.constant 0 : index
    %swap3A_357 = arith.constant 4096 : index
    %swap3A_358 = vector.load %arg6[%swap3A_356, %swap3A_357] : memref<1x5120xf32, #tpu.memory_space<vmem>>, vector<1x512xf32>
    tpu.vector_store %arg6[%swap3A_356, %swap3A_357], %add3A_355 {strides = array<i32>} : memref<1x5120xf32, #tpu.memory_space<vmem>>, vector<1x512xf32>,
    %dot_general3A_359 = arith.constant dense<0.000000e+00> : vector<512x1xf32>
    %dot_general3A_360 = tpu.matmul %convert_element_type3A_349, %broadcast_in_dim3A_4, %dot_general3A_359 {dimension_numbers = #tpu.dot_dimension_numbers<[1], [0], [0], [1], [0, 0, 1, 1], [], []>, transpose_lhs_hint = false} : vector<512x512xf32>, vector<512x1xf32>, vector<512x1xf32> -> vector<512x1xf32>
    %add3A_361 = arith.addf %add3A_344, %dot_general3A_360 : vector<512x1xf32>
    %slice3A_362 = vector.extract_strided_slice %concatenate3A {offsets = [0, 4608], sizes = [1, 512], strides = [1, 1]} : vector<1x5120xf32> to vector<1x512xf32>
    %ge3A_363 = vector.broadcast %slice3A_362 : vector<1x512xf32> to vector<512x512xf32>
    %ge3A_364 = arith.cmpf oge, %mul3A_215, %ge3A_363 : vector<512x512xf32>
    %convert_element_type3A_365 = arith.extui %ge3A_364 : vector<512x512xi1> to vector<512x512xi32>
    %convert_element_type3A_366 = arith.sitofp %convert_element_type3A_365 : vector<512x512xi32> to vector<512x512xf32>
    %dot_general3A_367 = arith.constant dense<0.000000e+00> : vector<1x512xf32>
    %dot_general3A_368 = tpu.matmul %broadcast_in_dim3A_2, %convert_element_type3A_366, %dot_general3A_367 {dimension_numbers = #tpu.dot_dimension_numbers<[1], [0], [0], [1], [0, 0, 1, 1], [], []>, transpose_lhs_hint = false} : vector<1x512xf32>, vector<512x512xf32>, vector<1x512xf32> -> vector<1x512xf32>
    %get3A_369 = arith.constant 0 : index
    %get3A_370 = arith.constant 4608 : index
    %get3A_371 = vector.load %arg6[%get3A_369, %get3A_370] : memref<1x5120xf32, #tpu.memory_space<vmem>>, vector<1x512xf32>
    %add3A_372 = arith.addf %get3A_371, %dot_general3A_368 : vector<1x512xf32>
    %swap3A_373 = arith.constant 0 : index
    %swap3A_374 = arith.constant 4608 : index
    %swap3A_375 = vector.load %arg6[%swap3A_373, %swap3A_374] : memref<1x5120xf32, #tpu.memory_space<vmem>>, vector<1x512xf32>
    tpu.vector_store %arg6[%swap3A_373, %swap3A_374], %add3A_372 {strides = array<i32>} : memref<1x5120xf32, #tpu.memory_space<vmem>>, vector<1x512xf32>,
    %dot_general3A_376 = arith.constant dense<0.000000e+00> : vector<512x1xf32>
    %dot_general3A_377 = tpu.matmul %convert_element_type3A_366, %broadcast_in_dim3A_4, %dot_general3A_376 {dimension_numbers = #tpu.dot_dimension_numbers<[1], [0], [0], [1], [0, 0, 1, 1], [], []>, transpose_lhs_hint = false} : vector<512x512xf32>, vector<512x1xf32>, vector<512x1xf32> -> vector<512x1xf32>
    %add3A_378 = arith.addf %add3A_361, %dot_general3A_377 : vector<512x1xf32>
    %sub3A_379 = arith.constant 4.096000e+03 : f32
    %sub3A_380 = vector.broadcast %sub3A_379 : f32 to vector<512x1xf32>
    %sub3A_381 = arith.subf %sub3A_380, %add3A_378 : vector<512x1xf32>
    %convert_element_type3A_382 = arith.fptosi %sub3A_381 : vector<512x1xf32> to vector<512x1xi32>
    %swap3A_383 = arith.constant 512 : index
    %swap3A_384 = arith.constant 0 : index
    %swap3A_385 = vector.load %arg5[%swap3A_383, %swap3A_384] : memref<5120x1xi32, #tpu.memory_space<vmem>>, vector<512x1xi32>
    tpu.vector_store %arg5[%swap3A_383, %swap3A_384], %convert_element_type3A_382 {strides = array<i32>} : memref<5120x1xi32, #tpu.memory_space<vmem>>, vector<512x1xi32>,
    %get3A_386 = arith.constant 1024 : index
    %get3A_387 = arith.constant 0 : index
    %get3A_388 = vector.load %arg0[%get3A_386, %get3A_387] : memref<5000x4xf32, #tpu.memory_space<vmem>>, vector<512x4xf32>
    %get3A_389 = arith.constant 1024 : index
    %get3A_390 = arith.constant 0 : index
    %get3A_391 = vector.load %arg1[%get3A_389, %get3A_390] : memref<5000x1xf32, #tpu.memory_space<vmem>>, vector<512x1xf32>
    %broadcast_in_dim3A_392 = arith.constant 0.000000e+00 : f32
    %broadcast_in_dim3A_393 = vector.broadcast %broadcast_in_dim3A_392 : f32 to vector<512x123xf32>
    %concatenate3A_394 = tpu.concatenate %get3A_388, %get3A_391, %broadcast_in_dim3A_393 in 1 : vector<512x4xf32>, vector<512x1xf32>, vector<512x123xf32> -> vector<512x128xf32>
    %swap3A_395 = arith.constant 1024 : index
    %swap3A_396 = arith.constant 0 : index
    %swap3A_397 = vector.load %arg3[%swap3A_395, %swap3A_396] : memref<5120x128xf32, #tpu.memory_space<vmem>>, vector<512x128xf32>
    tpu.vector_store %arg3[%swap3A_395, %swap3A_396], %concatenate3A_394 {strides = array<i32>} : memref<5120x128xf32, #tpu.memory_space<vmem>>, vector<512x128xf32>,
    %mul3A_398 = vector.broadcast %get3A_391 : vector<512x1xf32> to vector<512x512xf32>
    %mul3A_399 = arith.mulf %mul3A_398, %broadcast_in_dim3A_0 : vector<512x512xf32>
    %broadcast_in_dim3A_400 = arith.constant 0.000000e+00 : f32
    %broadcast_in_dim3A_401 = vector.broadcast %broadcast_in_dim3A_400 : f32 to vector<512x1xf32>
    %slice3A_402 = vector.extract_strided_slice %concatenate3A {offsets = [0, 1024], sizes = [1, 512], strides = [1, 1]} : vector<1x5120xf32> to vector<1x512xf32>
    %iota3A_403 = tpu.iota {dimensions = array<i32: 0>} : vector<512x512xi32>
    %add3A_404 = arith.constant 1024 : i32
    %add3A_405 = vector.broadcast %add3A_404 : i32 to vector<512x512xi32>
    %add3A_406 = arith.addi %iota3A_403, %add3A_405 : vector<512x512xi32>
    %slice3A_407 = vector.extract_strided_slice %iota3A {offsets = [0, 1024], sizes = [1, 512], strides = [1, 1]} : vector<1x5120xi32> to vector<1x512xi32>
    %gt3A_408 = vector.broadcast %slice3A_402 : vector<1x512xf32> to vector<512x512xf32>
    %gt3A_409 = arith.cmpf ogt, %mul3A_399, %gt3A_408 : vector<512x512xf32>
    %eq3A_410 = vector.broadcast %slice3A_402 : vector<1x512xf32> to vector<512x512xf32>
    %eq3A_411 = arith.cmpf oeq, %mul3A_399, %eq3A_410 : vector<512x512xf32>
    %lt3A_412 = vector.broadcast %slice3A_407 : vector<1x512xi32> to vector<512x512xi32>
    %lt3A_413 = arith.cmpi slt, %add3A_406, %lt3A_412 : vector<512x512xi32>
    %and3A_414 = arith.andi %eq3A_411, %lt3A_413 : vector<512x512xi1>
    %or3A_415 = arith.ori %gt3A_409, %and3A_414 : vector<512x512xi1>
    %convert_element_type3A_416 = arith.extui %or3A_415 : vector<512x512xi1> to vector<512x512xi32>
    %convert_element_type3A_417 = arith.sitofp %convert_element_type3A_416 : vector<512x512xi32> to vector<512x512xf32>
    %dot_general3A_418 = arith.constant dense<0.000000e+00> : vector<1x512xf32>
    %dot_general3A_419 = tpu.matmul %broadcast_in_dim3A_2, %convert_element_type3A_417, %dot_general3A_418 {dimension_numbers = #tpu.dot_dimension_numbers<[1], [0], [0], [1], [0, 0, 1, 1], [], []>, transpose_lhs_hint = false} : vector<1x512xf32>, vector<512x512xf32>, vector<1x512xf32> -> vector<1x512xf32>
    %get3A_420 = arith.constant 0 : index
    %get3A_421 = arith.constant 1024 : index
    %get3A_422 = vector.load %arg6[%get3A_420, %get3A_421] : memref<1x5120xf32, #tpu.memory_space<vmem>>, vector<1x512xf32>
    %add3A_423 = arith.addf %get3A_422, %dot_general3A_419 : vector<1x512xf32>
    %swap3A_424 = arith.constant 0 : index
    %swap3A_425 = arith.constant 1024 : index
    %swap3A_426 = vector.load %arg6[%swap3A_424, %swap3A_425] : memref<1x5120xf32, #tpu.memory_space<vmem>>, vector<1x512xf32>
    tpu.vector_store %arg6[%swap3A_424, %swap3A_425], %add3A_423 {strides = array<i32>} : memref<1x5120xf32, #tpu.memory_space<vmem>>, vector<1x512xf32>,
    %slice3A_427 = vector.extract_strided_slice %concatenate3A {offsets = [0, 1536], sizes = [1, 512], strides = [1, 1]} : vector<1x5120xf32> to vector<1x512xf32>
    %ge3A_428 = vector.broadcast %slice3A_427 : vector<1x512xf32> to vector<512x512xf32>
    %ge3A_429 = arith.cmpf oge, %mul3A_399, %ge3A_428 : vector<512x512xf32>
    %convert_element_type3A_430 = arith.extui %ge3A_429 : vector<512x512xi1> to vector<512x512xi32>
    %convert_element_type3A_431 = arith.sitofp %convert_element_type3A_430 : vector<512x512xi32> to vector<512x512xf32>
    %dot_general3A_432 = arith.constant dense<0.000000e+00> : vector<1x512xf32>
    %dot_general3A_433 = tpu.matmul %broadcast_in_dim3A_2, %convert_element_type3A_431, %dot_general3A_432 {dimension_numbers = #tpu.dot_dimension_numbers<[1], [0], [0], [1], [0, 0, 1, 1], [], []>, transpose_lhs_hint = false} : vector<1x512xf32>, vector<512x512xf32>, vector<1x512xf32> -> vector<1x512xf32>
    %get3A_434 = arith.constant 0 : index
    %get3A_435 = arith.constant 1536 : index
    %get3A_436 = vector.load %arg6[%get3A_434, %get3A_435] : memref<1x5120xf32, #tpu.memory_space<vmem>>, vector<1x512xf32>
    %add3A_437 = arith.addf %get3A_436, %dot_general3A_433 : vector<1x512xf32>
    %swap3A_438 = arith.constant 0 : index
    %swap3A_439 = arith.constant 1536 : index
    %swap3A_440 = vector.load %arg6[%swap3A_438, %swap3A_439] : memref<1x5120xf32, #tpu.memory_space<vmem>>, vector<1x512xf32>
    tpu.vector_store %arg6[%swap3A_438, %swap3A_439], %add3A_437 {strides = array<i32>} : memref<1x5120xf32, #tpu.memory_space<vmem>>, vector<1x512xf32>,
    %dot_general3A_441 = arith.constant dense<0.000000e+00> : vector<512x1xf32>
    %dot_general3A_442 = tpu.matmul %convert_element_type3A_431, %broadcast_in_dim3A_4, %dot_general3A_441 {dimension_numbers = #tpu.dot_dimension_numbers<[1], [0], [0], [1], [0, 0, 1, 1], [], []>, transpose_lhs_hint = false} : vector<512x512xf32>, vector<512x1xf32>, vector<512x1xf32> -> vector<512x1xf32>
    %add3A_443 = arith.addf %broadcast_in_dim3A_401, %dot_general3A_442 : vector<512x1xf32>
    %slice3A_444 = vector.extract_strided_slice %concatenate3A {offsets = [0, 2048], sizes = [1, 512], strides = [1, 1]} : vector<1x5120xf32> to vector<1x512xf32>
    %ge3A_445 = vector.broadcast %slice3A_444 : vector<1x512xf32> to vector<512x512xf32>
    %ge3A_446 = arith.cmpf oge, %mul3A_399, %ge3A_445 : vector<512x512xf32>
    %convert_element_type3A_447 = arith.extui %ge3A_446 : vector<512x512xi1> to vector<512x512xi32>
    %convert_element_type3A_448 = arith.sitofp %convert_element_type3A_447 : vector<512x512xi32> to vector<512x512xf32>
    %dot_general3A_449 = arith.constant dense<0.000000e+00> : vector<1x512xf32>
    %dot_general3A_450 = tpu.matmul %broadcast_in_dim3A_2, %convert_element_type3A_448, %dot_general3A_449 {dimension_numbers = #tpu.dot_dimension_numbers<[1], [0], [0], [1], [0, 0, 1, 1], [], []>, transpose_lhs_hint = false} : vector<1x512xf32>, vector<512x512xf32>, vector<1x512xf32> -> vector<1x512xf32>
    %get3A_451 = arith.constant 0 : index
    %get3A_452 = arith.constant 2048 : index
    %get3A_453 = vector.load %arg6[%get3A_451, %get3A_452] : memref<1x5120xf32, #tpu.memory_space<vmem>>, vector<1x512xf32>
    %add3A_454 = arith.addf %get3A_453, %dot_general3A_450 : vector<1x512xf32>
    %swap3A_455 = arith.constant 0 : index
    %swap3A_456 = arith.constant 2048 : index
    %swap3A_457 = vector.load %arg6[%swap3A_455, %swap3A_456] : memref<1x5120xf32, #tpu.memory_space<vmem>>, vector<1x512xf32>
    tpu.vector_store %arg6[%swap3A_455, %swap3A_456], %add3A_454 {strides = array<i32>} : memref<1x5120xf32, #tpu.memory_space<vmem>>, vector<1x512xf32>,
    %dot_general3A_458 = arith.constant dense<0.000000e+00> : vector<512x1xf32>
    %dot_general3A_459 = tpu.matmul %convert_element_type3A_448, %broadcast_in_dim3A_4, %dot_general3A_458 {dimension_numbers = #tpu.dot_dimension_numbers<[1], [0], [0], [1], [0, 0, 1, 1], [], []>, transpose_lhs_hint = false} : vector<512x512xf32>, vector<512x1xf32>, vector<512x1xf32> -> vector<512x1xf32>
    %add3A_460 = arith.addf %add3A_443, %dot_general3A_459 : vector<512x1xf32>
    %slice3A_461 = vector.extract_strided_slice %concatenate3A {offsets = [0, 2560], sizes = [1, 512], strides = [1, 1]} : vector<1x5120xf32> to vector<1x512xf32>
    %ge3A_462 = vector.broadcast %slice3A_461 : vector<1x512xf32> to vector<512x512xf32>
    %ge3A_463 = arith.cmpf oge, %mul3A_399, %ge3A_462 : vector<512x512xf32>
    %convert_element_type3A_464 = arith.extui %ge3A_463 : vector<512x512xi1> to vector<512x512xi32>
    %convert_element_type3A_465 = arith.sitofp %convert_element_type3A_464 : vector<512x512xi32> to vector<512x512xf32>
    %dot_general3A_466 = arith.constant dense<0.000000e+00> : vector<1x512xf32>
    %dot_general3A_467 = tpu.matmul %broadcast_in_dim3A_2, %convert_element_type3A_465, %dot_general3A_466 {dimension_numbers = #tpu.dot_dimension_numbers<[1], [0], [0], [1], [0, 0, 1, 1], [], []>, transpose_lhs_hint = false} : vector<1x512xf32>, vector<512x512xf32>, vector<1x512xf32> -> vector<1x512xf32>
    %get3A_468 = arith.constant 0 : index
    %get3A_469 = arith.constant 2560 : index
    %get3A_470 = vector.load %arg6[%get3A_468, %get3A_469] : memref<1x5120xf32, #tpu.memory_space<vmem>>, vector<1x512xf32>
    %add3A_471 = arith.addf %get3A_470, %dot_general3A_467 : vector<1x512xf32>
    %swap3A_472 = arith.constant 0 : index
    %swap3A_473 = arith.constant 2560 : index
    %swap3A_474 = vector.load %arg6[%swap3A_472, %swap3A_473] : memref<1x5120xf32, #tpu.memory_space<vmem>>, vector<1x512xf32>
    tpu.vector_store %arg6[%swap3A_472, %swap3A_473], %add3A_471 {strides = array<i32>} : memref<1x5120xf32, #tpu.memory_space<vmem>>, vector<1x512xf32>,
    %dot_general3A_475 = arith.constant dense<0.000000e+00> : vector<512x1xf32>
    %dot_general3A_476 = tpu.matmul %convert_element_type3A_465, %broadcast_in_dim3A_4, %dot_general3A_475 {dimension_numbers = #tpu.dot_dimension_numbers<[1], [0], [0], [1], [0, 0, 1, 1], [], []>, transpose_lhs_hint = false} : vector<512x512xf32>, vector<512x1xf32>, vector<512x1xf32> -> vector<512x1xf32>
    %add3A_477 = arith.addf %add3A_460, %dot_general3A_476 : vector<512x1xf32>
    %slice3A_478 = vector.extract_strided_slice %concatenate3A {offsets = [0, 3072], sizes = [1, 512], strides = [1, 1]} : vector<1x5120xf32> to vector<1x512xf32>
    %ge3A_479 = vector.broadcast %slice3A_478 : vector<1x512xf32> to vector<512x512xf32>
    %ge3A_480 = arith.cmpf oge, %mul3A_399, %ge3A_479 : vector<512x512xf32>
    %convert_element_type3A_481 = arith.extui %ge3A_480 : vector<512x512xi1> to vector<512x512xi32>
    %convert_element_type3A_482 = arith.sitofp %convert_element_type3A_481 : vector<512x512xi32> to vector<512x512xf32>
    %dot_general3A_483 = arith.constant dense<0.000000e+00> : vector<1x512xf32>
    %dot_general3A_484 = tpu.matmul %broadcast_in_dim3A_2, %convert_element_type3A_482, %dot_general3A_483 {dimension_numbers = #tpu.dot_dimension_numbers<[1], [0], [0], [1], [0, 0, 1, 1], [], []>, transpose_lhs_hint = false} : vector<1x512xf32>, vector<512x512xf32>, vector<1x512xf32> -> vector<1x512xf32>
    %get3A_485 = arith.constant 0 : index
    %get3A_486 = arith.constant 3072 : index
    %get3A_487 = vector.load %arg6[%get3A_485, %get3A_486] : memref<1x5120xf32, #tpu.memory_space<vmem>>, vector<1x512xf32>
    %add3A_488 = arith.addf %get3A_487, %dot_general3A_484 : vector<1x512xf32>
    %swap3A_489 = arith.constant 0 : index
    %swap3A_490 = arith.constant 3072 : index
    %swap3A_491 = vector.load %arg6[%swap3A_489, %swap3A_490] : memref<1x5120xf32, #tpu.memory_space<vmem>>, vector<1x512xf32>
    tpu.vector_store %arg6[%swap3A_489, %swap3A_490], %add3A_488 {strides = array<i32>} : memref<1x5120xf32, #tpu.memory_space<vmem>>, vector<1x512xf32>,
    %dot_general3A_492 = arith.constant dense<0.000000e+00> : vector<512x1xf32>
    %dot_general3A_493 = tpu.matmul %convert_element_type3A_482, %broadcast_in_dim3A_4, %dot_general3A_492 {dimension_numbers = #tpu.dot_dimension_numbers<[1], [0], [0], [1], [0, 0, 1, 1], [], []>, transpose_lhs_hint = false} : vector<512x512xf32>, vector<512x1xf32>, vector<512x1xf32> -> vector<512x1xf32>
    %add3A_494 = arith.addf %add3A_477, %dot_general3A_493 : vector<512x1xf32>
    %slice3A_495 = vector.extract_strided_slice %concatenate3A {offsets = [0, 3584], sizes = [1, 512], strides = [1, 1]} : vector<1x5120xf32> to vector<1x512xf32>
    %ge3A_496 = vector.broadcast %slice3A_495 : vector<1x512xf32> to vector<512x512xf32>
    %ge3A_497 = arith.cmpf oge, %mul3A_399, %ge3A_496 : vector<512x512xf32>
    %convert_element_type3A_498 = arith.extui %ge3A_497 : vector<512x512xi1> to vector<512x512xi32>
    %convert_element_type3A_499 = arith.sitofp %convert_element_type3A_498 : vector<512x512xi32> to vector<512x512xf32>
    %dot_general3A_500 = arith.constant dense<0.000000e+00> : vector<1x512xf32>
    %dot_general3A_501 = tpu.matmul %broadcast_in_dim3A_2, %convert_element_type3A_499, %dot_general3A_500 {dimension_numbers = #tpu.dot_dimension_numbers<[1], [0], [0], [1], [0, 0, 1, 1], [], []>, transpose_lhs_hint = false} : vector<1x512xf32>, vector<512x512xf32>, vector<1x512xf32> -> vector<1x512xf32>
    %get3A_502 = arith.constant 0 : index
    %get3A_503 = arith.constant 3584 : index
    %get3A_504 = vector.load %arg6[%get3A_502, %get3A_503] : memref<1x5120xf32, #tpu.memory_space<vmem>>, vector<1x512xf32>
    %add3A_505 = arith.addf %get3A_504, %dot_general3A_501 : vector<1x512xf32>
    %swap3A_506 = arith.constant 0 : index
    %swap3A_507 = arith.constant 3584 : index
    %swap3A_508 = vector.load %arg6[%swap3A_506, %swap3A_507] : memref<1x5120xf32, #tpu.memory_space<vmem>>, vector<1x512xf32>
    tpu.vector_store %arg6[%swap3A_506, %swap3A_507], %add3A_505 {strides = array<i32>} : memref<1x5120xf32, #tpu.memory_space<vmem>>, vector<1x512xf32>,
    %dot_general3A_509 = arith.constant dense<0.000000e+00> : vector<512x1xf32>
    %dot_general3A_510 = tpu.matmul %convert_element_type3A_499, %broadcast_in_dim3A_4, %dot_general3A_509 {dimension_numbers = #tpu.dot_dimension_numbers<[1], [0], [0], [1], [0, 0, 1, 1], [], []>, transpose_lhs_hint = false} : vector<512x512xf32>, vector<512x1xf32>, vector<512x1xf32> -> vector<512x1xf32>
    %add3A_511 = arith.addf %add3A_494, %dot_general3A_510 : vector<512x1xf32>
    %slice3A_512 = vector.extract_strided_slice %concatenate3A {offsets = [0, 4096], sizes = [1, 512], strides = [1, 1]} : vector<1x5120xf32> to vector<1x512xf32>
    %ge3A_513 = vector.broadcast %slice3A_512 : vector<1x512xf32> to vector<512x512xf32>
    %ge3A_514 = arith.cmpf oge, %mul3A_399, %ge3A_513 : vector<512x512xf32>
    %convert_element_type3A_515 = arith.extui %ge3A_514 : vector<512x512xi1> to vector<512x512xi32>
    %convert_element_type3A_516 = arith.sitofp %convert_element_type3A_515 : vector<512x512xi32> to vector<512x512xf32>
    %dot_general3A_517 = arith.constant dense<0.000000e+00> : vector<1x512xf32>
    %dot_general3A_518 = tpu.matmul %broadcast_in_dim3A_2, %convert_element_type3A_516, %dot_general3A_517 {dimension_numbers = #tpu.dot_dimension_numbers<[1], [0], [0], [1], [0, 0, 1, 1], [], []>, transpose_lhs_hint = false} : vector<1x512xf32>, vector<512x512xf32>, vector<1x512xf32> -> vector<1x512xf32>
    %get3A_519 = arith.constant 0 : index
    %get3A_520 = arith.constant 4096 : index
    %get3A_521 = vector.load %arg6[%get3A_519, %get3A_520] : memref<1x5120xf32, #tpu.memory_space<vmem>>, vector<1x512xf32>
    %add3A_522 = arith.addf %get3A_521, %dot_general3A_518 : vector<1x512xf32>
    %swap3A_523 = arith.constant 0 : index
    %swap3A_524 = arith.constant 4096 : index
    %swap3A_525 = vector.load %arg6[%swap3A_523, %swap3A_524] : memref<1x5120xf32, #tpu.memory_space<vmem>>, vector<1x512xf32>
    tpu.vector_store %arg6[%swap3A_523, %swap3A_524], %add3A_522 {strides = array<i32>} : memref<1x5120xf32, #tpu.memory_space<vmem>>, vector<1x512xf32>,
    %dot_general3A_526 = arith.constant dense<0.000000e+00> : vector<512x1xf32>
    %dot_general3A_527 = tpu.matmul %convert_element_type3A_516, %broadcast_in_dim3A_4, %dot_general3A_526 {dimension_numbers = #tpu.dot_dimension_numbers<[1], [0], [0], [1], [0, 0, 1, 1], [], []>, transpose_lhs_hint = false} : vector<512x512xf32>, vector<512x1xf32>, vector<512x1xf32> -> vector<512x1xf32>
    %add3A_528 = arith.addf %add3A_511, %dot_general3A_527 : vector<512x1xf32>
    %slice3A_529 = vector.extract_strided_slice %concatenate3A {offsets = [0, 4608], sizes = [1, 512], strides = [1, 1]} : vector<1x5120xf32> to vector<1x512xf32>
    %ge3A_530 = vector.broadcast %slice3A_529 : vector<1x512xf32> to vector<512x512xf32>
    %ge3A_531 = arith.cmpf oge, %mul3A_399, %ge3A_530 : vector<512x512xf32>
    %convert_element_type3A_532 = arith.extui %ge3A_531 : vector<512x512xi1> to vector<512x512xi32>
    %convert_element_type3A_533 = arith.sitofp %convert_element_type3A_532 : vector<512x512xi32> to vector<512x512xf32>
    %dot_general3A_534 = arith.constant dense<0.000000e+00> : vector<1x512xf32>
    %dot_general3A_535 = tpu.matmul %broadcast_in_dim3A_2, %convert_element_type3A_533, %dot_general3A_534 {dimension_numbers = #tpu.dot_dimension_numbers<[1], [0], [0], [1], [0, 0, 1, 1], [], []>, transpose_lhs_hint = false} : vector<1x512xf32>, vector<512x512xf32>, vector<1x512xf32> -> vector<1x512xf32>
    %get3A_536 = arith.constant 0 : index
    %get3A_537 = arith.constant 4608 : index
    %get3A_538 = vector.load %arg6[%get3A_536, %get3A_537] : memref<1x5120xf32, #tpu.memory_space<vmem>>, vector<1x512xf32>
    %add3A_539 = arith.addf %get3A_538, %dot_general3A_535 : vector<1x512xf32>
    %swap3A_540 = arith.constant 0 : index
    %swap3A_541 = arith.constant 4608 : index
    %swap3A_542 = vector.load %arg6[%swap3A_540, %swap3A_541] : memref<1x5120xf32, #tpu.memory_space<vmem>>, vector<1x512xf32>
    tpu.vector_store %arg6[%swap3A_540, %swap3A_541], %add3A_539 {strides = array<i32>} : memref<1x5120xf32, #tpu.memory_space<vmem>>, vector<1x512xf32>,
    %dot_general3A_543 = arith.constant dense<0.000000e+00> : vector<512x1xf32>
    %dot_general3A_544 = tpu.matmul %convert_element_type3A_533, %broadcast_in_dim3A_4, %dot_general3A_543 {dimension_numbers = #tpu.dot_dimension_numbers<[1], [0], [0], [1], [0, 0, 1, 1], [], []>, transpose_lhs_hint = false} : vector<512x512xf32>, vector<512x1xf32>, vector<512x1xf32> -> vector<512x1xf32>
    %add3A_545 = arith.addf %add3A_528, %dot_general3A_544 : vector<512x1xf32>
    %sub3A_546 = arith.constant 3.584000e+03 : f32
    %sub3A_547 = vector.broadcast %sub3A_546 : f32 to vector<512x1xf32>
    %sub3A_548 = arith.subf %sub3A_547, %add3A_545 : vector<512x1xf32>
    %convert_element_type3A_549 = arith.fptosi %sub3A_548 : vector<512x1xf32> to vector<512x1xi32>
    %swap3A_550 = arith.constant 1024 : index
    %swap3A_551 = arith.constant 0 : index
    %swap3A_552 = vector.load %arg5[%swap3A_550, %swap3A_551] : memref<5120x1xi32, #tpu.memory_space<vmem>>, vector<512x1xi32>
    tpu.vector_store %arg5[%swap3A_550, %swap3A_551], %convert_element_type3A_549 {strides = array<i32>} : memref<5120x1xi32, #tpu.memory_space<vmem>>, vector<512x1xi32>,
    %get3A_553 = arith.constant 1536 : index
    %get3A_554 = arith.constant 0 : index
    %get3A_555 = vector.load %arg0[%get3A_553, %get3A_554] : memref<5000x4xf32, #tpu.memory_space<vmem>>, vector<512x4xf32>
    %get3A_556 = arith.constant 1536 : index
    %get3A_557 = arith.constant 0 : index
    %get3A_558 = vector.load %arg1[%get3A_556, %get3A_557] : memref<5000x1xf32, #tpu.memory_space<vmem>>, vector<512x1xf32>
    %broadcast_in_dim3A_559 = arith.constant 0.000000e+00 : f32
    %broadcast_in_dim3A_560 = vector.broadcast %broadcast_in_dim3A_559 : f32 to vector<512x123xf32>
    %concatenate3A_561 = tpu.concatenate %get3A_555, %get3A_558, %broadcast_in_dim3A_560 in 1 : vector<512x4xf32>, vector<512x1xf32>, vector<512x123xf32> -> vector<512x128xf32>
    %swap3A_562 = arith.constant 1536 : index
    %swap3A_563 = arith.constant 0 : index
    %swap3A_564 = vector.load %arg3[%swap3A_562, %swap3A_563] : memref<5120x128xf32, #tpu.memory_space<vmem>>, vector<512x128xf32>
    tpu.vector_store %arg3[%swap3A_562, %swap3A_563], %concatenate3A_561 {strides = array<i32>} : memref<5120x128xf32, #tpu.memory_space<vmem>>, vector<512x128xf32>,
    %mul3A_565 = vector.broadcast %get3A_558 : vector<512x1xf32> to vector<512x512xf32>
    %mul3A_566 = arith.mulf %mul3A_565, %broadcast_in_dim3A_0 : vector<512x512xf32>
    %broadcast_in_dim3A_567 = arith.constant 0.000000e+00 : f32
    %broadcast_in_dim3A_568 = vector.broadcast %broadcast_in_dim3A_567 : f32 to vector<512x1xf32>
    %slice3A_569 = vector.extract_strided_slice %concatenate3A {offsets = [0, 1536], sizes = [1, 512], strides = [1, 1]} : vector<1x5120xf32> to vector<1x512xf32>
    %iota3A_570 = tpu.iota {dimensions = array<i32: 0>} : vector<512x512xi32>
    %add3A_571 = arith.constant 1536 : i32
    %add3A_572 = vector.broadcast %add3A_571 : i32 to vector<512x512xi32>
    %add3A_573 = arith.addi %iota3A_570, %add3A_572 : vector<512x512xi32>
    %slice3A_574 = vector.extract_strided_slice %iota3A {offsets = [0, 1536], sizes = [1, 512], strides = [1, 1]} : vector<1x5120xi32> to vector<1x512xi32>
    %gt3A_575 = vector.broadcast %slice3A_569 : vector<1x512xf32> to vector<512x512xf32>
    %gt3A_576 = arith.cmpf ogt, %mul3A_566, %gt3A_575 : vector<512x512xf32>
    %eq3A_577 = vector.broadcast %slice3A_569 : vector<1x512xf32> to vector<512x512xf32>
    %eq3A_578 = arith.cmpf oeq, %mul3A_566, %eq3A_577 : vector<512x512xf32>
    %lt3A_579 = vector.broadcast %slice3A_574 : vector<1x512xi32> to vector<512x512xi32>
    %lt3A_580 = arith.cmpi slt, %add3A_573, %lt3A_579 : vector<512x512xi32>
    %and3A_581 = arith.andi %eq3A_578, %lt3A_580 : vector<512x512xi1>
    %or3A_582 = arith.ori %gt3A_576, %and3A_581 : vector<512x512xi1>
    %convert_element_type3A_583 = arith.extui %or3A_582 : vector<512x512xi1> to vector<512x512xi32>
    %convert_element_type3A_584 = arith.sitofp %convert_element_type3A_583 : vector<512x512xi32> to vector<512x512xf32>
    %dot_general3A_585 = arith.constant dense<0.000000e+00> : vector<1x512xf32>
    %dot_general3A_586 = tpu.matmul %broadcast_in_dim3A_2, %convert_element_type3A_584, %dot_general3A_585 {dimension_numbers = #tpu.dot_dimension_numbers<[1], [0], [0], [1], [0, 0, 1, 1], [], []>, transpose_lhs_hint = false} : vector<1x512xf32>, vector<512x512xf32>, vector<1x512xf32> -> vector<1x512xf32>
    %get3A_587 = arith.constant 0 : index
    %get3A_588 = arith.constant 1536 : index
    %get3A_589 = vector.load %arg6[%get3A_587, %get3A_588] : memref<1x5120xf32, #tpu.memory_space<vmem>>, vector<1x512xf32>
    %add3A_590 = arith.addf %get3A_589, %dot_general3A_586 : vector<1x512xf32>
    %swap3A_591 = arith.constant 0 : index
    %swap3A_592 = arith.constant 1536 : index
    %swap3A_593 = vector.load %arg6[%swap3A_591, %swap3A_592] : memref<1x5120xf32, #tpu.memory_space<vmem>>, vector<1x512xf32>
    tpu.vector_store %arg6[%swap3A_591, %swap3A_592], %add3A_590 {strides = array<i32>} : memref<1x5120xf32, #tpu.memory_space<vmem>>, vector<1x512xf32>,
    %slice3A_594 = vector.extract_strided_slice %concatenate3A {offsets = [0, 2048], sizes = [1, 512], strides = [1, 1]} : vector<1x5120xf32> to vector<1x512xf32>
    %ge3A_595 = vector.broadcast %slice3A_594 : vector<1x512xf32> to vector<512x512xf32>
    %ge3A_596 = arith.cmpf oge, %mul3A_566, %ge3A_595 : vector<512x512xf32>
    %convert_element_type3A_597 = arith.extui %ge3A_596 : vector<512x512xi1> to vector<512x512xi32>
    %convert_element_type3A_598 = arith.sitofp %convert_element_type3A_597 : vector<512x512xi32> to vector<512x512xf32>
    %dot_general3A_599 = arith.constant dense<0.000000e+00> : vector<1x512xf32>
    %dot_general3A_600 = tpu.matmul %broadcast_in_dim3A_2, %convert_element_type3A_598, %dot_general3A_599 {dimension_numbers = #tpu.dot_dimension_numbers<[1], [0], [0], [1], [0, 0, 1, 1], [], []>, transpose_lhs_hint = false} : vector<1x512xf32>, vector<512x512xf32>, vector<1x512xf32> -> vector<1x512xf32>
    %get3A_601 = arith.constant 0 : index
    %get3A_602 = arith.constant 2048 : index
    %get3A_603 = vector.load %arg6[%get3A_601, %get3A_602] : memref<1x5120xf32, #tpu.memory_space<vmem>>, vector<1x512xf32>
    %add3A_604 = arith.addf %get3A_603, %dot_general3A_600 : vector<1x512xf32>
    %swap3A_605 = arith.constant 0 : index
    %swap3A_606 = arith.constant 2048 : index
    %swap3A_607 = vector.load %arg6[%swap3A_605, %swap3A_606] : memref<1x5120xf32, #tpu.memory_space<vmem>>, vector<1x512xf32>
    tpu.vector_store %arg6[%swap3A_605, %swap3A_606], %add3A_604 {strides = array<i32>} : memref<1x5120xf32, #tpu.memory_space<vmem>>, vector<1x512xf32>,
    %dot_general3A_608 = arith.constant dense<0.000000e+00> : vector<512x1xf32>
    %dot_general3A_609 = tpu.matmul %convert_element_type3A_598, %broadcast_in_dim3A_4, %dot_general3A_608 {dimension_numbers = #tpu.dot_dimension_numbers<[1], [0], [0], [1], [0, 0, 1, 1], [], []>, transpose_lhs_hint = false} : vector<512x512xf32>, vector<512x1xf32>, vector<512x1xf32> -> vector<512x1xf32>
    %add3A_610 = arith.addf %broadcast_in_dim3A_568, %dot_general3A_609 : vector<512x1xf32>
    %slice3A_611 = vector.extract_strided_slice %concatenate3A {offsets = [0, 2560], sizes = [1, 512], strides = [1, 1]} : vector<1x5120xf32> to vector<1x512xf32>
    %ge3A_612 = vector.broadcast %slice3A_611 : vector<1x512xf32> to vector<512x512xf32>
    %ge3A_613 = arith.cmpf oge, %mul3A_566, %ge3A_612 : vector<512x512xf32>
    %convert_element_type3A_614 = arith.extui %ge3A_613 : vector<512x512xi1> to vector<512x512xi32>
    %convert_element_type3A_615 = arith.sitofp %convert_element_type3A_614 : vector<512x512xi32> to vector<512x512xf32>
    %dot_general3A_616 = arith.constant dense<0.000000e+00> : vector<1x512xf32>
    %dot_general3A_617 = tpu.matmul %broadcast_in_dim3A_2, %convert_element_type3A_615, %dot_general3A_616 {dimension_numbers = #tpu.dot_dimension_numbers<[1], [0], [0], [1], [0, 0, 1, 1], [], []>, transpose_lhs_hint = false} : vector<1x512xf32>, vector<512x512xf32>, vector<1x512xf32> -> vector<1x512xf32>
    %get3A_618 = arith.constant 0 : index
    %get3A_619 = arith.constant 2560 : index
    %get3A_620 = vector.load %arg6[%get3A_618, %get3A_619] : memref<1x5120xf32, #tpu.memory_space<vmem>>, vector<1x512xf32>
    %add3A_621 = arith.addf %get3A_620, %dot_general3A_617 : vector<1x512xf32>
    %swap3A_622 = arith.constant 0 : index
    %swap3A_623 = arith.constant 2560 : index
    %swap3A_624 = vector.load %arg6[%swap3A_622, %swap3A_623] : memref<1x5120xf32, #tpu.memory_space<vmem>>, vector<1x512xf32>
    tpu.vector_store %arg6[%swap3A_622, %swap3A_623], %add3A_621 {strides = array<i32>} : memref<1x5120xf32, #tpu.memory_space<vmem>>, vector<1x512xf32>,
    %dot_general3A_625 = arith.constant dense<0.000000e+00> : vector<512x1xf32>
    %dot_general3A_626 = tpu.matmul %convert_element_type3A_615, %broadcast_in_dim3A_4, %dot_general3A_625 {dimension_numbers = #tpu.dot_dimension_numbers<[1], [0], [0], [1], [0, 0, 1, 1], [], []>, transpose_lhs_hint = false} : vector<512x512xf32>, vector<512x1xf32>, vector<512x1xf32> -> vector<512x1xf32>
    %add3A_627 = arith.addf %add3A_610, %dot_general3A_626 : vector<512x1xf32>
    %slice3A_628 = vector.extract_strided_slice %concatenate3A {offsets = [0, 3072], sizes = [1, 512], strides = [1, 1]} : vector<1x5120xf32> to vector<1x512xf32>
    %ge3A_629 = vector.broadcast %slice3A_628 : vector<1x512xf32> to vector<512x512xf32>
    %ge3A_630 = arith.cmpf oge, %mul3A_566, %ge3A_629 : vector<512x512xf32>
    %convert_element_type3A_631 = arith.extui %ge3A_630 : vector<512x512xi1> to vector<512x512xi32>
    %convert_element_type3A_632 = arith.sitofp %convert_element_type3A_631 : vector<512x512xi32> to vector<512x512xf32>
    %dot_general3A_633 = arith.constant dense<0.000000e+00> : vector<1x512xf32>
    %dot_general3A_634 = tpu.matmul %broadcast_in_dim3A_2, %convert_element_type3A_632, %dot_general3A_633 {dimension_numbers = #tpu.dot_dimension_numbers<[1], [0], [0], [1], [0, 0, 1, 1], [], []>, transpose_lhs_hint = false} : vector<1x512xf32>, vector<512x512xf32>, vector<1x512xf32> -> vector<1x512xf32>
    %get3A_635 = arith.constant 0 : index
    %get3A_636 = arith.constant 3072 : index
    %get3A_637 = vector.load %arg6[%get3A_635, %get3A_636] : memref<1x5120xf32, #tpu.memory_space<vmem>>, vector<1x512xf32>
    %add3A_638 = arith.addf %get3A_637, %dot_general3A_634 : vector<1x512xf32>
    %swap3A_639 = arith.constant 0 : index
    %swap3A_640 = arith.constant 3072 : index
    %swap3A_641 = vector.load %arg6[%swap3A_639, %swap3A_640] : memref<1x5120xf32, #tpu.memory_space<vmem>>, vector<1x512xf32>
    tpu.vector_store %arg6[%swap3A_639, %swap3A_640], %add3A_638 {strides = array<i32>} : memref<1x5120xf32, #tpu.memory_space<vmem>>, vector<1x512xf32>,
    %dot_general3A_642 = arith.constant dense<0.000000e+00> : vector<512x1xf32>
    %dot_general3A_643 = tpu.matmul %convert_element_type3A_632, %broadcast_in_dim3A_4, %dot_general3A_642 {dimension_numbers = #tpu.dot_dimension_numbers<[1], [0], [0], [1], [0, 0, 1, 1], [], []>, transpose_lhs_hint = false} : vector<512x512xf32>, vector<512x1xf32>, vector<512x1xf32> -> vector<512x1xf32>
    %add3A_644 = arith.addf %add3A_627, %dot_general3A_643 : vector<512x1xf32>
    %slice3A_645 = vector.extract_strided_slice %concatenate3A {offsets = [0, 3584], sizes = [1, 512], strides = [1, 1]} : vector<1x5120xf32> to vector<1x512xf32>
    %ge3A_646 = vector.broadcast %slice3A_645 : vector<1x512xf32> to vector<512x512xf32>
    %ge3A_647 = arith.cmpf oge, %mul3A_566, %ge3A_646 : vector<512x512xf32>
    %convert_element_type3A_648 = arith.extui %ge3A_647 : vector<512x512xi1> to vector<512x512xi32>
    %convert_element_type3A_649 = arith.sitofp %convert_element_type3A_648 : vector<512x512xi32> to vector<512x512xf32>
    %dot_general3A_650 = arith.constant dense<0.000000e+00> : vector<1x512xf32>
    %dot_general3A_651 = tpu.matmul %broadcast_in_dim3A_2, %convert_element_type3A_649, %dot_general3A_650 {dimension_numbers = #tpu.dot_dimension_numbers<[1], [0], [0], [1], [0, 0, 1, 1], [], []>, transpose_lhs_hint = false} : vector<1x512xf32>, vector<512x512xf32>, vector<1x512xf32> -> vector<1x512xf32>
    %get3A_652 = arith.constant 0 : index
    %get3A_653 = arith.constant 3584 : index
    %get3A_654 = vector.load %arg6[%get3A_652, %get3A_653] : memref<1x5120xf32, #tpu.memory_space<vmem>>, vector<1x512xf32>
    %add3A_655 = arith.addf %get3A_654, %dot_general3A_651 : vector<1x512xf32>
    %swap3A_656 = arith.constant 0 : index
    %swap3A_657 = arith.constant 3584 : index
    %swap3A_658 = vector.load %arg6[%swap3A_656, %swap3A_657] : memref<1x5120xf32, #tpu.memory_space<vmem>>, vector<1x512xf32>
    tpu.vector_store %arg6[%swap3A_656, %swap3A_657], %add3A_655 {strides = array<i32>} : memref<1x5120xf32, #tpu.memory_space<vmem>>, vector<1x512xf32>,
    %dot_general3A_659 = arith.constant dense<0.000000e+00> : vector<512x1xf32>
    %dot_general3A_660 = tpu.matmul %convert_element_type3A_649, %broadcast_in_dim3A_4, %dot_general3A_659 {dimension_numbers = #tpu.dot_dimension_numbers<[1], [0], [0], [1], [0, 0, 1, 1], [], []>, transpose_lhs_hint = false} : vector<512x512xf32>, vector<512x1xf32>, vector<512x1xf32> -> vector<512x1xf32>
    %add3A_661 = arith.addf %add3A_644, %dot_general3A_660 : vector<512x1xf32>
    %slice3A_662 = vector.extract_strided_slice %concatenate3A {offsets = [0, 4096], sizes = [1, 512], strides = [1, 1]} : vector<1x5120xf32> to vector<1x512xf32>
    %ge3A_663 = vector.broadcast %slice3A_662 : vector<1x512xf32> to vector<512x512xf32>
    %ge3A_664 = arith.cmpf oge, %mul3A_566, %ge3A_663 : vector<512x512xf32>
    %convert_element_type3A_665 = arith.extui %ge3A_664 : vector<512x512xi1> to vector<512x512xi32>
    %convert_element_type3A_666 = arith.sitofp %convert_element_type3A_665 : vector<512x512xi32> to vector<512x512xf32>
    %dot_general3A_667 = arith.constant dense<0.000000e+00> : vector<1x512xf32>
    %dot_general3A_668 = tpu.matmul %broadcast_in_dim3A_2, %convert_element_type3A_666, %dot_general3A_667 {dimension_numbers = #tpu.dot_dimension_numbers<[1], [0], [0], [1], [0, 0, 1, 1], [], []>, transpose_lhs_hint = false} : vector<1x512xf32>, vector<512x512xf32>, vector<1x512xf32> -> vector<1x512xf32>
    %get3A_669 = arith.constant 0 : index
    %get3A_670 = arith.constant 4096 : index
    %get3A_671 = vector.load %arg6[%get3A_669, %get3A_670] : memref<1x5120xf32, #tpu.memory_space<vmem>>, vector<1x512xf32>
    %add3A_672 = arith.addf %get3A_671, %dot_general3A_668 : vector<1x512xf32>
    %swap3A_673 = arith.constant 0 : index
    %swap3A_674 = arith.constant 4096 : index
    %swap3A_675 = vector.load %arg6[%swap3A_673, %swap3A_674] : memref<1x5120xf32, #tpu.memory_space<vmem>>, vector<1x512xf32>
    tpu.vector_store %arg6[%swap3A_673, %swap3A_674], %add3A_672 {strides = array<i32>} : memref<1x5120xf32, #tpu.memory_space<vmem>>, vector<1x512xf32>,
    %dot_general3A_676 = arith.constant dense<0.000000e+00> : vector<512x1xf32>
    %dot_general3A_677 = tpu.matmul %convert_element_type3A_666, %broadcast_in_dim3A_4, %dot_general3A_676 {dimension_numbers = #tpu.dot_dimension_numbers<[1], [0], [0], [1], [0, 0, 1, 1], [], []>, transpose_lhs_hint = false} : vector<512x512xf32>, vector<512x1xf32>, vector<512x1xf32> -> vector<512x1xf32>
    %add3A_678 = arith.addf %add3A_661, %dot_general3A_677 : vector<512x1xf32>
    %slice3A_679 = vector.extract_strided_slice %concatenate3A {offsets = [0, 4608], sizes = [1, 512], strides = [1, 1]} : vector<1x5120xf32> to vector<1x512xf32>
    %ge3A_680 = vector.broadcast %slice3A_679 : vector<1x512xf32> to vector<512x512xf32>
    %ge3A_681 = arith.cmpf oge, %mul3A_566, %ge3A_680 : vector<512x512xf32>
    %convert_element_type3A_682 = arith.extui %ge3A_681 : vector<512x512xi1> to vector<512x512xi32>
    %convert_element_type3A_683 = arith.sitofp %convert_element_type3A_682 : vector<512x512xi32> to vector<512x512xf32>
    %dot_general3A_684 = arith.constant dense<0.000000e+00> : vector<1x512xf32>
    %dot_general3A_685 = tpu.matmul %broadcast_in_dim3A_2, %convert_element_type3A_683, %dot_general3A_684 {dimension_numbers = #tpu.dot_dimension_numbers<[1], [0], [0], [1], [0, 0, 1, 1], [], []>, transpose_lhs_hint = false} : vector<1x512xf32>, vector<512x512xf32>, vector<1x512xf32> -> vector<1x512xf32>
    %get3A_686 = arith.constant 0 : index
    %get3A_687 = arith.constant 4608 : index
    %get3A_688 = vector.load %arg6[%get3A_686, %get3A_687] : memref<1x5120xf32, #tpu.memory_space<vmem>>, vector<1x512xf32>
    %add3A_689 = arith.addf %get3A_688, %dot_general3A_685 : vector<1x512xf32>
    %swap3A_690 = arith.constant 0 : index
    %swap3A_691 = arith.constant 4608 : index
    %swap3A_692 = vector.load %arg6[%swap3A_690, %swap3A_691] : memref<1x5120xf32, #tpu.memory_space<vmem>>, vector<1x512xf32>
    tpu.vector_store %arg6[%swap3A_690, %swap3A_691], %add3A_689 {strides = array<i32>} : memref<1x5120xf32, #tpu.memory_space<vmem>>, vector<1x512xf32>,
    %dot_general3A_693 = arith.constant dense<0.000000e+00> : vector<512x1xf32>
    %dot_general3A_694 = tpu.matmul %convert_element_type3A_683, %broadcast_in_dim3A_4, %dot_general3A_693 {dimension_numbers = #tpu.dot_dimension_numbers<[1], [0], [0], [1], [0, 0, 1, 1], [], []>, transpose_lhs_hint = false} : vector<512x512xf32>, vector<512x1xf32>, vector<512x1xf32> -> vector<512x1xf32>
    %add3A_695 = arith.addf %add3A_678, %dot_general3A_694 : vector<512x1xf32>
    %sub3A_696 = arith.constant 3.072000e+03 : f32
    %sub3A_697 = vector.broadcast %sub3A_696 : f32 to vector<512x1xf32>
    %sub3A_698 = arith.subf %sub3A_697, %add3A_695 : vector<512x1xf32>
    %convert_element_type3A_699 = arith.fptosi %sub3A_698 : vector<512x1xf32> to vector<512x1xi32>
    %swap3A_700 = arith.constant 1536 : index
    %swap3A_701 = arith.constant 0 : index
    %swap3A_702 = vector.load %arg5[%swap3A_700, %swap3A_701] : memref<5120x1xi32, #tpu.memory_space<vmem>>, vector<512x1xi32>
    tpu.vector_store %arg5[%swap3A_700, %swap3A_701], %convert_element_type3A_699 {strides = array<i32>} : memref<5120x1xi32, #tpu.memory_space<vmem>>, vector<512x1xi32>,
    %get3A_703 = arith.constant 2048 : index
    %get3A_704 = arith.constant 0 : index
    %get3A_705 = vector.load %arg0[%get3A_703, %get3A_704] : memref<5000x4xf32, #tpu.memory_space<vmem>>, vector<512x4xf32>
    %get3A_706 = arith.constant 2048 : index
    %get3A_707 = arith.constant 0 : index
    %get3A_708 = vector.load %arg1[%get3A_706, %get3A_707] : memref<5000x1xf32, #tpu.memory_space<vmem>>, vector<512x1xf32>
    %broadcast_in_dim3A_709 = arith.constant 0.000000e+00 : f32
    %broadcast_in_dim3A_710 = vector.broadcast %broadcast_in_dim3A_709 : f32 to vector<512x123xf32>
    %concatenate3A_711 = tpu.concatenate %get3A_705, %get3A_708, %broadcast_in_dim3A_710 in 1 : vector<512x4xf32>, vector<512x1xf32>, vector<512x123xf32> -> vector<512x128xf32>
    %swap3A_712 = arith.constant 2048 : index
    %swap3A_713 = arith.constant 0 : index
    %swap3A_714 = vector.load %arg3[%swap3A_712, %swap3A_713] : memref<5120x128xf32, #tpu.memory_space<vmem>>, vector<512x128xf32>
    tpu.vector_store %arg3[%swap3A_712, %swap3A_713], %concatenate3A_711 {strides = array<i32>} : memref<5120x128xf32, #tpu.memory_space<vmem>>, vector<512x128xf32>,
    %mul3A_715 = vector.broadcast %get3A_708 : vector<512x1xf32> to vector<512x512xf32>
    %mul3A_716 = arith.mulf %mul3A_715, %broadcast_in_dim3A_0 : vector<512x512xf32>
    %broadcast_in_dim3A_717 = arith.constant 0.000000e+00 : f32
    %broadcast_in_dim3A_718 = vector.broadcast %broadcast_in_dim3A_717 : f32 to vector<512x1xf32>
    %slice3A_719 = vector.extract_strided_slice %concatenate3A {offsets = [0, 2048], sizes = [1, 512], strides = [1, 1]} : vector<1x5120xf32> to vector<1x512xf32>
    %iota3A_720 = tpu.iota {dimensions = array<i32: 0>} : vector<512x512xi32>
    %add3A_721 = arith.constant 2048 : i32
    %add3A_722 = vector.broadcast %add3A_721 : i32 to vector<512x512xi32>
    %add3A_723 = arith.addi %iota3A_720, %add3A_722 : vector<512x512xi32>
    %slice3A_724 = vector.extract_strided_slice %iota3A {offsets = [0, 2048], sizes = [1, 512], strides = [1, 1]} : vector<1x5120xi32> to vector<1x512xi32>
    %gt3A_725 = vector.broadcast %slice3A_719 : vector<1x512xf32> to vector<512x512xf32>
    %gt3A_726 = arith.cmpf ogt, %mul3A_716, %gt3A_725 : vector<512x512xf32>
    %eq3A_727 = vector.broadcast %slice3A_719 : vector<1x512xf32> to vector<512x512xf32>
    %eq3A_728 = arith.cmpf oeq, %mul3A_716, %eq3A_727 : vector<512x512xf32>
    %lt3A_729 = vector.broadcast %slice3A_724 : vector<1x512xi32> to vector<512x512xi32>
    %lt3A_730 = arith.cmpi slt, %add3A_723, %lt3A_729 : vector<512x512xi32>
    %and3A_731 = arith.andi %eq3A_728, %lt3A_730 : vector<512x512xi1>
    %or3A_732 = arith.ori %gt3A_726, %and3A_731 : vector<512x512xi1>
    %convert_element_type3A_733 = arith.extui %or3A_732 : vector<512x512xi1> to vector<512x512xi32>
    %convert_element_type3A_734 = arith.sitofp %convert_element_type3A_733 : vector<512x512xi32> to vector<512x512xf32>
    %dot_general3A_735 = arith.constant dense<0.000000e+00> : vector<1x512xf32>
    %dot_general3A_736 = tpu.matmul %broadcast_in_dim3A_2, %convert_element_type3A_734, %dot_general3A_735 {dimension_numbers = #tpu.dot_dimension_numbers<[1], [0], [0], [1], [0, 0, 1, 1], [], []>, transpose_lhs_hint = false} : vector<1x512xf32>, vector<512x512xf32>, vector<1x512xf32> -> vector<1x512xf32>
    %get3A_737 = arith.constant 0 : index
    %get3A_738 = arith.constant 2048 : index
    %get3A_739 = vector.load %arg6[%get3A_737, %get3A_738] : memref<1x5120xf32, #tpu.memory_space<vmem>>, vector<1x512xf32>
    %add3A_740 = arith.addf %get3A_739, %dot_general3A_736 : vector<1x512xf32>
    %swap3A_741 = arith.constant 0 : index
    %swap3A_742 = arith.constant 2048 : index
    %swap3A_743 = vector.load %arg6[%swap3A_741, %swap3A_742] : memref<1x5120xf32, #tpu.memory_space<vmem>>, vector<1x512xf32>
    tpu.vector_store %arg6[%swap3A_741, %swap3A_742], %add3A_740 {strides = array<i32>} : memref<1x5120xf32, #tpu.memory_space<vmem>>, vector<1x512xf32>,
    %slice3A_744 = vector.extract_strided_slice %concatenate3A {offsets = [0, 2560], sizes = [1, 512], strides = [1, 1]} : vector<1x5120xf32> to vector<1x512xf32>
    %ge3A_745 = vector.broadcast %slice3A_744 : vector<1x512xf32> to vector<512x512xf32>
    %ge3A_746 = arith.cmpf oge, %mul3A_716, %ge3A_745 : vector<512x512xf32>
    %convert_element_type3A_747 = arith.extui %ge3A_746 : vector<512x512xi1> to vector<512x512xi32>
    %convert_element_type3A_748 = arith.sitofp %convert_element_type3A_747 : vector<512x512xi32> to vector<512x512xf32>
    %dot_general3A_749 = arith.constant dense<0.000000e+00> : vector<1x512xf32>
    %dot_general3A_750 = tpu.matmul %broadcast_in_dim3A_2, %convert_element_type3A_748, %dot_general3A_749 {dimension_numbers = #tpu.dot_dimension_numbers<[1], [0], [0], [1], [0, 0, 1, 1], [], []>, transpose_lhs_hint = false} : vector<1x512xf32>, vector<512x512xf32>, vector<1x512xf32> -> vector<1x512xf32>
    %get3A_751 = arith.constant 0 : index
    %get3A_752 = arith.constant 2560 : index
    %get3A_753 = vector.load %arg6[%get3A_751, %get3A_752] : memref<1x5120xf32, #tpu.memory_space<vmem>>, vector<1x512xf32>
    %add3A_754 = arith.addf %get3A_753, %dot_general3A_750 : vector<1x512xf32>
    %swap3A_755 = arith.constant 0 : index
    %swap3A_756 = arith.constant 2560 : index
    %swap3A_757 = vector.load %arg6[%swap3A_755, %swap3A_756] : memref<1x5120xf32, #tpu.memory_space<vmem>>, vector<1x512xf32>
    tpu.vector_store %arg6[%swap3A_755, %swap3A_756], %add3A_754 {strides = array<i32>} : memref<1x5120xf32, #tpu.memory_space<vmem>>, vector<1x512xf32>,
    %dot_general3A_758 = arith.constant dense<0.000000e+00> : vector<512x1xf32>
    %dot_general3A_759 = tpu.matmul %convert_element_type3A_748, %broadcast_in_dim3A_4, %dot_general3A_758 {dimension_numbers = #tpu.dot_dimension_numbers<[1], [0], [0], [1], [0, 0, 1, 1], [], []>, transpose_lhs_hint = false} : vector<512x512xf32>, vector<512x1xf32>, vector<512x1xf32> -> vector<512x1xf32>
    %add3A_760 = arith.addf %broadcast_in_dim3A_718, %dot_general3A_759 : vector<512x1xf32>
    %slice3A_761 = vector.extract_strided_slice %concatenate3A {offsets = [0, 3072], sizes = [1, 512], strides = [1, 1]} : vector<1x5120xf32> to vector<1x512xf32>
    %ge3A_762 = vector.broadcast %slice3A_761 : vector<1x512xf32> to vector<512x512xf32>
    %ge3A_763 = arith.cmpf oge, %mul3A_716, %ge3A_762 : vector<512x512xf32>
    %convert_element_type3A_764 = arith.extui %ge3A_763 : vector<512x512xi1> to vector<512x512xi32>
    %convert_element_type3A_765 = arith.sitofp %convert_element_type3A_764 : vector<512x512xi32> to vector<512x512xf32>
    %dot_general3A_766 = arith.constant dense<0.000000e+00> : vector<1x512xf32>
    %dot_general3A_767 = tpu.matmul %broadcast_in_dim3A_2, %convert_element_type3A_765, %dot_general3A_766 {dimension_numbers = #tpu.dot_dimension_numbers<[1], [0], [0], [1], [0, 0, 1, 1], [], []>, transpose_lhs_hint = false} : vector<1x512xf32>, vector<512x512xf32>, vector<1x512xf32> -> vector<1x512xf32>
    %get3A_768 = arith.constant 0 : index
    %get3A_769 = arith.constant 3072 : index
    %get3A_770 = vector.load %arg6[%get3A_768, %get3A_769] : memref<1x5120xf32, #tpu.memory_space<vmem>>, vector<1x512xf32>
    %add3A_771 = arith.addf %get3A_770, %dot_general3A_767 : vector<1x512xf32>
    %swap3A_772 = arith.constant 0 : index
    %swap3A_773 = arith.constant 3072 : index
    %swap3A_774 = vector.load %arg6[%swap3A_772, %swap3A_773] : memref<1x5120xf32, #tpu.memory_space<vmem>>, vector<1x512xf32>
    tpu.vector_store %arg6[%swap3A_772, %swap3A_773], %add3A_771 {strides = array<i32>} : memref<1x5120xf32, #tpu.memory_space<vmem>>, vector<1x512xf32>,
    %dot_general3A_775 = arith.constant dense<0.000000e+00> : vector<512x1xf32>
    %dot_general3A_776 = tpu.matmul %convert_element_type3A_765, %broadcast_in_dim3A_4, %dot_general3A_775 {dimension_numbers = #tpu.dot_dimension_numbers<[1], [0], [0], [1], [0, 0, 1, 1], [], []>, transpose_lhs_hint = false} : vector<512x512xf32>, vector<512x1xf32>, vector<512x1xf32> -> vector<512x1xf32>
    %add3A_777 = arith.addf %add3A_760, %dot_general3A_776 : vector<512x1xf32>
    %slice3A_778 = vector.extract_strided_slice %concatenate3A {offsets = [0, 3584], sizes = [1, 512], strides = [1, 1]} : vector<1x5120xf32> to vector<1x512xf32>
    %ge3A_779 = vector.broadcast %slice3A_778 : vector<1x512xf32> to vector<512x512xf32>
    %ge3A_780 = arith.cmpf oge, %mul3A_716, %ge3A_779 : vector<512x512xf32>
    %convert_element_type3A_781 = arith.extui %ge3A_780 : vector<512x512xi1> to vector<512x512xi32>
    %convert_element_type3A_782 = arith.sitofp %convert_element_type3A_781 : vector<512x512xi32> to vector<512x512xf32>
    %dot_general3A_783 = arith.constant dense<0.000000e+00> : vector<1x512xf32>
    %dot_general3A_784 = tpu.matmul %broadcast_in_dim3A_2, %convert_element_type3A_782, %dot_general3A_783 {dimension_numbers = #tpu.dot_dimension_numbers<[1], [0], [0], [1], [0, 0, 1, 1], [], []>, transpose_lhs_hint = false} : vector<1x512xf32>, vector<512x512xf32>, vector<1x512xf32> -> vector<1x512xf32>
    %get3A_785 = arith.constant 0 : index
    %get3A_786 = arith.constant 3584 : index
    %get3A_787 = vector.load %arg6[%get3A_785, %get3A_786] : memref<1x5120xf32, #tpu.memory_space<vmem>>, vector<1x512xf32>
    %add3A_788 = arith.addf %get3A_787, %dot_general3A_784 : vector<1x512xf32>
    %swap3A_789 = arith.constant 0 : index
    %swap3A_790 = arith.constant 3584 : index
    %swap3A_791 = vector.load %arg6[%swap3A_789, %swap3A_790] : memref<1x5120xf32, #tpu.memory_space<vmem>>, vector<1x512xf32>
    tpu.vector_store %arg6[%swap3A_789, %swap3A_790], %add3A_788 {strides = array<i32>} : memref<1x5120xf32, #tpu.memory_space<vmem>>, vector<1x512xf32>,
    %dot_general3A_792 = arith.constant dense<0.000000e+00> : vector<512x1xf32>
    %dot_general3A_793 = tpu.matmul %convert_element_type3A_782, %broadcast_in_dim3A_4, %dot_general3A_792 {dimension_numbers = #tpu.dot_dimension_numbers<[1], [0], [0], [1], [0, 0, 1, 1], [], []>, transpose_lhs_hint = false} : vector<512x512xf32>, vector<512x1xf32>, vector<512x1xf32> -> vector<512x1xf32>
    %add3A_794 = arith.addf %add3A_777, %dot_general3A_793 : vector<512x1xf32>
    %slice3A_795 = vector.extract_strided_slice %concatenate3A {offsets = [0, 4096], sizes = [1, 512], strides = [1, 1]} : vector<1x5120xf32> to vector<1x512xf32>
    %ge3A_796 = vector.broadcast %slice3A_795 : vector<1x512xf32> to vector<512x512xf32>
    %ge3A_797 = arith.cmpf oge, %mul3A_716, %ge3A_796 : vector<512x512xf32>
    %convert_element_type3A_798 = arith.extui %ge3A_797 : vector<512x512xi1> to vector<512x512xi32>
    %convert_element_type3A_799 = arith.sitofp %convert_element_type3A_798 : vector<512x512xi32> to vector<512x512xf32>
    %dot_general3A_800 = arith.constant dense<0.000000e+00> : vector<1x512xf32>
    %dot_general3A_801 = tpu.matmul %broadcast_in_dim3A_2, %convert_element_type3A_799, %dot_general3A_800 {dimension_numbers = #tpu.dot_dimension_numbers<[1], [0], [0], [1], [0, 0, 1, 1], [], []>, transpose_lhs_hint = false} : vector<1x512xf32>, vector<512x512xf32>, vector<1x512xf32> -> vector<1x512xf32>
    %get3A_802 = arith.constant 0 : index
    %get3A_803 = arith.constant 4096 : index
    %get3A_804 = vector.load %arg6[%get3A_802, %get3A_803] : memref<1x5120xf32, #tpu.memory_space<vmem>>, vector<1x512xf32>
    %add3A_805 = arith.addf %get3A_804, %dot_general3A_801 : vector<1x512xf32>
    %swap3A_806 = arith.constant 0 : index
    %swap3A_807 = arith.constant 4096 : index
    %swap3A_808 = vector.load %arg6[%swap3A_806, %swap3A_807] : memref<1x5120xf32, #tpu.memory_space<vmem>>, vector<1x512xf32>
    tpu.vector_store %arg6[%swap3A_806, %swap3A_807], %add3A_805 {strides = array<i32>} : memref<1x5120xf32, #tpu.memory_space<vmem>>, vector<1x512xf32>,
    %dot_general3A_809 = arith.constant dense<0.000000e+00> : vector<512x1xf32>
    %dot_general3A_810 = tpu.matmul %convert_element_type3A_799, %broadcast_in_dim3A_4, %dot_general3A_809 {dimension_numbers = #tpu.dot_dimension_numbers<[1], [0], [0], [1], [0, 0, 1, 1], [], []>, transpose_lhs_hint = false} : vector<512x512xf32>, vector<512x1xf32>, vector<512x1xf32> -> vector<512x1xf32>
    %add3A_811 = arith.addf %add3A_794, %dot_general3A_810 : vector<512x1xf32>
    %slice3A_812 = vector.extract_strided_slice %concatenate3A {offsets = [0, 4608], sizes = [1, 512], strides = [1, 1]} : vector<1x5120xf32> to vector<1x512xf32>
    %ge3A_813 = vector.broadcast %slice3A_812 : vector<1x512xf32> to vector<512x512xf32>
    %ge3A_814 = arith.cmpf oge, %mul3A_716, %ge3A_813 : vector<512x512xf32>
    %convert_element_type3A_815 = arith.extui %ge3A_814 : vector<512x512xi1> to vector<512x512xi32>
    %convert_element_type3A_816 = arith.sitofp %convert_element_type3A_815 : vector<512x512xi32> to vector<512x512xf32>
    %dot_general3A_817 = arith.constant dense<0.000000e+00> : vector<1x512xf32>
    %dot_general3A_818 = tpu.matmul %broadcast_in_dim3A_2, %convert_element_type3A_816, %dot_general3A_817 {dimension_numbers = #tpu.dot_dimension_numbers<[1], [0], [0], [1], [0, 0, 1, 1], [], []>, transpose_lhs_hint = false} : vector<1x512xf32>, vector<512x512xf32>, vector<1x512xf32> -> vector<1x512xf32>
    %get3A_819 = arith.constant 0 : index
    %get3A_820 = arith.constant 4608 : index
    %get3A_821 = vector.load %arg6[%get3A_819, %get3A_820] : memref<1x5120xf32, #tpu.memory_space<vmem>>, vector<1x512xf32>
    %add3A_822 = arith.addf %get3A_821, %dot_general3A_818 : vector<1x512xf32>
    %swap3A_823 = arith.constant 0 : index
    %swap3A_824 = arith.constant 4608 : index
    %swap3A_825 = vector.load %arg6[%swap3A_823, %swap3A_824] : memref<1x5120xf32, #tpu.memory_space<vmem>>, vector<1x512xf32>
    tpu.vector_store %arg6[%swap3A_823, %swap3A_824], %add3A_822 {strides = array<i32>} : memref<1x5120xf32, #tpu.memory_space<vmem>>, vector<1x512xf32>,
    %dot_general3A_826 = arith.constant dense<0.000000e+00> : vector<512x1xf32>
    %dot_general3A_827 = tpu.matmul %convert_element_type3A_816, %broadcast_in_dim3A_4, %dot_general3A_826 {dimension_numbers = #tpu.dot_dimension_numbers<[1], [0], [0], [1], [0, 0, 1, 1], [], []>, transpose_lhs_hint = false} : vector<512x512xf32>, vector<512x1xf32>, vector<512x1xf32> -> vector<512x1xf32>
    %add3A_828 = arith.addf %add3A_811, %dot_general3A_827 : vector<512x1xf32>
    %sub3A_829 = arith.constant 2.560000e+03 : f32
    %sub3A_830 = vector.broadcast %sub3A_829 : f32 to vector<512x1xf32>
    %sub3A_831 = arith.subf %sub3A_830, %add3A_828 : vector<512x1xf32>
    %convert_element_type3A_832 = arith.fptosi %sub3A_831 : vector<512x1xf32> to vector<512x1xi32>
    %swap3A_833 = arith.constant 2048 : index
    %swap3A_834 = arith.constant 0 : index
    %swap3A_835 = vector.load %arg5[%swap3A_833, %swap3A_834] : memref<5120x1xi32, #tpu.memory_space<vmem>>, vector<512x1xi32>
    tpu.vector_store %arg5[%swap3A_833, %swap3A_834], %convert_element_type3A_832 {strides = array<i32>} : memref<5120x1xi32, #tpu.memory_space<vmem>>, vector<512x1xi32>,
    %get3A_836 = arith.constant 2560 : index
    %get3A_837 = arith.constant 0 : index
    %get3A_838 = vector.load %arg0[%get3A_836, %get3A_837] : memref<5000x4xf32, #tpu.memory_space<vmem>>, vector<512x4xf32>
    %get3A_839 = arith.constant 2560 : index
    %get3A_840 = arith.constant 0 : index
    %get3A_841 = vector.load %arg1[%get3A_839, %get3A_840] : memref<5000x1xf32, #tpu.memory_space<vmem>>, vector<512x1xf32>
    %broadcast_in_dim3A_842 = arith.constant 0.000000e+00 : f32
    %broadcast_in_dim3A_843 = vector.broadcast %broadcast_in_dim3A_842 : f32 to vector<512x123xf32>
    %concatenate3A_844 = tpu.concatenate %get3A_838, %get3A_841, %broadcast_in_dim3A_843 in 1 : vector<512x4xf32>, vector<512x1xf32>, vector<512x123xf32> -> vector<512x128xf32>
    %swap3A_845 = arith.constant 2560 : index
    %swap3A_846 = arith.constant 0 : index
    %swap3A_847 = vector.load %arg3[%swap3A_845, %swap3A_846] : memref<5120x128xf32, #tpu.memory_space<vmem>>, vector<512x128xf32>
    tpu.vector_store %arg3[%swap3A_845, %swap3A_846], %concatenate3A_844 {strides = array<i32>} : memref<5120x128xf32, #tpu.memory_space<vmem>>, vector<512x128xf32>,
    %mul3A_848 = vector.broadcast %get3A_841 : vector<512x1xf32> to vector<512x512xf32>
    %mul3A_849 = arith.mulf %mul3A_848, %broadcast_in_dim3A_0 : vector<512x512xf32>
    %broadcast_in_dim3A_850 = arith.constant 0.000000e+00 : f32
    %broadcast_in_dim3A_851 = vector.broadcast %broadcast_in_dim3A_850 : f32 to vector<512x1xf32>
    %slice3A_852 = vector.extract_strided_slice %concatenate3A {offsets = [0, 2560], sizes = [1, 512], strides = [1, 1]} : vector<1x5120xf32> to vector<1x512xf32>
    %iota3A_853 = tpu.iota {dimensions = array<i32: 0>} : vector<512x512xi32>
    %add3A_854 = arith.constant 2560 : i32
    %add3A_855 = vector.broadcast %add3A_854 : i32 to vector<512x512xi32>
    %add3A_856 = arith.addi %iota3A_853, %add3A_855 : vector<512x512xi32>
    %slice3A_857 = vector.extract_strided_slice %iota3A {offsets = [0, 2560], sizes = [1, 512], strides = [1, 1]} : vector<1x5120xi32> to vector<1x512xi32>
    %gt3A_858 = vector.broadcast %slice3A_852 : vector<1x512xf32> to vector<512x512xf32>
    %gt3A_859 = arith.cmpf ogt, %mul3A_849, %gt3A_858 : vector<512x512xf32>
    %eq3A_860 = vector.broadcast %slice3A_852 : vector<1x512xf32> to vector<512x512xf32>
    %eq3A_861 = arith.cmpf oeq, %mul3A_849, %eq3A_860 : vector<512x512xf32>
    %lt3A_862 = vector.broadcast %slice3A_857 : vector<1x512xi32> to vector<512x512xi32>
    %lt3A_863 = arith.cmpi slt, %add3A_856, %lt3A_862 : vector<512x512xi32>
    %and3A_864 = arith.andi %eq3A_861, %lt3A_863 : vector<512x512xi1>
    %or3A_865 = arith.ori %gt3A_859, %and3A_864 : vector<512x512xi1>
    %convert_element_type3A_866 = arith.extui %or3A_865 : vector<512x512xi1> to vector<512x512xi32>
    %convert_element_type3A_867 = arith.sitofp %convert_element_type3A_866 : vector<512x512xi32> to vector<512x512xf32>
    %dot_general3A_868 = arith.constant dense<0.000000e+00> : vector<1x512xf32>
    %dot_general3A_869 = tpu.matmul %broadcast_in_dim3A_2, %convert_element_type3A_867, %dot_general3A_868 {dimension_numbers = #tpu.dot_dimension_numbers<[1], [0], [0], [1], [0, 0, 1, 1], [], []>, transpose_lhs_hint = false} : vector<1x512xf32>, vector<512x512xf32>, vector<1x512xf32> -> vector<1x512xf32>
    %get3A_870 = arith.constant 0 : index
    %get3A_871 = arith.constant 2560 : index
    %get3A_872 = vector.load %arg6[%get3A_870, %get3A_871] : memref<1x5120xf32, #tpu.memory_space<vmem>>, vector<1x512xf32>
    %add3A_873 = arith.addf %get3A_872, %dot_general3A_869 : vector<1x512xf32>
    %swap3A_874 = arith.constant 0 : index
    %swap3A_875 = arith.constant 2560 : index
    %swap3A_876 = vector.load %arg6[%swap3A_874, %swap3A_875] : memref<1x5120xf32, #tpu.memory_space<vmem>>, vector<1x512xf32>
    tpu.vector_store %arg6[%swap3A_874, %swap3A_875], %add3A_873 {strides = array<i32>} : memref<1x5120xf32, #tpu.memory_space<vmem>>, vector<1x512xf32>,
    %slice3A_877 = vector.extract_strided_slice %concatenate3A {offsets = [0, 3072], sizes = [1, 512], strides = [1, 1]} : vector<1x5120xf32> to vector<1x512xf32>
    %ge3A_878 = vector.broadcast %slice3A_877 : vector<1x512xf32> to vector<512x512xf32>
    %ge3A_879 = arith.cmpf oge, %mul3A_849, %ge3A_878 : vector<512x512xf32>
    %convert_element_type3A_880 = arith.extui %ge3A_879 : vector<512x512xi1> to vector<512x512xi32>
    %convert_element_type3A_881 = arith.sitofp %convert_element_type3A_880 : vector<512x512xi32> to vector<512x512xf32>
    %dot_general3A_882 = arith.constant dense<0.000000e+00> : vector<1x512xf32>
    %dot_general3A_883 = tpu.matmul %broadcast_in_dim3A_2, %convert_element_type3A_881, %dot_general3A_882 {dimension_numbers = #tpu.dot_dimension_numbers<[1], [0], [0], [1], [0, 0, 1, 1], [], []>, transpose_lhs_hint = false} : vector<1x512xf32>, vector<512x512xf32>, vector<1x512xf32> -> vector<1x512xf32>
    %get3A_884 = arith.constant 0 : index
    %get3A_885 = arith.constant 3072 : index
    %get3A_886 = vector.load %arg6[%get3A_884, %get3A_885] : memref<1x5120xf32, #tpu.memory_space<vmem>>, vector<1x512xf32>
    %add3A_887 = arith.addf %get3A_886, %dot_general3A_883 : vector<1x512xf32>
    %swap3A_888 = arith.constant 0 : index
    %swap3A_889 = arith.constant 3072 : index
    %swap3A_890 = vector.load %arg6[%swap3A_888, %swap3A_889] : memref<1x5120xf32, #tpu.memory_space<vmem>>, vector<1x512xf32>
    tpu.vector_store %arg6[%swap3A_888, %swap3A_889], %add3A_887 {strides = array<i32>} : memref<1x5120xf32, #tpu.memory_space<vmem>>, vector<1x512xf32>,
    %dot_general3A_891 = arith.constant dense<0.000000e+00> : vector<512x1xf32>
    %dot_general3A_892 = tpu.matmul %convert_element_type3A_881, %broadcast_in_dim3A_4, %dot_general3A_891 {dimension_numbers = #tpu.dot_dimension_numbers<[1], [0], [0], [1], [0, 0, 1, 1], [], []>, transpose_lhs_hint = false} : vector<512x512xf32>, vector<512x1xf32>, vector<512x1xf32> -> vector<512x1xf32>
    %add3A_893 = arith.addf %broadcast_in_dim3A_851, %dot_general3A_892 : vector<512x1xf32>
    %slice3A_894 = vector.extract_strided_slice %concatenate3A {offsets = [0, 3584], sizes = [1, 512], strides = [1, 1]} : vector<1x5120xf32> to vector<1x512xf32>
    %ge3A_895 = vector.broadcast %slice3A_894 : vector<1x512xf32> to vector<512x512xf32>
    %ge3A_896 = arith.cmpf oge, %mul3A_849, %ge3A_895 : vector<512x512xf32>
    %convert_element_type3A_897 = arith.extui %ge3A_896 : vector<512x512xi1> to vector<512x512xi32>
    %convert_element_type3A_898 = arith.sitofp %convert_element_type3A_897 : vector<512x512xi32> to vector<512x512xf32>
    %dot_general3A_899 = arith.constant dense<0.000000e+00> : vector<1x512xf32>
    %dot_general3A_900 = tpu.matmul %broadcast_in_dim3A_2, %convert_element_type3A_898, %dot_general3A_899 {dimension_numbers = #tpu.dot_dimension_numbers<[1], [0], [0], [1], [0, 0, 1, 1], [], []>, transpose_lhs_hint = false} : vector<1x512xf32>, vector<512x512xf32>, vector<1x512xf32> -> vector<1x512xf32>
    %get3A_901 = arith.constant 0 : index
    %get3A_902 = arith.constant 3584 : index
    %get3A_903 = vector.load %arg6[%get3A_901, %get3A_902] : memref<1x5120xf32, #tpu.memory_space<vmem>>, vector<1x512xf32>
    %add3A_904 = arith.addf %get3A_903, %dot_general3A_900 : vector<1x512xf32>
    %swap3A_905 = arith.constant 0 : index
    %swap3A_906 = arith.constant 3584 : index
    %swap3A_907 = vector.load %arg6[%swap3A_905, %swap3A_906] : memref<1x5120xf32, #tpu.memory_space<vmem>>, vector<1x512xf32>
    tpu.vector_store %arg6[%swap3A_905, %swap3A_906], %add3A_904 {strides = array<i32>} : memref<1x5120xf32, #tpu.memory_space<vmem>>, vector<1x512xf32>,
    %dot_general3A_908 = arith.constant dense<0.000000e+00> : vector<512x1xf32>
    %dot_general3A_909 = tpu.matmul %convert_element_type3A_898, %broadcast_in_dim3A_4, %dot_general3A_908 {dimension_numbers = #tpu.dot_dimension_numbers<[1], [0], [0], [1], [0, 0, 1, 1], [], []>, transpose_lhs_hint = false} : vector<512x512xf32>, vector<512x1xf32>, vector<512x1xf32> -> vector<512x1xf32>
    %add3A_910 = arith.addf %add3A_893, %dot_general3A_909 : vector<512x1xf32>
    %slice3A_911 = vector.extract_strided_slice %concatenate3A {offsets = [0, 4096], sizes = [1, 512], strides = [1, 1]} : vector<1x5120xf32> to vector<1x512xf32>
    %ge3A_912 = vector.broadcast %slice3A_911 : vector<1x512xf32> to vector<512x512xf32>
    %ge3A_913 = arith.cmpf oge, %mul3A_849, %ge3A_912 : vector<512x512xf32>
    %convert_element_type3A_914 = arith.extui %ge3A_913 : vector<512x512xi1> to vector<512x512xi32>
    %convert_element_type3A_915 = arith.sitofp %convert_element_type3A_914 : vector<512x512xi32> to vector<512x512xf32>
    %dot_general3A_916 = arith.constant dense<0.000000e+00> : vector<1x512xf32>
    %dot_general3A_917 = tpu.matmul %broadcast_in_dim3A_2, %convert_element_type3A_915, %dot_general3A_916 {dimension_numbers = #tpu.dot_dimension_numbers<[1], [0], [0], [1], [0, 0, 1, 1], [], []>, transpose_lhs_hint = false} : vector<1x512xf32>, vector<512x512xf32>, vector<1x512xf32> -> vector<1x512xf32>
    %get3A_918 = arith.constant 0 : index
    %get3A_919 = arith.constant 4096 : index
    %get3A_920 = vector.load %arg6[%get3A_918, %get3A_919] : memref<1x5120xf32, #tpu.memory_space<vmem>>, vector<1x512xf32>
    %add3A_921 = arith.addf %get3A_920, %dot_general3A_917 : vector<1x512xf32>
    %swap3A_922 = arith.constant 0 : index
    %swap3A_923 = arith.constant 4096 : index
    %swap3A_924 = vector.load %arg6[%swap3A_922, %swap3A_923] : memref<1x5120xf32, #tpu.memory_space<vmem>>, vector<1x512xf32>
    tpu.vector_store %arg6[%swap3A_922, %swap3A_923], %add3A_921 {strides = array<i32>} : memref<1x5120xf32, #tpu.memory_space<vmem>>, vector<1x512xf32>,
    %dot_general3A_925 = arith.constant dense<0.000000e+00> : vector<512x1xf32>
    %dot_general3A_926 = tpu.matmul %convert_element_type3A_915, %broadcast_in_dim3A_4, %dot_general3A_925 {dimension_numbers = #tpu.dot_dimension_numbers<[1], [0], [0], [1], [0, 0, 1, 1], [], []>, transpose_lhs_hint = false} : vector<512x512xf32>, vector<512x1xf32>, vector<512x1xf32> -> vector<512x1xf32>
    %add3A_927 = arith.addf %add3A_910, %dot_general3A_926 : vector<512x1xf32>
    %slice3A_928 = vector.extract_strided_slice %concatenate3A {offsets = [0, 4608], sizes = [1, 512], strides = [1, 1]} : vector<1x5120xf32> to vector<1x512xf32>
    %ge3A_929 = vector.broadcast %slice3A_928 : vector<1x512xf32> to vector<512x512xf32>
    %ge3A_930 = arith.cmpf oge, %mul3A_849, %ge3A_929 : vector<512x512xf32>
    %convert_element_type3A_931 = arith.extui %ge3A_930 : vector<512x512xi1> to vector<512x512xi32>
    %convert_element_type3A_932 = arith.sitofp %convert_element_type3A_931 : vector<512x512xi32> to vector<512x512xf32>
    %dot_general3A_933 = arith.constant dense<0.000000e+00> : vector<1x512xf32>
    %dot_general3A_934 = tpu.matmul %broadcast_in_dim3A_2, %convert_element_type3A_932, %dot_general3A_933 {dimension_numbers = #tpu.dot_dimension_numbers<[1], [0], [0], [1], [0, 0, 1, 1], [], []>, transpose_lhs_hint = false} : vector<1x512xf32>, vector<512x512xf32>, vector<1x512xf32> -> vector<1x512xf32>
    %get3A_935 = arith.constant 0 : index
    %get3A_936 = arith.constant 4608 : index
    %get3A_937 = vector.load %arg6[%get3A_935, %get3A_936] : memref<1x5120xf32, #tpu.memory_space<vmem>>, vector<1x512xf32>
    %add3A_938 = arith.addf %get3A_937, %dot_general3A_934 : vector<1x512xf32>
    %swap3A_939 = arith.constant 0 : index
    %swap3A_940 = arith.constant 4608 : index
    %swap3A_941 = vector.load %arg6[%swap3A_939, %swap3A_940] : memref<1x5120xf32, #tpu.memory_space<vmem>>, vector<1x512xf32>
    tpu.vector_store %arg6[%swap3A_939, %swap3A_940], %add3A_938 {strides = array<i32>} : memref<1x5120xf32, #tpu.memory_space<vmem>>, vector<1x512xf32>,
    %dot_general3A_942 = arith.constant dense<0.000000e+00> : vector<512x1xf32>
    %dot_general3A_943 = tpu.matmul %convert_element_type3A_932, %broadcast_in_dim3A_4, %dot_general3A_942 {dimension_numbers = #tpu.dot_dimension_numbers<[1], [0], [0], [1], [0, 0, 1, 1], [], []>, transpose_lhs_hint = false} : vector<512x512xf32>, vector<512x1xf32>, vector<512x1xf32> -> vector<512x1xf32>
    %add3A_944 = arith.addf %add3A_927, %dot_general3A_943 : vector<512x1xf32>
    %sub3A_945 = arith.constant 2.048000e+03 : f32
    %sub3A_946 = vector.broadcast %sub3A_945 : f32 to vector<512x1xf32>
    %sub3A_947 = arith.subf %sub3A_946, %add3A_944 : vector<512x1xf32>
    %convert_element_type3A_948 = arith.fptosi %sub3A_947 : vector<512x1xf32> to vector<512x1xi32>
    %swap3A_949 = arith.constant 2560 : index
    %swap3A_950 = arith.constant 0 : index
    %swap3A_951 = vector.load %arg5[%swap3A_949, %swap3A_950] : memref<5120x1xi32, #tpu.memory_space<vmem>>, vector<512x1xi32>
    tpu.vector_store %arg5[%swap3A_949, %swap3A_950], %convert_element_type3A_948 {strides = array<i32>} : memref<5120x1xi32, #tpu.memory_space<vmem>>, vector<512x1xi32>,
    %get3A_952 = arith.constant 3072 : index
    %get3A_953 = arith.constant 0 : index
    %get3A_954 = vector.load %arg0[%get3A_952, %get3A_953] : memref<5000x4xf32, #tpu.memory_space<vmem>>, vector<512x4xf32>
    %get3A_955 = arith.constant 3072 : index
    %get3A_956 = arith.constant 0 : index
    %get3A_957 = vector.load %arg1[%get3A_955, %get3A_956] : memref<5000x1xf32, #tpu.memory_space<vmem>>, vector<512x1xf32>
    %broadcast_in_dim3A_958 = arith.constant 0.000000e+00 : f32
    %broadcast_in_dim3A_959 = vector.broadcast %broadcast_in_dim3A_958 : f32 to vector<512x123xf32>
    %concatenate3A_960 = tpu.concatenate %get3A_954, %get3A_957, %broadcast_in_dim3A_959 in 1 : vector<512x4xf32>, vector<512x1xf32>, vector<512x123xf32> -> vector<512x128xf32>
    %swap3A_961 = arith.constant 3072 : index
    %swap3A_962 = arith.constant 0 : index
    %swap3A_963 = vector.load %arg3[%swap3A_961, %swap3A_962] : memref<5120x128xf32, #tpu.memory_space<vmem>>, vector<512x128xf32>
    tpu.vector_store %arg3[%swap3A_961, %swap3A_962], %concatenate3A_960 {strides = array<i32>} : memref<5120x128xf32, #tpu.memory_space<vmem>>, vector<512x128xf32>,
    %mul3A_964 = vector.broadcast %get3A_957 : vector<512x1xf32> to vector<512x512xf32>
    %mul3A_965 = arith.mulf %mul3A_964, %broadcast_in_dim3A_0 : vector<512x512xf32>
    %broadcast_in_dim3A_966 = arith.constant 0.000000e+00 : f32
    %broadcast_in_dim3A_967 = vector.broadcast %broadcast_in_dim3A_966 : f32 to vector<512x1xf32>
    %slice3A_968 = vector.extract_strided_slice %concatenate3A {offsets = [0, 3072], sizes = [1, 512], strides = [1, 1]} : vector<1x5120xf32> to vector<1x512xf32>
    %iota3A_969 = tpu.iota {dimensions = array<i32: 0>} : vector<512x512xi32>
    %add3A_970 = arith.constant 3072 : i32
    %add3A_971 = vector.broadcast %add3A_970 : i32 to vector<512x512xi32>
    %add3A_972 = arith.addi %iota3A_969, %add3A_971 : vector<512x512xi32>
    %slice3A_973 = vector.extract_strided_slice %iota3A {offsets = [0, 3072], sizes = [1, 512], strides = [1, 1]} : vector<1x5120xi32> to vector<1x512xi32>
    %gt3A_974 = vector.broadcast %slice3A_968 : vector<1x512xf32> to vector<512x512xf32>
    %gt3A_975 = arith.cmpf ogt, %mul3A_965, %gt3A_974 : vector<512x512xf32>
    %eq3A_976 = vector.broadcast %slice3A_968 : vector<1x512xf32> to vector<512x512xf32>
    %eq3A_977 = arith.cmpf oeq, %mul3A_965, %eq3A_976 : vector<512x512xf32>
    %lt3A_978 = vector.broadcast %slice3A_973 : vector<1x512xi32> to vector<512x512xi32>
    %lt3A_979 = arith.cmpi slt, %add3A_972, %lt3A_978 : vector<512x512xi32>
    %and3A_980 = arith.andi %eq3A_977, %lt3A_979 : vector<512x512xi1>
    %or3A_981 = arith.ori %gt3A_975, %and3A_980 : vector<512x512xi1>
    %convert_element_type3A_982 = arith.extui %or3A_981 : vector<512x512xi1> to vector<512x512xi32>
    %convert_element_type3A_983 = arith.sitofp %convert_element_type3A_982 : vector<512x512xi32> to vector<512x512xf32>
    %dot_general3A_984 = arith.constant dense<0.000000e+00> : vector<1x512xf32>
    %dot_general3A_985 = tpu.matmul %broadcast_in_dim3A_2, %convert_element_type3A_983, %dot_general3A_984 {dimension_numbers = #tpu.dot_dimension_numbers<[1], [0], [0], [1], [0, 0, 1, 1], [], []>, transpose_lhs_hint = false} : vector<1x512xf32>, vector<512x512xf32>, vector<1x512xf32> -> vector<1x512xf32>
    %get3A_986 = arith.constant 0 : index
    %get3A_987 = arith.constant 3072 : index
    %get3A_988 = vector.load %arg6[%get3A_986, %get3A_987] : memref<1x5120xf32, #tpu.memory_space<vmem>>, vector<1x512xf32>
    %add3A_989 = arith.addf %get3A_988, %dot_general3A_985 : vector<1x512xf32>
    %swap3A_990 = arith.constant 0 : index
    %swap3A_991 = arith.constant 3072 : index
    %swap3A_992 = vector.load %arg6[%swap3A_990, %swap3A_991] : memref<1x5120xf32, #tpu.memory_space<vmem>>, vector<1x512xf32>
    tpu.vector_store %arg6[%swap3A_990, %swap3A_991], %add3A_989 {strides = array<i32>} : memref<1x5120xf32, #tpu.memory_space<vmem>>, vector<1x512xf32>,
    %slice3A_993 = vector.extract_strided_slice %concatenate3A {offsets = [0, 3584], sizes = [1, 512], strides = [1, 1]} : vector<1x5120xf32> to vector<1x512xf32>
    %ge3A_994 = vector.broadcast %slice3A_993 : vector<1x512xf32> to vector<512x512xf32>
    %ge3A_995 = arith.cmpf oge, %mul3A_965, %ge3A_994 : vector<512x512xf32>
    %convert_element_type3A_996 = arith.extui %ge3A_995 : vector<512x512xi1> to vector<512x512xi32>
    %convert_element_type3A_997 = arith.sitofp %convert_element_type3A_996 : vector<512x512xi32> to vector<512x512xf32>
    %dot_general3A_998 = arith.constant dense<0.000000e+00> : vector<1x512xf32>
    %dot_general3A_999 = tpu.matmul %broadcast_in_dim3A_2, %convert_element_type3A_997, %dot_general3A_998 {dimension_numbers = #tpu.dot_dimension_numbers<[1], [0], [0], [1], [0, 0, 1, 1], [], []>, transpose_lhs_hint = false} : vector<1x512xf32>, vector<512x512xf32>, vector<1x512xf32> -> vector<1x512xf32>
    %get3A_1000 = arith.constant 0 : index
    %get3A_1001 = arith.constant 3584 : index
    %get3A_1002 = vector.load %arg6[%get3A_1000, %get3A_1001] : memref<1x5120xf32, #tpu.memory_space<vmem>>, vector<1x512xf32>
    %add3A_1003 = arith.addf %get3A_1002, %dot_general3A_999 : vector<1x512xf32>
    %swap3A_1004 = arith.constant 0 : index
    %swap3A_1005 = arith.constant 3584 : index
    %swap3A_1006 = vector.load %arg6[%swap3A_1004, %swap3A_1005] : memref<1x5120xf32, #tpu.memory_space<vmem>>, vector<1x512xf32>
    tpu.vector_store %arg6[%swap3A_1004, %swap3A_1005], %add3A_1003 {strides = array<i32>} : memref<1x5120xf32, #tpu.memory_space<vmem>>, vector<1x512xf32>,
    %dot_general3A_1007 = arith.constant dense<0.000000e+00> : vector<512x1xf32>
    %dot_general3A_1008 = tpu.matmul %convert_element_type3A_997, %broadcast_in_dim3A_4, %dot_general3A_1007 {dimension_numbers = #tpu.dot_dimension_numbers<[1], [0], [0], [1], [0, 0, 1, 1], [], []>, transpose_lhs_hint = false} : vector<512x512xf32>, vector<512x1xf32>, vector<512x1xf32> -> vector<512x1xf32>
    %add3A_1009 = arith.addf %broadcast_in_dim3A_967, %dot_general3A_1008 : vector<512x1xf32>
    %slice3A_1010 = vector.extract_strided_slice %concatenate3A {offsets = [0, 4096], sizes = [1, 512], strides = [1, 1]} : vector<1x5120xf32> to vector<1x512xf32>
    %ge3A_1011 = vector.broadcast %slice3A_1010 : vector<1x512xf32> to vector<512x512xf32>
    %ge3A_1012 = arith.cmpf oge, %mul3A_965, %ge3A_1011 : vector<512x512xf32>
    %convert_element_type3A_1013 = arith.extui %ge3A_1012 : vector<512x512xi1> to vector<512x512xi32>
    %convert_element_type3A_1014 = arith.sitofp %convert_element_type3A_1013 : vector<512x512xi32> to vector<512x512xf32>
    %dot_general3A_1015 = arith.constant dense<0.000000e+00> : vector<1x512xf32>
    %dot_general3A_1016 = tpu.matmul %broadcast_in_dim3A_2, %convert_element_type3A_1014, %dot_general3A_1015 {dimension_numbers = #tpu.dot_dimension_numbers<[1], [0], [0], [1], [0, 0, 1, 1], [], []>, transpose_lhs_hint = false} : vector<1x512xf32>, vector<512x512xf32>, vector<1x512xf32> -> vector<1x512xf32>
    %get3A_1017 = arith.constant 0 : index
    %get3A_1018 = arith.constant 4096 : index
    %get3A_1019 = vector.load %arg6[%get3A_1017, %get3A_1018] : memref<1x5120xf32, #tpu.memory_space<vmem>>, vector<1x512xf32>
    %add3A_1020 = arith.addf %get3A_1019, %dot_general3A_1016 : vector<1x512xf32>
    %swap3A_1021 = arith.constant 0 : index
    %swap3A_1022 = arith.constant 4096 : index
    %swap3A_1023 = vector.load %arg6[%swap3A_1021, %swap3A_1022] : memref<1x5120xf32, #tpu.memory_space<vmem>>, vector<1x512xf32>
    tpu.vector_store %arg6[%swap3A_1021, %swap3A_1022], %add3A_1020 {strides = array<i32>} : memref<1x5120xf32, #tpu.memory_space<vmem>>, vector<1x512xf32>,
    %dot_general3A_1024 = arith.constant dense<0.000000e+00> : vector<512x1xf32>
    %dot_general3A_1025 = tpu.matmul %convert_element_type3A_1014, %broadcast_in_dim3A_4, %dot_general3A_1024 {dimension_numbers = #tpu.dot_dimension_numbers<[1], [0], [0], [1], [0, 0, 1, 1], [], []>, transpose_lhs_hint = false} : vector<512x512xf32>, vector<512x1xf32>, vector<512x1xf32> -> vector<512x1xf32>
    %add3A_1026 = arith.addf %add3A_1009, %dot_general3A_1025 : vector<512x1xf32>
    %slice3A_1027 = vector.extract_strided_slice %concatenate3A {offsets = [0, 4608], sizes = [1, 512], strides = [1, 1]} : vector<1x5120xf32> to vector<1x512xf32>
    %ge3A_1028 = vector.broadcast %slice3A_1027 : vector<1x512xf32> to vector<512x512xf32>
    %ge3A_1029 = arith.cmpf oge, %mul3A_965, %ge3A_1028 : vector<512x512xf32>
    %convert_element_type3A_1030 = arith.extui %ge3A_1029 : vector<512x512xi1> to vector<512x512xi32>
    %convert_element_type3A_1031 = arith.sitofp %convert_element_type3A_1030 : vector<512x512xi32> to vector<512x512xf32>
    %dot_general3A_1032 = arith.constant dense<0.000000e+00> : vector<1x512xf32>
    %dot_general3A_1033 = tpu.matmul %broadcast_in_dim3A_2, %convert_element_type3A_1031, %dot_general3A_1032 {dimension_numbers = #tpu.dot_dimension_numbers<[1], [0], [0], [1], [0, 0, 1, 1], [], []>, transpose_lhs_hint = false} : vector<1x512xf32>, vector<512x512xf32>, vector<1x512xf32> -> vector<1x512xf32>
    %get3A_1034 = arith.constant 0 : index
    %get3A_1035 = arith.constant 4608 : index
    %get3A_1036 = vector.load %arg6[%get3A_1034, %get3A_1035] : memref<1x5120xf32, #tpu.memory_space<vmem>>, vector<1x512xf32>
    %add3A_1037 = arith.addf %get3A_1036, %dot_general3A_1033 : vector<1x512xf32>
    %swap3A_1038 = arith.constant 0 : index
    %swap3A_1039 = arith.constant 4608 : index
    %swap3A_1040 = vector.load %arg6[%swap3A_1038, %swap3A_1039] : memref<1x5120xf32, #tpu.memory_space<vmem>>, vector<1x512xf32>
    tpu.vector_store %arg6[%swap3A_1038, %swap3A_1039], %add3A_1037 {strides = array<i32>} : memref<1x5120xf32, #tpu.memory_space<vmem>>, vector<1x512xf32>,
    %dot_general3A_1041 = arith.constant dense<0.000000e+00> : vector<512x1xf32>
    %dot_general3A_1042 = tpu.matmul %convert_element_type3A_1031, %broadcast_in_dim3A_4, %dot_general3A_1041 {dimension_numbers = #tpu.dot_dimension_numbers<[1], [0], [0], [1], [0, 0, 1, 1], [], []>, transpose_lhs_hint = false} : vector<512x512xf32>, vector<512x1xf32>, vector<512x1xf32> -> vector<512x1xf32>
    %add3A_1043 = arith.addf %add3A_1026, %dot_general3A_1042 : vector<512x1xf32>
    %sub3A_1044 = arith.constant 1.536000e+03 : f32
    %sub3A_1045 = vector.broadcast %sub3A_1044 : f32 to vector<512x1xf32>
    %sub3A_1046 = arith.subf %sub3A_1045, %add3A_1043 : vector<512x1xf32>
    %convert_element_type3A_1047 = arith.fptosi %sub3A_1046 : vector<512x1xf32> to vector<512x1xi32>
    %swap3A_1048 = arith.constant 3072 : index
    %swap3A_1049 = arith.constant 0 : index
    %swap3A_1050 = vector.load %arg5[%swap3A_1048, %swap3A_1049] : memref<5120x1xi32, #tpu.memory_space<vmem>>, vector<512x1xi32>
    tpu.vector_store %arg5[%swap3A_1048, %swap3A_1049], %convert_element_type3A_1047 {strides = array<i32>} : memref<5120x1xi32, #tpu.memory_space<vmem>>, vector<512x1xi32>,
    %get3A_1051 = arith.constant 3584 : index
    %get3A_1052 = arith.constant 0 : index
    %get3A_1053 = vector.load %arg0[%get3A_1051, %get3A_1052] : memref<5000x4xf32, #tpu.memory_space<vmem>>, vector<512x4xf32>
    %get3A_1054 = arith.constant 3584 : index
    %get3A_1055 = arith.constant 0 : index
    %get3A_1056 = vector.load %arg1[%get3A_1054, %get3A_1055] : memref<5000x1xf32, #tpu.memory_space<vmem>>, vector<512x1xf32>
    %broadcast_in_dim3A_1057 = arith.constant 0.000000e+00 : f32
    %broadcast_in_dim3A_1058 = vector.broadcast %broadcast_in_dim3A_1057 : f32 to vector<512x123xf32>
    %concatenate3A_1059 = tpu.concatenate %get3A_1053, %get3A_1056, %broadcast_in_dim3A_1058 in 1 : vector<512x4xf32>, vector<512x1xf32>, vector<512x123xf32> -> vector<512x128xf32>
    %swap3A_1060 = arith.constant 3584 : index
    %swap3A_1061 = arith.constant 0 : index
    %swap3A_1062 = vector.load %arg3[%swap3A_1060, %swap3A_1061] : memref<5120x128xf32, #tpu.memory_space<vmem>>, vector<512x128xf32>
    tpu.vector_store %arg3[%swap3A_1060, %swap3A_1061], %concatenate3A_1059 {strides = array<i32>} : memref<5120x128xf32, #tpu.memory_space<vmem>>, vector<512x128xf32>,
    %mul3A_1063 = vector.broadcast %get3A_1056 : vector<512x1xf32> to vector<512x512xf32>
    %mul3A_1064 = arith.mulf %mul3A_1063, %broadcast_in_dim3A_0 : vector<512x512xf32>
    %broadcast_in_dim3A_1065 = arith.constant 0.000000e+00 : f32
    %broadcast_in_dim3A_1066 = vector.broadcast %broadcast_in_dim3A_1065 : f32 to vector<512x1xf32>
    %slice3A_1067 = vector.extract_strided_slice %concatenate3A {offsets = [0, 3584], sizes = [1, 512], strides = [1, 1]} : vector<1x5120xf32> to vector<1x512xf32>
    %iota3A_1068 = tpu.iota {dimensions = array<i32: 0>} : vector<512x512xi32>
    %add3A_1069 = arith.constant 3584 : i32
    %add3A_1070 = vector.broadcast %add3A_1069 : i32 to vector<512x512xi32>
    %add3A_1071 = arith.addi %iota3A_1068, %add3A_1070 : vector<512x512xi32>
    %slice3A_1072 = vector.extract_strided_slice %iota3A {offsets = [0, 3584], sizes = [1, 512], strides = [1, 1]} : vector<1x5120xi32> to vector<1x512xi32>
    %gt3A_1073 = vector.broadcast %slice3A_1067 : vector<1x512xf32> to vector<512x512xf32>
    %gt3A_1074 = arith.cmpf ogt, %mul3A_1064, %gt3A_1073 : vector<512x512xf32>
    %eq3A_1075 = vector.broadcast %slice3A_1067 : vector<1x512xf32> to vector<512x512xf32>
    %eq3A_1076 = arith.cmpf oeq, %mul3A_1064, %eq3A_1075 : vector<512x512xf32>
    %lt3A_1077 = vector.broadcast %slice3A_1072 : vector<1x512xi32> to vector<512x512xi32>
    %lt3A_1078 = arith.cmpi slt, %add3A_1071, %lt3A_1077 : vector<512x512xi32>
    %and3A_1079 = arith.andi %eq3A_1076, %lt3A_1078 : vector<512x512xi1>
    %or3A_1080 = arith.ori %gt3A_1074, %and3A_1079 : vector<512x512xi1>
    %convert_element_type3A_1081 = arith.extui %or3A_1080 : vector<512x512xi1> to vector<512x512xi32>
    %convert_element_type3A_1082 = arith.sitofp %convert_element_type3A_1081 : vector<512x512xi32> to vector<512x512xf32>
    %dot_general3A_1083 = arith.constant dense<0.000000e+00> : vector<1x512xf32>
    %dot_general3A_1084 = tpu.matmul %broadcast_in_dim3A_2, %convert_element_type3A_1082, %dot_general3A_1083 {dimension_numbers = #tpu.dot_dimension_numbers<[1], [0], [0], [1], [0, 0, 1, 1], [], []>, transpose_lhs_hint = false} : vector<1x512xf32>, vector<512x512xf32>, vector<1x512xf32> -> vector<1x512xf32>
    %get3A_1085 = arith.constant 0 : index
    %get3A_1086 = arith.constant 3584 : index
    %get3A_1087 = vector.load %arg6[%get3A_1085, %get3A_1086] : memref<1x5120xf32, #tpu.memory_space<vmem>>, vector<1x512xf32>
    %add3A_1088 = arith.addf %get3A_1087, %dot_general3A_1084 : vector<1x512xf32>
    %swap3A_1089 = arith.constant 0 : index
    %swap3A_1090 = arith.constant 3584 : index
    %swap3A_1091 = vector.load %arg6[%swap3A_1089, %swap3A_1090] : memref<1x5120xf32, #tpu.memory_space<vmem>>, vector<1x512xf32>
    tpu.vector_store %arg6[%swap3A_1089, %swap3A_1090], %add3A_1088 {strides = array<i32>} : memref<1x5120xf32, #tpu.memory_space<vmem>>, vector<1x512xf32>,
    %slice3A_1092 = vector.extract_strided_slice %concatenate3A {offsets = [0, 4096], sizes = [1, 512], strides = [1, 1]} : vector<1x5120xf32> to vector<1x512xf32>
    %ge3A_1093 = vector.broadcast %slice3A_1092 : vector<1x512xf32> to vector<512x512xf32>
    %ge3A_1094 = arith.cmpf oge, %mul3A_1064, %ge3A_1093 : vector<512x512xf32>
    %convert_element_type3A_1095 = arith.extui %ge3A_1094 : vector<512x512xi1> to vector<512x512xi32>
    %convert_element_type3A_1096 = arith.sitofp %convert_element_type3A_1095 : vector<512x512xi32> to vector<512x512xf32>
    %dot_general3A_1097 = arith.constant dense<0.000000e+00> : vector<1x512xf32>
    %dot_general3A_1098 = tpu.matmul %broadcast_in_dim3A_2, %convert_element_type3A_1096, %dot_general3A_1097 {dimension_numbers = #tpu.dot_dimension_numbers<[1], [0], [0], [1], [0, 0, 1, 1], [], []>, transpose_lhs_hint = false} : vector<1x512xf32>, vector<512x512xf32>, vector<1x512xf32> -> vector<1x512xf32>
    %get3A_1099 = arith.constant 0 : index
    %get3A_1100 = arith.constant 4096 : index
    %get3A_1101 = vector.load %arg6[%get3A_1099, %get3A_1100] : memref<1x5120xf32, #tpu.memory_space<vmem>>, vector<1x512xf32>
    %add3A_1102 = arith.addf %get3A_1101, %dot_general3A_1098 : vector<1x512xf32>
    %swap3A_1103 = arith.constant 0 : index
    %swap3A_1104 = arith.constant 4096 : index
    %swap3A_1105 = vector.load %arg6[%swap3A_1103, %swap3A_1104] : memref<1x5120xf32, #tpu.memory_space<vmem>>, vector<1x512xf32>
    tpu.vector_store %arg6[%swap3A_1103, %swap3A_1104], %add3A_1102 {strides = array<i32>} : memref<1x5120xf32, #tpu.memory_space<vmem>>, vector<1x512xf32>,
    %dot_general3A_1106 = arith.constant dense<0.000000e+00> : vector<512x1xf32>
    %dot_general3A_1107 = tpu.matmul %convert_element_type3A_1096, %broadcast_in_dim3A_4, %dot_general3A_1106 {dimension_numbers = #tpu.dot_dimension_numbers<[1], [0], [0], [1], [0, 0, 1, 1], [], []>, transpose_lhs_hint = false} : vector<512x512xf32>, vector<512x1xf32>, vector<512x1xf32> -> vector<512x1xf32>
    %add3A_1108 = arith.addf %broadcast_in_dim3A_1066, %dot_general3A_1107 : vector<512x1xf32>
    %slice3A_1109 = vector.extract_strided_slice %concatenate3A {offsets = [0, 4608], sizes = [1, 512], strides = [1, 1]} : vector<1x5120xf32> to vector<1x512xf32>
    %ge3A_1110 = vector.broadcast %slice3A_1109 : vector<1x512xf32> to vector<512x512xf32>
    %ge3A_1111 = arith.cmpf oge, %mul3A_1064, %ge3A_1110 : vector<512x512xf32>
    %convert_element_type3A_1112 = arith.extui %ge3A_1111 : vector<512x512xi1> to vector<512x512xi32>
    %convert_element_type3A_1113 = arith.sitofp %convert_element_type3A_1112 : vector<512x512xi32> to vector<512x512xf32>
    %dot_general3A_1114 = arith.constant dense<0.000000e+00> : vector<1x512xf32>
    %dot_general3A_1115 = tpu.matmul %broadcast_in_dim3A_2, %convert_element_type3A_1113, %dot_general3A_1114 {dimension_numbers = #tpu.dot_dimension_numbers<[1], [0], [0], [1], [0, 0, 1, 1], [], []>, transpose_lhs_hint = false} : vector<1x512xf32>, vector<512x512xf32>, vector<1x512xf32> -> vector<1x512xf32>
    %get3A_1116 = arith.constant 0 : index
    %get3A_1117 = arith.constant 4608 : index
    %get3A_1118 = vector.load %arg6[%get3A_1116, %get3A_1117] : memref<1x5120xf32, #tpu.memory_space<vmem>>, vector<1x512xf32>
    %add3A_1119 = arith.addf %get3A_1118, %dot_general3A_1115 : vector<1x512xf32>
    %swap3A_1120 = arith.constant 0 : index
    %swap3A_1121 = arith.constant 4608 : index
    %swap3A_1122 = vector.load %arg6[%swap3A_1120, %swap3A_1121] : memref<1x5120xf32, #tpu.memory_space<vmem>>, vector<1x512xf32>
    tpu.vector_store %arg6[%swap3A_1120, %swap3A_1121], %add3A_1119 {strides = array<i32>} : memref<1x5120xf32, #tpu.memory_space<vmem>>, vector<1x512xf32>,
    %dot_general3A_1123 = arith.constant dense<0.000000e+00> : vector<512x1xf32>
    %dot_general3A_1124 = tpu.matmul %convert_element_type3A_1113, %broadcast_in_dim3A_4, %dot_general3A_1123 {dimension_numbers = #tpu.dot_dimension_numbers<[1], [0], [0], [1], [0, 0, 1, 1], [], []>, transpose_lhs_hint = false} : vector<512x512xf32>, vector<512x1xf32>, vector<512x1xf32> -> vector<512x1xf32>
    %add3A_1125 = arith.addf %add3A_1108, %dot_general3A_1124 : vector<512x1xf32>
    %sub3A_1126 = arith.constant 1.024000e+03 : f32
    %sub3A_1127 = vector.broadcast %sub3A_1126 : f32 to vector<512x1xf32>
    %sub3A_1128 = arith.subf %sub3A_1127, %add3A_1125 : vector<512x1xf32>
    %convert_element_type3A_1129 = arith.fptosi %sub3A_1128 : vector<512x1xf32> to vector<512x1xi32>
    %swap3A_1130 = arith.constant 3584 : index
    %swap3A_1131 = arith.constant 0 : index
    %swap3A_1132 = vector.load %arg5[%swap3A_1130, %swap3A_1131] : memref<5120x1xi32, #tpu.memory_space<vmem>>, vector<512x1xi32>
    tpu.vector_store %arg5[%swap3A_1130, %swap3A_1131], %convert_element_type3A_1129 {strides = array<i32>} : memref<5120x1xi32, #tpu.memory_space<vmem>>, vector<512x1xi32>,
    %get3A_1133 = arith.constant 4096 : index
    %get3A_1134 = arith.constant 0 : index
    %get3A_1135 = vector.load %arg0[%get3A_1133, %get3A_1134] : memref<5000x4xf32, #tpu.memory_space<vmem>>, vector<512x4xf32>
    %get3A_1136 = arith.constant 4096 : index
    %get3A_1137 = arith.constant 0 : index
    %get3A_1138 = vector.load %arg1[%get3A_1136, %get3A_1137] : memref<5000x1xf32, #tpu.memory_space<vmem>>, vector<512x1xf32>
    %broadcast_in_dim3A_1139 = arith.constant 0.000000e+00 : f32
    %broadcast_in_dim3A_1140 = vector.broadcast %broadcast_in_dim3A_1139 : f32 to vector<512x123xf32>
    %concatenate3A_1141 = tpu.concatenate %get3A_1135, %get3A_1138, %broadcast_in_dim3A_1140 in 1 : vector<512x4xf32>, vector<512x1xf32>, vector<512x123xf32> -> vector<512x128xf32>
    %swap3A_1142 = arith.constant 4096 : index
    %swap3A_1143 = arith.constant 0 : index
    %swap3A_1144 = vector.load %arg3[%swap3A_1142, %swap3A_1143] : memref<5120x128xf32, #tpu.memory_space<vmem>>, vector<512x128xf32>
    tpu.vector_store %arg3[%swap3A_1142, %swap3A_1143], %concatenate3A_1141 {strides = array<i32>} : memref<5120x128xf32, #tpu.memory_space<vmem>>, vector<512x128xf32>,
    %mul3A_1145 = vector.broadcast %get3A_1138 : vector<512x1xf32> to vector<512x512xf32>
    %mul3A_1146 = arith.mulf %mul3A_1145, %broadcast_in_dim3A_0 : vector<512x512xf32>
    %broadcast_in_dim3A_1147 = arith.constant 0.000000e+00 : f32
    %broadcast_in_dim3A_1148 = vector.broadcast %broadcast_in_dim3A_1147 : f32 to vector<512x1xf32>
    %slice3A_1149 = vector.extract_strided_slice %concatenate3A {offsets = [0, 4096], sizes = [1, 512], strides = [1, 1]} : vector<1x5120xf32> to vector<1x512xf32>
    %iota3A_1150 = tpu.iota {dimensions = array<i32: 0>} : vector<512x512xi32>
    %add3A_1151 = arith.constant 4096 : i32
    %add3A_1152 = vector.broadcast %add3A_1151 : i32 to vector<512x512xi32>
    %add3A_1153 = arith.addi %iota3A_1150, %add3A_1152 : vector<512x512xi32>
    %slice3A_1154 = vector.extract_strided_slice %iota3A {offsets = [0, 4096], sizes = [1, 512], strides = [1, 1]} : vector<1x5120xi32> to vector<1x512xi32>
    %gt3A_1155 = vector.broadcast %slice3A_1149 : vector<1x512xf32> to vector<512x512xf32>
    %gt3A_1156 = arith.cmpf ogt, %mul3A_1146, %gt3A_1155 : vector<512x512xf32>
    %eq3A_1157 = vector.broadcast %slice3A_1149 : vector<1x512xf32> to vector<512x512xf32>
    %eq3A_1158 = arith.cmpf oeq, %mul3A_1146, %eq3A_1157 : vector<512x512xf32>
    %lt3A_1159 = vector.broadcast %slice3A_1154 : vector<1x512xi32> to vector<512x512xi32>
    %lt3A_1160 = arith.cmpi slt, %add3A_1153, %lt3A_1159 : vector<512x512xi32>
    %and3A_1161 = arith.andi %eq3A_1158, %lt3A_1160 : vector<512x512xi1>
    %or3A_1162 = arith.ori %gt3A_1156, %and3A_1161 : vector<512x512xi1>
    %convert_element_type3A_1163 = arith.extui %or3A_1162 : vector<512x512xi1> to vector<512x512xi32>
    %convert_element_type3A_1164 = arith.sitofp %convert_element_type3A_1163 : vector<512x512xi32> to vector<512x512xf32>
    %dot_general3A_1165 = arith.constant dense<0.000000e+00> : vector<1x512xf32>
    %dot_general3A_1166 = tpu.matmul %broadcast_in_dim3A_2, %convert_element_type3A_1164, %dot_general3A_1165 {dimension_numbers = #tpu.dot_dimension_numbers<[1], [0], [0], [1], [0, 0, 1, 1], [], []>, transpose_lhs_hint = false} : vector<1x512xf32>, vector<512x512xf32>, vector<1x512xf32> -> vector<1x512xf32>
    %get3A_1167 = arith.constant 0 : index
    %get3A_1168 = arith.constant 4096 : index
    %get3A_1169 = vector.load %arg6[%get3A_1167, %get3A_1168] : memref<1x5120xf32, #tpu.memory_space<vmem>>, vector<1x512xf32>
    %add3A_1170 = arith.addf %get3A_1169, %dot_general3A_1166 : vector<1x512xf32>
    %swap3A_1171 = arith.constant 0 : index
    %swap3A_1172 = arith.constant 4096 : index
    %swap3A_1173 = vector.load %arg6[%swap3A_1171, %swap3A_1172] : memref<1x5120xf32, #tpu.memory_space<vmem>>, vector<1x512xf32>
    tpu.vector_store %arg6[%swap3A_1171, %swap3A_1172], %add3A_1170 {strides = array<i32>} : memref<1x5120xf32, #tpu.memory_space<vmem>>, vector<1x512xf32>,
    %slice3A_1174 = vector.extract_strided_slice %concatenate3A {offsets = [0, 4608], sizes = [1, 512], strides = [1, 1]} : vector<1x5120xf32> to vector<1x512xf32>
    %ge3A_1175 = vector.broadcast %slice3A_1174 : vector<1x512xf32> to vector<512x512xf32>
    %ge3A_1176 = arith.cmpf oge, %mul3A_1146, %ge3A_1175 : vector<512x512xf32>
    %convert_element_type3A_1177 = arith.extui %ge3A_1176 : vector<512x512xi1> to vector<512x512xi32>
    %convert_element_type3A_1178 = arith.sitofp %convert_element_type3A_1177 : vector<512x512xi32> to vector<512x512xf32>
    %dot_general3A_1179 = arith.constant dense<0.000000e+00> : vector<1x512xf32>
    %dot_general3A_1180 = tpu.matmul %broadcast_in_dim3A_2, %convert_element_type3A_1178, %dot_general3A_1179 {dimension_numbers = #tpu.dot_dimension_numbers<[1], [0], [0], [1], [0, 0, 1, 1], [], []>, transpose_lhs_hint = false} : vector<1x512xf32>, vector<512x512xf32>, vector<1x512xf32> -> vector<1x512xf32>
    %get3A_1181 = arith.constant 0 : index
    %get3A_1182 = arith.constant 4608 : index
    %get3A_1183 = vector.load %arg6[%get3A_1181, %get3A_1182] : memref<1x5120xf32, #tpu.memory_space<vmem>>, vector<1x512xf32>
    %add3A_1184 = arith.addf %get3A_1183, %dot_general3A_1180 : vector<1x512xf32>
    %swap3A_1185 = arith.constant 0 : index
    %swap3A_1186 = arith.constant 4608 : index
    %swap3A_1187 = vector.load %arg6[%swap3A_1185, %swap3A_1186] : memref<1x5120xf32, #tpu.memory_space<vmem>>, vector<1x512xf32>
    tpu.vector_store %arg6[%swap3A_1185, %swap3A_1186], %add3A_1184 {strides = array<i32>} : memref<1x5120xf32, #tpu.memory_space<vmem>>, vector<1x512xf32>,
    %dot_general3A_1188 = arith.constant dense<0.000000e+00> : vector<512x1xf32>
    %dot_general3A_1189 = tpu.matmul %convert_element_type3A_1178, %broadcast_in_dim3A_4, %dot_general3A_1188 {dimension_numbers = #tpu.dot_dimension_numbers<[1], [0], [0], [1], [0, 0, 1, 1], [], []>, transpose_lhs_hint = false} : vector<512x512xf32>, vector<512x1xf32>, vector<512x1xf32> -> vector<512x1xf32>
    %add3A_1190 = arith.addf %broadcast_in_dim3A_1148, %dot_general3A_1189 : vector<512x1xf32>
    %sub3A_1191 = arith.constant 5.120000e+02 : f32
    %sub3A_1192 = vector.broadcast %sub3A_1191 : f32 to vector<512x1xf32>
    %sub3A_1193 = arith.subf %sub3A_1192, %add3A_1190 : vector<512x1xf32>
    %convert_element_type3A_1194 = arith.fptosi %sub3A_1193 : vector<512x1xf32> to vector<512x1xi32>
    %swap3A_1195 = arith.constant 4096 : index
    %swap3A_1196 = arith.constant 0 : index
    %swap3A_1197 = vector.load %arg5[%swap3A_1195, %swap3A_1196] : memref<5120x1xi32, #tpu.memory_space<vmem>>, vector<512x1xi32>
    tpu.vector_store %arg5[%swap3A_1195, %swap3A_1196], %convert_element_type3A_1194 {strides = array<i32>} : memref<5120x1xi32, #tpu.memory_space<vmem>>, vector<512x1xi32>,
    %get3A_1198 = arith.constant 4608 : index
    %get3A_1199 = arith.constant 0 : index
    %get3A_1200 = vector.load %arg0[%get3A_1198, %get3A_1199] : memref<5000x4xf32, #tpu.memory_space<vmem>>, vector<392x4xf32>
    %broadcast_in_dim3A_1201 = arith.constant 0.000000e+00 : f32
    %broadcast_in_dim3A_1202 = vector.broadcast %broadcast_in_dim3A_1201 : f32 to vector<120x4xf32>
    %concatenate3A_1203 = tpu.concatenate %get3A_1200, %broadcast_in_dim3A_1202 in 0 : vector<392x4xf32>, vector<120x4xf32> -> vector<512x4xf32>
    %get3A_1204 = arith.constant 4608 : index
    %get3A_1205 = arith.constant 0 : index
    %get3A_1206 = vector.load %arg1[%get3A_1204, %get3A_1205] : memref<5000x1xf32, #tpu.memory_space<vmem>>, vector<392x1xf32>
    %broadcast_in_dim3A_1207 = arith.constant -1.000000e+00 : f32
    %broadcast_in_dim3A_1208 = vector.broadcast %broadcast_in_dim3A_1207 : f32 to vector<120x1xf32>
    %concatenate3A_1209 = tpu.concatenate %get3A_1206, %broadcast_in_dim3A_1208 in 0 : vector<392x1xf32>, vector<120x1xf32> -> vector<512x1xf32>
    %broadcast_in_dim3A_1210 = arith.constant 0.000000e+00 : f32
    %broadcast_in_dim3A_1211 = vector.broadcast %broadcast_in_dim3A_1210 : f32 to vector<512x123xf32>
    %concatenate3A_1212 = tpu.concatenate %concatenate3A_1203, %concatenate3A_1209, %broadcast_in_dim3A_1211 in 1 : vector<512x4xf32>, vector<512x1xf32>, vector<512x123xf32> -> vector<512x128xf32>
    %swap3A_1213 = arith.constant 4608 : index
    %swap3A_1214 = arith.constant 0 : index
    %swap3A_1215 = vector.load %arg3[%swap3A_1213, %swap3A_1214] : memref<5120x128xf32, #tpu.memory_space<vmem>>, vector<512x128xf32>
    tpu.vector_store %arg3[%swap3A_1213, %swap3A_1214], %concatenate3A_1212 {strides = array<i32>} : memref<5120x128xf32, #tpu.memory_space<vmem>>, vector<512x128xf32>,
    %mul3A_1216 = vector.broadcast %concatenate3A_1209 : vector<512x1xf32> to vector<512x512xf32>
    %mul3A_1217 = arith.mulf %mul3A_1216, %broadcast_in_dim3A_0 : vector<512x512xf32>
    %broadcast_in_dim3A_1218 = arith.constant 0.000000e+00 : f32
    %broadcast_in_dim3A_1219 = vector.broadcast %broadcast_in_dim3A_1218 : f32 to vector<512x1xf32>
    %slice3A_1220 = vector.extract_strided_slice %concatenate3A {offsets = [0, 4608], sizes = [1, 512], strides = [1, 1]} : vector<1x5120xf32> to vector<1x512xf32>
    %iota3A_1221 = tpu.iota {dimensions = array<i32: 0>} : vector<512x512xi32>
    %add3A_1222 = arith.constant 4608 : i32
    %add3A_1223 = vector.broadcast %add3A_1222 : i32 to vector<512x512xi32>
    %add3A_1224 = arith.addi %iota3A_1221, %add3A_1223 : vector<512x512xi32>
    %slice3A_1225 = vector.extract_strided_slice %iota3A {offsets = [0, 4608], sizes = [1, 512], strides = [1, 1]} : vector<1x5120xi32> to vector<1x512xi32>
    %gt3A_1226 = vector.broadcast %slice3A_1220 : vector<1x512xf32> to vector<512x512xf32>
    %gt3A_1227 = arith.cmpf ogt, %mul3A_1217, %gt3A_1226 : vector<512x512xf32>
    %eq3A_1228 = vector.broadcast %slice3A_1220 : vector<1x512xf32> to vector<512x512xf32>
    %eq3A_1229 = arith.cmpf oeq, %mul3A_1217, %eq3A_1228 : vector<512x512xf32>
    %lt3A_1230 = vector.broadcast %slice3A_1225 : vector<1x512xi32> to vector<512x512xi32>
    %lt3A_1231 = arith.cmpi slt, %add3A_1224, %lt3A_1230 : vector<512x512xi32>
    %and3A_1232 = arith.andi %eq3A_1229, %lt3A_1231 : vector<512x512xi1>
    %or3A_1233 = arith.ori %gt3A_1227, %and3A_1232 : vector<512x512xi1>
    %convert_element_type3A_1234 = arith.extui %or3A_1233 : vector<512x512xi1> to vector<512x512xi32>
    %convert_element_type3A_1235 = arith.sitofp %convert_element_type3A_1234 : vector<512x512xi32> to vector<512x512xf32>
    %dot_general3A_1236 = arith.constant dense<0.000000e+00> : vector<1x512xf32>
    %dot_general3A_1237 = tpu.matmul %broadcast_in_dim3A_2, %convert_element_type3A_1235, %dot_general3A_1236 {dimension_numbers = #tpu.dot_dimension_numbers<[1], [0], [0], [1], [0, 0, 1, 1], [], []>, transpose_lhs_hint = false} : vector<1x512xf32>, vector<512x512xf32>, vector<1x512xf32> -> vector<1x512xf32>
    %get3A_1238 = arith.constant 0 : index
    %get3A_1239 = arith.constant 4608 : index
    %get3A_1240 = vector.load %arg6[%get3A_1238, %get3A_1239] : memref<1x5120xf32, #tpu.memory_space<vmem>>, vector<1x512xf32>
    %add3A_1241 = arith.addf %get3A_1240, %dot_general3A_1237 : vector<1x512xf32>
    %swap3A_1242 = arith.constant 0 : index
    %swap3A_1243 = arith.constant 4608 : index
    %swap3A_1244 = vector.load %arg6[%swap3A_1242, %swap3A_1243] : memref<1x5120xf32, #tpu.memory_space<vmem>>, vector<1x512xf32>
    tpu.vector_store %arg6[%swap3A_1242, %swap3A_1243], %add3A_1241 {strides = array<i32>} : memref<1x5120xf32, #tpu.memory_space<vmem>>, vector<1x512xf32>,
    %sub3A_1245 = arith.constant 0.000000e+00 : f32
    %sub3A_1246 = vector.broadcast %sub3A_1245 : f32 to vector<512x1xf32>
    %sub3A_1247 = arith.subf %sub3A_1246, %broadcast_in_dim3A_1219 : vector<512x1xf32>
    %convert_element_type3A_1248 = arith.fptosi %sub3A_1247 : vector<512x1xf32> to vector<512x1xi32>
    %swap3A_1249 = arith.constant 4608 : index
    %swap3A_1250 = arith.constant 0 : index
    %swap3A_1251 = vector.load %arg5[%swap3A_1249, %swap3A_1250] : memref<5120x1xi32, #tpu.memory_space<vmem>>, vector<512x1xi32>
    tpu.vector_store %arg5[%swap3A_1249, %swap3A_1250], %convert_element_type3A_1248 {strides = array<i32>} : memref<5120x1xi32, #tpu.memory_space<vmem>>, vector<512x1xi32>,
    %get3A_1252 = arith.constant 0 : index
    %get3A_1253 = arith.constant 0 : index
    %get3A_1254 = vector.load %arg6[%get3A_1252, %get3A_1253] : memref<1x5120xf32, #tpu.memory_space<vmem>>, vector<1x5120xf32>
    %convert_element_type3A_1255 = arith.fptosi %get3A_1254 : vector<1x5120xf32> to vector<1x5120xi32>
    %swap3A_1256 = arith.constant 0 : index
    %swap3A_1257 = arith.constant 0 : index
    %swap3A_1258 = vector.load %arg4[%swap3A_1256, %swap3A_1257] : memref<1x5120xi32, #tpu.memory_space<vmem>>, vector<1x5120xi32>
    tpu.vector_store %arg4[%swap3A_1256, %swap3A_1257], %convert_element_type3A_1255 {strides = array<i32>} : memref<1x5120xi32, #tpu.memory_space<vmem>>, vector<1x5120xi32>,
    return
  }
}

module attributes {stable_mosaic.version = 14 : i64} {
  func.func @_nms_body(%arg0: memref<5120x128xf32, #tpu.memory_space<vmem>>, %arg1: memref<8x5120xf32, #tpu.memory_space<vmem>>, %arg2: memref<5000x5xf32, #tpu.memory_space<vmem>>, %arg3: memref<5120x1xf32, #tpu.memory_space<vmem>>) attributes {dimension_semantics = [], scalar_prefetch = 0 : i64, scratch_operands = 1 : i64, tpu.core_type = #tpu.core_type<tc>} {
    %broadcast_in_dim3A = arith.constant 1.000000e+00 : f32
    %broadcast_in_dim3A_0 = vector.broadcast %broadcast_in_dim3A : f32 to vector<512x512xf32>
    %get3A = arith.constant 0 : index
    %get3A_1 = arith.constant 0 : index
    %get3A_2 = vector.load %arg0[%get3A, %get3A_1] : memref<5120x128xf32, #tpu.memory_space<vmem>>, vector<512x1xf32>
    %mul3A = vector.broadcast %get3A_2 : vector<512x1xf32> to vector<512x512xf32>
    %mul3A_3 = arith.mulf %mul3A, %broadcast_in_dim3A_0 : vector<512x512xf32>
    %get3A_4 = arith.constant 0 : index
    %get3A_5 = arith.constant 1 : index
    %get3A_6 = vector.load %arg0[%get3A_4, %get3A_5] : memref<5120x128xf32, #tpu.memory_space<vmem>>, vector<512x1xf32>
    %mul3A_7 = vector.broadcast %get3A_6 : vector<512x1xf32> to vector<512x512xf32>
    %mul3A_8 = arith.mulf %mul3A_7, %broadcast_in_dim3A_0 : vector<512x512xf32>
    %get3A_9 = arith.constant 0 : index
    %get3A_10 = arith.constant 2 : index
    %get3A_11 = vector.load %arg0[%get3A_9, %get3A_10] : memref<5120x128xf32, #tpu.memory_space<vmem>>, vector<512x1xf32>
    %mul3A_12 = vector.broadcast %get3A_11 : vector<512x1xf32> to vector<512x512xf32>
    %mul3A_13 = arith.mulf %mul3A_12, %broadcast_in_dim3A_0 : vector<512x512xf32>
    %get3A_14 = arith.constant 0 : index
    %get3A_15 = arith.constant 3 : index
    %get3A_16 = vector.load %arg0[%get3A_14, %get3A_15] : memref<5120x128xf32, #tpu.memory_space<vmem>>, vector<512x1xf32>
    %mul3A_17 = vector.broadcast %get3A_16 : vector<512x1xf32> to vector<512x512xf32>
    %mul3A_18 = arith.mulf %mul3A_17, %broadcast_in_dim3A_0 : vector<512x512xf32>
    %sub3A = arith.subf %mul3A_13, %mul3A_3 : vector<512x512xf32>
    %mul3A_19 = arith.constant 5.000000e-01 : f32
    %mul3A_20 = vector.broadcast %mul3A_19 : f32 to vector<512x512xf32>
    %mul3A_21 = arith.mulf %mul3A_20, %sub3A : vector<512x512xf32>
    %sub3A_22 = arith.subf %mul3A_18, %mul3A_8 : vector<512x512xf32>
    %mul3A_23 = arith.mulf %mul3A_21, %sub3A_22 : vector<512x512xf32>
    %broadcast_in_dim3A_24 = arith.constant 0.000000e+00 : f32
    %broadcast_in_dim3A_25 = vector.broadcast %broadcast_in_dim3A_24 : f32 to vector<512x1xf32>
    %eq3A = arith.constant 0.000000e+00 : f32
    %eq3A_26 = vector.broadcast %eq3A : f32 to vector<512x1xf32>
    %eq3A_27 = arith.cmpf oeq, %broadcast_in_dim3A_25, %eq3A_26 : vector<512x1xf32>
    %convert_element_type3A = arith.extui %eq3A_27 : vector<512x1xi1> to vector<512x1xi32>
    %convert_element_type3A_28 = arith.sitofp %convert_element_type3A : vector<512x1xi32> to vector<512x1xf32>
    %iota3A = tpu.iota {dimensions = array<i32: 0>} : vector<512x512xi32>
    %iota3A_29 = tpu.iota {dimensions = array<i32: 1>} : vector<512x512xi32>
    %get3A_30 = arith.constant 0 : index
    %get3A_31 = arith.constant 0 : index
    %get3A_32 = vector.load %arg1[%get3A_30, %get3A_31] : memref<8x5120xf32, #tpu.memory_space<vmem>>, vector<1x512xf32>
    %get3A_33 = arith.constant 1 : index
    %get3A_34 = arith.constant 0 : index
    %get3A_35 = vector.load %arg1[%get3A_33, %get3A_34] : memref<8x5120xf32, #tpu.memory_space<vmem>>, vector<1x512xf32>
    %get3A_36 = arith.constant 2 : index
    %get3A_37 = arith.constant 0 : index
    %get3A_38 = vector.load %arg1[%get3A_36, %get3A_37] : memref<8x5120xf32, #tpu.memory_space<vmem>>, vector<1x512xf32>
    %get3A_39 = arith.constant 3 : index
    %get3A_40 = arith.constant 0 : index
    %get3A_41 = vector.load %arg1[%get3A_39, %get3A_40] : memref<8x5120xf32, #tpu.memory_space<vmem>>, vector<1x512xf32>
    %sub3A_42 = arith.subf %get3A_38, %get3A_32 : vector<1x512xf32>
    %mul3A_43 = arith.constant 5.000000e-01 : f32
    %mul3A_44 = vector.broadcast %mul3A_43 : f32 to vector<1x512xf32>
    %mul3A_45 = arith.mulf %mul3A_44, %sub3A_42 : vector<1x512xf32>
    %sub3A_46 = arith.subf %get3A_41, %get3A_35 : vector<1x512xf32>
    %mul3A_47 = arith.mulf %mul3A_45, %sub3A_46 : vector<1x512xf32>
    %min3A = vector.broadcast %get3A_38 : vector<1x512xf32> to vector<512x512xf32>
    %min3A_48 = arith.minimumf %mul3A_13, %min3A : vector<512x512xf32>
    %max3A = vector.broadcast %get3A_32 : vector<1x512xf32> to vector<512x512xf32>
    %max3A_49 = arith.maximumf %mul3A_3, %max3A : vector<512x512xf32>
    %sub3A_50 = arith.subf %min3A_48, %max3A_49 : vector<512x512xf32>
    %max3A_51 = arith.constant 0.000000e+00 : f32
    %max3A_52 = vector.broadcast %max3A_51 : f32 to vector<512x512xf32>
    %max3A_53 = arith.maximumf %sub3A_50, %max3A_52 : vector<512x512xf32>
    %min3A_54 = vector.broadcast %get3A_41 : vector<1x512xf32> to vector<512x512xf32>
    %min3A_55 = arith.minimumf %mul3A_18, %min3A_54 : vector<512x512xf32>
    %max3A_56 = vector.broadcast %get3A_35 : vector<1x512xf32> to vector<512x512xf32>
    %max3A_57 = arith.maximumf %mul3A_8, %max3A_56 : vector<512x512xf32>
    %sub3A_58 = arith.subf %min3A_55, %max3A_57 : vector<512x512xf32>
    %max3A_59 = arith.constant 0.000000e+00 : f32
    %max3A_60 = vector.broadcast %max3A_59 : f32 to vector<512x512xf32>
    %max3A_61 = arith.maximumf %sub3A_58, %max3A_60 : vector<512x512xf32>
    %mul3A_62 = arith.mulf %max3A_53, %max3A_61 : vector<512x512xf32>
    %mul3A_63 = arith.constant 1.500000e+00 : f32
    %mul3A_64 = vector.broadcast %mul3A_63 : f32 to vector<512x512xf32>
    %mul3A_65 = arith.mulf %mul3A_64, %mul3A_62 : vector<512x512xf32>
    %add3A = vector.broadcast %mul3A_47 : vector<1x512xf32> to vector<512x512xf32>
    %add3A_66 = arith.addf %mul3A_23, %add3A : vector<512x512xf32>
    %gt3A = arith.cmpf ogt, %mul3A_65, %add3A_66 : vector<512x512xf32>
    %lt3A = arith.cmpi slt, %iota3A_29, %iota3A : vector<512x512xi32>
    %and3A = arith.andi %gt3A, %lt3A : vector<512x512xi1>
    %convert_element_type3A_67 = arith.extui %and3A : vector<512x512xi1> to vector<512x512xi32>
    %convert_element_type3A_68 = arith.sitofp %convert_element_type3A_67 : vector<512x512xi32> to vector<512x512xf32>
    %while3A = arith.constant true
    %while3A_69:2 = scf.while (%while3A_3121 = %convert_element_type3A_28, %while3A_3122 = %while3A) : (vector<512x1xf32>, i1) -> (vector<512x1xf32>, i1) {
      scf.condition(%while3A_3122) %while3A_3121, %while3A_3122 : vector<512x1xf32>, i1
    } do {
    ^bb0(%while3A_3121: vector<512x1xf32>, %while3A_3122: i1):
      %dot_general3A_3123 = arith.constant dense<0.000000e+00> : vector<512x1xf32>
      %dot_general3A_3124 = tpu.matmul %convert_element_type3A_68, %while3A_3121, %dot_general3A_3123 {dimension_numbers = #tpu.dot_dimension_numbers<[1], [0], [0], [1], [0, 0, 1, 1], [], []>, transpose_lhs_hint = false} : vector<512x512xf32>, vector<512x1xf32>, vector<512x1xf32> -> vector<512x1xf32>
      %eq3A_3125 = arith.constant 0.000000e+00 : f32
      %eq3A_3126 = vector.broadcast %eq3A_3125 : f32 to vector<512x1xf32>
      %eq3A_3127 = arith.cmpf oeq, %dot_general3A_3124, %eq3A_3126 : vector<512x1xf32>
      %convert_element_type3A_3128 = arith.extui %eq3A_3127 : vector<512x1xi1> to vector<512x1xi32>
      %convert_element_type3A_3129 = arith.sitofp %convert_element_type3A_3128 : vector<512x1xi32> to vector<512x1xf32>
      %mul3A_3130 = arith.mulf %convert_element_type3A_28, %convert_element_type3A_3129 : vector<512x1xf32>
      %dot_general3A_3131 = arith.constant dense<0.000000e+00> : vector<512x1xf32>
      %dot_general3A_3132 = tpu.matmul %convert_element_type3A_68, %mul3A_3130, %dot_general3A_3131 {dimension_numbers = #tpu.dot_dimension_numbers<[1], [0], [0], [1], [0, 0, 1, 1], [], []>, transpose_lhs_hint = false} : vector<512x512xf32>, vector<512x1xf32>, vector<512x1xf32> -> vector<512x1xf32>
      %eq3A_3133 = arith.constant 0.000000e+00 : f32
      %eq3A_3134 = vector.broadcast %eq3A_3133 : f32 to vector<512x1xf32>
      %eq3A_3135 = arith.cmpf oeq, %dot_general3A_3132, %eq3A_3134 : vector<512x1xf32>
      %convert_element_type3A_3136 = arith.extui %eq3A_3135 : vector<512x1xi1> to vector<512x1xi32>
      %convert_element_type3A_3137 = arith.sitofp %convert_element_type3A_3136 : vector<512x1xi32> to vector<512x1xf32>
      %mul3A_3138 = arith.mulf %convert_element_type3A_28, %convert_element_type3A_3137 : vector<512x1xf32>
      %ne3A = arith.cmpf one, %mul3A_3138, %while3A_3121 : vector<512x1xf32>
      %reduce_or3A = arith.constant 1.000000e+00 : f32
      %reduce_or3A_3139 = arith.constant 0.000000e+00 : f32
      %reduce_or3A_3140 = vector.broadcast %reduce_or3A : f32 to vector<512x1xf32>
      %reduce_or3A_3141 = vector.broadcast %reduce_or3A_3139 : f32 to vector<512x1xf32>
      %reduce_or3A_3142 = arith.select %ne3A, %reduce_or3A_3140, %reduce_or3A_3141 : vector<512x1xi1>, vector<512x1xf32>
      %reduce_or3A_3143 = vector.shape_cast %reduce_or3A_3142 : vector<512x1xf32> to vector<1x512x1xf32>
      %reduce_or3A_3144 = arith.constant dense<0xFF800000> : vector<1xf32>
      %reduce_or3A_3145 = vector.multi_reduction <maximumf>, %reduce_or3A_3143, %reduce_or3A_3144 [1, 2] : vector<1x512x1xf32> to vector<1xf32>
      %reduce_or3A_3146 = vector.shape_cast %reduce_or3A_3145 : vector<1xf32> to vector<1x1x1xf32>
      %reduce_or3A_3147 = vector.extract %reduce_or3A_3146[0, 0, 0] : f32 from vector<1x1x1xf32>
      %reduce_or3A_3148 = arith.constant 0.000000e+00 : f32
      %reduce_or3A_3149 = arith.cmpf ogt, %reduce_or3A_3147, %reduce_or3A_3148 : f32
      scf.yield %mul3A_3138, %reduce_or3A_3149 : vector<512x1xf32>, i1
    }
    %swap3A = arith.constant 0 : index
    %swap3A_70 = arith.constant 0 : index
    %swap3A_71 = vector.load %arg3[%swap3A, %swap3A_70] : memref<5120x1xf32, #tpu.memory_space<vmem>>, vector<512x1xf32>
    tpu.vector_store %arg3[%swap3A, %swap3A_70], %while3A_69#0 {strides = array<i32>} : memref<5120x1xf32, #tpu.memory_space<vmem>>, vector<512x1xf32>,
    %get3A_72 = arith.constant 0 : index
    %get3A_73 = arith.constant 0 : index
    %get3A_74 = vector.load %arg0[%get3A_72, %get3A_73] : memref<5120x128xf32, #tpu.memory_space<vmem>>, vector<512x5xf32>
    %mul3A_75 = vector.broadcast %while3A_69#0 : vector<512x1xf32> to vector<512x5xf32>
    %mul3A_76 = arith.mulf %get3A_74, %mul3A_75 : vector<512x5xf32>
    %swap3A_77 = arith.constant 0 : index
    %swap3A_78 = arith.constant 0 : index
    %swap3A_79 = vector.load %arg2[%swap3A_77, %swap3A_78] : memref<5000x5xf32, #tpu.memory_space<vmem>>, vector<512x5xf32>
    tpu.vector_store %arg2[%swap3A_77, %swap3A_78], %mul3A_76 {strides = array<i32>} : memref<5000x5xf32, #tpu.memory_space<vmem>>, vector<512x5xf32>,
    %get3A_80 = arith.constant 512 : index
    %get3A_81 = arith.constant 0 : index
    %get3A_82 = vector.load %arg0[%get3A_80, %get3A_81] : memref<5120x128xf32, #tpu.memory_space<vmem>>, vector<512x1xf32>
    %mul3A_83 = vector.broadcast %get3A_82 : vector<512x1xf32> to vector<512x512xf32>
    %mul3A_84 = arith.mulf %mul3A_83, %broadcast_in_dim3A_0 : vector<512x512xf32>
    %get3A_85 = arith.constant 512 : index
    %get3A_86 = arith.constant 1 : index
    %get3A_87 = vector.load %arg0[%get3A_85, %get3A_86] : memref<5120x128xf32, #tpu.memory_space<vmem>>, vector<512x1xf32>
    %mul3A_88 = vector.broadcast %get3A_87 : vector<512x1xf32> to vector<512x512xf32>
    %mul3A_89 = arith.mulf %mul3A_88, %broadcast_in_dim3A_0 : vector<512x512xf32>
    %get3A_90 = arith.constant 512 : index
    %get3A_91 = arith.constant 2 : index
    %get3A_92 = vector.load %arg0[%get3A_90, %get3A_91] : memref<5120x128xf32, #tpu.memory_space<vmem>>, vector<512x1xf32>
    %mul3A_93 = vector.broadcast %get3A_92 : vector<512x1xf32> to vector<512x512xf32>
    %mul3A_94 = arith.mulf %mul3A_93, %broadcast_in_dim3A_0 : vector<512x512xf32>
    %get3A_95 = arith.constant 512 : index
    %get3A_96 = arith.constant 3 : index
    %get3A_97 = vector.load %arg0[%get3A_95, %get3A_96] : memref<5120x128xf32, #tpu.memory_space<vmem>>, vector<512x1xf32>
    %mul3A_98 = vector.broadcast %get3A_97 : vector<512x1xf32> to vector<512x512xf32>
    %mul3A_99 = arith.mulf %mul3A_98, %broadcast_in_dim3A_0 : vector<512x512xf32>
    %sub3A_100 = arith.subf %mul3A_94, %mul3A_84 : vector<512x512xf32>
    %mul3A_101 = arith.constant 5.000000e-01 : f32
    %mul3A_102 = vector.broadcast %mul3A_101 : f32 to vector<512x512xf32>
    %mul3A_103 = arith.mulf %mul3A_102, %sub3A_100 : vector<512x512xf32>
    %sub3A_104 = arith.subf %mul3A_99, %mul3A_89 : vector<512x512xf32>
    %mul3A_105 = arith.mulf %mul3A_103, %sub3A_104 : vector<512x512xf32>
    %broadcast_in_dim3A_106 = arith.constant 0.000000e+00 : f32
    %broadcast_in_dim3A_107 = vector.broadcast %broadcast_in_dim3A_106 : f32 to vector<512x1xf32>
    %get3A_108 = arith.constant 0 : index
    %get3A_109 = arith.constant 0 : index
    %get3A_110 = vector.load %arg1[%get3A_108, %get3A_109] : memref<8x5120xf32, #tpu.memory_space<vmem>>, vector<1x512xf32>
    %get3A_111 = arith.constant 1 : index
    %get3A_112 = arith.constant 0 : index
    %get3A_113 = vector.load %arg1[%get3A_111, %get3A_112] : memref<8x5120xf32, #tpu.memory_space<vmem>>, vector<1x512xf32>
    %get3A_114 = arith.constant 2 : index
    %get3A_115 = arith.constant 0 : index
    %get3A_116 = vector.load %arg1[%get3A_114, %get3A_115] : memref<8x5120xf32, #tpu.memory_space<vmem>>, vector<1x512xf32>
    %get3A_117 = arith.constant 3 : index
    %get3A_118 = arith.constant 0 : index
    %get3A_119 = vector.load %arg1[%get3A_117, %get3A_118] : memref<8x5120xf32, #tpu.memory_space<vmem>>, vector<1x512xf32>
    %sub3A_120 = arith.subf %get3A_116, %get3A_110 : vector<1x512xf32>
    %mul3A_121 = arith.constant 5.000000e-01 : f32
    %mul3A_122 = vector.broadcast %mul3A_121 : f32 to vector<1x512xf32>
    %mul3A_123 = arith.mulf %mul3A_122, %sub3A_120 : vector<1x512xf32>
    %sub3A_124 = arith.subf %get3A_119, %get3A_113 : vector<1x512xf32>
    %mul3A_125 = arith.mulf %mul3A_123, %sub3A_124 : vector<1x512xf32>
    %min3A_126 = vector.broadcast %get3A_116 : vector<1x512xf32> to vector<512x512xf32>
    %min3A_127 = arith.minimumf %mul3A_94, %min3A_126 : vector<512x512xf32>
    %max3A_128 = vector.broadcast %get3A_110 : vector<1x512xf32> to vector<512x512xf32>
    %max3A_129 = arith.maximumf %mul3A_84, %max3A_128 : vector<512x512xf32>
    %sub3A_130 = arith.subf %min3A_127, %max3A_129 : vector<512x512xf32>
    %max3A_131 = arith.constant 0.000000e+00 : f32
    %max3A_132 = vector.broadcast %max3A_131 : f32 to vector<512x512xf32>
    %max3A_133 = arith.maximumf %sub3A_130, %max3A_132 : vector<512x512xf32>
    %min3A_134 = vector.broadcast %get3A_119 : vector<1x512xf32> to vector<512x512xf32>
    %min3A_135 = arith.minimumf %mul3A_99, %min3A_134 : vector<512x512xf32>
    %max3A_136 = vector.broadcast %get3A_113 : vector<1x512xf32> to vector<512x512xf32>
    %max3A_137 = arith.maximumf %mul3A_89, %max3A_136 : vector<512x512xf32>
    %sub3A_138 = arith.subf %min3A_135, %max3A_137 : vector<512x512xf32>
    %max3A_139 = arith.constant 0.000000e+00 : f32
    %max3A_140 = vector.broadcast %max3A_139 : f32 to vector<512x512xf32>
    %max3A_141 = arith.maximumf %sub3A_138, %max3A_140 : vector<512x512xf32>
    %mul3A_142 = arith.mulf %max3A_133, %max3A_141 : vector<512x512xf32>
    %mul3A_143 = arith.constant 1.500000e+00 : f32
    %mul3A_144 = vector.broadcast %mul3A_143 : f32 to vector<512x512xf32>
    %mul3A_145 = arith.mulf %mul3A_144, %mul3A_142 : vector<512x512xf32>
    %add3A_146 = vector.broadcast %mul3A_125 : vector<1x512xf32> to vector<512x512xf32>
    %add3A_147 = arith.addf %mul3A_105, %add3A_146 : vector<512x512xf32>
    %gt3A_148 = arith.cmpf ogt, %mul3A_145, %add3A_147 : vector<512x512xf32>
    %convert_element_type3A_149 = arith.extui %gt3A_148 : vector<512x512xi1> to vector<512x512xi32>
    %convert_element_type3A_150 = arith.sitofp %convert_element_type3A_149 : vector<512x512xi32> to vector<512x512xf32>
    %get3A_151 = arith.constant 0 : index
    %get3A_152 = arith.constant 0 : index
    %get3A_153 = vector.load %arg3[%get3A_151, %get3A_152] : memref<5120x1xf32, #tpu.memory_space<vmem>>, vector<512x1xf32>
    %dot_general3A = arith.constant dense<0.000000e+00> : vector<512x1xf32>
    %dot_general3A_154 = tpu.matmul %convert_element_type3A_150, %get3A_153, %dot_general3A {dimension_numbers = #tpu.dot_dimension_numbers<[1], [0], [0], [1], [0, 0, 1, 1], [], []>, transpose_lhs_hint = false} : vector<512x512xf32>, vector<512x1xf32>, vector<512x1xf32> -> vector<512x1xf32>
    %add3A_155 = arith.addf %broadcast_in_dim3A_107, %dot_general3A_154 : vector<512x1xf32>
    %eq3A_156 = arith.constant 0.000000e+00 : f32
    %eq3A_157 = vector.broadcast %eq3A_156 : f32 to vector<512x1xf32>
    %eq3A_158 = arith.cmpf oeq, %add3A_155, %eq3A_157 : vector<512x1xf32>
    %convert_element_type3A_159 = arith.extui %eq3A_158 : vector<512x1xi1> to vector<512x1xi32>
    %convert_element_type3A_160 = arith.sitofp %convert_element_type3A_159 : vector<512x1xi32> to vector<512x1xf32>
    %iota3A_161 = tpu.iota {dimensions = array<i32: 0>} : vector<512x512xi32>
    %iota3A_162 = tpu.iota {dimensions = array<i32: 1>} : vector<512x512xi32>
    %get3A_163 = arith.constant 0 : index
    %get3A_164 = arith.constant 512 : index
    %get3A_165 = vector.load %arg1[%get3A_163, %get3A_164] : memref<8x5120xf32, #tpu.memory_space<vmem>>, vector<1x512xf32>
    %get3A_166 = arith.constant 1 : index
    %get3A_167 = arith.constant 512 : index
    %get3A_168 = vector.load %arg1[%get3A_166, %get3A_167] : memref<8x5120xf32, #tpu.memory_space<vmem>>, vector<1x512xf32>
    %get3A_169 = arith.constant 2 : index
    %get3A_170 = arith.constant 512 : index
    %get3A_171 = vector.load %arg1[%get3A_169, %get3A_170] : memref<8x5120xf32, #tpu.memory_space<vmem>>, vector<1x512xf32>
    %get3A_172 = arith.constant 3 : index
    %get3A_173 = arith.constant 512 : index
    %get3A_174 = vector.load %arg1[%get3A_172, %get3A_173] : memref<8x5120xf32, #tpu.memory_space<vmem>>, vector<1x512xf32>
    %sub3A_175 = arith.subf %get3A_171, %get3A_165 : vector<1x512xf32>
    %mul3A_176 = arith.constant 5.000000e-01 : f32
    %mul3A_177 = vector.broadcast %mul3A_176 : f32 to vector<1x512xf32>
    %mul3A_178 = arith.mulf %mul3A_177, %sub3A_175 : vector<1x512xf32>
    %sub3A_179 = arith.subf %get3A_174, %get3A_168 : vector<1x512xf32>
    %mul3A_180 = arith.mulf %mul3A_178, %sub3A_179 : vector<1x512xf32>
    %min3A_181 = vector.broadcast %get3A_171 : vector<1x512xf32> to vector<512x512xf32>
    %min3A_182 = arith.minimumf %mul3A_94, %min3A_181 : vector<512x512xf32>
    %max3A_183 = vector.broadcast %get3A_165 : vector<1x512xf32> to vector<512x512xf32>
    %max3A_184 = arith.maximumf %mul3A_84, %max3A_183 : vector<512x512xf32>
    %sub3A_185 = arith.subf %min3A_182, %max3A_184 : vector<512x512xf32>
    %max3A_186 = arith.constant 0.000000e+00 : f32
    %max3A_187 = vector.broadcast %max3A_186 : f32 to vector<512x512xf32>
    %max3A_188 = arith.maximumf %sub3A_185, %max3A_187 : vector<512x512xf32>
    %min3A_189 = vector.broadcast %get3A_174 : vector<1x512xf32> to vector<512x512xf32>
    %min3A_190 = arith.minimumf %mul3A_99, %min3A_189 : vector<512x512xf32>
    %max3A_191 = vector.broadcast %get3A_168 : vector<1x512xf32> to vector<512x512xf32>
    %max3A_192 = arith.maximumf %mul3A_89, %max3A_191 : vector<512x512xf32>
    %sub3A_193 = arith.subf %min3A_190, %max3A_192 : vector<512x512xf32>
    %max3A_194 = arith.constant 0.000000e+00 : f32
    %max3A_195 = vector.broadcast %max3A_194 : f32 to vector<512x512xf32>
    %max3A_196 = arith.maximumf %sub3A_193, %max3A_195 : vector<512x512xf32>
    %mul3A_197 = arith.mulf %max3A_188, %max3A_196 : vector<512x512xf32>
    %mul3A_198 = arith.constant 1.500000e+00 : f32
    %mul3A_199 = vector.broadcast %mul3A_198 : f32 to vector<512x512xf32>
    %mul3A_200 = arith.mulf %mul3A_199, %mul3A_197 : vector<512x512xf32>
    %add3A_201 = vector.broadcast %mul3A_180 : vector<1x512xf32> to vector<512x512xf32>
    %add3A_202 = arith.addf %mul3A_105, %add3A_201 : vector<512x512xf32>
    %gt3A_203 = arith.cmpf ogt, %mul3A_200, %add3A_202 : vector<512x512xf32>
    %lt3A_204 = arith.cmpi slt, %iota3A_162, %iota3A_161 : vector<512x512xi32>
    %and3A_205 = arith.andi %gt3A_203, %lt3A_204 : vector<512x512xi1>
    %convert_element_type3A_206 = arith.extui %and3A_205 : vector<512x512xi1> to vector<512x512xi32>
    %convert_element_type3A_207 = arith.sitofp %convert_element_type3A_206 : vector<512x512xi32> to vector<512x512xf32>
    %while3A_208 = arith.constant true
    %while3A_209:2 = scf.while (%while3A_3121 = %convert_element_type3A_160, %while3A_3122 = %while3A_208) : (vector<512x1xf32>, i1) -> (vector<512x1xf32>, i1) {
      scf.condition(%while3A_3122) %while3A_3121, %while3A_3122 : vector<512x1xf32>, i1
    } do {
    ^bb0(%while3A_3121: vector<512x1xf32>, %while3A_3122: i1):
      %dot_general3A_3123 = arith.constant dense<0.000000e+00> : vector<512x1xf32>
      %dot_general3A_3124 = tpu.matmul %convert_element_type3A_207, %while3A_3121, %dot_general3A_3123 {dimension_numbers = #tpu.dot_dimension_numbers<[1], [0], [0], [1], [0, 0, 1, 1], [], []>, transpose_lhs_hint = false} : vector<512x512xf32>, vector<512x1xf32>, vector<512x1xf32> -> vector<512x1xf32>
      %eq3A_3125 = arith.constant 0.000000e+00 : f32
      %eq3A_3126 = vector.broadcast %eq3A_3125 : f32 to vector<512x1xf32>
      %eq3A_3127 = arith.cmpf oeq, %dot_general3A_3124, %eq3A_3126 : vector<512x1xf32>
      %convert_element_type3A_3128 = arith.extui %eq3A_3127 : vector<512x1xi1> to vector<512x1xi32>
      %convert_element_type3A_3129 = arith.sitofp %convert_element_type3A_3128 : vector<512x1xi32> to vector<512x1xf32>
      %mul3A_3130 = arith.mulf %convert_element_type3A_160, %convert_element_type3A_3129 : vector<512x1xf32>
      %dot_general3A_3131 = arith.constant dense<0.000000e+00> : vector<512x1xf32>
      %dot_general3A_3132 = tpu.matmul %convert_element_type3A_207, %mul3A_3130, %dot_general3A_3131 {dimension_numbers = #tpu.dot_dimension_numbers<[1], [0], [0], [1], [0, 0, 1, 1], [], []>, transpose_lhs_hint = false} : vector<512x512xf32>, vector<512x1xf32>, vector<512x1xf32> -> vector<512x1xf32>
      %eq3A_3133 = arith.constant 0.000000e+00 : f32
      %eq3A_3134 = vector.broadcast %eq3A_3133 : f32 to vector<512x1xf32>
      %eq3A_3135 = arith.cmpf oeq, %dot_general3A_3132, %eq3A_3134 : vector<512x1xf32>
      %convert_element_type3A_3136 = arith.extui %eq3A_3135 : vector<512x1xi1> to vector<512x1xi32>
      %convert_element_type3A_3137 = arith.sitofp %convert_element_type3A_3136 : vector<512x1xi32> to vector<512x1xf32>
      %mul3A_3138 = arith.mulf %convert_element_type3A_160, %convert_element_type3A_3137 : vector<512x1xf32>
      %ne3A = arith.cmpf one, %mul3A_3138, %while3A_3121 : vector<512x1xf32>
      %reduce_or3A = arith.constant 1.000000e+00 : f32
      %reduce_or3A_3139 = arith.constant 0.000000e+00 : f32
      %reduce_or3A_3140 = vector.broadcast %reduce_or3A : f32 to vector<512x1xf32>
      %reduce_or3A_3141 = vector.broadcast %reduce_or3A_3139 : f32 to vector<512x1xf32>
      %reduce_or3A_3142 = arith.select %ne3A, %reduce_or3A_3140, %reduce_or3A_3141 : vector<512x1xi1>, vector<512x1xf32>
      %reduce_or3A_3143 = vector.shape_cast %reduce_or3A_3142 : vector<512x1xf32> to vector<1x512x1xf32>
      %reduce_or3A_3144 = arith.constant dense<0xFF800000> : vector<1xf32>
      %reduce_or3A_3145 = vector.multi_reduction <maximumf>, %reduce_or3A_3143, %reduce_or3A_3144 [1, 2] : vector<1x512x1xf32> to vector<1xf32>
      %reduce_or3A_3146 = vector.shape_cast %reduce_or3A_3145 : vector<1xf32> to vector<1x1x1xf32>
      %reduce_or3A_3147 = vector.extract %reduce_or3A_3146[0, 0, 0] : f32 from vector<1x1x1xf32>
      %reduce_or3A_3148 = arith.constant 0.000000e+00 : f32
      %reduce_or3A_3149 = arith.cmpf ogt, %reduce_or3A_3147, %reduce_or3A_3148 : f32
      scf.yield %mul3A_3138, %reduce_or3A_3149 : vector<512x1xf32>, i1
    }
    %swap3A_210 = arith.constant 512 : index
    %swap3A_211 = arith.constant 0 : index
    %swap3A_212 = vector.load %arg3[%swap3A_210, %swap3A_211] : memref<5120x1xf32, #tpu.memory_space<vmem>>, vector<512x1xf32>
    tpu.vector_store %arg3[%swap3A_210, %swap3A_211], %while3A_209#0 {strides = array<i32>} : memref<5120x1xf32, #tpu.memory_space<vmem>>, vector<512x1xf32>,
    %get3A_213 = arith.constant 512 : index
    %get3A_214 = arith.constant 0 : index
    %get3A_215 = vector.load %arg0[%get3A_213, %get3A_214] : memref<5120x128xf32, #tpu.memory_space<vmem>>, vector<512x5xf32>
    %mul3A_216 = vector.broadcast %while3A_209#0 : vector<512x1xf32> to vector<512x5xf32>
    %mul3A_217 = arith.mulf %get3A_215, %mul3A_216 : vector<512x5xf32>
    %swap3A_218 = arith.constant 512 : index
    %swap3A_219 = arith.constant 0 : index
    %swap3A_220 = vector.load %arg2[%swap3A_218, %swap3A_219] : memref<5000x5xf32, #tpu.memory_space<vmem>>, vector<512x5xf32>
    tpu.vector_store %arg2[%swap3A_218, %swap3A_219], %mul3A_217 {strides = array<i32>} : memref<5000x5xf32, #tpu.memory_space<vmem>>, vector<512x5xf32>,
    %get3A_221 = arith.constant 1024 : index
    %get3A_222 = arith.constant 0 : index
    %get3A_223 = vector.load %arg0[%get3A_221, %get3A_222] : memref<5120x128xf32, #tpu.memory_space<vmem>>, vector<512x1xf32>
    %mul3A_224 = vector.broadcast %get3A_223 : vector<512x1xf32> to vector<512x512xf32>
    %mul3A_225 = arith.mulf %mul3A_224, %broadcast_in_dim3A_0 : vector<512x512xf32>
    %get3A_226 = arith.constant 1024 : index
    %get3A_227 = arith.constant 1 : index
    %get3A_228 = vector.load %arg0[%get3A_226, %get3A_227] : memref<5120x128xf32, #tpu.memory_space<vmem>>, vector<512x1xf32>
    %mul3A_229 = vector.broadcast %get3A_228 : vector<512x1xf32> to vector<512x512xf32>
    %mul3A_230 = arith.mulf %mul3A_229, %broadcast_in_dim3A_0 : vector<512x512xf32>
    %get3A_231 = arith.constant 1024 : index
    %get3A_232 = arith.constant 2 : index
    %get3A_233 = vector.load %arg0[%get3A_231, %get3A_232] : memref<5120x128xf32, #tpu.memory_space<vmem>>, vector<512x1xf32>
    %mul3A_234 = vector.broadcast %get3A_233 : vector<512x1xf32> to vector<512x512xf32>
    %mul3A_235 = arith.mulf %mul3A_234, %broadcast_in_dim3A_0 : vector<512x512xf32>
    %get3A_236 = arith.constant 1024 : index
    %get3A_237 = arith.constant 3 : index
    %get3A_238 = vector.load %arg0[%get3A_236, %get3A_237] : memref<5120x128xf32, #tpu.memory_space<vmem>>, vector<512x1xf32>
    %mul3A_239 = vector.broadcast %get3A_238 : vector<512x1xf32> to vector<512x512xf32>
    %mul3A_240 = arith.mulf %mul3A_239, %broadcast_in_dim3A_0 : vector<512x512xf32>
    %sub3A_241 = arith.subf %mul3A_235, %mul3A_225 : vector<512x512xf32>
    %mul3A_242 = arith.constant 5.000000e-01 : f32
    %mul3A_243 = vector.broadcast %mul3A_242 : f32 to vector<512x512xf32>
    %mul3A_244 = arith.mulf %mul3A_243, %sub3A_241 : vector<512x512xf32>
    %sub3A_245 = arith.subf %mul3A_240, %mul3A_230 : vector<512x512xf32>
    %mul3A_246 = arith.mulf %mul3A_244, %sub3A_245 : vector<512x512xf32>
    %broadcast_in_dim3A_247 = arith.constant 0.000000e+00 : f32
    %broadcast_in_dim3A_248 = vector.broadcast %broadcast_in_dim3A_247 : f32 to vector<512x1xf32>
    %get3A_249 = arith.constant 0 : index
    %get3A_250 = arith.constant 0 : index
    %get3A_251 = vector.load %arg1[%get3A_249, %get3A_250] : memref<8x5120xf32, #tpu.memory_space<vmem>>, vector<1x512xf32>
    %get3A_252 = arith.constant 1 : index
    %get3A_253 = arith.constant 0 : index
    %get3A_254 = vector.load %arg1[%get3A_252, %get3A_253] : memref<8x5120xf32, #tpu.memory_space<vmem>>, vector<1x512xf32>
    %get3A_255 = arith.constant 2 : index
    %get3A_256 = arith.constant 0 : index
    %get3A_257 = vector.load %arg1[%get3A_255, %get3A_256] : memref<8x5120xf32, #tpu.memory_space<vmem>>, vector<1x512xf32>
    %get3A_258 = arith.constant 3 : index
    %get3A_259 = arith.constant 0 : index
    %get3A_260 = vector.load %arg1[%get3A_258, %get3A_259] : memref<8x5120xf32, #tpu.memory_space<vmem>>, vector<1x512xf32>
    %sub3A_261 = arith.subf %get3A_257, %get3A_251 : vector<1x512xf32>
    %mul3A_262 = arith.constant 5.000000e-01 : f32
    %mul3A_263 = vector.broadcast %mul3A_262 : f32 to vector<1x512xf32>
    %mul3A_264 = arith.mulf %mul3A_263, %sub3A_261 : vector<1x512xf32>
    %sub3A_265 = arith.subf %get3A_260, %get3A_254 : vector<1x512xf32>
    %mul3A_266 = arith.mulf %mul3A_264, %sub3A_265 : vector<1x512xf32>
    %min3A_267 = vector.broadcast %get3A_257 : vector<1x512xf32> to vector<512x512xf32>
    %min3A_268 = arith.minimumf %mul3A_235, %min3A_267 : vector<512x512xf32>
    %max3A_269 = vector.broadcast %get3A_251 : vector<1x512xf32> to vector<512x512xf32>
    %max3A_270 = arith.maximumf %mul3A_225, %max3A_269 : vector<512x512xf32>
    %sub3A_271 = arith.subf %min3A_268, %max3A_270 : vector<512x512xf32>
    %max3A_272 = arith.constant 0.000000e+00 : f32
    %max3A_273 = vector.broadcast %max3A_272 : f32 to vector<512x512xf32>
    %max3A_274 = arith.maximumf %sub3A_271, %max3A_273 : vector<512x512xf32>
    %min3A_275 = vector.broadcast %get3A_260 : vector<1x512xf32> to vector<512x512xf32>
    %min3A_276 = arith.minimumf %mul3A_240, %min3A_275 : vector<512x512xf32>
    %max3A_277 = vector.broadcast %get3A_254 : vector<1x512xf32> to vector<512x512xf32>
    %max3A_278 = arith.maximumf %mul3A_230, %max3A_277 : vector<512x512xf32>
    %sub3A_279 = arith.subf %min3A_276, %max3A_278 : vector<512x512xf32>
    %max3A_280 = arith.constant 0.000000e+00 : f32
    %max3A_281 = vector.broadcast %max3A_280 : f32 to vector<512x512xf32>
    %max3A_282 = arith.maximumf %sub3A_279, %max3A_281 : vector<512x512xf32>
    %mul3A_283 = arith.mulf %max3A_274, %max3A_282 : vector<512x512xf32>
    %mul3A_284 = arith.constant 1.500000e+00 : f32
    %mul3A_285 = vector.broadcast %mul3A_284 : f32 to vector<512x512xf32>
    %mul3A_286 = arith.mulf %mul3A_285, %mul3A_283 : vector<512x512xf32>
    %add3A_287 = vector.broadcast %mul3A_266 : vector<1x512xf32> to vector<512x512xf32>
    %add3A_288 = arith.addf %mul3A_246, %add3A_287 : vector<512x512xf32>
    %gt3A_289 = arith.cmpf ogt, %mul3A_286, %add3A_288 : vector<512x512xf32>
    %convert_element_type3A_290 = arith.extui %gt3A_289 : vector<512x512xi1> to vector<512x512xi32>
    %convert_element_type3A_291 = arith.sitofp %convert_element_type3A_290 : vector<512x512xi32> to vector<512x512xf32>
    %get3A_292 = arith.constant 0 : index
    %get3A_293 = arith.constant 0 : index
    %get3A_294 = vector.load %arg3[%get3A_292, %get3A_293] : memref<5120x1xf32, #tpu.memory_space<vmem>>, vector<512x1xf32>
    %dot_general3A_295 = arith.constant dense<0.000000e+00> : vector<512x1xf32>
    %dot_general3A_296 = tpu.matmul %convert_element_type3A_291, %get3A_294, %dot_general3A_295 {dimension_numbers = #tpu.dot_dimension_numbers<[1], [0], [0], [1], [0, 0, 1, 1], [], []>, transpose_lhs_hint = false} : vector<512x512xf32>, vector<512x1xf32>, vector<512x1xf32> -> vector<512x1xf32>
    %add3A_297 = arith.addf %broadcast_in_dim3A_248, %dot_general3A_296 : vector<512x1xf32>
    %get3A_298 = arith.constant 0 : index
    %get3A_299 = arith.constant 512 : index
    %get3A_300 = vector.load %arg1[%get3A_298, %get3A_299] : memref<8x5120xf32, #tpu.memory_space<vmem>>, vector<1x512xf32>
    %get3A_301 = arith.constant 1 : index
    %get3A_302 = arith.constant 512 : index
    %get3A_303 = vector.load %arg1[%get3A_301, %get3A_302] : memref<8x5120xf32, #tpu.memory_space<vmem>>, vector<1x512xf32>
    %get3A_304 = arith.constant 2 : index
    %get3A_305 = arith.constant 512 : index
    %get3A_306 = vector.load %arg1[%get3A_304, %get3A_305] : memref<8x5120xf32, #tpu.memory_space<vmem>>, vector<1x512xf32>
    %get3A_307 = arith.constant 3 : index
    %get3A_308 = arith.constant 512 : index
    %get3A_309 = vector.load %arg1[%get3A_307, %get3A_308] : memref<8x5120xf32, #tpu.memory_space<vmem>>, vector<1x512xf32>
    %sub3A_310 = arith.subf %get3A_306, %get3A_300 : vector<1x512xf32>
    %mul3A_311 = arith.constant 5.000000e-01 : f32
    %mul3A_312 = vector.broadcast %mul3A_311 : f32 to vector<1x512xf32>
    %mul3A_313 = arith.mulf %mul3A_312, %sub3A_310 : vector<1x512xf32>
    %sub3A_314 = arith.subf %get3A_309, %get3A_303 : vector<1x512xf32>
    %mul3A_315 = arith.mulf %mul3A_313, %sub3A_314 : vector<1x512xf32>
    %min3A_316 = vector.broadcast %get3A_306 : vector<1x512xf32> to vector<512x512xf32>
    %min3A_317 = arith.minimumf %mul3A_235, %min3A_316 : vector<512x512xf32>
    %max3A_318 = vector.broadcast %get3A_300 : vector<1x512xf32> to vector<512x512xf32>
    %max3A_319 = arith.maximumf %mul3A_225, %max3A_318 : vector<512x512xf32>
    %sub3A_320 = arith.subf %min3A_317, %max3A_319 : vector<512x512xf32>
    %max3A_321 = arith.constant 0.000000e+00 : f32
    %max3A_322 = vector.broadcast %max3A_321 : f32 to vector<512x512xf32>
    %max3A_323 = arith.maximumf %sub3A_320, %max3A_322 : vector<512x512xf32>
    %min3A_324 = vector.broadcast %get3A_309 : vector<1x512xf32> to vector<512x512xf32>
    %min3A_325 = arith.minimumf %mul3A_240, %min3A_324 : vector<512x512xf32>
    %max3A_326 = vector.broadcast %get3A_303 : vector<1x512xf32> to vector<512x512xf32>
    %max3A_327 = arith.maximumf %mul3A_230, %max3A_326 : vector<512x512xf32>
    %sub3A_328 = arith.subf %min3A_325, %max3A_327 : vector<512x512xf32>
    %max3A_329 = arith.constant 0.000000e+00 : f32
    %max3A_330 = vector.broadcast %max3A_329 : f32 to vector<512x512xf32>
    %max3A_331 = arith.maximumf %sub3A_328, %max3A_330 : vector<512x512xf32>
    %mul3A_332 = arith.mulf %max3A_323, %max3A_331 : vector<512x512xf32>
    %mul3A_333 = arith.constant 1.500000e+00 : f32
    %mul3A_334 = vector.broadcast %mul3A_333 : f32 to vector<512x512xf32>
    %mul3A_335 = arith.mulf %mul3A_334, %mul3A_332 : vector<512x512xf32>
    %add3A_336 = vector.broadcast %mul3A_315 : vector<1x512xf32> to vector<512x512xf32>
    %add3A_337 = arith.addf %mul3A_246, %add3A_336 : vector<512x512xf32>
    %gt3A_338 = arith.cmpf ogt, %mul3A_335, %add3A_337 : vector<512x512xf32>
    %convert_element_type3A_339 = arith.extui %gt3A_338 : vector<512x512xi1> to vector<512x512xi32>
    %convert_element_type3A_340 = arith.sitofp %convert_element_type3A_339 : vector<512x512xi32> to vector<512x512xf32>
    %get3A_341 = arith.constant 512 : index
    %get3A_342 = arith.constant 0 : index
    %get3A_343 = vector.load %arg3[%get3A_341, %get3A_342] : memref<5120x1xf32, #tpu.memory_space<vmem>>, vector<512x1xf32>
    %dot_general3A_344 = arith.constant dense<0.000000e+00> : vector<512x1xf32>
    %dot_general3A_345 = tpu.matmul %convert_element_type3A_340, %get3A_343, %dot_general3A_344 {dimension_numbers = #tpu.dot_dimension_numbers<[1], [0], [0], [1], [0, 0, 1, 1], [], []>, transpose_lhs_hint = false} : vector<512x512xf32>, vector<512x1xf32>, vector<512x1xf32> -> vector<512x1xf32>
    %add3A_346 = arith.addf %add3A_297, %dot_general3A_345 : vector<512x1xf32>
    %eq3A_347 = arith.constant 0.000000e+00 : f32
    %eq3A_348 = vector.broadcast %eq3A_347 : f32 to vector<512x1xf32>
    %eq3A_349 = arith.cmpf oeq, %add3A_346, %eq3A_348 : vector<512x1xf32>
    %convert_element_type3A_350 = arith.extui %eq3A_349 : vector<512x1xi1> to vector<512x1xi32>
    %convert_element_type3A_351 = arith.sitofp %convert_element_type3A_350 : vector<512x1xi32> to vector<512x1xf32>
    %iota3A_352 = tpu.iota {dimensions = array<i32: 0>} : vector<512x512xi32>
    %iota3A_353 = tpu.iota {dimensions = array<i32: 1>} : vector<512x512xi32>
    %get3A_354 = arith.constant 0 : index
    %get3A_355 = arith.constant 1024 : index
    %get3A_356 = vector.load %arg1[%get3A_354, %get3A_355] : memref<8x5120xf32, #tpu.memory_space<vmem>>, vector<1x512xf32>
    %get3A_357 = arith.constant 1 : index
    %get3A_358 = arith.constant 1024 : index
    %get3A_359 = vector.load %arg1[%get3A_357, %get3A_358] : memref<8x5120xf32, #tpu.memory_space<vmem>>, vector<1x512xf32>
    %get3A_360 = arith.constant 2 : index
    %get3A_361 = arith.constant 1024 : index
    %get3A_362 = vector.load %arg1[%get3A_360, %get3A_361] : memref<8x5120xf32, #tpu.memory_space<vmem>>, vector<1x512xf32>
    %get3A_363 = arith.constant 3 : index
    %get3A_364 = arith.constant 1024 : index
    %get3A_365 = vector.load %arg1[%get3A_363, %get3A_364] : memref<8x5120xf32, #tpu.memory_space<vmem>>, vector<1x512xf32>
    %sub3A_366 = arith.subf %get3A_362, %get3A_356 : vector<1x512xf32>
    %mul3A_367 = arith.constant 5.000000e-01 : f32
    %mul3A_368 = vector.broadcast %mul3A_367 : f32 to vector<1x512xf32>
    %mul3A_369 = arith.mulf %mul3A_368, %sub3A_366 : vector<1x512xf32>
    %sub3A_370 = arith.subf %get3A_365, %get3A_359 : vector<1x512xf32>
    %mul3A_371 = arith.mulf %mul3A_369, %sub3A_370 : vector<1x512xf32>
    %min3A_372 = vector.broadcast %get3A_362 : vector<1x512xf32> to vector<512x512xf32>
    %min3A_373 = arith.minimumf %mul3A_235, %min3A_372 : vector<512x512xf32>
    %max3A_374 = vector.broadcast %get3A_356 : vector<1x512xf32> to vector<512x512xf32>
    %max3A_375 = arith.maximumf %mul3A_225, %max3A_374 : vector<512x512xf32>
    %sub3A_376 = arith.subf %min3A_373, %max3A_375 : vector<512x512xf32>
    %max3A_377 = arith.constant 0.000000e+00 : f32
    %max3A_378 = vector.broadcast %max3A_377 : f32 to vector<512x512xf32>
    %max3A_379 = arith.maximumf %sub3A_376, %max3A_378 : vector<512x512xf32>
    %min3A_380 = vector.broadcast %get3A_365 : vector<1x512xf32> to vector<512x512xf32>
    %min3A_381 = arith.minimumf %mul3A_240, %min3A_380 : vector<512x512xf32>
    %max3A_382 = vector.broadcast %get3A_359 : vector<1x512xf32> to vector<512x512xf32>
    %max3A_383 = arith.maximumf %mul3A_230, %max3A_382 : vector<512x512xf32>
    %sub3A_384 = arith.subf %min3A_381, %max3A_383 : vector<512x512xf32>
    %max3A_385 = arith.constant 0.000000e+00 : f32
    %max3A_386 = vector.broadcast %max3A_385 : f32 to vector<512x512xf32>
    %max3A_387 = arith.maximumf %sub3A_384, %max3A_386 : vector<512x512xf32>
    %mul3A_388 = arith.mulf %max3A_379, %max3A_387 : vector<512x512xf32>
    %mul3A_389 = arith.constant 1.500000e+00 : f32
    %mul3A_390 = vector.broadcast %mul3A_389 : f32 to vector<512x512xf32>
    %mul3A_391 = arith.mulf %mul3A_390, %mul3A_388 : vector<512x512xf32>
    %add3A_392 = vector.broadcast %mul3A_371 : vector<1x512xf32> to vector<512x512xf32>
    %add3A_393 = arith.addf %mul3A_246, %add3A_392 : vector<512x512xf32>
    %gt3A_394 = arith.cmpf ogt, %mul3A_391, %add3A_393 : vector<512x512xf32>
    %lt3A_395 = arith.cmpi slt, %iota3A_353, %iota3A_352 : vector<512x512xi32>
    %and3A_396 = arith.andi %gt3A_394, %lt3A_395 : vector<512x512xi1>
    %convert_element_type3A_397 = arith.extui %and3A_396 : vector<512x512xi1> to vector<512x512xi32>
    %convert_element_type3A_398 = arith.sitofp %convert_element_type3A_397 : vector<512x512xi32> to vector<512x512xf32>
    %while3A_399 = arith.constant true
    %while3A_400:2 = scf.while (%while3A_3121 = %convert_element_type3A_351, %while3A_3122 = %while3A_399) : (vector<512x1xf32>, i1) -> (vector<512x1xf32>, i1) {
      scf.condition(%while3A_3122) %while3A_3121, %while3A_3122 : vector<512x1xf32>, i1
    } do {
    ^bb0(%while3A_3121: vector<512x1xf32>, %while3A_3122: i1):
      %dot_general3A_3123 = arith.constant dense<0.000000e+00> : vector<512x1xf32>
      %dot_general3A_3124 = tpu.matmul %convert_element_type3A_398, %while3A_3121, %dot_general3A_3123 {dimension_numbers = #tpu.dot_dimension_numbers<[1], [0], [0], [1], [0, 0, 1, 1], [], []>, transpose_lhs_hint = false} : vector<512x512xf32>, vector<512x1xf32>, vector<512x1xf32> -> vector<512x1xf32>
      %eq3A_3125 = arith.constant 0.000000e+00 : f32
      %eq3A_3126 = vector.broadcast %eq3A_3125 : f32 to vector<512x1xf32>
      %eq3A_3127 = arith.cmpf oeq, %dot_general3A_3124, %eq3A_3126 : vector<512x1xf32>
      %convert_element_type3A_3128 = arith.extui %eq3A_3127 : vector<512x1xi1> to vector<512x1xi32>
      %convert_element_type3A_3129 = arith.sitofp %convert_element_type3A_3128 : vector<512x1xi32> to vector<512x1xf32>
      %mul3A_3130 = arith.mulf %convert_element_type3A_351, %convert_element_type3A_3129 : vector<512x1xf32>
      %dot_general3A_3131 = arith.constant dense<0.000000e+00> : vector<512x1xf32>
      %dot_general3A_3132 = tpu.matmul %convert_element_type3A_398, %mul3A_3130, %dot_general3A_3131 {dimension_numbers = #tpu.dot_dimension_numbers<[1], [0], [0], [1], [0, 0, 1, 1], [], []>, transpose_lhs_hint = false} : vector<512x512xf32>, vector<512x1xf32>, vector<512x1xf32> -> vector<512x1xf32>
      %eq3A_3133 = arith.constant 0.000000e+00 : f32
      %eq3A_3134 = vector.broadcast %eq3A_3133 : f32 to vector<512x1xf32>
      %eq3A_3135 = arith.cmpf oeq, %dot_general3A_3132, %eq3A_3134 : vector<512x1xf32>
      %convert_element_type3A_3136 = arith.extui %eq3A_3135 : vector<512x1xi1> to vector<512x1xi32>
      %convert_element_type3A_3137 = arith.sitofp %convert_element_type3A_3136 : vector<512x1xi32> to vector<512x1xf32>
      %mul3A_3138 = arith.mulf %convert_element_type3A_351, %convert_element_type3A_3137 : vector<512x1xf32>
      %ne3A = arith.cmpf one, %mul3A_3138, %while3A_3121 : vector<512x1xf32>
      %reduce_or3A = arith.constant 1.000000e+00 : f32
      %reduce_or3A_3139 = arith.constant 0.000000e+00 : f32
      %reduce_or3A_3140 = vector.broadcast %reduce_or3A : f32 to vector<512x1xf32>
      %reduce_or3A_3141 = vector.broadcast %reduce_or3A_3139 : f32 to vector<512x1xf32>
      %reduce_or3A_3142 = arith.select %ne3A, %reduce_or3A_3140, %reduce_or3A_3141 : vector<512x1xi1>, vector<512x1xf32>
      %reduce_or3A_3143 = vector.shape_cast %reduce_or3A_3142 : vector<512x1xf32> to vector<1x512x1xf32>
      %reduce_or3A_3144 = arith.constant dense<0xFF800000> : vector<1xf32>
      %reduce_or3A_3145 = vector.multi_reduction <maximumf>, %reduce_or3A_3143, %reduce_or3A_3144 [1, 2] : vector<1x512x1xf32> to vector<1xf32>
      %reduce_or3A_3146 = vector.shape_cast %reduce_or3A_3145 : vector<1xf32> to vector<1x1x1xf32>
      %reduce_or3A_3147 = vector.extract %reduce_or3A_3146[0, 0, 0] : f32 from vector<1x1x1xf32>
      %reduce_or3A_3148 = arith.constant 0.000000e+00 : f32
      %reduce_or3A_3149 = arith.cmpf ogt, %reduce_or3A_3147, %reduce_or3A_3148 : f32
      scf.yield %mul3A_3138, %reduce_or3A_3149 : vector<512x1xf32>, i1
    }
    %swap3A_401 = arith.constant 1024 : index
    %swap3A_402 = arith.constant 0 : index
    %swap3A_403 = vector.load %arg3[%swap3A_401, %swap3A_402] : memref<5120x1xf32, #tpu.memory_space<vmem>>, vector<512x1xf32>
    tpu.vector_store %arg3[%swap3A_401, %swap3A_402], %while3A_400#0 {strides = array<i32>} : memref<5120x1xf32, #tpu.memory_space<vmem>>, vector<512x1xf32>,
    %get3A_404 = arith.constant 1024 : index
    %get3A_405 = arith.constant 0 : index
    %get3A_406 = vector.load %arg0[%get3A_404, %get3A_405] : memref<5120x128xf32, #tpu.memory_space<vmem>>, vector<512x5xf32>
    %mul3A_407 = vector.broadcast %while3A_400#0 : vector<512x1xf32> to vector<512x5xf32>
    %mul3A_408 = arith.mulf %get3A_406, %mul3A_407 : vector<512x5xf32>
    %swap3A_409 = arith.constant 1024 : index
    %swap3A_410 = arith.constant 0 : index
    %swap3A_411 = vector.load %arg2[%swap3A_409, %swap3A_410] : memref<5000x5xf32, #tpu.memory_space<vmem>>, vector<512x5xf32>
    tpu.vector_store %arg2[%swap3A_409, %swap3A_410], %mul3A_408 {strides = array<i32>} : memref<5000x5xf32, #tpu.memory_space<vmem>>, vector<512x5xf32>,
    %get3A_412 = arith.constant 1536 : index
    %get3A_413 = arith.constant 0 : index
    %get3A_414 = vector.load %arg0[%get3A_412, %get3A_413] : memref<5120x128xf32, #tpu.memory_space<vmem>>, vector<512x1xf32>
    %mul3A_415 = vector.broadcast %get3A_414 : vector<512x1xf32> to vector<512x512xf32>
    %mul3A_416 = arith.mulf %mul3A_415, %broadcast_in_dim3A_0 : vector<512x512xf32>
    %get3A_417 = arith.constant 1536 : index
    %get3A_418 = arith.constant 1 : index
    %get3A_419 = vector.load %arg0[%get3A_417, %get3A_418] : memref<5120x128xf32, #tpu.memory_space<vmem>>, vector<512x1xf32>
    %mul3A_420 = vector.broadcast %get3A_419 : vector<512x1xf32> to vector<512x512xf32>
    %mul3A_421 = arith.mulf %mul3A_420, %broadcast_in_dim3A_0 : vector<512x512xf32>
    %get3A_422 = arith.constant 1536 : index
    %get3A_423 = arith.constant 2 : index
    %get3A_424 = vector.load %arg0[%get3A_422, %get3A_423] : memref<5120x128xf32, #tpu.memory_space<vmem>>, vector<512x1xf32>
    %mul3A_425 = vector.broadcast %get3A_424 : vector<512x1xf32> to vector<512x512xf32>
    %mul3A_426 = arith.mulf %mul3A_425, %broadcast_in_dim3A_0 : vector<512x512xf32>
    %get3A_427 = arith.constant 1536 : index
    %get3A_428 = arith.constant 3 : index
    %get3A_429 = vector.load %arg0[%get3A_427, %get3A_428] : memref<5120x128xf32, #tpu.memory_space<vmem>>, vector<512x1xf32>
    %mul3A_430 = vector.broadcast %get3A_429 : vector<512x1xf32> to vector<512x512xf32>
    %mul3A_431 = arith.mulf %mul3A_430, %broadcast_in_dim3A_0 : vector<512x512xf32>
    %sub3A_432 = arith.subf %mul3A_426, %mul3A_416 : vector<512x512xf32>
    %mul3A_433 = arith.constant 5.000000e-01 : f32
    %mul3A_434 = vector.broadcast %mul3A_433 : f32 to vector<512x512xf32>
    %mul3A_435 = arith.mulf %mul3A_434, %sub3A_432 : vector<512x512xf32>
    %sub3A_436 = arith.subf %mul3A_431, %mul3A_421 : vector<512x512xf32>
    %mul3A_437 = arith.mulf %mul3A_435, %sub3A_436 : vector<512x512xf32>
    %broadcast_in_dim3A_438 = arith.constant 0.000000e+00 : f32
    %broadcast_in_dim3A_439 = vector.broadcast %broadcast_in_dim3A_438 : f32 to vector<512x1xf32>
    %get3A_440 = arith.constant 0 : index
    %get3A_441 = arith.constant 0 : index
    %get3A_442 = vector.load %arg1[%get3A_440, %get3A_441] : memref<8x5120xf32, #tpu.memory_space<vmem>>, vector<1x512xf32>
    %get3A_443 = arith.constant 1 : index
    %get3A_444 = arith.constant 0 : index
    %get3A_445 = vector.load %arg1[%get3A_443, %get3A_444] : memref<8x5120xf32, #tpu.memory_space<vmem>>, vector<1x512xf32>
    %get3A_446 = arith.constant 2 : index
    %get3A_447 = arith.constant 0 : index
    %get3A_448 = vector.load %arg1[%get3A_446, %get3A_447] : memref<8x5120xf32, #tpu.memory_space<vmem>>, vector<1x512xf32>
    %get3A_449 = arith.constant 3 : index
    %get3A_450 = arith.constant 0 : index
    %get3A_451 = vector.load %arg1[%get3A_449, %get3A_450] : memref<8x5120xf32, #tpu.memory_space<vmem>>, vector<1x512xf32>
    %sub3A_452 = arith.subf %get3A_448, %get3A_442 : vector<1x512xf32>
    %mul3A_453 = arith.constant 5.000000e-01 : f32
    %mul3A_454 = vector.broadcast %mul3A_453 : f32 to vector<1x512xf32>
    %mul3A_455 = arith.mulf %mul3A_454, %sub3A_452 : vector<1x512xf32>
    %sub3A_456 = arith.subf %get3A_451, %get3A_445 : vector<1x512xf32>
    %mul3A_457 = arith.mulf %mul3A_455, %sub3A_456 : vector<1x512xf32>
    %min3A_458 = vector.broadcast %get3A_448 : vector<1x512xf32> to vector<512x512xf32>
    %min3A_459 = arith.minimumf %mul3A_426, %min3A_458 : vector<512x512xf32>
    %max3A_460 = vector.broadcast %get3A_442 : vector<1x512xf32> to vector<512x512xf32>
    %max3A_461 = arith.maximumf %mul3A_416, %max3A_460 : vector<512x512xf32>
    %sub3A_462 = arith.subf %min3A_459, %max3A_461 : vector<512x512xf32>
    %max3A_463 = arith.constant 0.000000e+00 : f32
    %max3A_464 = vector.broadcast %max3A_463 : f32 to vector<512x512xf32>
    %max3A_465 = arith.maximumf %sub3A_462, %max3A_464 : vector<512x512xf32>
    %min3A_466 = vector.broadcast %get3A_451 : vector<1x512xf32> to vector<512x512xf32>
    %min3A_467 = arith.minimumf %mul3A_431, %min3A_466 : vector<512x512xf32>
    %max3A_468 = vector.broadcast %get3A_445 : vector<1x512xf32> to vector<512x512xf32>
    %max3A_469 = arith.maximumf %mul3A_421, %max3A_468 : vector<512x512xf32>
    %sub3A_470 = arith.subf %min3A_467, %max3A_469 : vector<512x512xf32>
    %max3A_471 = arith.constant 0.000000e+00 : f32
    %max3A_472 = vector.broadcast %max3A_471 : f32 to vector<512x512xf32>
    %max3A_473 = arith.maximumf %sub3A_470, %max3A_472 : vector<512x512xf32>
    %mul3A_474 = arith.mulf %max3A_465, %max3A_473 : vector<512x512xf32>
    %mul3A_475 = arith.constant 1.500000e+00 : f32
    %mul3A_476 = vector.broadcast %mul3A_475 : f32 to vector<512x512xf32>
    %mul3A_477 = arith.mulf %mul3A_476, %mul3A_474 : vector<512x512xf32>
    %add3A_478 = vector.broadcast %mul3A_457 : vector<1x512xf32> to vector<512x512xf32>
    %add3A_479 = arith.addf %mul3A_437, %add3A_478 : vector<512x512xf32>
    %gt3A_480 = arith.cmpf ogt, %mul3A_477, %add3A_479 : vector<512x512xf32>
    %convert_element_type3A_481 = arith.extui %gt3A_480 : vector<512x512xi1> to vector<512x512xi32>
    %convert_element_type3A_482 = arith.sitofp %convert_element_type3A_481 : vector<512x512xi32> to vector<512x512xf32>
    %get3A_483 = arith.constant 0 : index
    %get3A_484 = arith.constant 0 : index
    %get3A_485 = vector.load %arg3[%get3A_483, %get3A_484] : memref<5120x1xf32, #tpu.memory_space<vmem>>, vector<512x1xf32>
    %dot_general3A_486 = arith.constant dense<0.000000e+00> : vector<512x1xf32>
    %dot_general3A_487 = tpu.matmul %convert_element_type3A_482, %get3A_485, %dot_general3A_486 {dimension_numbers = #tpu.dot_dimension_numbers<[1], [0], [0], [1], [0, 0, 1, 1], [], []>, transpose_lhs_hint = false} : vector<512x512xf32>, vector<512x1xf32>, vector<512x1xf32> -> vector<512x1xf32>
    %add3A_488 = arith.addf %broadcast_in_dim3A_439, %dot_general3A_487 : vector<512x1xf32>
    %get3A_489 = arith.constant 0 : index
    %get3A_490 = arith.constant 512 : index
    %get3A_491 = vector.load %arg1[%get3A_489, %get3A_490] : memref<8x5120xf32, #tpu.memory_space<vmem>>, vector<1x512xf32>
    %get3A_492 = arith.constant 1 : index
    %get3A_493 = arith.constant 512 : index
    %get3A_494 = vector.load %arg1[%get3A_492, %get3A_493] : memref<8x5120xf32, #tpu.memory_space<vmem>>, vector<1x512xf32>
    %get3A_495 = arith.constant 2 : index
    %get3A_496 = arith.constant 512 : index
    %get3A_497 = vector.load %arg1[%get3A_495, %get3A_496] : memref<8x5120xf32, #tpu.memory_space<vmem>>, vector<1x512xf32>
    %get3A_498 = arith.constant 3 : index
    %get3A_499 = arith.constant 512 : index
    %get3A_500 = vector.load %arg1[%get3A_498, %get3A_499] : memref<8x5120xf32, #tpu.memory_space<vmem>>, vector<1x512xf32>
    %sub3A_501 = arith.subf %get3A_497, %get3A_491 : vector<1x512xf32>
    %mul3A_502 = arith.constant 5.000000e-01 : f32
    %mul3A_503 = vector.broadcast %mul3A_502 : f32 to vector<1x512xf32>
    %mul3A_504 = arith.mulf %mul3A_503, %sub3A_501 : vector<1x512xf32>
    %sub3A_505 = arith.subf %get3A_500, %get3A_494 : vector<1x512xf32>
    %mul3A_506 = arith.mulf %mul3A_504, %sub3A_505 : vector<1x512xf32>
    %min3A_507 = vector.broadcast %get3A_497 : vector<1x512xf32> to vector<512x512xf32>
    %min3A_508 = arith.minimumf %mul3A_426, %min3A_507 : vector<512x512xf32>
    %max3A_509 = vector.broadcast %get3A_491 : vector<1x512xf32> to vector<512x512xf32>
    %max3A_510 = arith.maximumf %mul3A_416, %max3A_509 : vector<512x512xf32>
    %sub3A_511 = arith.subf %min3A_508, %max3A_510 : vector<512x512xf32>
    %max3A_512 = arith.constant 0.000000e+00 : f32
    %max3A_513 = vector.broadcast %max3A_512 : f32 to vector<512x512xf32>
    %max3A_514 = arith.maximumf %sub3A_511, %max3A_513 : vector<512x512xf32>
    %min3A_515 = vector.broadcast %get3A_500 : vector<1x512xf32> to vector<512x512xf32>
    %min3A_516 = arith.minimumf %mul3A_431, %min3A_515 : vector<512x512xf32>
    %max3A_517 = vector.broadcast %get3A_494 : vector<1x512xf32> to vector<512x512xf32>
    %max3A_518 = arith.maximumf %mul3A_421, %max3A_517 : vector<512x512xf32>
    %sub3A_519 = arith.subf %min3A_516, %max3A_518 : vector<512x512xf32>
    %max3A_520 = arith.constant 0.000000e+00 : f32
    %max3A_521 = vector.broadcast %max3A_520 : f32 to vector<512x512xf32>
    %max3A_522 = arith.maximumf %sub3A_519, %max3A_521 : vector<512x512xf32>
    %mul3A_523 = arith.mulf %max3A_514, %max3A_522 : vector<512x512xf32>
    %mul3A_524 = arith.constant 1.500000e+00 : f32
    %mul3A_525 = vector.broadcast %mul3A_524 : f32 to vector<512x512xf32>
    %mul3A_526 = arith.mulf %mul3A_525, %mul3A_523 : vector<512x512xf32>
    %add3A_527 = vector.broadcast %mul3A_506 : vector<1x512xf32> to vector<512x512xf32>
    %add3A_528 = arith.addf %mul3A_437, %add3A_527 : vector<512x512xf32>
    %gt3A_529 = arith.cmpf ogt, %mul3A_526, %add3A_528 : vector<512x512xf32>
    %convert_element_type3A_530 = arith.extui %gt3A_529 : vector<512x512xi1> to vector<512x512xi32>
    %convert_element_type3A_531 = arith.sitofp %convert_element_type3A_530 : vector<512x512xi32> to vector<512x512xf32>
    %get3A_532 = arith.constant 512 : index
    %get3A_533 = arith.constant 0 : index
    %get3A_534 = vector.load %arg3[%get3A_532, %get3A_533] : memref<5120x1xf32, #tpu.memory_space<vmem>>, vector<512x1xf32>
    %dot_general3A_535 = arith.constant dense<0.000000e+00> : vector<512x1xf32>
    %dot_general3A_536 = tpu.matmul %convert_element_type3A_531, %get3A_534, %dot_general3A_535 {dimension_numbers = #tpu.dot_dimension_numbers<[1], [0], [0], [1], [0, 0, 1, 1], [], []>, transpose_lhs_hint = false} : vector<512x512xf32>, vector<512x1xf32>, vector<512x1xf32> -> vector<512x1xf32>
    %add3A_537 = arith.addf %add3A_488, %dot_general3A_536 : vector<512x1xf32>
    %get3A_538 = arith.constant 0 : index
    %get3A_539 = arith.constant 1024 : index
    %get3A_540 = vector.load %arg1[%get3A_538, %get3A_539] : memref<8x5120xf32, #tpu.memory_space<vmem>>, vector<1x512xf32>
    %get3A_541 = arith.constant 1 : index
    %get3A_542 = arith.constant 1024 : index
    %get3A_543 = vector.load %arg1[%get3A_541, %get3A_542] : memref<8x5120xf32, #tpu.memory_space<vmem>>, vector<1x512xf32>
    %get3A_544 = arith.constant 2 : index
    %get3A_545 = arith.constant 1024 : index
    %get3A_546 = vector.load %arg1[%get3A_544, %get3A_545] : memref<8x5120xf32, #tpu.memory_space<vmem>>, vector<1x512xf32>
    %get3A_547 = arith.constant 3 : index
    %get3A_548 = arith.constant 1024 : index
    %get3A_549 = vector.load %arg1[%get3A_547, %get3A_548] : memref<8x5120xf32, #tpu.memory_space<vmem>>, vector<1x512xf32>
    %sub3A_550 = arith.subf %get3A_546, %get3A_540 : vector<1x512xf32>
    %mul3A_551 = arith.constant 5.000000e-01 : f32
    %mul3A_552 = vector.broadcast %mul3A_551 : f32 to vector<1x512xf32>
    %mul3A_553 = arith.mulf %mul3A_552, %sub3A_550 : vector<1x512xf32>
    %sub3A_554 = arith.subf %get3A_549, %get3A_543 : vector<1x512xf32>
    %mul3A_555 = arith.mulf %mul3A_553, %sub3A_554 : vector<1x512xf32>
    %min3A_556 = vector.broadcast %get3A_546 : vector<1x512xf32> to vector<512x512xf32>
    %min3A_557 = arith.minimumf %mul3A_426, %min3A_556 : vector<512x512xf32>
    %max3A_558 = vector.broadcast %get3A_540 : vector<1x512xf32> to vector<512x512xf32>
    %max3A_559 = arith.maximumf %mul3A_416, %max3A_558 : vector<512x512xf32>
    %sub3A_560 = arith.subf %min3A_557, %max3A_559 : vector<512x512xf32>
    %max3A_561 = arith.constant 0.000000e+00 : f32
    %max3A_562 = vector.broadcast %max3A_561 : f32 to vector<512x512xf32>
    %max3A_563 = arith.maximumf %sub3A_560, %max3A_562 : vector<512x512xf32>
    %min3A_564 = vector.broadcast %get3A_549 : vector<1x512xf32> to vector<512x512xf32>
    %min3A_565 = arith.minimumf %mul3A_431, %min3A_564 : vector<512x512xf32>
    %max3A_566 = vector.broadcast %get3A_543 : vector<1x512xf32> to vector<512x512xf32>
    %max3A_567 = arith.maximumf %mul3A_421, %max3A_566 : vector<512x512xf32>
    %sub3A_568 = arith.subf %min3A_565, %max3A_567 : vector<512x512xf32>
    %max3A_569 = arith.constant 0.000000e+00 : f32
    %max3A_570 = vector.broadcast %max3A_569 : f32 to vector<512x512xf32>
    %max3A_571 = arith.maximumf %sub3A_568, %max3A_570 : vector<512x512xf32>
    %mul3A_572 = arith.mulf %max3A_563, %max3A_571 : vector<512x512xf32>
    %mul3A_573 = arith.constant 1.500000e+00 : f32
    %mul3A_574 = vector.broadcast %mul3A_573 : f32 to vector<512x512xf32>
    %mul3A_575 = arith.mulf %mul3A_574, %mul3A_572 : vector<512x512xf32>
    %add3A_576 = vector.broadcast %mul3A_555 : vector<1x512xf32> to vector<512x512xf32>
    %add3A_577 = arith.addf %mul3A_437, %add3A_576 : vector<512x512xf32>
    %gt3A_578 = arith.cmpf ogt, %mul3A_575, %add3A_577 : vector<512x512xf32>
    %convert_element_type3A_579 = arith.extui %gt3A_578 : vector<512x512xi1> to vector<512x512xi32>
    %convert_element_type3A_580 = arith.sitofp %convert_element_type3A_579 : vector<512x512xi32> to vector<512x512xf32>
    %get3A_581 = arith.constant 1024 : index
    %get3A_582 = arith.constant 0 : index
    %get3A_583 = vector.load %arg3[%get3A_581, %get3A_582] : memref<5120x1xf32, #tpu.memory_space<vmem>>, vector<512x1xf32>
    %dot_general3A_584 = arith.constant dense<0.000000e+00> : vector<512x1xf32>
    %dot_general3A_585 = tpu.matmul %convert_element_type3A_580, %get3A_583, %dot_general3A_584 {dimension_numbers = #tpu.dot_dimension_numbers<[1], [0], [0], [1], [0, 0, 1, 1], [], []>, transpose_lhs_hint = false} : vector<512x512xf32>, vector<512x1xf32>, vector<512x1xf32> -> vector<512x1xf32>
    %add3A_586 = arith.addf %add3A_537, %dot_general3A_585 : vector<512x1xf32>
    %eq3A_587 = arith.constant 0.000000e+00 : f32
    %eq3A_588 = vector.broadcast %eq3A_587 : f32 to vector<512x1xf32>
    %eq3A_589 = arith.cmpf oeq, %add3A_586, %eq3A_588 : vector<512x1xf32>
    %convert_element_type3A_590 = arith.extui %eq3A_589 : vector<512x1xi1> to vector<512x1xi32>
    %convert_element_type3A_591 = arith.sitofp %convert_element_type3A_590 : vector<512x1xi32> to vector<512x1xf32>
    %iota3A_592 = tpu.iota {dimensions = array<i32: 0>} : vector<512x512xi32>
    %iota3A_593 = tpu.iota {dimensions = array<i32: 1>} : vector<512x512xi32>
    %get3A_594 = arith.constant 0 : index
    %get3A_595 = arith.constant 1536 : index
    %get3A_596 = vector.load %arg1[%get3A_594, %get3A_595] : memref<8x5120xf32, #tpu.memory_space<vmem>>, vector<1x512xf32>
    %get3A_597 = arith.constant 1 : index
    %get3A_598 = arith.constant 1536 : index
    %get3A_599 = vector.load %arg1[%get3A_597, %get3A_598] : memref<8x5120xf32, #tpu.memory_space<vmem>>, vector<1x512xf32>
    %get3A_600 = arith.constant 2 : index
    %get3A_601 = arith.constant 1536 : index
    %get3A_602 = vector.load %arg1[%get3A_600, %get3A_601] : memref<8x5120xf32, #tpu.memory_space<vmem>>, vector<1x512xf32>
    %get3A_603 = arith.constant 3 : index
    %get3A_604 = arith.constant 1536 : index
    %get3A_605 = vector.load %arg1[%get3A_603, %get3A_604] : memref<8x5120xf32, #tpu.memory_space<vmem>>, vector<1x512xf32>
    %sub3A_606 = arith.subf %get3A_602, %get3A_596 : vector<1x512xf32>
    %mul3A_607 = arith.constant 5.000000e-01 : f32
    %mul3A_608 = vector.broadcast %mul3A_607 : f32 to vector<1x512xf32>
    %mul3A_609 = arith.mulf %mul3A_608, %sub3A_606 : vector<1x512xf32>
    %sub3A_610 = arith.subf %get3A_605, %get3A_599 : vector<1x512xf32>
    %mul3A_611 = arith.mulf %mul3A_609, %sub3A_610 : vector<1x512xf32>
    %min3A_612 = vector.broadcast %get3A_602 : vector<1x512xf32> to vector<512x512xf32>
    %min3A_613 = arith.minimumf %mul3A_426, %min3A_612 : vector<512x512xf32>
    %max3A_614 = vector.broadcast %get3A_596 : vector<1x512xf32> to vector<512x512xf32>
    %max3A_615 = arith.maximumf %mul3A_416, %max3A_614 : vector<512x512xf32>
    %sub3A_616 = arith.subf %min3A_613, %max3A_615 : vector<512x512xf32>
    %max3A_617 = arith.constant 0.000000e+00 : f32
    %max3A_618 = vector.broadcast %max3A_617 : f32 to vector<512x512xf32>
    %max3A_619 = arith.maximumf %sub3A_616, %max3A_618 : vector<512x512xf32>
    %min3A_620 = vector.broadcast %get3A_605 : vector<1x512xf32> to vector<512x512xf32>
    %min3A_621 = arith.minimumf %mul3A_431, %min3A_620 : vector<512x512xf32>
    %max3A_622 = vector.broadcast %get3A_599 : vector<1x512xf32> to vector<512x512xf32>
    %max3A_623 = arith.maximumf %mul3A_421, %max3A_622 : vector<512x512xf32>
    %sub3A_624 = arith.subf %min3A_621, %max3A_623 : vector<512x512xf32>
    %max3A_625 = arith.constant 0.000000e+00 : f32
    %max3A_626 = vector.broadcast %max3A_625 : f32 to vector<512x512xf32>
    %max3A_627 = arith.maximumf %sub3A_624, %max3A_626 : vector<512x512xf32>
    %mul3A_628 = arith.mulf %max3A_619, %max3A_627 : vector<512x512xf32>
    %mul3A_629 = arith.constant 1.500000e+00 : f32
    %mul3A_630 = vector.broadcast %mul3A_629 : f32 to vector<512x512xf32>
    %mul3A_631 = arith.mulf %mul3A_630, %mul3A_628 : vector<512x512xf32>
    %add3A_632 = vector.broadcast %mul3A_611 : vector<1x512xf32> to vector<512x512xf32>
    %add3A_633 = arith.addf %mul3A_437, %add3A_632 : vector<512x512xf32>
    %gt3A_634 = arith.cmpf ogt, %mul3A_631, %add3A_633 : vector<512x512xf32>
    %lt3A_635 = arith.cmpi slt, %iota3A_593, %iota3A_592 : vector<512x512xi32>
    %and3A_636 = arith.andi %gt3A_634, %lt3A_635 : vector<512x512xi1>
    %convert_element_type3A_637 = arith.extui %and3A_636 : vector<512x512xi1> to vector<512x512xi32>
    %convert_element_type3A_638 = arith.sitofp %convert_element_type3A_637 : vector<512x512xi32> to vector<512x512xf32>
    %while3A_639 = arith.constant true
    %while3A_640:2 = scf.while (%while3A_3121 = %convert_element_type3A_591, %while3A_3122 = %while3A_639) : (vector<512x1xf32>, i1) -> (vector<512x1xf32>, i1) {
      scf.condition(%while3A_3122) %while3A_3121, %while3A_3122 : vector<512x1xf32>, i1
    } do {
    ^bb0(%while3A_3121: vector<512x1xf32>, %while3A_3122: i1):
      %dot_general3A_3123 = arith.constant dense<0.000000e+00> : vector<512x1xf32>
      %dot_general3A_3124 = tpu.matmul %convert_element_type3A_638, %while3A_3121, %dot_general3A_3123 {dimension_numbers = #tpu.dot_dimension_numbers<[1], [0], [0], [1], [0, 0, 1, 1], [], []>, transpose_lhs_hint = false} : vector<512x512xf32>, vector<512x1xf32>, vector<512x1xf32> -> vector<512x1xf32>
      %eq3A_3125 = arith.constant 0.000000e+00 : f32
      %eq3A_3126 = vector.broadcast %eq3A_3125 : f32 to vector<512x1xf32>
      %eq3A_3127 = arith.cmpf oeq, %dot_general3A_3124, %eq3A_3126 : vector<512x1xf32>
      %convert_element_type3A_3128 = arith.extui %eq3A_3127 : vector<512x1xi1> to vector<512x1xi32>
      %convert_element_type3A_3129 = arith.sitofp %convert_element_type3A_3128 : vector<512x1xi32> to vector<512x1xf32>
      %mul3A_3130 = arith.mulf %convert_element_type3A_591, %convert_element_type3A_3129 : vector<512x1xf32>
      %dot_general3A_3131 = arith.constant dense<0.000000e+00> : vector<512x1xf32>
      %dot_general3A_3132 = tpu.matmul %convert_element_type3A_638, %mul3A_3130, %dot_general3A_3131 {dimension_numbers = #tpu.dot_dimension_numbers<[1], [0], [0], [1], [0, 0, 1, 1], [], []>, transpose_lhs_hint = false} : vector<512x512xf32>, vector<512x1xf32>, vector<512x1xf32> -> vector<512x1xf32>
      %eq3A_3133 = arith.constant 0.000000e+00 : f32
      %eq3A_3134 = vector.broadcast %eq3A_3133 : f32 to vector<512x1xf32>
      %eq3A_3135 = arith.cmpf oeq, %dot_general3A_3132, %eq3A_3134 : vector<512x1xf32>
      %convert_element_type3A_3136 = arith.extui %eq3A_3135 : vector<512x1xi1> to vector<512x1xi32>
      %convert_element_type3A_3137 = arith.sitofp %convert_element_type3A_3136 : vector<512x1xi32> to vector<512x1xf32>
      %mul3A_3138 = arith.mulf %convert_element_type3A_591, %convert_element_type3A_3137 : vector<512x1xf32>
      %ne3A = arith.cmpf one, %mul3A_3138, %while3A_3121 : vector<512x1xf32>
      %reduce_or3A = arith.constant 1.000000e+00 : f32
      %reduce_or3A_3139 = arith.constant 0.000000e+00 : f32
      %reduce_or3A_3140 = vector.broadcast %reduce_or3A : f32 to vector<512x1xf32>
      %reduce_or3A_3141 = vector.broadcast %reduce_or3A_3139 : f32 to vector<512x1xf32>
      %reduce_or3A_3142 = arith.select %ne3A, %reduce_or3A_3140, %reduce_or3A_3141 : vector<512x1xi1>, vector<512x1xf32>
      %reduce_or3A_3143 = vector.shape_cast %reduce_or3A_3142 : vector<512x1xf32> to vector<1x512x1xf32>
      %reduce_or3A_3144 = arith.constant dense<0xFF800000> : vector<1xf32>
      %reduce_or3A_3145 = vector.multi_reduction <maximumf>, %reduce_or3A_3143, %reduce_or3A_3144 [1, 2] : vector<1x512x1xf32> to vector<1xf32>
      %reduce_or3A_3146 = vector.shape_cast %reduce_or3A_3145 : vector<1xf32> to vector<1x1x1xf32>
      %reduce_or3A_3147 = vector.extract %reduce_or3A_3146[0, 0, 0] : f32 from vector<1x1x1xf32>
      %reduce_or3A_3148 = arith.constant 0.000000e+00 : f32
      %reduce_or3A_3149 = arith.cmpf ogt, %reduce_or3A_3147, %reduce_or3A_3148 : f32
      scf.yield %mul3A_3138, %reduce_or3A_3149 : vector<512x1xf32>, i1
    }
    %swap3A_641 = arith.constant 1536 : index
    %swap3A_642 = arith.constant 0 : index
    %swap3A_643 = vector.load %arg3[%swap3A_641, %swap3A_642] : memref<5120x1xf32, #tpu.memory_space<vmem>>, vector<512x1xf32>
    tpu.vector_store %arg3[%swap3A_641, %swap3A_642], %while3A_640#0 {strides = array<i32>} : memref<5120x1xf32, #tpu.memory_space<vmem>>, vector<512x1xf32>,
    %get3A_644 = arith.constant 1536 : index
    %get3A_645 = arith.constant 0 : index
    %get3A_646 = vector.load %arg0[%get3A_644, %get3A_645] : memref<5120x128xf32, #tpu.memory_space<vmem>>, vector<512x5xf32>
    %mul3A_647 = vector.broadcast %while3A_640#0 : vector<512x1xf32> to vector<512x5xf32>
    %mul3A_648 = arith.mulf %get3A_646, %mul3A_647 : vector<512x5xf32>
    %swap3A_649 = arith.constant 1536 : index
    %swap3A_650 = arith.constant 0 : index
    %swap3A_651 = vector.load %arg2[%swap3A_649, %swap3A_650] : memref<5000x5xf32, #tpu.memory_space<vmem>>, vector<512x5xf32>
    tpu.vector_store %arg2[%swap3A_649, %swap3A_650], %mul3A_648 {strides = array<i32>} : memref<5000x5xf32, #tpu.memory_space<vmem>>, vector<512x5xf32>,
    %get3A_652 = arith.constant 2048 : index
    %get3A_653 = arith.constant 0 : index
    %get3A_654 = vector.load %arg0[%get3A_652, %get3A_653] : memref<5120x128xf32, #tpu.memory_space<vmem>>, vector<512x1xf32>
    %mul3A_655 = vector.broadcast %get3A_654 : vector<512x1xf32> to vector<512x512xf32>
    %mul3A_656 = arith.mulf %mul3A_655, %broadcast_in_dim3A_0 : vector<512x512xf32>
    %get3A_657 = arith.constant 2048 : index
    %get3A_658 = arith.constant 1 : index
    %get3A_659 = vector.load %arg0[%get3A_657, %get3A_658] : memref<5120x128xf32, #tpu.memory_space<vmem>>, vector<512x1xf32>
    %mul3A_660 = vector.broadcast %get3A_659 : vector<512x1xf32> to vector<512x512xf32>
    %mul3A_661 = arith.mulf %mul3A_660, %broadcast_in_dim3A_0 : vector<512x512xf32>
    %get3A_662 = arith.constant 2048 : index
    %get3A_663 = arith.constant 2 : index
    %get3A_664 = vector.load %arg0[%get3A_662, %get3A_663] : memref<5120x128xf32, #tpu.memory_space<vmem>>, vector<512x1xf32>
    %mul3A_665 = vector.broadcast %get3A_664 : vector<512x1xf32> to vector<512x512xf32>
    %mul3A_666 = arith.mulf %mul3A_665, %broadcast_in_dim3A_0 : vector<512x512xf32>
    %get3A_667 = arith.constant 2048 : index
    %get3A_668 = arith.constant 3 : index
    %get3A_669 = vector.load %arg0[%get3A_667, %get3A_668] : memref<5120x128xf32, #tpu.memory_space<vmem>>, vector<512x1xf32>
    %mul3A_670 = vector.broadcast %get3A_669 : vector<512x1xf32> to vector<512x512xf32>
    %mul3A_671 = arith.mulf %mul3A_670, %broadcast_in_dim3A_0 : vector<512x512xf32>
    %sub3A_672 = arith.subf %mul3A_666, %mul3A_656 : vector<512x512xf32>
    %mul3A_673 = arith.constant 5.000000e-01 : f32
    %mul3A_674 = vector.broadcast %mul3A_673 : f32 to vector<512x512xf32>
    %mul3A_675 = arith.mulf %mul3A_674, %sub3A_672 : vector<512x512xf32>
    %sub3A_676 = arith.subf %mul3A_671, %mul3A_661 : vector<512x512xf32>
    %mul3A_677 = arith.mulf %mul3A_675, %sub3A_676 : vector<512x512xf32>
    %broadcast_in_dim3A_678 = arith.constant 0.000000e+00 : f32
    %broadcast_in_dim3A_679 = vector.broadcast %broadcast_in_dim3A_678 : f32 to vector<512x1xf32>
    %get3A_680 = arith.constant 0 : index
    %get3A_681 = arith.constant 0 : index
    %get3A_682 = vector.load %arg1[%get3A_680, %get3A_681] : memref<8x5120xf32, #tpu.memory_space<vmem>>, vector<1x512xf32>
    %get3A_683 = arith.constant 1 : index
    %get3A_684 = arith.constant 0 : index
    %get3A_685 = vector.load %arg1[%get3A_683, %get3A_684] : memref<8x5120xf32, #tpu.memory_space<vmem>>, vector<1x512xf32>
    %get3A_686 = arith.constant 2 : index
    %get3A_687 = arith.constant 0 : index
    %get3A_688 = vector.load %arg1[%get3A_686, %get3A_687] : memref<8x5120xf32, #tpu.memory_space<vmem>>, vector<1x512xf32>
    %get3A_689 = arith.constant 3 : index
    %get3A_690 = arith.constant 0 : index
    %get3A_691 = vector.load %arg1[%get3A_689, %get3A_690] : memref<8x5120xf32, #tpu.memory_space<vmem>>, vector<1x512xf32>
    %sub3A_692 = arith.subf %get3A_688, %get3A_682 : vector<1x512xf32>
    %mul3A_693 = arith.constant 5.000000e-01 : f32
    %mul3A_694 = vector.broadcast %mul3A_693 : f32 to vector<1x512xf32>
    %mul3A_695 = arith.mulf %mul3A_694, %sub3A_692 : vector<1x512xf32>
    %sub3A_696 = arith.subf %get3A_691, %get3A_685 : vector<1x512xf32>
    %mul3A_697 = arith.mulf %mul3A_695, %sub3A_696 : vector<1x512xf32>
    %min3A_698 = vector.broadcast %get3A_688 : vector<1x512xf32> to vector<512x512xf32>
    %min3A_699 = arith.minimumf %mul3A_666, %min3A_698 : vector<512x512xf32>
    %max3A_700 = vector.broadcast %get3A_682 : vector<1x512xf32> to vector<512x512xf32>
    %max3A_701 = arith.maximumf %mul3A_656, %max3A_700 : vector<512x512xf32>
    %sub3A_702 = arith.subf %min3A_699, %max3A_701 : vector<512x512xf32>
    %max3A_703 = arith.constant 0.000000e+00 : f32
    %max3A_704 = vector.broadcast %max3A_703 : f32 to vector<512x512xf32>
    %max3A_705 = arith.maximumf %sub3A_702, %max3A_704 : vector<512x512xf32>
    %min3A_706 = vector.broadcast %get3A_691 : vector<1x512xf32> to vector<512x512xf32>
    %min3A_707 = arith.minimumf %mul3A_671, %min3A_706 : vector<512x512xf32>
    %max3A_708 = vector.broadcast %get3A_685 : vector<1x512xf32> to vector<512x512xf32>
    %max3A_709 = arith.maximumf %mul3A_661, %max3A_708 : vector<512x512xf32>
    %sub3A_710 = arith.subf %min3A_707, %max3A_709 : vector<512x512xf32>
    %max3A_711 = arith.constant 0.000000e+00 : f32
    %max3A_712 = vector.broadcast %max3A_711 : f32 to vector<512x512xf32>
    %max3A_713 = arith.maximumf %sub3A_710, %max3A_712 : vector<512x512xf32>
    %mul3A_714 = arith.mulf %max3A_705, %max3A_713 : vector<512x512xf32>
    %mul3A_715 = arith.constant 1.500000e+00 : f32
    %mul3A_716 = vector.broadcast %mul3A_715 : f32 to vector<512x512xf32>
    %mul3A_717 = arith.mulf %mul3A_716, %mul3A_714 : vector<512x512xf32>
    %add3A_718 = vector.broadcast %mul3A_697 : vector<1x512xf32> to vector<512x512xf32>
    %add3A_719 = arith.addf %mul3A_677, %add3A_718 : vector<512x512xf32>
    %gt3A_720 = arith.cmpf ogt, %mul3A_717, %add3A_719 : vector<512x512xf32>
    %convert_element_type3A_721 = arith.extui %gt3A_720 : vector<512x512xi1> to vector<512x512xi32>
    %convert_element_type3A_722 = arith.sitofp %convert_element_type3A_721 : vector<512x512xi32> to vector<512x512xf32>
    %get3A_723 = arith.constant 0 : index
    %get3A_724 = arith.constant 0 : index
    %get3A_725 = vector.load %arg3[%get3A_723, %get3A_724] : memref<5120x1xf32, #tpu.memory_space<vmem>>, vector<512x1xf32>
    %dot_general3A_726 = arith.constant dense<0.000000e+00> : vector<512x1xf32>
    %dot_general3A_727 = tpu.matmul %convert_element_type3A_722, %get3A_725, %dot_general3A_726 {dimension_numbers = #tpu.dot_dimension_numbers<[1], [0], [0], [1], [0, 0, 1, 1], [], []>, transpose_lhs_hint = false} : vector<512x512xf32>, vector<512x1xf32>, vector<512x1xf32> -> vector<512x1xf32>
    %add3A_728 = arith.addf %broadcast_in_dim3A_679, %dot_general3A_727 : vector<512x1xf32>
    %get3A_729 = arith.constant 0 : index
    %get3A_730 = arith.constant 512 : index
    %get3A_731 = vector.load %arg1[%get3A_729, %get3A_730] : memref<8x5120xf32, #tpu.memory_space<vmem>>, vector<1x512xf32>
    %get3A_732 = arith.constant 1 : index
    %get3A_733 = arith.constant 512 : index
    %get3A_734 = vector.load %arg1[%get3A_732, %get3A_733] : memref<8x5120xf32, #tpu.memory_space<vmem>>, vector<1x512xf32>
    %get3A_735 = arith.constant 2 : index
    %get3A_736 = arith.constant 512 : index
    %get3A_737 = vector.load %arg1[%get3A_735, %get3A_736] : memref<8x5120xf32, #tpu.memory_space<vmem>>, vector<1x512xf32>
    %get3A_738 = arith.constant 3 : index
    %get3A_739 = arith.constant 512 : index
    %get3A_740 = vector.load %arg1[%get3A_738, %get3A_739] : memref<8x5120xf32, #tpu.memory_space<vmem>>, vector<1x512xf32>
    %sub3A_741 = arith.subf %get3A_737, %get3A_731 : vector<1x512xf32>
    %mul3A_742 = arith.constant 5.000000e-01 : f32
    %mul3A_743 = vector.broadcast %mul3A_742 : f32 to vector<1x512xf32>
    %mul3A_744 = arith.mulf %mul3A_743, %sub3A_741 : vector<1x512xf32>
    %sub3A_745 = arith.subf %get3A_740, %get3A_734 : vector<1x512xf32>
    %mul3A_746 = arith.mulf %mul3A_744, %sub3A_745 : vector<1x512xf32>
    %min3A_747 = vector.broadcast %get3A_737 : vector<1x512xf32> to vector<512x512xf32>
    %min3A_748 = arith.minimumf %mul3A_666, %min3A_747 : vector<512x512xf32>
    %max3A_749 = vector.broadcast %get3A_731 : vector<1x512xf32> to vector<512x512xf32>
    %max3A_750 = arith.maximumf %mul3A_656, %max3A_749 : vector<512x512xf32>
    %sub3A_751 = arith.subf %min3A_748, %max3A_750 : vector<512x512xf32>
    %max3A_752 = arith.constant 0.000000e+00 : f32
    %max3A_753 = vector.broadcast %max3A_752 : f32 to vector<512x512xf32>
    %max3A_754 = arith.maximumf %sub3A_751, %max3A_753 : vector<512x512xf32>
    %min3A_755 = vector.broadcast %get3A_740 : vector<1x512xf32> to vector<512x512xf32>
    %min3A_756 = arith.minimumf %mul3A_671, %min3A_755 : vector<512x512xf32>
    %max3A_757 = vector.broadcast %get3A_734 : vector<1x512xf32> to vector<512x512xf32>
    %max3A_758 = arith.maximumf %mul3A_661, %max3A_757 : vector<512x512xf32>
    %sub3A_759 = arith.subf %min3A_756, %max3A_758 : vector<512x512xf32>
    %max3A_760 = arith.constant 0.000000e+00 : f32
    %max3A_761 = vector.broadcast %max3A_760 : f32 to vector<512x512xf32>
    %max3A_762 = arith.maximumf %sub3A_759, %max3A_761 : vector<512x512xf32>
    %mul3A_763 = arith.mulf %max3A_754, %max3A_762 : vector<512x512xf32>
    %mul3A_764 = arith.constant 1.500000e+00 : f32
    %mul3A_765 = vector.broadcast %mul3A_764 : f32 to vector<512x512xf32>
    %mul3A_766 = arith.mulf %mul3A_765, %mul3A_763 : vector<512x512xf32>
    %add3A_767 = vector.broadcast %mul3A_746 : vector<1x512xf32> to vector<512x512xf32>
    %add3A_768 = arith.addf %mul3A_677, %add3A_767 : vector<512x512xf32>
    %gt3A_769 = arith.cmpf ogt, %mul3A_766, %add3A_768 : vector<512x512xf32>
    %convert_element_type3A_770 = arith.extui %gt3A_769 : vector<512x512xi1> to vector<512x512xi32>
    %convert_element_type3A_771 = arith.sitofp %convert_element_type3A_770 : vector<512x512xi32> to vector<512x512xf32>
    %get3A_772 = arith.constant 512 : index
    %get3A_773 = arith.constant 0 : index
    %get3A_774 = vector.load %arg3[%get3A_772, %get3A_773] : memref<5120x1xf32, #tpu.memory_space<vmem>>, vector<512x1xf32>
    %dot_general3A_775 = arith.constant dense<0.000000e+00> : vector<512x1xf32>
    %dot_general3A_776 = tpu.matmul %convert_element_type3A_771, %get3A_774, %dot_general3A_775 {dimension_numbers = #tpu.dot_dimension_numbers<[1], [0], [0], [1], [0, 0, 1, 1], [], []>, transpose_lhs_hint = false} : vector<512x512xf32>, vector<512x1xf32>, vector<512x1xf32> -> vector<512x1xf32>
    %add3A_777 = arith.addf %add3A_728, %dot_general3A_776 : vector<512x1xf32>
    %get3A_778 = arith.constant 0 : index
    %get3A_779 = arith.constant 1024 : index
    %get3A_780 = vector.load %arg1[%get3A_778, %get3A_779] : memref<8x5120xf32, #tpu.memory_space<vmem>>, vector<1x512xf32>
    %get3A_781 = arith.constant 1 : index
    %get3A_782 = arith.constant 1024 : index
    %get3A_783 = vector.load %arg1[%get3A_781, %get3A_782] : memref<8x5120xf32, #tpu.memory_space<vmem>>, vector<1x512xf32>
    %get3A_784 = arith.constant 2 : index
    %get3A_785 = arith.constant 1024 : index
    %get3A_786 = vector.load %arg1[%get3A_784, %get3A_785] : memref<8x5120xf32, #tpu.memory_space<vmem>>, vector<1x512xf32>
    %get3A_787 = arith.constant 3 : index
    %get3A_788 = arith.constant 1024 : index
    %get3A_789 = vector.load %arg1[%get3A_787, %get3A_788] : memref<8x5120xf32, #tpu.memory_space<vmem>>, vector<1x512xf32>
    %sub3A_790 = arith.subf %get3A_786, %get3A_780 : vector<1x512xf32>
    %mul3A_791 = arith.constant 5.000000e-01 : f32
    %mul3A_792 = vector.broadcast %mul3A_791 : f32 to vector<1x512xf32>
    %mul3A_793 = arith.mulf %mul3A_792, %sub3A_790 : vector<1x512xf32>
    %sub3A_794 = arith.subf %get3A_789, %get3A_783 : vector<1x512xf32>
    %mul3A_795 = arith.mulf %mul3A_793, %sub3A_794 : vector<1x512xf32>
    %min3A_796 = vector.broadcast %get3A_786 : vector<1x512xf32> to vector<512x512xf32>
    %min3A_797 = arith.minimumf %mul3A_666, %min3A_796 : vector<512x512xf32>
    %max3A_798 = vector.broadcast %get3A_780 : vector<1x512xf32> to vector<512x512xf32>
    %max3A_799 = arith.maximumf %mul3A_656, %max3A_798 : vector<512x512xf32>
    %sub3A_800 = arith.subf %min3A_797, %max3A_799 : vector<512x512xf32>
    %max3A_801 = arith.constant 0.000000e+00 : f32
    %max3A_802 = vector.broadcast %max3A_801 : f32 to vector<512x512xf32>
    %max3A_803 = arith.maximumf %sub3A_800, %max3A_802 : vector<512x512xf32>
    %min3A_804 = vector.broadcast %get3A_789 : vector<1x512xf32> to vector<512x512xf32>
    %min3A_805 = arith.minimumf %mul3A_671, %min3A_804 : vector<512x512xf32>
    %max3A_806 = vector.broadcast %get3A_783 : vector<1x512xf32> to vector<512x512xf32>
    %max3A_807 = arith.maximumf %mul3A_661, %max3A_806 : vector<512x512xf32>
    %sub3A_808 = arith.subf %min3A_805, %max3A_807 : vector<512x512xf32>
    %max3A_809 = arith.constant 0.000000e+00 : f32
    %max3A_810 = vector.broadcast %max3A_809 : f32 to vector<512x512xf32>
    %max3A_811 = arith.maximumf %sub3A_808, %max3A_810 : vector<512x512xf32>
    %mul3A_812 = arith.mulf %max3A_803, %max3A_811 : vector<512x512xf32>
    %mul3A_813 = arith.constant 1.500000e+00 : f32
    %mul3A_814 = vector.broadcast %mul3A_813 : f32 to vector<512x512xf32>
    %mul3A_815 = arith.mulf %mul3A_814, %mul3A_812 : vector<512x512xf32>
    %add3A_816 = vector.broadcast %mul3A_795 : vector<1x512xf32> to vector<512x512xf32>
    %add3A_817 = arith.addf %mul3A_677, %add3A_816 : vector<512x512xf32>
    %gt3A_818 = arith.cmpf ogt, %mul3A_815, %add3A_817 : vector<512x512xf32>
    %convert_element_type3A_819 = arith.extui %gt3A_818 : vector<512x512xi1> to vector<512x512xi32>
    %convert_element_type3A_820 = arith.sitofp %convert_element_type3A_819 : vector<512x512xi32> to vector<512x512xf32>
    %get3A_821 = arith.constant 1024 : index
    %get3A_822 = arith.constant 0 : index
    %get3A_823 = vector.load %arg3[%get3A_821, %get3A_822] : memref<5120x1xf32, #tpu.memory_space<vmem>>, vector<512x1xf32>
    %dot_general3A_824 = arith.constant dense<0.000000e+00> : vector<512x1xf32>
    %dot_general3A_825 = tpu.matmul %convert_element_type3A_820, %get3A_823, %dot_general3A_824 {dimension_numbers = #tpu.dot_dimension_numbers<[1], [0], [0], [1], [0, 0, 1, 1], [], []>, transpose_lhs_hint = false} : vector<512x512xf32>, vector<512x1xf32>, vector<512x1xf32> -> vector<512x1xf32>
    %add3A_826 = arith.addf %add3A_777, %dot_general3A_825 : vector<512x1xf32>
    %get3A_827 = arith.constant 0 : index
    %get3A_828 = arith.constant 1536 : index
    %get3A_829 = vector.load %arg1[%get3A_827, %get3A_828] : memref<8x5120xf32, #tpu.memory_space<vmem>>, vector<1x512xf32>
    %get3A_830 = arith.constant 1 : index
    %get3A_831 = arith.constant 1536 : index
    %get3A_832 = vector.load %arg1[%get3A_830, %get3A_831] : memref<8x5120xf32, #tpu.memory_space<vmem>>, vector<1x512xf32>
    %get3A_833 = arith.constant 2 : index
    %get3A_834 = arith.constant 1536 : index
    %get3A_835 = vector.load %arg1[%get3A_833, %get3A_834] : memref<8x5120xf32, #tpu.memory_space<vmem>>, vector<1x512xf32>
    %get3A_836 = arith.constant 3 : index
    %get3A_837 = arith.constant 1536 : index
    %get3A_838 = vector.load %arg1[%get3A_836, %get3A_837] : memref<8x5120xf32, #tpu.memory_space<vmem>>, vector<1x512xf32>
    %sub3A_839 = arith.subf %get3A_835, %get3A_829 : vector<1x512xf32>
    %mul3A_840 = arith.constant 5.000000e-01 : f32
    %mul3A_841 = vector.broadcast %mul3A_840 : f32 to vector<1x512xf32>
    %mul3A_842 = arith.mulf %mul3A_841, %sub3A_839 : vector<1x512xf32>
    %sub3A_843 = arith.subf %get3A_838, %get3A_832 : vector<1x512xf32>
    %mul3A_844 = arith.mulf %mul3A_842, %sub3A_843 : vector<1x512xf32>
    %min3A_845 = vector.broadcast %get3A_835 : vector<1x512xf32> to vector<512x512xf32>
    %min3A_846 = arith.minimumf %mul3A_666, %min3A_845 : vector<512x512xf32>
    %max3A_847 = vector.broadcast %get3A_829 : vector<1x512xf32> to vector<512x512xf32>
    %max3A_848 = arith.maximumf %mul3A_656, %max3A_847 : vector<512x512xf32>
    %sub3A_849 = arith.subf %min3A_846, %max3A_848 : vector<512x512xf32>
    %max3A_850 = arith.constant 0.000000e+00 : f32
    %max3A_851 = vector.broadcast %max3A_850 : f32 to vector<512x512xf32>
    %max3A_852 = arith.maximumf %sub3A_849, %max3A_851 : vector<512x512xf32>
    %min3A_853 = vector.broadcast %get3A_838 : vector<1x512xf32> to vector<512x512xf32>
    %min3A_854 = arith.minimumf %mul3A_671, %min3A_853 : vector<512x512xf32>
    %max3A_855 = vector.broadcast %get3A_832 : vector<1x512xf32> to vector<512x512xf32>
    %max3A_856 = arith.maximumf %mul3A_661, %max3A_855 : vector<512x512xf32>
    %sub3A_857 = arith.subf %min3A_854, %max3A_856 : vector<512x512xf32>
    %max3A_858 = arith.constant 0.000000e+00 : f32
    %max3A_859 = vector.broadcast %max3A_858 : f32 to vector<512x512xf32>
    %max3A_860 = arith.maximumf %sub3A_857, %max3A_859 : vector<512x512xf32>
    %mul3A_861 = arith.mulf %max3A_852, %max3A_860 : vector<512x512xf32>
    %mul3A_862 = arith.constant 1.500000e+00 : f32
    %mul3A_863 = vector.broadcast %mul3A_862 : f32 to vector<512x512xf32>
    %mul3A_864 = arith.mulf %mul3A_863, %mul3A_861 : vector<512x512xf32>
    %add3A_865 = vector.broadcast %mul3A_844 : vector<1x512xf32> to vector<512x512xf32>
    %add3A_866 = arith.addf %mul3A_677, %add3A_865 : vector<512x512xf32>
    %gt3A_867 = arith.cmpf ogt, %mul3A_864, %add3A_866 : vector<512x512xf32>
    %convert_element_type3A_868 = arith.extui %gt3A_867 : vector<512x512xi1> to vector<512x512xi32>
    %convert_element_type3A_869 = arith.sitofp %convert_element_type3A_868 : vector<512x512xi32> to vector<512x512xf32>
    %get3A_870 = arith.constant 1536 : index
    %get3A_871 = arith.constant 0 : index
    %get3A_872 = vector.load %arg3[%get3A_870, %get3A_871] : memref<5120x1xf32, #tpu.memory_space<vmem>>, vector<512x1xf32>
    %dot_general3A_873 = arith.constant dense<0.000000e+00> : vector<512x1xf32>
    %dot_general3A_874 = tpu.matmul %convert_element_type3A_869, %get3A_872, %dot_general3A_873 {dimension_numbers = #tpu.dot_dimension_numbers<[1], [0], [0], [1], [0, 0, 1, 1], [], []>, transpose_lhs_hint = false} : vector<512x512xf32>, vector<512x1xf32>, vector<512x1xf32> -> vector<512x1xf32>
    %add3A_875 = arith.addf %add3A_826, %dot_general3A_874 : vector<512x1xf32>
    %eq3A_876 = arith.constant 0.000000e+00 : f32
    %eq3A_877 = vector.broadcast %eq3A_876 : f32 to vector<512x1xf32>
    %eq3A_878 = arith.cmpf oeq, %add3A_875, %eq3A_877 : vector<512x1xf32>
    %convert_element_type3A_879 = arith.extui %eq3A_878 : vector<512x1xi1> to vector<512x1xi32>
    %convert_element_type3A_880 = arith.sitofp %convert_element_type3A_879 : vector<512x1xi32> to vector<512x1xf32>
    %iota3A_881 = tpu.iota {dimensions = array<i32: 0>} : vector<512x512xi32>
    %iota3A_882 = tpu.iota {dimensions = array<i32: 1>} : vector<512x512xi32>
    %get3A_883 = arith.constant 0 : index
    %get3A_884 = arith.constant 2048 : index
    %get3A_885 = vector.load %arg1[%get3A_883, %get3A_884] : memref<8x5120xf32, #tpu.memory_space<vmem>>, vector<1x512xf32>
    %get3A_886 = arith.constant 1 : index
    %get3A_887 = arith.constant 2048 : index
    %get3A_888 = vector.load %arg1[%get3A_886, %get3A_887] : memref<8x5120xf32, #tpu.memory_space<vmem>>, vector<1x512xf32>
    %get3A_889 = arith.constant 2 : index
    %get3A_890 = arith.constant 2048 : index
    %get3A_891 = vector.load %arg1[%get3A_889, %get3A_890] : memref<8x5120xf32, #tpu.memory_space<vmem>>, vector<1x512xf32>
    %get3A_892 = arith.constant 3 : index
    %get3A_893 = arith.constant 2048 : index
    %get3A_894 = vector.load %arg1[%get3A_892, %get3A_893] : memref<8x5120xf32, #tpu.memory_space<vmem>>, vector<1x512xf32>
    %sub3A_895 = arith.subf %get3A_891, %get3A_885 : vector<1x512xf32>
    %mul3A_896 = arith.constant 5.000000e-01 : f32
    %mul3A_897 = vector.broadcast %mul3A_896 : f32 to vector<1x512xf32>
    %mul3A_898 = arith.mulf %mul3A_897, %sub3A_895 : vector<1x512xf32>
    %sub3A_899 = arith.subf %get3A_894, %get3A_888 : vector<1x512xf32>
    %mul3A_900 = arith.mulf %mul3A_898, %sub3A_899 : vector<1x512xf32>
    %min3A_901 = vector.broadcast %get3A_891 : vector<1x512xf32> to vector<512x512xf32>
    %min3A_902 = arith.minimumf %mul3A_666, %min3A_901 : vector<512x512xf32>
    %max3A_903 = vector.broadcast %get3A_885 : vector<1x512xf32> to vector<512x512xf32>
    %max3A_904 = arith.maximumf %mul3A_656, %max3A_903 : vector<512x512xf32>
    %sub3A_905 = arith.subf %min3A_902, %max3A_904 : vector<512x512xf32>
    %max3A_906 = arith.constant 0.000000e+00 : f32
    %max3A_907 = vector.broadcast %max3A_906 : f32 to vector<512x512xf32>
    %max3A_908 = arith.maximumf %sub3A_905, %max3A_907 : vector<512x512xf32>
    %min3A_909 = vector.broadcast %get3A_894 : vector<1x512xf32> to vector<512x512xf32>
    %min3A_910 = arith.minimumf %mul3A_671, %min3A_909 : vector<512x512xf32>
    %max3A_911 = vector.broadcast %get3A_888 : vector<1x512xf32> to vector<512x512xf32>
    %max3A_912 = arith.maximumf %mul3A_661, %max3A_911 : vector<512x512xf32>
    %sub3A_913 = arith.subf %min3A_910, %max3A_912 : vector<512x512xf32>
    %max3A_914 = arith.constant 0.000000e+00 : f32
    %max3A_915 = vector.broadcast %max3A_914 : f32 to vector<512x512xf32>
    %max3A_916 = arith.maximumf %sub3A_913, %max3A_915 : vector<512x512xf32>
    %mul3A_917 = arith.mulf %max3A_908, %max3A_916 : vector<512x512xf32>
    %mul3A_918 = arith.constant 1.500000e+00 : f32
    %mul3A_919 = vector.broadcast %mul3A_918 : f32 to vector<512x512xf32>
    %mul3A_920 = arith.mulf %mul3A_919, %mul3A_917 : vector<512x512xf32>
    %add3A_921 = vector.broadcast %mul3A_900 : vector<1x512xf32> to vector<512x512xf32>
    %add3A_922 = arith.addf %mul3A_677, %add3A_921 : vector<512x512xf32>
    %gt3A_923 = arith.cmpf ogt, %mul3A_920, %add3A_922 : vector<512x512xf32>
    %lt3A_924 = arith.cmpi slt, %iota3A_882, %iota3A_881 : vector<512x512xi32>
    %and3A_925 = arith.andi %gt3A_923, %lt3A_924 : vector<512x512xi1>
    %convert_element_type3A_926 = arith.extui %and3A_925 : vector<512x512xi1> to vector<512x512xi32>
    %convert_element_type3A_927 = arith.sitofp %convert_element_type3A_926 : vector<512x512xi32> to vector<512x512xf32>
    %while3A_928 = arith.constant true
    %while3A_929:2 = scf.while (%while3A_3121 = %convert_element_type3A_880, %while3A_3122 = %while3A_928) : (vector<512x1xf32>, i1) -> (vector<512x1xf32>, i1) {
      scf.condition(%while3A_3122) %while3A_3121, %while3A_3122 : vector<512x1xf32>, i1
    } do {
    ^bb0(%while3A_3121: vector<512x1xf32>, %while3A_3122: i1):
      %dot_general3A_3123 = arith.constant dense<0.000000e+00> : vector<512x1xf32>
      %dot_general3A_3124 = tpu.matmul %convert_element_type3A_927, %while3A_3121, %dot_general3A_3123 {dimension_numbers = #tpu.dot_dimension_numbers<[1], [0], [0], [1], [0, 0, 1, 1], [], []>, transpose_lhs_hint = false} : vector<512x512xf32>, vector<512x1xf32>, vector<512x1xf32> -> vector<512x1xf32>
      %eq3A_3125 = arith.constant 0.000000e+00 : f32
      %eq3A_3126 = vector.broadcast %eq3A_3125 : f32 to vector<512x1xf32>
      %eq3A_3127 = arith.cmpf oeq, %dot_general3A_3124, %eq3A_3126 : vector<512x1xf32>
      %convert_element_type3A_3128 = arith.extui %eq3A_3127 : vector<512x1xi1> to vector<512x1xi32>
      %convert_element_type3A_3129 = arith.sitofp %convert_element_type3A_3128 : vector<512x1xi32> to vector<512x1xf32>
      %mul3A_3130 = arith.mulf %convert_element_type3A_880, %convert_element_type3A_3129 : vector<512x1xf32>
      %dot_general3A_3131 = arith.constant dense<0.000000e+00> : vector<512x1xf32>
      %dot_general3A_3132 = tpu.matmul %convert_element_type3A_927, %mul3A_3130, %dot_general3A_3131 {dimension_numbers = #tpu.dot_dimension_numbers<[1], [0], [0], [1], [0, 0, 1, 1], [], []>, transpose_lhs_hint = false} : vector<512x512xf32>, vector<512x1xf32>, vector<512x1xf32> -> vector<512x1xf32>
      %eq3A_3133 = arith.constant 0.000000e+00 : f32
      %eq3A_3134 = vector.broadcast %eq3A_3133 : f32 to vector<512x1xf32>
      %eq3A_3135 = arith.cmpf oeq, %dot_general3A_3132, %eq3A_3134 : vector<512x1xf32>
      %convert_element_type3A_3136 = arith.extui %eq3A_3135 : vector<512x1xi1> to vector<512x1xi32>
      %convert_element_type3A_3137 = arith.sitofp %convert_element_type3A_3136 : vector<512x1xi32> to vector<512x1xf32>
      %mul3A_3138 = arith.mulf %convert_element_type3A_880, %convert_element_type3A_3137 : vector<512x1xf32>
      %ne3A = arith.cmpf one, %mul3A_3138, %while3A_3121 : vector<512x1xf32>
      %reduce_or3A = arith.constant 1.000000e+00 : f32
      %reduce_or3A_3139 = arith.constant 0.000000e+00 : f32
      %reduce_or3A_3140 = vector.broadcast %reduce_or3A : f32 to vector<512x1xf32>
      %reduce_or3A_3141 = vector.broadcast %reduce_or3A_3139 : f32 to vector<512x1xf32>
      %reduce_or3A_3142 = arith.select %ne3A, %reduce_or3A_3140, %reduce_or3A_3141 : vector<512x1xi1>, vector<512x1xf32>
      %reduce_or3A_3143 = vector.shape_cast %reduce_or3A_3142 : vector<512x1xf32> to vector<1x512x1xf32>
      %reduce_or3A_3144 = arith.constant dense<0xFF800000> : vector<1xf32>
      %reduce_or3A_3145 = vector.multi_reduction <maximumf>, %reduce_or3A_3143, %reduce_or3A_3144 [1, 2] : vector<1x512x1xf32> to vector<1xf32>
      %reduce_or3A_3146 = vector.shape_cast %reduce_or3A_3145 : vector<1xf32> to vector<1x1x1xf32>
      %reduce_or3A_3147 = vector.extract %reduce_or3A_3146[0, 0, 0] : f32 from vector<1x1x1xf32>
      %reduce_or3A_3148 = arith.constant 0.000000e+00 : f32
      %reduce_or3A_3149 = arith.cmpf ogt, %reduce_or3A_3147, %reduce_or3A_3148 : f32
      scf.yield %mul3A_3138, %reduce_or3A_3149 : vector<512x1xf32>, i1
    }
    %swap3A_930 = arith.constant 2048 : index
    %swap3A_931 = arith.constant 0 : index
    %swap3A_932 = vector.load %arg3[%swap3A_930, %swap3A_931] : memref<5120x1xf32, #tpu.memory_space<vmem>>, vector<512x1xf32>
    tpu.vector_store %arg3[%swap3A_930, %swap3A_931], %while3A_929#0 {strides = array<i32>} : memref<5120x1xf32, #tpu.memory_space<vmem>>, vector<512x1xf32>,
    %get3A_933 = arith.constant 2048 : index
    %get3A_934 = arith.constant 0 : index
    %get3A_935 = vector.load %arg0[%get3A_933, %get3A_934] : memref<5120x128xf32, #tpu.memory_space<vmem>>, vector<512x5xf32>
    %mul3A_936 = vector.broadcast %while3A_929#0 : vector<512x1xf32> to vector<512x5xf32>
    %mul3A_937 = arith.mulf %get3A_935, %mul3A_936 : vector<512x5xf32>
    %swap3A_938 = arith.constant 2048 : index
    %swap3A_939 = arith.constant 0 : index
    %swap3A_940 = vector.load %arg2[%swap3A_938, %swap3A_939] : memref<5000x5xf32, #tpu.memory_space<vmem>>, vector<512x5xf32>
    tpu.vector_store %arg2[%swap3A_938, %swap3A_939], %mul3A_937 {strides = array<i32>} : memref<5000x5xf32, #tpu.memory_space<vmem>>, vector<512x5xf32>,
    %get3A_941 = arith.constant 2560 : index
    %get3A_942 = arith.constant 0 : index
    %get3A_943 = vector.load %arg0[%get3A_941, %get3A_942] : memref<5120x128xf32, #tpu.memory_space<vmem>>, vector<512x1xf32>
    %mul3A_944 = vector.broadcast %get3A_943 : vector<512x1xf32> to vector<512x512xf32>
    %mul3A_945 = arith.mulf %mul3A_944, %broadcast_in_dim3A_0 : vector<512x512xf32>
    %get3A_946 = arith.constant 2560 : index
    %get3A_947 = arith.constant 1 : index
    %get3A_948 = vector.load %arg0[%get3A_946, %get3A_947] : memref<5120x128xf32, #tpu.memory_space<vmem>>, vector<512x1xf32>
    %mul3A_949 = vector.broadcast %get3A_948 : vector<512x1xf32> to vector<512x512xf32>
    %mul3A_950 = arith.mulf %mul3A_949, %broadcast_in_dim3A_0 : vector<512x512xf32>
    %get3A_951 = arith.constant 2560 : index
    %get3A_952 = arith.constant 2 : index
    %get3A_953 = vector.load %arg0[%get3A_951, %get3A_952] : memref<5120x128xf32, #tpu.memory_space<vmem>>, vector<512x1xf32>
    %mul3A_954 = vector.broadcast %get3A_953 : vector<512x1xf32> to vector<512x512xf32>
    %mul3A_955 = arith.mulf %mul3A_954, %broadcast_in_dim3A_0 : vector<512x512xf32>
    %get3A_956 = arith.constant 2560 : index
    %get3A_957 = arith.constant 3 : index
    %get3A_958 = vector.load %arg0[%get3A_956, %get3A_957] : memref<5120x128xf32, #tpu.memory_space<vmem>>, vector<512x1xf32>
    %mul3A_959 = vector.broadcast %get3A_958 : vector<512x1xf32> to vector<512x512xf32>
    %mul3A_960 = arith.mulf %mul3A_959, %broadcast_in_dim3A_0 : vector<512x512xf32>
    %sub3A_961 = arith.subf %mul3A_955, %mul3A_945 : vector<512x512xf32>
    %mul3A_962 = arith.constant 5.000000e-01 : f32
    %mul3A_963 = vector.broadcast %mul3A_962 : f32 to vector<512x512xf32>
    %mul3A_964 = arith.mulf %mul3A_963, %sub3A_961 : vector<512x512xf32>
    %sub3A_965 = arith.subf %mul3A_960, %mul3A_950 : vector<512x512xf32>
    %mul3A_966 = arith.mulf %mul3A_964, %sub3A_965 : vector<512x512xf32>
    %broadcast_in_dim3A_967 = arith.constant 0.000000e+00 : f32
    %broadcast_in_dim3A_968 = vector.broadcast %broadcast_in_dim3A_967 : f32 to vector<512x1xf32>
    %get3A_969 = arith.constant 0 : index
    %get3A_970 = arith.constant 0 : index
    %get3A_971 = vector.load %arg1[%get3A_969, %get3A_970] : memref<8x5120xf32, #tpu.memory_space<vmem>>, vector<1x512xf32>
    %get3A_972 = arith.constant 1 : index
    %get3A_973 = arith.constant 0 : index
    %get3A_974 = vector.load %arg1[%get3A_972, %get3A_973] : memref<8x5120xf32, #tpu.memory_space<vmem>>, vector<1x512xf32>
    %get3A_975 = arith.constant 2 : index
    %get3A_976 = arith.constant 0 : index
    %get3A_977 = vector.load %arg1[%get3A_975, %get3A_976] : memref<8x5120xf32, #tpu.memory_space<vmem>>, vector<1x512xf32>
    %get3A_978 = arith.constant 3 : index
    %get3A_979 = arith.constant 0 : index
    %get3A_980 = vector.load %arg1[%get3A_978, %get3A_979] : memref<8x5120xf32, #tpu.memory_space<vmem>>, vector<1x512xf32>
    %sub3A_981 = arith.subf %get3A_977, %get3A_971 : vector<1x512xf32>
    %mul3A_982 = arith.constant 5.000000e-01 : f32
    %mul3A_983 = vector.broadcast %mul3A_982 : f32 to vector<1x512xf32>
    %mul3A_984 = arith.mulf %mul3A_983, %sub3A_981 : vector<1x512xf32>
    %sub3A_985 = arith.subf %get3A_980, %get3A_974 : vector<1x512xf32>
    %mul3A_986 = arith.mulf %mul3A_984, %sub3A_985 : vector<1x512xf32>
    %min3A_987 = vector.broadcast %get3A_977 : vector<1x512xf32> to vector<512x512xf32>
    %min3A_988 = arith.minimumf %mul3A_955, %min3A_987 : vector<512x512xf32>
    %max3A_989 = vector.broadcast %get3A_971 : vector<1x512xf32> to vector<512x512xf32>
    %max3A_990 = arith.maximumf %mul3A_945, %max3A_989 : vector<512x512xf32>
    %sub3A_991 = arith.subf %min3A_988, %max3A_990 : vector<512x512xf32>
    %max3A_992 = arith.constant 0.000000e+00 : f32
    %max3A_993 = vector.broadcast %max3A_992 : f32 to vector<512x512xf32>
    %max3A_994 = arith.maximumf %sub3A_991, %max3A_993 : vector<512x512xf32>
    %min3A_995 = vector.broadcast %get3A_980 : vector<1x512xf32> to vector<512x512xf32>
    %min3A_996 = arith.minimumf %mul3A_960, %min3A_995 : vector<512x512xf32>
    %max3A_997 = vector.broadcast %get3A_974 : vector<1x512xf32> to vector<512x512xf32>
    %max3A_998 = arith.maximumf %mul3A_950, %max3A_997 : vector<512x512xf32>
    %sub3A_999 = arith.subf %min3A_996, %max3A_998 : vector<512x512xf32>
    %max3A_1000 = arith.constant 0.000000e+00 : f32
    %max3A_1001 = vector.broadcast %max3A_1000 : f32 to vector<512x512xf32>
    %max3A_1002 = arith.maximumf %sub3A_999, %max3A_1001 : vector<512x512xf32>
    %mul3A_1003 = arith.mulf %max3A_994, %max3A_1002 : vector<512x512xf32>
    %mul3A_1004 = arith.constant 1.500000e+00 : f32
    %mul3A_1005 = vector.broadcast %mul3A_1004 : f32 to vector<512x512xf32>
    %mul3A_1006 = arith.mulf %mul3A_1005, %mul3A_1003 : vector<512x512xf32>
    %add3A_1007 = vector.broadcast %mul3A_986 : vector<1x512xf32> to vector<512x512xf32>
    %add3A_1008 = arith.addf %mul3A_966, %add3A_1007 : vector<512x512xf32>
    %gt3A_1009 = arith.cmpf ogt, %mul3A_1006, %add3A_1008 : vector<512x512xf32>
    %convert_element_type3A_1010 = arith.extui %gt3A_1009 : vector<512x512xi1> to vector<512x512xi32>
    %convert_element_type3A_1011 = arith.sitofp %convert_element_type3A_1010 : vector<512x512xi32> to vector<512x512xf32>
    %get3A_1012 = arith.constant 0 : index
    %get3A_1013 = arith.constant 0 : index
    %get3A_1014 = vector.load %arg3[%get3A_1012, %get3A_1013] : memref<5120x1xf32, #tpu.memory_space<vmem>>, vector<512x1xf32>
    %dot_general3A_1015 = arith.constant dense<0.000000e+00> : vector<512x1xf32>
    %dot_general3A_1016 = tpu.matmul %convert_element_type3A_1011, %get3A_1014, %dot_general3A_1015 {dimension_numbers = #tpu.dot_dimension_numbers<[1], [0], [0], [1], [0, 0, 1, 1], [], []>, transpose_lhs_hint = false} : vector<512x512xf32>, vector<512x1xf32>, vector<512x1xf32> -> vector<512x1xf32>
    %add3A_1017 = arith.addf %broadcast_in_dim3A_968, %dot_general3A_1016 : vector<512x1xf32>
    %get3A_1018 = arith.constant 0 : index
    %get3A_1019 = arith.constant 512 : index
    %get3A_1020 = vector.load %arg1[%get3A_1018, %get3A_1019] : memref<8x5120xf32, #tpu.memory_space<vmem>>, vector<1x512xf32>
    %get3A_1021 = arith.constant 1 : index
    %get3A_1022 = arith.constant 512 : index
    %get3A_1023 = vector.load %arg1[%get3A_1021, %get3A_1022] : memref<8x5120xf32, #tpu.memory_space<vmem>>, vector<1x512xf32>
    %get3A_1024 = arith.constant 2 : index
    %get3A_1025 = arith.constant 512 : index
    %get3A_1026 = vector.load %arg1[%get3A_1024, %get3A_1025] : memref<8x5120xf32, #tpu.memory_space<vmem>>, vector<1x512xf32>
    %get3A_1027 = arith.constant 3 : index
    %get3A_1028 = arith.constant 512 : index
    %get3A_1029 = vector.load %arg1[%get3A_1027, %get3A_1028] : memref<8x5120xf32, #tpu.memory_space<vmem>>, vector<1x512xf32>
    %sub3A_1030 = arith.subf %get3A_1026, %get3A_1020 : vector<1x512xf32>
    %mul3A_1031 = arith.constant 5.000000e-01 : f32
    %mul3A_1032 = vector.broadcast %mul3A_1031 : f32 to vector<1x512xf32>
    %mul3A_1033 = arith.mulf %mul3A_1032, %sub3A_1030 : vector<1x512xf32>
    %sub3A_1034 = arith.subf %get3A_1029, %get3A_1023 : vector<1x512xf32>
    %mul3A_1035 = arith.mulf %mul3A_1033, %sub3A_1034 : vector<1x512xf32>
    %min3A_1036 = vector.broadcast %get3A_1026 : vector<1x512xf32> to vector<512x512xf32>
    %min3A_1037 = arith.minimumf %mul3A_955, %min3A_1036 : vector<512x512xf32>
    %max3A_1038 = vector.broadcast %get3A_1020 : vector<1x512xf32> to vector<512x512xf32>
    %max3A_1039 = arith.maximumf %mul3A_945, %max3A_1038 : vector<512x512xf32>
    %sub3A_1040 = arith.subf %min3A_1037, %max3A_1039 : vector<512x512xf32>
    %max3A_1041 = arith.constant 0.000000e+00 : f32
    %max3A_1042 = vector.broadcast %max3A_1041 : f32 to vector<512x512xf32>
    %max3A_1043 = arith.maximumf %sub3A_1040, %max3A_1042 : vector<512x512xf32>
    %min3A_1044 = vector.broadcast %get3A_1029 : vector<1x512xf32> to vector<512x512xf32>
    %min3A_1045 = arith.minimumf %mul3A_960, %min3A_1044 : vector<512x512xf32>
    %max3A_1046 = vector.broadcast %get3A_1023 : vector<1x512xf32> to vector<512x512xf32>
    %max3A_1047 = arith.maximumf %mul3A_950, %max3A_1046 : vector<512x512xf32>
    %sub3A_1048 = arith.subf %min3A_1045, %max3A_1047 : vector<512x512xf32>
    %max3A_1049 = arith.constant 0.000000e+00 : f32
    %max3A_1050 = vector.broadcast %max3A_1049 : f32 to vector<512x512xf32>
    %max3A_1051 = arith.maximumf %sub3A_1048, %max3A_1050 : vector<512x512xf32>
    %mul3A_1052 = arith.mulf %max3A_1043, %max3A_1051 : vector<512x512xf32>
    %mul3A_1053 = arith.constant 1.500000e+00 : f32
    %mul3A_1054 = vector.broadcast %mul3A_1053 : f32 to vector<512x512xf32>
    %mul3A_1055 = arith.mulf %mul3A_1054, %mul3A_1052 : vector<512x512xf32>
    %add3A_1056 = vector.broadcast %mul3A_1035 : vector<1x512xf32> to vector<512x512xf32>
    %add3A_1057 = arith.addf %mul3A_966, %add3A_1056 : vector<512x512xf32>
    %gt3A_1058 = arith.cmpf ogt, %mul3A_1055, %add3A_1057 : vector<512x512xf32>
    %convert_element_type3A_1059 = arith.extui %gt3A_1058 : vector<512x512xi1> to vector<512x512xi32>
    %convert_element_type3A_1060 = arith.sitofp %convert_element_type3A_1059 : vector<512x512xi32> to vector<512x512xf32>
    %get3A_1061 = arith.constant 512 : index
    %get3A_1062 = arith.constant 0 : index
    %get3A_1063 = vector.load %arg3[%get3A_1061, %get3A_1062] : memref<5120x1xf32, #tpu.memory_space<vmem>>, vector<512x1xf32>
    %dot_general3A_1064 = arith.constant dense<0.000000e+00> : vector<512x1xf32>
    %dot_general3A_1065 = tpu.matmul %convert_element_type3A_1060, %get3A_1063, %dot_general3A_1064 {dimension_numbers = #tpu.dot_dimension_numbers<[1], [0], [0], [1], [0, 0, 1, 1], [], []>, transpose_lhs_hint = false} : vector<512x512xf32>, vector<512x1xf32>, vector<512x1xf32> -> vector<512x1xf32>
    %add3A_1066 = arith.addf %add3A_1017, %dot_general3A_1065 : vector<512x1xf32>
    %get3A_1067 = arith.constant 0 : index
    %get3A_1068 = arith.constant 1024 : index
    %get3A_1069 = vector.load %arg1[%get3A_1067, %get3A_1068] : memref<8x5120xf32, #tpu.memory_space<vmem>>, vector<1x512xf32>
    %get3A_1070 = arith.constant 1 : index
    %get3A_1071 = arith.constant 1024 : index
    %get3A_1072 = vector.load %arg1[%get3A_1070, %get3A_1071] : memref<8x5120xf32, #tpu.memory_space<vmem>>, vector<1x512xf32>
    %get3A_1073 = arith.constant 2 : index
    %get3A_1074 = arith.constant 1024 : index
    %get3A_1075 = vector.load %arg1[%get3A_1073, %get3A_1074] : memref<8x5120xf32, #tpu.memory_space<vmem>>, vector<1x512xf32>
    %get3A_1076 = arith.constant 3 : index
    %get3A_1077 = arith.constant 1024 : index
    %get3A_1078 = vector.load %arg1[%get3A_1076, %get3A_1077] : memref<8x5120xf32, #tpu.memory_space<vmem>>, vector<1x512xf32>
    %sub3A_1079 = arith.subf %get3A_1075, %get3A_1069 : vector<1x512xf32>
    %mul3A_1080 = arith.constant 5.000000e-01 : f32
    %mul3A_1081 = vector.broadcast %mul3A_1080 : f32 to vector<1x512xf32>
    %mul3A_1082 = arith.mulf %mul3A_1081, %sub3A_1079 : vector<1x512xf32>
    %sub3A_1083 = arith.subf %get3A_1078, %get3A_1072 : vector<1x512xf32>
    %mul3A_1084 = arith.mulf %mul3A_1082, %sub3A_1083 : vector<1x512xf32>
    %min3A_1085 = vector.broadcast %get3A_1075 : vector<1x512xf32> to vector<512x512xf32>
    %min3A_1086 = arith.minimumf %mul3A_955, %min3A_1085 : vector<512x512xf32>
    %max3A_1087 = vector.broadcast %get3A_1069 : vector<1x512xf32> to vector<512x512xf32>
    %max3A_1088 = arith.maximumf %mul3A_945, %max3A_1087 : vector<512x512xf32>
    %sub3A_1089 = arith.subf %min3A_1086, %max3A_1088 : vector<512x512xf32>
    %max3A_1090 = arith.constant 0.000000e+00 : f32
    %max3A_1091 = vector.broadcast %max3A_1090 : f32 to vector<512x512xf32>
    %max3A_1092 = arith.maximumf %sub3A_1089, %max3A_1091 : vector<512x512xf32>
    %min3A_1093 = vector.broadcast %get3A_1078 : vector<1x512xf32> to vector<512x512xf32>
    %min3A_1094 = arith.minimumf %mul3A_960, %min3A_1093 : vector<512x512xf32>
    %max3A_1095 = vector.broadcast %get3A_1072 : vector<1x512xf32> to vector<512x512xf32>
    %max3A_1096 = arith.maximumf %mul3A_950, %max3A_1095 : vector<512x512xf32>
    %sub3A_1097 = arith.subf %min3A_1094, %max3A_1096 : vector<512x512xf32>
    %max3A_1098 = arith.constant 0.000000e+00 : f32
    %max3A_1099 = vector.broadcast %max3A_1098 : f32 to vector<512x512xf32>
    %max3A_1100 = arith.maximumf %sub3A_1097, %max3A_1099 : vector<512x512xf32>
    %mul3A_1101 = arith.mulf %max3A_1092, %max3A_1100 : vector<512x512xf32>
    %mul3A_1102 = arith.constant 1.500000e+00 : f32
    %mul3A_1103 = vector.broadcast %mul3A_1102 : f32 to vector<512x512xf32>
    %mul3A_1104 = arith.mulf %mul3A_1103, %mul3A_1101 : vector<512x512xf32>
    %add3A_1105 = vector.broadcast %mul3A_1084 : vector<1x512xf32> to vector<512x512xf32>
    %add3A_1106 = arith.addf %mul3A_966, %add3A_1105 : vector<512x512xf32>
    %gt3A_1107 = arith.cmpf ogt, %mul3A_1104, %add3A_1106 : vector<512x512xf32>
    %convert_element_type3A_1108 = arith.extui %gt3A_1107 : vector<512x512xi1> to vector<512x512xi32>
    %convert_element_type3A_1109 = arith.sitofp %convert_element_type3A_1108 : vector<512x512xi32> to vector<512x512xf32>
    %get3A_1110 = arith.constant 1024 : index
    %get3A_1111 = arith.constant 0 : index
    %get3A_1112 = vector.load %arg3[%get3A_1110, %get3A_1111] : memref<5120x1xf32, #tpu.memory_space<vmem>>, vector<512x1xf32>
    %dot_general3A_1113 = arith.constant dense<0.000000e+00> : vector<512x1xf32>
    %dot_general3A_1114 = tpu.matmul %convert_element_type3A_1109, %get3A_1112, %dot_general3A_1113 {dimension_numbers = #tpu.dot_dimension_numbers<[1], [0], [0], [1], [0, 0, 1, 1], [], []>, transpose_lhs_hint = false} : vector<512x512xf32>, vector<512x1xf32>, vector<512x1xf32> -> vector<512x1xf32>
    %add3A_1115 = arith.addf %add3A_1066, %dot_general3A_1114 : vector<512x1xf32>
    %get3A_1116 = arith.constant 0 : index
    %get3A_1117 = arith.constant 1536 : index
    %get3A_1118 = vector.load %arg1[%get3A_1116, %get3A_1117] : memref<8x5120xf32, #tpu.memory_space<vmem>>, vector<1x512xf32>
    %get3A_1119 = arith.constant 1 : index
    %get3A_1120 = arith.constant 1536 : index
    %get3A_1121 = vector.load %arg1[%get3A_1119, %get3A_1120] : memref<8x5120xf32, #tpu.memory_space<vmem>>, vector<1x512xf32>
    %get3A_1122 = arith.constant 2 : index
    %get3A_1123 = arith.constant 1536 : index
    %get3A_1124 = vector.load %arg1[%get3A_1122, %get3A_1123] : memref<8x5120xf32, #tpu.memory_space<vmem>>, vector<1x512xf32>
    %get3A_1125 = arith.constant 3 : index
    %get3A_1126 = arith.constant 1536 : index
    %get3A_1127 = vector.load %arg1[%get3A_1125, %get3A_1126] : memref<8x5120xf32, #tpu.memory_space<vmem>>, vector<1x512xf32>
    %sub3A_1128 = arith.subf %get3A_1124, %get3A_1118 : vector<1x512xf32>
    %mul3A_1129 = arith.constant 5.000000e-01 : f32
    %mul3A_1130 = vector.broadcast %mul3A_1129 : f32 to vector<1x512xf32>
    %mul3A_1131 = arith.mulf %mul3A_1130, %sub3A_1128 : vector<1x512xf32>
    %sub3A_1132 = arith.subf %get3A_1127, %get3A_1121 : vector<1x512xf32>
    %mul3A_1133 = arith.mulf %mul3A_1131, %sub3A_1132 : vector<1x512xf32>
    %min3A_1134 = vector.broadcast %get3A_1124 : vector<1x512xf32> to vector<512x512xf32>
    %min3A_1135 = arith.minimumf %mul3A_955, %min3A_1134 : vector<512x512xf32>
    %max3A_1136 = vector.broadcast %get3A_1118 : vector<1x512xf32> to vector<512x512xf32>
    %max3A_1137 = arith.maximumf %mul3A_945, %max3A_1136 : vector<512x512xf32>
    %sub3A_1138 = arith.subf %min3A_1135, %max3A_1137 : vector<512x512xf32>
    %max3A_1139 = arith.constant 0.000000e+00 : f32
    %max3A_1140 = vector.broadcast %max3A_1139 : f32 to vector<512x512xf32>
    %max3A_1141 = arith.maximumf %sub3A_1138, %max3A_1140 : vector<512x512xf32>
    %min3A_1142 = vector.broadcast %get3A_1127 : vector<1x512xf32> to vector<512x512xf32>
    %min3A_1143 = arith.minimumf %mul3A_960, %min3A_1142 : vector<512x512xf32>
    %max3A_1144 = vector.broadcast %get3A_1121 : vector<1x512xf32> to vector<512x512xf32>
    %max3A_1145 = arith.maximumf %mul3A_950, %max3A_1144 : vector<512x512xf32>
    %sub3A_1146 = arith.subf %min3A_1143, %max3A_1145 : vector<512x512xf32>
    %max3A_1147 = arith.constant 0.000000e+00 : f32
    %max3A_1148 = vector.broadcast %max3A_1147 : f32 to vector<512x512xf32>
    %max3A_1149 = arith.maximumf %sub3A_1146, %max3A_1148 : vector<512x512xf32>
    %mul3A_1150 = arith.mulf %max3A_1141, %max3A_1149 : vector<512x512xf32>
    %mul3A_1151 = arith.constant 1.500000e+00 : f32
    %mul3A_1152 = vector.broadcast %mul3A_1151 : f32 to vector<512x512xf32>
    %mul3A_1153 = arith.mulf %mul3A_1152, %mul3A_1150 : vector<512x512xf32>
    %add3A_1154 = vector.broadcast %mul3A_1133 : vector<1x512xf32> to vector<512x512xf32>
    %add3A_1155 = arith.addf %mul3A_966, %add3A_1154 : vector<512x512xf32>
    %gt3A_1156 = arith.cmpf ogt, %mul3A_1153, %add3A_1155 : vector<512x512xf32>
    %convert_element_type3A_1157 = arith.extui %gt3A_1156 : vector<512x512xi1> to vector<512x512xi32>
    %convert_element_type3A_1158 = arith.sitofp %convert_element_type3A_1157 : vector<512x512xi32> to vector<512x512xf32>
    %get3A_1159 = arith.constant 1536 : index
    %get3A_1160 = arith.constant 0 : index
    %get3A_1161 = vector.load %arg3[%get3A_1159, %get3A_1160] : memref<5120x1xf32, #tpu.memory_space<vmem>>, vector<512x1xf32>
    %dot_general3A_1162 = arith.constant dense<0.000000e+00> : vector<512x1xf32>
    %dot_general3A_1163 = tpu.matmul %convert_element_type3A_1158, %get3A_1161, %dot_general3A_1162 {dimension_numbers = #tpu.dot_dimension_numbers<[1], [0], [0], [1], [0, 0, 1, 1], [], []>, transpose_lhs_hint = false} : vector<512x512xf32>, vector<512x1xf32>, vector<512x1xf32> -> vector<512x1xf32>
    %add3A_1164 = arith.addf %add3A_1115, %dot_general3A_1163 : vector<512x1xf32>
    %get3A_1165 = arith.constant 0 : index
    %get3A_1166 = arith.constant 2048 : index
    %get3A_1167 = vector.load %arg1[%get3A_1165, %get3A_1166] : memref<8x5120xf32, #tpu.memory_space<vmem>>, vector<1x512xf32>
    %get3A_1168 = arith.constant 1 : index
    %get3A_1169 = arith.constant 2048 : index
    %get3A_1170 = vector.load %arg1[%get3A_1168, %get3A_1169] : memref<8x5120xf32, #tpu.memory_space<vmem>>, vector<1x512xf32>
    %get3A_1171 = arith.constant 2 : index
    %get3A_1172 = arith.constant 2048 : index
    %get3A_1173 = vector.load %arg1[%get3A_1171, %get3A_1172] : memref<8x5120xf32, #tpu.memory_space<vmem>>, vector<1x512xf32>
    %get3A_1174 = arith.constant 3 : index
    %get3A_1175 = arith.constant 2048 : index
    %get3A_1176 = vector.load %arg1[%get3A_1174, %get3A_1175] : memref<8x5120xf32, #tpu.memory_space<vmem>>, vector<1x512xf32>
    %sub3A_1177 = arith.subf %get3A_1173, %get3A_1167 : vector<1x512xf32>
    %mul3A_1178 = arith.constant 5.000000e-01 : f32
    %mul3A_1179 = vector.broadcast %mul3A_1178 : f32 to vector<1x512xf32>
    %mul3A_1180 = arith.mulf %mul3A_1179, %sub3A_1177 : vector<1x512xf32>
    %sub3A_1181 = arith.subf %get3A_1176, %get3A_1170 : vector<1x512xf32>
    %mul3A_1182 = arith.mulf %mul3A_1180, %sub3A_1181 : vector<1x512xf32>
    %min3A_1183 = vector.broadcast %get3A_1173 : vector<1x512xf32> to vector<512x512xf32>
    %min3A_1184 = arith.minimumf %mul3A_955, %min3A_1183 : vector<512x512xf32>
    %max3A_1185 = vector.broadcast %get3A_1167 : vector<1x512xf32> to vector<512x512xf32>
    %max3A_1186 = arith.maximumf %mul3A_945, %max3A_1185 : vector<512x512xf32>
    %sub3A_1187 = arith.subf %min3A_1184, %max3A_1186 : vector<512x512xf32>
    %max3A_1188 = arith.constant 0.000000e+00 : f32
    %max3A_1189 = vector.broadcast %max3A_1188 : f32 to vector<512x512xf32>
    %max3A_1190 = arith.maximumf %sub3A_1187, %max3A_1189 : vector<512x512xf32>
    %min3A_1191 = vector.broadcast %get3A_1176 : vector<1x512xf32> to vector<512x512xf32>
    %min3A_1192 = arith.minimumf %mul3A_960, %min3A_1191 : vector<512x512xf32>
    %max3A_1193 = vector.broadcast %get3A_1170 : vector<1x512xf32> to vector<512x512xf32>
    %max3A_1194 = arith.maximumf %mul3A_950, %max3A_1193 : vector<512x512xf32>
    %sub3A_1195 = arith.subf %min3A_1192, %max3A_1194 : vector<512x512xf32>
    %max3A_1196 = arith.constant 0.000000e+00 : f32
    %max3A_1197 = vector.broadcast %max3A_1196 : f32 to vector<512x512xf32>
    %max3A_1198 = arith.maximumf %sub3A_1195, %max3A_1197 : vector<512x512xf32>
    %mul3A_1199 = arith.mulf %max3A_1190, %max3A_1198 : vector<512x512xf32>
    %mul3A_1200 = arith.constant 1.500000e+00 : f32
    %mul3A_1201 = vector.broadcast %mul3A_1200 : f32 to vector<512x512xf32>
    %mul3A_1202 = arith.mulf %mul3A_1201, %mul3A_1199 : vector<512x512xf32>
    %add3A_1203 = vector.broadcast %mul3A_1182 : vector<1x512xf32> to vector<512x512xf32>
    %add3A_1204 = arith.addf %mul3A_966, %add3A_1203 : vector<512x512xf32>
    %gt3A_1205 = arith.cmpf ogt, %mul3A_1202, %add3A_1204 : vector<512x512xf32>
    %convert_element_type3A_1206 = arith.extui %gt3A_1205 : vector<512x512xi1> to vector<512x512xi32>
    %convert_element_type3A_1207 = arith.sitofp %convert_element_type3A_1206 : vector<512x512xi32> to vector<512x512xf32>
    %get3A_1208 = arith.constant 2048 : index
    %get3A_1209 = arith.constant 0 : index
    %get3A_1210 = vector.load %arg3[%get3A_1208, %get3A_1209] : memref<5120x1xf32, #tpu.memory_space<vmem>>, vector<512x1xf32>
    %dot_general3A_1211 = arith.constant dense<0.000000e+00> : vector<512x1xf32>
    %dot_general3A_1212 = tpu.matmul %convert_element_type3A_1207, %get3A_1210, %dot_general3A_1211 {dimension_numbers = #tpu.dot_dimension_numbers<[1], [0], [0], [1], [0, 0, 1, 1], [], []>, transpose_lhs_hint = false} : vector<512x512xf32>, vector<512x1xf32>, vector<512x1xf32> -> vector<512x1xf32>
    %add3A_1213 = arith.addf %add3A_1164, %dot_general3A_1212 : vector<512x1xf32>
    %eq3A_1214 = arith.constant 0.000000e+00 : f32
    %eq3A_1215 = vector.broadcast %eq3A_1214 : f32 to vector<512x1xf32>
    %eq3A_1216 = arith.cmpf oeq, %add3A_1213, %eq3A_1215 : vector<512x1xf32>
    %convert_element_type3A_1217 = arith.extui %eq3A_1216 : vector<512x1xi1> to vector<512x1xi32>
    %convert_element_type3A_1218 = arith.sitofp %convert_element_type3A_1217 : vector<512x1xi32> to vector<512x1xf32>
    %iota3A_1219 = tpu.iota {dimensions = array<i32: 0>} : vector<512x512xi32>
    %iota3A_1220 = tpu.iota {dimensions = array<i32: 1>} : vector<512x512xi32>
    %get3A_1221 = arith.constant 0 : index
    %get3A_1222 = arith.constant 2560 : index
    %get3A_1223 = vector.load %arg1[%get3A_1221, %get3A_1222] : memref<8x5120xf32, #tpu.memory_space<vmem>>, vector<1x512xf32>
    %get3A_1224 = arith.constant 1 : index
    %get3A_1225 = arith.constant 2560 : index
    %get3A_1226 = vector.load %arg1[%get3A_1224, %get3A_1225] : memref<8x5120xf32, #tpu.memory_space<vmem>>, vector<1x512xf32>
    %get3A_1227 = arith.constant 2 : index
    %get3A_1228 = arith.constant 2560 : index
    %get3A_1229 = vector.load %arg1[%get3A_1227, %get3A_1228] : memref<8x5120xf32, #tpu.memory_space<vmem>>, vector<1x512xf32>
    %get3A_1230 = arith.constant 3 : index
    %get3A_1231 = arith.constant 2560 : index
    %get3A_1232 = vector.load %arg1[%get3A_1230, %get3A_1231] : memref<8x5120xf32, #tpu.memory_space<vmem>>, vector<1x512xf32>
    %sub3A_1233 = arith.subf %get3A_1229, %get3A_1223 : vector<1x512xf32>
    %mul3A_1234 = arith.constant 5.000000e-01 : f32
    %mul3A_1235 = vector.broadcast %mul3A_1234 : f32 to vector<1x512xf32>
    %mul3A_1236 = arith.mulf %mul3A_1235, %sub3A_1233 : vector<1x512xf32>
    %sub3A_1237 = arith.subf %get3A_1232, %get3A_1226 : vector<1x512xf32>
    %mul3A_1238 = arith.mulf %mul3A_1236, %sub3A_1237 : vector<1x512xf32>
    %min3A_1239 = vector.broadcast %get3A_1229 : vector<1x512xf32> to vector<512x512xf32>
    %min3A_1240 = arith.minimumf %mul3A_955, %min3A_1239 : vector<512x512xf32>
    %max3A_1241 = vector.broadcast %get3A_1223 : vector<1x512xf32> to vector<512x512xf32>
    %max3A_1242 = arith.maximumf %mul3A_945, %max3A_1241 : vector<512x512xf32>
    %sub3A_1243 = arith.subf %min3A_1240, %max3A_1242 : vector<512x512xf32>
    %max3A_1244 = arith.constant 0.000000e+00 : f32
    %max3A_1245 = vector.broadcast %max3A_1244 : f32 to vector<512x512xf32>
    %max3A_1246 = arith.maximumf %sub3A_1243, %max3A_1245 : vector<512x512xf32>
    %min3A_1247 = vector.broadcast %get3A_1232 : vector<1x512xf32> to vector<512x512xf32>
    %min3A_1248 = arith.minimumf %mul3A_960, %min3A_1247 : vector<512x512xf32>
    %max3A_1249 = vector.broadcast %get3A_1226 : vector<1x512xf32> to vector<512x512xf32>
    %max3A_1250 = arith.maximumf %mul3A_950, %max3A_1249 : vector<512x512xf32>
    %sub3A_1251 = arith.subf %min3A_1248, %max3A_1250 : vector<512x512xf32>
    %max3A_1252 = arith.constant 0.000000e+00 : f32
    %max3A_1253 = vector.broadcast %max3A_1252 : f32 to vector<512x512xf32>
    %max3A_1254 = arith.maximumf %sub3A_1251, %max3A_1253 : vector<512x512xf32>
    %mul3A_1255 = arith.mulf %max3A_1246, %max3A_1254 : vector<512x512xf32>
    %mul3A_1256 = arith.constant 1.500000e+00 : f32
    %mul3A_1257 = vector.broadcast %mul3A_1256 : f32 to vector<512x512xf32>
    %mul3A_1258 = arith.mulf %mul3A_1257, %mul3A_1255 : vector<512x512xf32>
    %add3A_1259 = vector.broadcast %mul3A_1238 : vector<1x512xf32> to vector<512x512xf32>
    %add3A_1260 = arith.addf %mul3A_966, %add3A_1259 : vector<512x512xf32>
    %gt3A_1261 = arith.cmpf ogt, %mul3A_1258, %add3A_1260 : vector<512x512xf32>
    %lt3A_1262 = arith.cmpi slt, %iota3A_1220, %iota3A_1219 : vector<512x512xi32>
    %and3A_1263 = arith.andi %gt3A_1261, %lt3A_1262 : vector<512x512xi1>
    %convert_element_type3A_1264 = arith.extui %and3A_1263 : vector<512x512xi1> to vector<512x512xi32>
    %convert_element_type3A_1265 = arith.sitofp %convert_element_type3A_1264 : vector<512x512xi32> to vector<512x512xf32>
    %while3A_1266 = arith.constant true
    %while3A_1267:2 = scf.while (%while3A_3121 = %convert_element_type3A_1218, %while3A_3122 = %while3A_1266) : (vector<512x1xf32>, i1) -> (vector<512x1xf32>, i1) {
      scf.condition(%while3A_3122) %while3A_3121, %while3A_3122 : vector<512x1xf32>, i1
    } do {
    ^bb0(%while3A_3121: vector<512x1xf32>, %while3A_3122: i1):
      %dot_general3A_3123 = arith.constant dense<0.000000e+00> : vector<512x1xf32>
      %dot_general3A_3124 = tpu.matmul %convert_element_type3A_1265, %while3A_3121, %dot_general3A_3123 {dimension_numbers = #tpu.dot_dimension_numbers<[1], [0], [0], [1], [0, 0, 1, 1], [], []>, transpose_lhs_hint = false} : vector<512x512xf32>, vector<512x1xf32>, vector<512x1xf32> -> vector<512x1xf32>
      %eq3A_3125 = arith.constant 0.000000e+00 : f32
      %eq3A_3126 = vector.broadcast %eq3A_3125 : f32 to vector<512x1xf32>
      %eq3A_3127 = arith.cmpf oeq, %dot_general3A_3124, %eq3A_3126 : vector<512x1xf32>
      %convert_element_type3A_3128 = arith.extui %eq3A_3127 : vector<512x1xi1> to vector<512x1xi32>
      %convert_element_type3A_3129 = arith.sitofp %convert_element_type3A_3128 : vector<512x1xi32> to vector<512x1xf32>
      %mul3A_3130 = arith.mulf %convert_element_type3A_1218, %convert_element_type3A_3129 : vector<512x1xf32>
      %dot_general3A_3131 = arith.constant dense<0.000000e+00> : vector<512x1xf32>
      %dot_general3A_3132 = tpu.matmul %convert_element_type3A_1265, %mul3A_3130, %dot_general3A_3131 {dimension_numbers = #tpu.dot_dimension_numbers<[1], [0], [0], [1], [0, 0, 1, 1], [], []>, transpose_lhs_hint = false} : vector<512x512xf32>, vector<512x1xf32>, vector<512x1xf32> -> vector<512x1xf32>
      %eq3A_3133 = arith.constant 0.000000e+00 : f32
      %eq3A_3134 = vector.broadcast %eq3A_3133 : f32 to vector<512x1xf32>
      %eq3A_3135 = arith.cmpf oeq, %dot_general3A_3132, %eq3A_3134 : vector<512x1xf32>
      %convert_element_type3A_3136 = arith.extui %eq3A_3135 : vector<512x1xi1> to vector<512x1xi32>
      %convert_element_type3A_3137 = arith.sitofp %convert_element_type3A_3136 : vector<512x1xi32> to vector<512x1xf32>
      %mul3A_3138 = arith.mulf %convert_element_type3A_1218, %convert_element_type3A_3137 : vector<512x1xf32>
      %ne3A = arith.cmpf one, %mul3A_3138, %while3A_3121 : vector<512x1xf32>
      %reduce_or3A = arith.constant 1.000000e+00 : f32
      %reduce_or3A_3139 = arith.constant 0.000000e+00 : f32
      %reduce_or3A_3140 = vector.broadcast %reduce_or3A : f32 to vector<512x1xf32>
      %reduce_or3A_3141 = vector.broadcast %reduce_or3A_3139 : f32 to vector<512x1xf32>
      %reduce_or3A_3142 = arith.select %ne3A, %reduce_or3A_3140, %reduce_or3A_3141 : vector<512x1xi1>, vector<512x1xf32>
      %reduce_or3A_3143 = vector.shape_cast %reduce_or3A_3142 : vector<512x1xf32> to vector<1x512x1xf32>
      %reduce_or3A_3144 = arith.constant dense<0xFF800000> : vector<1xf32>
      %reduce_or3A_3145 = vector.multi_reduction <maximumf>, %reduce_or3A_3143, %reduce_or3A_3144 [1, 2] : vector<1x512x1xf32> to vector<1xf32>
      %reduce_or3A_3146 = vector.shape_cast %reduce_or3A_3145 : vector<1xf32> to vector<1x1x1xf32>
      %reduce_or3A_3147 = vector.extract %reduce_or3A_3146[0, 0, 0] : f32 from vector<1x1x1xf32>
      %reduce_or3A_3148 = arith.constant 0.000000e+00 : f32
      %reduce_or3A_3149 = arith.cmpf ogt, %reduce_or3A_3147, %reduce_or3A_3148 : f32
      scf.yield %mul3A_3138, %reduce_or3A_3149 : vector<512x1xf32>, i1
    }
    %swap3A_1268 = arith.constant 2560 : index
    %swap3A_1269 = arith.constant 0 : index
    %swap3A_1270 = vector.load %arg3[%swap3A_1268, %swap3A_1269] : memref<5120x1xf32, #tpu.memory_space<vmem>>, vector<512x1xf32>
    tpu.vector_store %arg3[%swap3A_1268, %swap3A_1269], %while3A_1267#0 {strides = array<i32>} : memref<5120x1xf32, #tpu.memory_space<vmem>>, vector<512x1xf32>,
    %get3A_1271 = arith.constant 2560 : index
    %get3A_1272 = arith.constant 0 : index
    %get3A_1273 = vector.load %arg0[%get3A_1271, %get3A_1272] : memref<5120x128xf32, #tpu.memory_space<vmem>>, vector<512x5xf32>
    %mul3A_1274 = vector.broadcast %while3A_1267#0 : vector<512x1xf32> to vector<512x5xf32>
    %mul3A_1275 = arith.mulf %get3A_1273, %mul3A_1274 : vector<512x5xf32>
    %swap3A_1276 = arith.constant 2560 : index
    %swap3A_1277 = arith.constant 0 : index
    %swap3A_1278 = vector.load %arg2[%swap3A_1276, %swap3A_1277] : memref<5000x5xf32, #tpu.memory_space<vmem>>, vector<512x5xf32>
    tpu.vector_store %arg2[%swap3A_1276, %swap3A_1277], %mul3A_1275 {strides = array<i32>} : memref<5000x5xf32, #tpu.memory_space<vmem>>, vector<512x5xf32>,
    %get3A_1279 = arith.constant 3072 : index
    %get3A_1280 = arith.constant 0 : index
    %get3A_1281 = vector.load %arg0[%get3A_1279, %get3A_1280] : memref<5120x128xf32, #tpu.memory_space<vmem>>, vector<512x1xf32>
    %mul3A_1282 = vector.broadcast %get3A_1281 : vector<512x1xf32> to vector<512x512xf32>
    %mul3A_1283 = arith.mulf %mul3A_1282, %broadcast_in_dim3A_0 : vector<512x512xf32>
    %get3A_1284 = arith.constant 3072 : index
    %get3A_1285 = arith.constant 1 : index
    %get3A_1286 = vector.load %arg0[%get3A_1284, %get3A_1285] : memref<5120x128xf32, #tpu.memory_space<vmem>>, vector<512x1xf32>
    %mul3A_1287 = vector.broadcast %get3A_1286 : vector<512x1xf32> to vector<512x512xf32>
    %mul3A_1288 = arith.mulf %mul3A_1287, %broadcast_in_dim3A_0 : vector<512x512xf32>
    %get3A_1289 = arith.constant 3072 : index
    %get3A_1290 = arith.constant 2 : index
    %get3A_1291 = vector.load %arg0[%get3A_1289, %get3A_1290] : memref<5120x128xf32, #tpu.memory_space<vmem>>, vector<512x1xf32>
    %mul3A_1292 = vector.broadcast %get3A_1291 : vector<512x1xf32> to vector<512x512xf32>
    %mul3A_1293 = arith.mulf %mul3A_1292, %broadcast_in_dim3A_0 : vector<512x512xf32>
    %get3A_1294 = arith.constant 3072 : index
    %get3A_1295 = arith.constant 3 : index
    %get3A_1296 = vector.load %arg0[%get3A_1294, %get3A_1295] : memref<5120x128xf32, #tpu.memory_space<vmem>>, vector<512x1xf32>
    %mul3A_1297 = vector.broadcast %get3A_1296 : vector<512x1xf32> to vector<512x512xf32>
    %mul3A_1298 = arith.mulf %mul3A_1297, %broadcast_in_dim3A_0 : vector<512x512xf32>
    %sub3A_1299 = arith.subf %mul3A_1293, %mul3A_1283 : vector<512x512xf32>
    %mul3A_1300 = arith.constant 5.000000e-01 : f32
    %mul3A_1301 = vector.broadcast %mul3A_1300 : f32 to vector<512x512xf32>
    %mul3A_1302 = arith.mulf %mul3A_1301, %sub3A_1299 : vector<512x512xf32>
    %sub3A_1303 = arith.subf %mul3A_1298, %mul3A_1288 : vector<512x512xf32>
    %mul3A_1304 = arith.mulf %mul3A_1302, %sub3A_1303 : vector<512x512xf32>
    %broadcast_in_dim3A_1305 = arith.constant 0.000000e+00 : f32
    %broadcast_in_dim3A_1306 = vector.broadcast %broadcast_in_dim3A_1305 : f32 to vector<512x1xf32>
    %get3A_1307 = arith.constant 0 : index
    %get3A_1308 = arith.constant 0 : index
    %get3A_1309 = vector.load %arg1[%get3A_1307, %get3A_1308] : memref<8x5120xf32, #tpu.memory_space<vmem>>, vector<1x512xf32>
    %get3A_1310 = arith.constant 1 : index
    %get3A_1311 = arith.constant 0 : index
    %get3A_1312 = vector.load %arg1[%get3A_1310, %get3A_1311] : memref<8x5120xf32, #tpu.memory_space<vmem>>, vector<1x512xf32>
    %get3A_1313 = arith.constant 2 : index
    %get3A_1314 = arith.constant 0 : index
    %get3A_1315 = vector.load %arg1[%get3A_1313, %get3A_1314] : memref<8x5120xf32, #tpu.memory_space<vmem>>, vector<1x512xf32>
    %get3A_1316 = arith.constant 3 : index
    %get3A_1317 = arith.constant 0 : index
    %get3A_1318 = vector.load %arg1[%get3A_1316, %get3A_1317] : memref<8x5120xf32, #tpu.memory_space<vmem>>, vector<1x512xf32>
    %sub3A_1319 = arith.subf %get3A_1315, %get3A_1309 : vector<1x512xf32>
    %mul3A_1320 = arith.constant 5.000000e-01 : f32
    %mul3A_1321 = vector.broadcast %mul3A_1320 : f32 to vector<1x512xf32>
    %mul3A_1322 = arith.mulf %mul3A_1321, %sub3A_1319 : vector<1x512xf32>
    %sub3A_1323 = arith.subf %get3A_1318, %get3A_1312 : vector<1x512xf32>
    %mul3A_1324 = arith.mulf %mul3A_1322, %sub3A_1323 : vector<1x512xf32>
    %min3A_1325 = vector.broadcast %get3A_1315 : vector<1x512xf32> to vector<512x512xf32>
    %min3A_1326 = arith.minimumf %mul3A_1293, %min3A_1325 : vector<512x512xf32>
    %max3A_1327 = vector.broadcast %get3A_1309 : vector<1x512xf32> to vector<512x512xf32>
    %max3A_1328 = arith.maximumf %mul3A_1283, %max3A_1327 : vector<512x512xf32>
    %sub3A_1329 = arith.subf %min3A_1326, %max3A_1328 : vector<512x512xf32>
    %max3A_1330 = arith.constant 0.000000e+00 : f32
    %max3A_1331 = vector.broadcast %max3A_1330 : f32 to vector<512x512xf32>
    %max3A_1332 = arith.maximumf %sub3A_1329, %max3A_1331 : vector<512x512xf32>
    %min3A_1333 = vector.broadcast %get3A_1318 : vector<1x512xf32> to vector<512x512xf32>
    %min3A_1334 = arith.minimumf %mul3A_1298, %min3A_1333 : vector<512x512xf32>
    %max3A_1335 = vector.broadcast %get3A_1312 : vector<1x512xf32> to vector<512x512xf32>
    %max3A_1336 = arith.maximumf %mul3A_1288, %max3A_1335 : vector<512x512xf32>
    %sub3A_1337 = arith.subf %min3A_1334, %max3A_1336 : vector<512x512xf32>
    %max3A_1338 = arith.constant 0.000000e+00 : f32
    %max3A_1339 = vector.broadcast %max3A_1338 : f32 to vector<512x512xf32>
    %max3A_1340 = arith.maximumf %sub3A_1337, %max3A_1339 : vector<512x512xf32>
    %mul3A_1341 = arith.mulf %max3A_1332, %max3A_1340 : vector<512x512xf32>
    %mul3A_1342 = arith.constant 1.500000e+00 : f32
    %mul3A_1343 = vector.broadcast %mul3A_1342 : f32 to vector<512x512xf32>
    %mul3A_1344 = arith.mulf %mul3A_1343, %mul3A_1341 : vector<512x512xf32>
    %add3A_1345 = vector.broadcast %mul3A_1324 : vector<1x512xf32> to vector<512x512xf32>
    %add3A_1346 = arith.addf %mul3A_1304, %add3A_1345 : vector<512x512xf32>
    %gt3A_1347 = arith.cmpf ogt, %mul3A_1344, %add3A_1346 : vector<512x512xf32>
    %convert_element_type3A_1348 = arith.extui %gt3A_1347 : vector<512x512xi1> to vector<512x512xi32>
    %convert_element_type3A_1349 = arith.sitofp %convert_element_type3A_1348 : vector<512x512xi32> to vector<512x512xf32>
    %get3A_1350 = arith.constant 0 : index
    %get3A_1351 = arith.constant 0 : index
    %get3A_1352 = vector.load %arg3[%get3A_1350, %get3A_1351] : memref<5120x1xf32, #tpu.memory_space<vmem>>, vector<512x1xf32>
    %dot_general3A_1353 = arith.constant dense<0.000000e+00> : vector<512x1xf32>
    %dot_general3A_1354 = tpu.matmul %convert_element_type3A_1349, %get3A_1352, %dot_general3A_1353 {dimension_numbers = #tpu.dot_dimension_numbers<[1], [0], [0], [1], [0, 0, 1, 1], [], []>, transpose_lhs_hint = false} : vector<512x512xf32>, vector<512x1xf32>, vector<512x1xf32> -> vector<512x1xf32>
    %add3A_1355 = arith.addf %broadcast_in_dim3A_1306, %dot_general3A_1354 : vector<512x1xf32>
    %get3A_1356 = arith.constant 0 : index
    %get3A_1357 = arith.constant 512 : index
    %get3A_1358 = vector.load %arg1[%get3A_1356, %get3A_1357] : memref<8x5120xf32, #tpu.memory_space<vmem>>, vector<1x512xf32>
    %get3A_1359 = arith.constant 1 : index
    %get3A_1360 = arith.constant 512 : index
    %get3A_1361 = vector.load %arg1[%get3A_1359, %get3A_1360] : memref<8x5120xf32, #tpu.memory_space<vmem>>, vector<1x512xf32>
    %get3A_1362 = arith.constant 2 : index
    %get3A_1363 = arith.constant 512 : index
    %get3A_1364 = vector.load %arg1[%get3A_1362, %get3A_1363] : memref<8x5120xf32, #tpu.memory_space<vmem>>, vector<1x512xf32>
    %get3A_1365 = arith.constant 3 : index
    %get3A_1366 = arith.constant 512 : index
    %get3A_1367 = vector.load %arg1[%get3A_1365, %get3A_1366] : memref<8x5120xf32, #tpu.memory_space<vmem>>, vector<1x512xf32>
    %sub3A_1368 = arith.subf %get3A_1364, %get3A_1358 : vector<1x512xf32>
    %mul3A_1369 = arith.constant 5.000000e-01 : f32
    %mul3A_1370 = vector.broadcast %mul3A_1369 : f32 to vector<1x512xf32>
    %mul3A_1371 = arith.mulf %mul3A_1370, %sub3A_1368 : vector<1x512xf32>
    %sub3A_1372 = arith.subf %get3A_1367, %get3A_1361 : vector<1x512xf32>
    %mul3A_1373 = arith.mulf %mul3A_1371, %sub3A_1372 : vector<1x512xf32>
    %min3A_1374 = vector.broadcast %get3A_1364 : vector<1x512xf32> to vector<512x512xf32>
    %min3A_1375 = arith.minimumf %mul3A_1293, %min3A_1374 : vector<512x512xf32>
    %max3A_1376 = vector.broadcast %get3A_1358 : vector<1x512xf32> to vector<512x512xf32>
    %max3A_1377 = arith.maximumf %mul3A_1283, %max3A_1376 : vector<512x512xf32>
    %sub3A_1378 = arith.subf %min3A_1375, %max3A_1377 : vector<512x512xf32>
    %max3A_1379 = arith.constant 0.000000e+00 : f32
    %max3A_1380 = vector.broadcast %max3A_1379 : f32 to vector<512x512xf32>
    %max3A_1381 = arith.maximumf %sub3A_1378, %max3A_1380 : vector<512x512xf32>
    %min3A_1382 = vector.broadcast %get3A_1367 : vector<1x512xf32> to vector<512x512xf32>
    %min3A_1383 = arith.minimumf %mul3A_1298, %min3A_1382 : vector<512x512xf32>
    %max3A_1384 = vector.broadcast %get3A_1361 : vector<1x512xf32> to vector<512x512xf32>
    %max3A_1385 = arith.maximumf %mul3A_1288, %max3A_1384 : vector<512x512xf32>
    %sub3A_1386 = arith.subf %min3A_1383, %max3A_1385 : vector<512x512xf32>
    %max3A_1387 = arith.constant 0.000000e+00 : f32
    %max3A_1388 = vector.broadcast %max3A_1387 : f32 to vector<512x512xf32>
    %max3A_1389 = arith.maximumf %sub3A_1386, %max3A_1388 : vector<512x512xf32>
    %mul3A_1390 = arith.mulf %max3A_1381, %max3A_1389 : vector<512x512xf32>
    %mul3A_1391 = arith.constant 1.500000e+00 : f32
    %mul3A_1392 = vector.broadcast %mul3A_1391 : f32 to vector<512x512xf32>
    %mul3A_1393 = arith.mulf %mul3A_1392, %mul3A_1390 : vector<512x512xf32>
    %add3A_1394 = vector.broadcast %mul3A_1373 : vector<1x512xf32> to vector<512x512xf32>
    %add3A_1395 = arith.addf %mul3A_1304, %add3A_1394 : vector<512x512xf32>
    %gt3A_1396 = arith.cmpf ogt, %mul3A_1393, %add3A_1395 : vector<512x512xf32>
    %convert_element_type3A_1397 = arith.extui %gt3A_1396 : vector<512x512xi1> to vector<512x512xi32>
    %convert_element_type3A_1398 = arith.sitofp %convert_element_type3A_1397 : vector<512x512xi32> to vector<512x512xf32>
    %get3A_1399 = arith.constant 512 : index
    %get3A_1400 = arith.constant 0 : index
    %get3A_1401 = vector.load %arg3[%get3A_1399, %get3A_1400] : memref<5120x1xf32, #tpu.memory_space<vmem>>, vector<512x1xf32>
    %dot_general3A_1402 = arith.constant dense<0.000000e+00> : vector<512x1xf32>
    %dot_general3A_1403 = tpu.matmul %convert_element_type3A_1398, %get3A_1401, %dot_general3A_1402 {dimension_numbers = #tpu.dot_dimension_numbers<[1], [0], [0], [1], [0, 0, 1, 1], [], []>, transpose_lhs_hint = false} : vector<512x512xf32>, vector<512x1xf32>, vector<512x1xf32> -> vector<512x1xf32>
    %add3A_1404 = arith.addf %add3A_1355, %dot_general3A_1403 : vector<512x1xf32>
    %get3A_1405 = arith.constant 0 : index
    %get3A_1406 = arith.constant 1024 : index
    %get3A_1407 = vector.load %arg1[%get3A_1405, %get3A_1406] : memref<8x5120xf32, #tpu.memory_space<vmem>>, vector<1x512xf32>
    %get3A_1408 = arith.constant 1 : index
    %get3A_1409 = arith.constant 1024 : index
    %get3A_1410 = vector.load %arg1[%get3A_1408, %get3A_1409] : memref<8x5120xf32, #tpu.memory_space<vmem>>, vector<1x512xf32>
    %get3A_1411 = arith.constant 2 : index
    %get3A_1412 = arith.constant 1024 : index
    %get3A_1413 = vector.load %arg1[%get3A_1411, %get3A_1412] : memref<8x5120xf32, #tpu.memory_space<vmem>>, vector<1x512xf32>
    %get3A_1414 = arith.constant 3 : index
    %get3A_1415 = arith.constant 1024 : index
    %get3A_1416 = vector.load %arg1[%get3A_1414, %get3A_1415] : memref<8x5120xf32, #tpu.memory_space<vmem>>, vector<1x512xf32>
    %sub3A_1417 = arith.subf %get3A_1413, %get3A_1407 : vector<1x512xf32>
    %mul3A_1418 = arith.constant 5.000000e-01 : f32
    %mul3A_1419 = vector.broadcast %mul3A_1418 : f32 to vector<1x512xf32>
    %mul3A_1420 = arith.mulf %mul3A_1419, %sub3A_1417 : vector<1x512xf32>
    %sub3A_1421 = arith.subf %get3A_1416, %get3A_1410 : vector<1x512xf32>
    %mul3A_1422 = arith.mulf %mul3A_1420, %sub3A_1421 : vector<1x512xf32>
    %min3A_1423 = vector.broadcast %get3A_1413 : vector<1x512xf32> to vector<512x512xf32>
    %min3A_1424 = arith.minimumf %mul3A_1293, %min3A_1423 : vector<512x512xf32>
    %max3A_1425 = vector.broadcast %get3A_1407 : vector<1x512xf32> to vector<512x512xf32>
    %max3A_1426 = arith.maximumf %mul3A_1283, %max3A_1425 : vector<512x512xf32>
    %sub3A_1427 = arith.subf %min3A_1424, %max3A_1426 : vector<512x512xf32>
    %max3A_1428 = arith.constant 0.000000e+00 : f32
    %max3A_1429 = vector.broadcast %max3A_1428 : f32 to vector<512x512xf32>
    %max3A_1430 = arith.maximumf %sub3A_1427, %max3A_1429 : vector<512x512xf32>
    %min3A_1431 = vector.broadcast %get3A_1416 : vector<1x512xf32> to vector<512x512xf32>
    %min3A_1432 = arith.minimumf %mul3A_1298, %min3A_1431 : vector<512x512xf32>
    %max3A_1433 = vector.broadcast %get3A_1410 : vector<1x512xf32> to vector<512x512xf32>
    %max3A_1434 = arith.maximumf %mul3A_1288, %max3A_1433 : vector<512x512xf32>
    %sub3A_1435 = arith.subf %min3A_1432, %max3A_1434 : vector<512x512xf32>
    %max3A_1436 = arith.constant 0.000000e+00 : f32
    %max3A_1437 = vector.broadcast %max3A_1436 : f32 to vector<512x512xf32>
    %max3A_1438 = arith.maximumf %sub3A_1435, %max3A_1437 : vector<512x512xf32>
    %mul3A_1439 = arith.mulf %max3A_1430, %max3A_1438 : vector<512x512xf32>
    %mul3A_1440 = arith.constant 1.500000e+00 : f32
    %mul3A_1441 = vector.broadcast %mul3A_1440 : f32 to vector<512x512xf32>
    %mul3A_1442 = arith.mulf %mul3A_1441, %mul3A_1439 : vector<512x512xf32>
    %add3A_1443 = vector.broadcast %mul3A_1422 : vector<1x512xf32> to vector<512x512xf32>
    %add3A_1444 = arith.addf %mul3A_1304, %add3A_1443 : vector<512x512xf32>
    %gt3A_1445 = arith.cmpf ogt, %mul3A_1442, %add3A_1444 : vector<512x512xf32>
    %convert_element_type3A_1446 = arith.extui %gt3A_1445 : vector<512x512xi1> to vector<512x512xi32>
    %convert_element_type3A_1447 = arith.sitofp %convert_element_type3A_1446 : vector<512x512xi32> to vector<512x512xf32>
    %get3A_1448 = arith.constant 1024 : index
    %get3A_1449 = arith.constant 0 : index
    %get3A_1450 = vector.load %arg3[%get3A_1448, %get3A_1449] : memref<5120x1xf32, #tpu.memory_space<vmem>>, vector<512x1xf32>
    %dot_general3A_1451 = arith.constant dense<0.000000e+00> : vector<512x1xf32>
    %dot_general3A_1452 = tpu.matmul %convert_element_type3A_1447, %get3A_1450, %dot_general3A_1451 {dimension_numbers = #tpu.dot_dimension_numbers<[1], [0], [0], [1], [0, 0, 1, 1], [], []>, transpose_lhs_hint = false} : vector<512x512xf32>, vector<512x1xf32>, vector<512x1xf32> -> vector<512x1xf32>
    %add3A_1453 = arith.addf %add3A_1404, %dot_general3A_1452 : vector<512x1xf32>
    %get3A_1454 = arith.constant 0 : index
    %get3A_1455 = arith.constant 1536 : index
    %get3A_1456 = vector.load %arg1[%get3A_1454, %get3A_1455] : memref<8x5120xf32, #tpu.memory_space<vmem>>, vector<1x512xf32>
    %get3A_1457 = arith.constant 1 : index
    %get3A_1458 = arith.constant 1536 : index
    %get3A_1459 = vector.load %arg1[%get3A_1457, %get3A_1458] : memref<8x5120xf32, #tpu.memory_space<vmem>>, vector<1x512xf32>
    %get3A_1460 = arith.constant 2 : index
    %get3A_1461 = arith.constant 1536 : index
    %get3A_1462 = vector.load %arg1[%get3A_1460, %get3A_1461] : memref<8x5120xf32, #tpu.memory_space<vmem>>, vector<1x512xf32>
    %get3A_1463 = arith.constant 3 : index
    %get3A_1464 = arith.constant 1536 : index
    %get3A_1465 = vector.load %arg1[%get3A_1463, %get3A_1464] : memref<8x5120xf32, #tpu.memory_space<vmem>>, vector<1x512xf32>
    %sub3A_1466 = arith.subf %get3A_1462, %get3A_1456 : vector<1x512xf32>
    %mul3A_1467 = arith.constant 5.000000e-01 : f32
    %mul3A_1468 = vector.broadcast %mul3A_1467 : f32 to vector<1x512xf32>
    %mul3A_1469 = arith.mulf %mul3A_1468, %sub3A_1466 : vector<1x512xf32>
    %sub3A_1470 = arith.subf %get3A_1465, %get3A_1459 : vector<1x512xf32>
    %mul3A_1471 = arith.mulf %mul3A_1469, %sub3A_1470 : vector<1x512xf32>
    %min3A_1472 = vector.broadcast %get3A_1462 : vector<1x512xf32> to vector<512x512xf32>
    %min3A_1473 = arith.minimumf %mul3A_1293, %min3A_1472 : vector<512x512xf32>
    %max3A_1474 = vector.broadcast %get3A_1456 : vector<1x512xf32> to vector<512x512xf32>
    %max3A_1475 = arith.maximumf %mul3A_1283, %max3A_1474 : vector<512x512xf32>
    %sub3A_1476 = arith.subf %min3A_1473, %max3A_1475 : vector<512x512xf32>
    %max3A_1477 = arith.constant 0.000000e+00 : f32
    %max3A_1478 = vector.broadcast %max3A_1477 : f32 to vector<512x512xf32>
    %max3A_1479 = arith.maximumf %sub3A_1476, %max3A_1478 : vector<512x512xf32>
    %min3A_1480 = vector.broadcast %get3A_1465 : vector<1x512xf32> to vector<512x512xf32>
    %min3A_1481 = arith.minimumf %mul3A_1298, %min3A_1480 : vector<512x512xf32>
    %max3A_1482 = vector.broadcast %get3A_1459 : vector<1x512xf32> to vector<512x512xf32>
    %max3A_1483 = arith.maximumf %mul3A_1288, %max3A_1482 : vector<512x512xf32>
    %sub3A_1484 = arith.subf %min3A_1481, %max3A_1483 : vector<512x512xf32>
    %max3A_1485 = arith.constant 0.000000e+00 : f32
    %max3A_1486 = vector.broadcast %max3A_1485 : f32 to vector<512x512xf32>
    %max3A_1487 = arith.maximumf %sub3A_1484, %max3A_1486 : vector<512x512xf32>
    %mul3A_1488 = arith.mulf %max3A_1479, %max3A_1487 : vector<512x512xf32>
    %mul3A_1489 = arith.constant 1.500000e+00 : f32
    %mul3A_1490 = vector.broadcast %mul3A_1489 : f32 to vector<512x512xf32>
    %mul3A_1491 = arith.mulf %mul3A_1490, %mul3A_1488 : vector<512x512xf32>
    %add3A_1492 = vector.broadcast %mul3A_1471 : vector<1x512xf32> to vector<512x512xf32>
    %add3A_1493 = arith.addf %mul3A_1304, %add3A_1492 : vector<512x512xf32>
    %gt3A_1494 = arith.cmpf ogt, %mul3A_1491, %add3A_1493 : vector<512x512xf32>
    %convert_element_type3A_1495 = arith.extui %gt3A_1494 : vector<512x512xi1> to vector<512x512xi32>
    %convert_element_type3A_1496 = arith.sitofp %convert_element_type3A_1495 : vector<512x512xi32> to vector<512x512xf32>
    %get3A_1497 = arith.constant 1536 : index
    %get3A_1498 = arith.constant 0 : index
    %get3A_1499 = vector.load %arg3[%get3A_1497, %get3A_1498] : memref<5120x1xf32, #tpu.memory_space<vmem>>, vector<512x1xf32>
    %dot_general3A_1500 = arith.constant dense<0.000000e+00> : vector<512x1xf32>
    %dot_general3A_1501 = tpu.matmul %convert_element_type3A_1496, %get3A_1499, %dot_general3A_1500 {dimension_numbers = #tpu.dot_dimension_numbers<[1], [0], [0], [1], [0, 0, 1, 1], [], []>, transpose_lhs_hint = false} : vector<512x512xf32>, vector<512x1xf32>, vector<512x1xf32> -> vector<512x1xf32>
    %add3A_1502 = arith.addf %add3A_1453, %dot_general3A_1501 : vector<512x1xf32>
    %get3A_1503 = arith.constant 0 : index
    %get3A_1504 = arith.constant 2048 : index
    %get3A_1505 = vector.load %arg1[%get3A_1503, %get3A_1504] : memref<8x5120xf32, #tpu.memory_space<vmem>>, vector<1x512xf32>
    %get3A_1506 = arith.constant 1 : index
    %get3A_1507 = arith.constant 2048 : index
    %get3A_1508 = vector.load %arg1[%get3A_1506, %get3A_1507] : memref<8x5120xf32, #tpu.memory_space<vmem>>, vector<1x512xf32>
    %get3A_1509 = arith.constant 2 : index
    %get3A_1510 = arith.constant 2048 : index
    %get3A_1511 = vector.load %arg1[%get3A_1509, %get3A_1510] : memref<8x5120xf32, #tpu.memory_space<vmem>>, vector<1x512xf32>
    %get3A_1512 = arith.constant 3 : index
    %get3A_1513 = arith.constant 2048 : index
    %get3A_1514 = vector.load %arg1[%get3A_1512, %get3A_1513] : memref<8x5120xf32, #tpu.memory_space<vmem>>, vector<1x512xf32>
    %sub3A_1515 = arith.subf %get3A_1511, %get3A_1505 : vector<1x512xf32>
    %mul3A_1516 = arith.constant 5.000000e-01 : f32
    %mul3A_1517 = vector.broadcast %mul3A_1516 : f32 to vector<1x512xf32>
    %mul3A_1518 = arith.mulf %mul3A_1517, %sub3A_1515 : vector<1x512xf32>
    %sub3A_1519 = arith.subf %get3A_1514, %get3A_1508 : vector<1x512xf32>
    %mul3A_1520 = arith.mulf %mul3A_1518, %sub3A_1519 : vector<1x512xf32>
    %min3A_1521 = vector.broadcast %get3A_1511 : vector<1x512xf32> to vector<512x512xf32>
    %min3A_1522 = arith.minimumf %mul3A_1293, %min3A_1521 : vector<512x512xf32>
    %max3A_1523 = vector.broadcast %get3A_1505 : vector<1x512xf32> to vector<512x512xf32>
    %max3A_1524 = arith.maximumf %mul3A_1283, %max3A_1523 : vector<512x512xf32>
    %sub3A_1525 = arith.subf %min3A_1522, %max3A_1524 : vector<512x512xf32>
    %max3A_1526 = arith.constant 0.000000e+00 : f32
    %max3A_1527 = vector.broadcast %max3A_1526 : f32 to vector<512x512xf32>
    %max3A_1528 = arith.maximumf %sub3A_1525, %max3A_1527 : vector<512x512xf32>
    %min3A_1529 = vector.broadcast %get3A_1514 : vector<1x512xf32> to vector<512x512xf32>
    %min3A_1530 = arith.minimumf %mul3A_1298, %min3A_1529 : vector<512x512xf32>
    %max3A_1531 = vector.broadcast %get3A_1508 : vector<1x512xf32> to vector<512x512xf32>
    %max3A_1532 = arith.maximumf %mul3A_1288, %max3A_1531 : vector<512x512xf32>
    %sub3A_1533 = arith.subf %min3A_1530, %max3A_1532 : vector<512x512xf32>
    %max3A_1534 = arith.constant 0.000000e+00 : f32
    %max3A_1535 = vector.broadcast %max3A_1534 : f32 to vector<512x512xf32>
    %max3A_1536 = arith.maximumf %sub3A_1533, %max3A_1535 : vector<512x512xf32>
    %mul3A_1537 = arith.mulf %max3A_1528, %max3A_1536 : vector<512x512xf32>
    %mul3A_1538 = arith.constant 1.500000e+00 : f32
    %mul3A_1539 = vector.broadcast %mul3A_1538 : f32 to vector<512x512xf32>
    %mul3A_1540 = arith.mulf %mul3A_1539, %mul3A_1537 : vector<512x512xf32>
    %add3A_1541 = vector.broadcast %mul3A_1520 : vector<1x512xf32> to vector<512x512xf32>
    %add3A_1542 = arith.addf %mul3A_1304, %add3A_1541 : vector<512x512xf32>
    %gt3A_1543 = arith.cmpf ogt, %mul3A_1540, %add3A_1542 : vector<512x512xf32>
    %convert_element_type3A_1544 = arith.extui %gt3A_1543 : vector<512x512xi1> to vector<512x512xi32>
    %convert_element_type3A_1545 = arith.sitofp %convert_element_type3A_1544 : vector<512x512xi32> to vector<512x512xf32>
    %get3A_1546 = arith.constant 2048 : index
    %get3A_1547 = arith.constant 0 : index
    %get3A_1548 = vector.load %arg3[%get3A_1546, %get3A_1547] : memref<5120x1xf32, #tpu.memory_space<vmem>>, vector<512x1xf32>
    %dot_general3A_1549 = arith.constant dense<0.000000e+00> : vector<512x1xf32>
    %dot_general3A_1550 = tpu.matmul %convert_element_type3A_1545, %get3A_1548, %dot_general3A_1549 {dimension_numbers = #tpu.dot_dimension_numbers<[1], [0], [0], [1], [0, 0, 1, 1], [], []>, transpose_lhs_hint = false} : vector<512x512xf32>, vector<512x1xf32>, vector<512x1xf32> -> vector<512x1xf32>
    %add3A_1551 = arith.addf %add3A_1502, %dot_general3A_1550 : vector<512x1xf32>
    %get3A_1552 = arith.constant 0 : index
    %get3A_1553 = arith.constant 2560 : index
    %get3A_1554 = vector.load %arg1[%get3A_1552, %get3A_1553] : memref<8x5120xf32, #tpu.memory_space<vmem>>, vector<1x512xf32>
    %get3A_1555 = arith.constant 1 : index
    %get3A_1556 = arith.constant 2560 : index
    %get3A_1557 = vector.load %arg1[%get3A_1555, %get3A_1556] : memref<8x5120xf32, #tpu.memory_space<vmem>>, vector<1x512xf32>
    %get3A_1558 = arith.constant 2 : index
    %get3A_1559 = arith.constant 2560 : index
    %get3A_1560 = vector.load %arg1[%get3A_1558, %get3A_1559] : memref<8x5120xf32, #tpu.memory_space<vmem>>, vector<1x512xf32>
    %get3A_1561 = arith.constant 3 : index
    %get3A_1562 = arith.constant 2560 : index
    %get3A_1563 = vector.load %arg1[%get3A_1561, %get3A_1562] : memref<8x5120xf32, #tpu.memory_space<vmem>>, vector<1x512xf32>
    %sub3A_1564 = arith.subf %get3A_1560, %get3A_1554 : vector<1x512xf32>
    %mul3A_1565 = arith.constant 5.000000e-01 : f32
    %mul3A_1566 = vector.broadcast %mul3A_1565 : f32 to vector<1x512xf32>
    %mul3A_1567 = arith.mulf %mul3A_1566, %sub3A_1564 : vector<1x512xf32>
    %sub3A_1568 = arith.subf %get3A_1563, %get3A_1557 : vector<1x512xf32>
    %mul3A_1569 = arith.mulf %mul3A_1567, %sub3A_1568 : vector<1x512xf32>
    %min3A_1570 = vector.broadcast %get3A_1560 : vector<1x512xf32> to vector<512x512xf32>
    %min3A_1571 = arith.minimumf %mul3A_1293, %min3A_1570 : vector<512x512xf32>
    %max3A_1572 = vector.broadcast %get3A_1554 : vector<1x512xf32> to vector<512x512xf32>
    %max3A_1573 = arith.maximumf %mul3A_1283, %max3A_1572 : vector<512x512xf32>
    %sub3A_1574 = arith.subf %min3A_1571, %max3A_1573 : vector<512x512xf32>
    %max3A_1575 = arith.constant 0.000000e+00 : f32
    %max3A_1576 = vector.broadcast %max3A_1575 : f32 to vector<512x512xf32>
    %max3A_1577 = arith.maximumf %sub3A_1574, %max3A_1576 : vector<512x512xf32>
    %min3A_1578 = vector.broadcast %get3A_1563 : vector<1x512xf32> to vector<512x512xf32>
    %min3A_1579 = arith.minimumf %mul3A_1298, %min3A_1578 : vector<512x512xf32>
    %max3A_1580 = vector.broadcast %get3A_1557 : vector<1x512xf32> to vector<512x512xf32>
    %max3A_1581 = arith.maximumf %mul3A_1288, %max3A_1580 : vector<512x512xf32>
    %sub3A_1582 = arith.subf %min3A_1579, %max3A_1581 : vector<512x512xf32>
    %max3A_1583 = arith.constant 0.000000e+00 : f32
    %max3A_1584 = vector.broadcast %max3A_1583 : f32 to vector<512x512xf32>
    %max3A_1585 = arith.maximumf %sub3A_1582, %max3A_1584 : vector<512x512xf32>
    %mul3A_1586 = arith.mulf %max3A_1577, %max3A_1585 : vector<512x512xf32>
    %mul3A_1587 = arith.constant 1.500000e+00 : f32
    %mul3A_1588 = vector.broadcast %mul3A_1587 : f32 to vector<512x512xf32>
    %mul3A_1589 = arith.mulf %mul3A_1588, %mul3A_1586 : vector<512x512xf32>
    %add3A_1590 = vector.broadcast %mul3A_1569 : vector<1x512xf32> to vector<512x512xf32>
    %add3A_1591 = arith.addf %mul3A_1304, %add3A_1590 : vector<512x512xf32>
    %gt3A_1592 = arith.cmpf ogt, %mul3A_1589, %add3A_1591 : vector<512x512xf32>
    %convert_element_type3A_1593 = arith.extui %gt3A_1592 : vector<512x512xi1> to vector<512x512xi32>
    %convert_element_type3A_1594 = arith.sitofp %convert_element_type3A_1593 : vector<512x512xi32> to vector<512x512xf32>
    %get3A_1595 = arith.constant 2560 : index
    %get3A_1596 = arith.constant 0 : index
    %get3A_1597 = vector.load %arg3[%get3A_1595, %get3A_1596] : memref<5120x1xf32, #tpu.memory_space<vmem>>, vector<512x1xf32>
    %dot_general3A_1598 = arith.constant dense<0.000000e+00> : vector<512x1xf32>
    %dot_general3A_1599 = tpu.matmul %convert_element_type3A_1594, %get3A_1597, %dot_general3A_1598 {dimension_numbers = #tpu.dot_dimension_numbers<[1], [0], [0], [1], [0, 0, 1, 1], [], []>, transpose_lhs_hint = false} : vector<512x512xf32>, vector<512x1xf32>, vector<512x1xf32> -> vector<512x1xf32>
    %add3A_1600 = arith.addf %add3A_1551, %dot_general3A_1599 : vector<512x1xf32>
    %eq3A_1601 = arith.constant 0.000000e+00 : f32
    %eq3A_1602 = vector.broadcast %eq3A_1601 : f32 to vector<512x1xf32>
    %eq3A_1603 = arith.cmpf oeq, %add3A_1600, %eq3A_1602 : vector<512x1xf32>
    %convert_element_type3A_1604 = arith.extui %eq3A_1603 : vector<512x1xi1> to vector<512x1xi32>
    %convert_element_type3A_1605 = arith.sitofp %convert_element_type3A_1604 : vector<512x1xi32> to vector<512x1xf32>
    %iota3A_1606 = tpu.iota {dimensions = array<i32: 0>} : vector<512x512xi32>
    %iota3A_1607 = tpu.iota {dimensions = array<i32: 1>} : vector<512x512xi32>
    %get3A_1608 = arith.constant 0 : index
    %get3A_1609 = arith.constant 3072 : index
    %get3A_1610 = vector.load %arg1[%get3A_1608, %get3A_1609] : memref<8x5120xf32, #tpu.memory_space<vmem>>, vector<1x512xf32>
    %get3A_1611 = arith.constant 1 : index
    %get3A_1612 = arith.constant 3072 : index
    %get3A_1613 = vector.load %arg1[%get3A_1611, %get3A_1612] : memref<8x5120xf32, #tpu.memory_space<vmem>>, vector<1x512xf32>
    %get3A_1614 = arith.constant 2 : index
    %get3A_1615 = arith.constant 3072 : index
    %get3A_1616 = vector.load %arg1[%get3A_1614, %get3A_1615] : memref<8x5120xf32, #tpu.memory_space<vmem>>, vector<1x512xf32>
    %get3A_1617 = arith.constant 3 : index
    %get3A_1618 = arith.constant 3072 : index
    %get3A_1619 = vector.load %arg1[%get3A_1617, %get3A_1618] : memref<8x5120xf32, #tpu.memory_space<vmem>>, vector<1x512xf32>
    %sub3A_1620 = arith.subf %get3A_1616, %get3A_1610 : vector<1x512xf32>
    %mul3A_1621 = arith.constant 5.000000e-01 : f32
    %mul3A_1622 = vector.broadcast %mul3A_1621 : f32 to vector<1x512xf32>
    %mul3A_1623 = arith.mulf %mul3A_1622, %sub3A_1620 : vector<1x512xf32>
    %sub3A_1624 = arith.subf %get3A_1619, %get3A_1613 : vector<1x512xf32>
    %mul3A_1625 = arith.mulf %mul3A_1623, %sub3A_1624 : vector<1x512xf32>
    %min3A_1626 = vector.broadcast %get3A_1616 : vector<1x512xf32> to vector<512x512xf32>
    %min3A_1627 = arith.minimumf %mul3A_1293, %min3A_1626 : vector<512x512xf32>
    %max3A_1628 = vector.broadcast %get3A_1610 : vector<1x512xf32> to vector<512x512xf32>
    %max3A_1629 = arith.maximumf %mul3A_1283, %max3A_1628 : vector<512x512xf32>
    %sub3A_1630 = arith.subf %min3A_1627, %max3A_1629 : vector<512x512xf32>
    %max3A_1631 = arith.constant 0.000000e+00 : f32
    %max3A_1632 = vector.broadcast %max3A_1631 : f32 to vector<512x512xf32>
    %max3A_1633 = arith.maximumf %sub3A_1630, %max3A_1632 : vector<512x512xf32>
    %min3A_1634 = vector.broadcast %get3A_1619 : vector<1x512xf32> to vector<512x512xf32>
    %min3A_1635 = arith.minimumf %mul3A_1298, %min3A_1634 : vector<512x512xf32>
    %max3A_1636 = vector.broadcast %get3A_1613 : vector<1x512xf32> to vector<512x512xf32>
    %max3A_1637 = arith.maximumf %mul3A_1288, %max3A_1636 : vector<512x512xf32>
    %sub3A_1638 = arith.subf %min3A_1635, %max3A_1637 : vector<512x512xf32>
    %max3A_1639 = arith.constant 0.000000e+00 : f32
    %max3A_1640 = vector.broadcast %max3A_1639 : f32 to vector<512x512xf32>
    %max3A_1641 = arith.maximumf %sub3A_1638, %max3A_1640 : vector<512x512xf32>
    %mul3A_1642 = arith.mulf %max3A_1633, %max3A_1641 : vector<512x512xf32>
    %mul3A_1643 = arith.constant 1.500000e+00 : f32
    %mul3A_1644 = vector.broadcast %mul3A_1643 : f32 to vector<512x512xf32>
    %mul3A_1645 = arith.mulf %mul3A_1644, %mul3A_1642 : vector<512x512xf32>
    %add3A_1646 = vector.broadcast %mul3A_1625 : vector<1x512xf32> to vector<512x512xf32>
    %add3A_1647 = arith.addf %mul3A_1304, %add3A_1646 : vector<512x512xf32>
    %gt3A_1648 = arith.cmpf ogt, %mul3A_1645, %add3A_1647 : vector<512x512xf32>
    %lt3A_1649 = arith.cmpi slt, %iota3A_1607, %iota3A_1606 : vector<512x512xi32>
    %and3A_1650 = arith.andi %gt3A_1648, %lt3A_1649 : vector<512x512xi1>
    %convert_element_type3A_1651 = arith.extui %and3A_1650 : vector<512x512xi1> to vector<512x512xi32>
    %convert_element_type3A_1652 = arith.sitofp %convert_element_type3A_1651 : vector<512x512xi32> to vector<512x512xf32>
    %while3A_1653 = arith.constant true
    %while3A_1654:2 = scf.while (%while3A_3121 = %convert_element_type3A_1605, %while3A_3122 = %while3A_1653) : (vector<512x1xf32>, i1) -> (vector<512x1xf32>, i1) {
      scf.condition(%while3A_3122) %while3A_3121, %while3A_3122 : vector<512x1xf32>, i1
    } do {
    ^bb0(%while3A_3121: vector<512x1xf32>, %while3A_3122: i1):
      %dot_general3A_3123 = arith.constant dense<0.000000e+00> : vector<512x1xf32>
      %dot_general3A_3124 = tpu.matmul %convert_element_type3A_1652, %while3A_3121, %dot_general3A_3123 {dimension_numbers = #tpu.dot_dimension_numbers<[1], [0], [0], [1], [0, 0, 1, 1], [], []>, transpose_lhs_hint = false} : vector<512x512xf32>, vector<512x1xf32>, vector<512x1xf32> -> vector<512x1xf32>
      %eq3A_3125 = arith.constant 0.000000e+00 : f32
      %eq3A_3126 = vector.broadcast %eq3A_3125 : f32 to vector<512x1xf32>
      %eq3A_3127 = arith.cmpf oeq, %dot_general3A_3124, %eq3A_3126 : vector<512x1xf32>
      %convert_element_type3A_3128 = arith.extui %eq3A_3127 : vector<512x1xi1> to vector<512x1xi32>
      %convert_element_type3A_3129 = arith.sitofp %convert_element_type3A_3128 : vector<512x1xi32> to vector<512x1xf32>
      %mul3A_3130 = arith.mulf %convert_element_type3A_1605, %convert_element_type3A_3129 : vector<512x1xf32>
      %dot_general3A_3131 = arith.constant dense<0.000000e+00> : vector<512x1xf32>
      %dot_general3A_3132 = tpu.matmul %convert_element_type3A_1652, %mul3A_3130, %dot_general3A_3131 {dimension_numbers = #tpu.dot_dimension_numbers<[1], [0], [0], [1], [0, 0, 1, 1], [], []>, transpose_lhs_hint = false} : vector<512x512xf32>, vector<512x1xf32>, vector<512x1xf32> -> vector<512x1xf32>
      %eq3A_3133 = arith.constant 0.000000e+00 : f32
      %eq3A_3134 = vector.broadcast %eq3A_3133 : f32 to vector<512x1xf32>
      %eq3A_3135 = arith.cmpf oeq, %dot_general3A_3132, %eq3A_3134 : vector<512x1xf32>
      %convert_element_type3A_3136 = arith.extui %eq3A_3135 : vector<512x1xi1> to vector<512x1xi32>
      %convert_element_type3A_3137 = arith.sitofp %convert_element_type3A_3136 : vector<512x1xi32> to vector<512x1xf32>
      %mul3A_3138 = arith.mulf %convert_element_type3A_1605, %convert_element_type3A_3137 : vector<512x1xf32>
      %ne3A = arith.cmpf one, %mul3A_3138, %while3A_3121 : vector<512x1xf32>
      %reduce_or3A = arith.constant 1.000000e+00 : f32
      %reduce_or3A_3139 = arith.constant 0.000000e+00 : f32
      %reduce_or3A_3140 = vector.broadcast %reduce_or3A : f32 to vector<512x1xf32>
      %reduce_or3A_3141 = vector.broadcast %reduce_or3A_3139 : f32 to vector<512x1xf32>
      %reduce_or3A_3142 = arith.select %ne3A, %reduce_or3A_3140, %reduce_or3A_3141 : vector<512x1xi1>, vector<512x1xf32>
      %reduce_or3A_3143 = vector.shape_cast %reduce_or3A_3142 : vector<512x1xf32> to vector<1x512x1xf32>
      %reduce_or3A_3144 = arith.constant dense<0xFF800000> : vector<1xf32>
      %reduce_or3A_3145 = vector.multi_reduction <maximumf>, %reduce_or3A_3143, %reduce_or3A_3144 [1, 2] : vector<1x512x1xf32> to vector<1xf32>
      %reduce_or3A_3146 = vector.shape_cast %reduce_or3A_3145 : vector<1xf32> to vector<1x1x1xf32>
      %reduce_or3A_3147 = vector.extract %reduce_or3A_3146[0, 0, 0] : f32 from vector<1x1x1xf32>
      %reduce_or3A_3148 = arith.constant 0.000000e+00 : f32
      %reduce_or3A_3149 = arith.cmpf ogt, %reduce_or3A_3147, %reduce_or3A_3148 : f32
      scf.yield %mul3A_3138, %reduce_or3A_3149 : vector<512x1xf32>, i1
    }
    %swap3A_1655 = arith.constant 3072 : index
    %swap3A_1656 = arith.constant 0 : index
    %swap3A_1657 = vector.load %arg3[%swap3A_1655, %swap3A_1656] : memref<5120x1xf32, #tpu.memory_space<vmem>>, vector<512x1xf32>
    tpu.vector_store %arg3[%swap3A_1655, %swap3A_1656], %while3A_1654#0 {strides = array<i32>} : memref<5120x1xf32, #tpu.memory_space<vmem>>, vector<512x1xf32>,
    %get3A_1658 = arith.constant 3072 : index
    %get3A_1659 = arith.constant 0 : index
    %get3A_1660 = vector.load %arg0[%get3A_1658, %get3A_1659] : memref<5120x128xf32, #tpu.memory_space<vmem>>, vector<512x5xf32>
    %mul3A_1661 = vector.broadcast %while3A_1654#0 : vector<512x1xf32> to vector<512x5xf32>
    %mul3A_1662 = arith.mulf %get3A_1660, %mul3A_1661 : vector<512x5xf32>
    %swap3A_1663 = arith.constant 3072 : index
    %swap3A_1664 = arith.constant 0 : index
    %swap3A_1665 = vector.load %arg2[%swap3A_1663, %swap3A_1664] : memref<5000x5xf32, #tpu.memory_space<vmem>>, vector<512x5xf32>
    tpu.vector_store %arg2[%swap3A_1663, %swap3A_1664], %mul3A_1662 {strides = array<i32>} : memref<5000x5xf32, #tpu.memory_space<vmem>>, vector<512x5xf32>,
    %get3A_1666 = arith.constant 3584 : index
    %get3A_1667 = arith.constant 0 : index
    %get3A_1668 = vector.load %arg0[%get3A_1666, %get3A_1667] : memref<5120x128xf32, #tpu.memory_space<vmem>>, vector<512x1xf32>
    %mul3A_1669 = vector.broadcast %get3A_1668 : vector<512x1xf32> to vector<512x512xf32>
    %mul3A_1670 = arith.mulf %mul3A_1669, %broadcast_in_dim3A_0 : vector<512x512xf32>
    %get3A_1671 = arith.constant 3584 : index
    %get3A_1672 = arith.constant 1 : index
    %get3A_1673 = vector.load %arg0[%get3A_1671, %get3A_1672] : memref<5120x128xf32, #tpu.memory_space<vmem>>, vector<512x1xf32>
    %mul3A_1674 = vector.broadcast %get3A_1673 : vector<512x1xf32> to vector<512x512xf32>
    %mul3A_1675 = arith.mulf %mul3A_1674, %broadcast_in_dim3A_0 : vector<512x512xf32>
    %get3A_1676 = arith.constant 3584 : index
    %get3A_1677 = arith.constant 2 : index
    %get3A_1678 = vector.load %arg0[%get3A_1676, %get3A_1677] : memref<5120x128xf32, #tpu.memory_space<vmem>>, vector<512x1xf32>
    %mul3A_1679 = vector.broadcast %get3A_1678 : vector<512x1xf32> to vector<512x512xf32>
    %mul3A_1680 = arith.mulf %mul3A_1679, %broadcast_in_dim3A_0 : vector<512x512xf32>
    %get3A_1681 = arith.constant 3584 : index
    %get3A_1682 = arith.constant 3 : index
    %get3A_1683 = vector.load %arg0[%get3A_1681, %get3A_1682] : memref<5120x128xf32, #tpu.memory_space<vmem>>, vector<512x1xf32>
    %mul3A_1684 = vector.broadcast %get3A_1683 : vector<512x1xf32> to vector<512x512xf32>
    %mul3A_1685 = arith.mulf %mul3A_1684, %broadcast_in_dim3A_0 : vector<512x512xf32>
    %sub3A_1686 = arith.subf %mul3A_1680, %mul3A_1670 : vector<512x512xf32>
    %mul3A_1687 = arith.constant 5.000000e-01 : f32
    %mul3A_1688 = vector.broadcast %mul3A_1687 : f32 to vector<512x512xf32>
    %mul3A_1689 = arith.mulf %mul3A_1688, %sub3A_1686 : vector<512x512xf32>
    %sub3A_1690 = arith.subf %mul3A_1685, %mul3A_1675 : vector<512x512xf32>
    %mul3A_1691 = arith.mulf %mul3A_1689, %sub3A_1690 : vector<512x512xf32>
    %broadcast_in_dim3A_1692 = arith.constant 0.000000e+00 : f32
    %broadcast_in_dim3A_1693 = vector.broadcast %broadcast_in_dim3A_1692 : f32 to vector<512x1xf32>
    %get3A_1694 = arith.constant 0 : index
    %get3A_1695 = arith.constant 0 : index
    %get3A_1696 = vector.load %arg1[%get3A_1694, %get3A_1695] : memref<8x5120xf32, #tpu.memory_space<vmem>>, vector<1x512xf32>
    %get3A_1697 = arith.constant 1 : index
    %get3A_1698 = arith.constant 0 : index
    %get3A_1699 = vector.load %arg1[%get3A_1697, %get3A_1698] : memref<8x5120xf32, #tpu.memory_space<vmem>>, vector<1x512xf32>
    %get3A_1700 = arith.constant 2 : index
    %get3A_1701 = arith.constant 0 : index
    %get3A_1702 = vector.load %arg1[%get3A_1700, %get3A_1701] : memref<8x5120xf32, #tpu.memory_space<vmem>>, vector<1x512xf32>
    %get3A_1703 = arith.constant 3 : index
    %get3A_1704 = arith.constant 0 : index
    %get3A_1705 = vector.load %arg1[%get3A_1703, %get3A_1704] : memref<8x5120xf32, #tpu.memory_space<vmem>>, vector<1x512xf32>
    %sub3A_1706 = arith.subf %get3A_1702, %get3A_1696 : vector<1x512xf32>
    %mul3A_1707 = arith.constant 5.000000e-01 : f32
    %mul3A_1708 = vector.broadcast %mul3A_1707 : f32 to vector<1x512xf32>
    %mul3A_1709 = arith.mulf %mul3A_1708, %sub3A_1706 : vector<1x512xf32>
    %sub3A_1710 = arith.subf %get3A_1705, %get3A_1699 : vector<1x512xf32>
    %mul3A_1711 = arith.mulf %mul3A_1709, %sub3A_1710 : vector<1x512xf32>
    %min3A_1712 = vector.broadcast %get3A_1702 : vector<1x512xf32> to vector<512x512xf32>
    %min3A_1713 = arith.minimumf %mul3A_1680, %min3A_1712 : vector<512x512xf32>
    %max3A_1714 = vector.broadcast %get3A_1696 : vector<1x512xf32> to vector<512x512xf32>
    %max3A_1715 = arith.maximumf %mul3A_1670, %max3A_1714 : vector<512x512xf32>
    %sub3A_1716 = arith.subf %min3A_1713, %max3A_1715 : vector<512x512xf32>
    %max3A_1717 = arith.constant 0.000000e+00 : f32
    %max3A_1718 = vector.broadcast %max3A_1717 : f32 to vector<512x512xf32>
    %max3A_1719 = arith.maximumf %sub3A_1716, %max3A_1718 : vector<512x512xf32>
    %min3A_1720 = vector.broadcast %get3A_1705 : vector<1x512xf32> to vector<512x512xf32>
    %min3A_1721 = arith.minimumf %mul3A_1685, %min3A_1720 : vector<512x512xf32>
    %max3A_1722 = vector.broadcast %get3A_1699 : vector<1x512xf32> to vector<512x512xf32>
    %max3A_1723 = arith.maximumf %mul3A_1675, %max3A_1722 : vector<512x512xf32>
    %sub3A_1724 = arith.subf %min3A_1721, %max3A_1723 : vector<512x512xf32>
    %max3A_1725 = arith.constant 0.000000e+00 : f32
    %max3A_1726 = vector.broadcast %max3A_1725 : f32 to vector<512x512xf32>
    %max3A_1727 = arith.maximumf %sub3A_1724, %max3A_1726 : vector<512x512xf32>
    %mul3A_1728 = arith.mulf %max3A_1719, %max3A_1727 : vector<512x512xf32>
    %mul3A_1729 = arith.constant 1.500000e+00 : f32
    %mul3A_1730 = vector.broadcast %mul3A_1729 : f32 to vector<512x512xf32>
    %mul3A_1731 = arith.mulf %mul3A_1730, %mul3A_1728 : vector<512x512xf32>
    %add3A_1732 = vector.broadcast %mul3A_1711 : vector<1x512xf32> to vector<512x512xf32>
    %add3A_1733 = arith.addf %mul3A_1691, %add3A_1732 : vector<512x512xf32>
    %gt3A_1734 = arith.cmpf ogt, %mul3A_1731, %add3A_1733 : vector<512x512xf32>
    %convert_element_type3A_1735 = arith.extui %gt3A_1734 : vector<512x512xi1> to vector<512x512xi32>
    %convert_element_type3A_1736 = arith.sitofp %convert_element_type3A_1735 : vector<512x512xi32> to vector<512x512xf32>
    %get3A_1737 = arith.constant 0 : index
    %get3A_1738 = arith.constant 0 : index
    %get3A_1739 = vector.load %arg3[%get3A_1737, %get3A_1738] : memref<5120x1xf32, #tpu.memory_space<vmem>>, vector<512x1xf32>
    %dot_general3A_1740 = arith.constant dense<0.000000e+00> : vector<512x1xf32>
    %dot_general3A_1741 = tpu.matmul %convert_element_type3A_1736, %get3A_1739, %dot_general3A_1740 {dimension_numbers = #tpu.dot_dimension_numbers<[1], [0], [0], [1], [0, 0, 1, 1], [], []>, transpose_lhs_hint = false} : vector<512x512xf32>, vector<512x1xf32>, vector<512x1xf32> -> vector<512x1xf32>
    %add3A_1742 = arith.addf %broadcast_in_dim3A_1693, %dot_general3A_1741 : vector<512x1xf32>
    %get3A_1743 = arith.constant 0 : index
    %get3A_1744 = arith.constant 512 : index
    %get3A_1745 = vector.load %arg1[%get3A_1743, %get3A_1744] : memref<8x5120xf32, #tpu.memory_space<vmem>>, vector<1x512xf32>
    %get3A_1746 = arith.constant 1 : index
    %get3A_1747 = arith.constant 512 : index
    %get3A_1748 = vector.load %arg1[%get3A_1746, %get3A_1747] : memref<8x5120xf32, #tpu.memory_space<vmem>>, vector<1x512xf32>
    %get3A_1749 = arith.constant 2 : index
    %get3A_1750 = arith.constant 512 : index
    %get3A_1751 = vector.load %arg1[%get3A_1749, %get3A_1750] : memref<8x5120xf32, #tpu.memory_space<vmem>>, vector<1x512xf32>
    %get3A_1752 = arith.constant 3 : index
    %get3A_1753 = arith.constant 512 : index
    %get3A_1754 = vector.load %arg1[%get3A_1752, %get3A_1753] : memref<8x5120xf32, #tpu.memory_space<vmem>>, vector<1x512xf32>
    %sub3A_1755 = arith.subf %get3A_1751, %get3A_1745 : vector<1x512xf32>
    %mul3A_1756 = arith.constant 5.000000e-01 : f32
    %mul3A_1757 = vector.broadcast %mul3A_1756 : f32 to vector<1x512xf32>
    %mul3A_1758 = arith.mulf %mul3A_1757, %sub3A_1755 : vector<1x512xf32>
    %sub3A_1759 = arith.subf %get3A_1754, %get3A_1748 : vector<1x512xf32>
    %mul3A_1760 = arith.mulf %mul3A_1758, %sub3A_1759 : vector<1x512xf32>
    %min3A_1761 = vector.broadcast %get3A_1751 : vector<1x512xf32> to vector<512x512xf32>
    %min3A_1762 = arith.minimumf %mul3A_1680, %min3A_1761 : vector<512x512xf32>
    %max3A_1763 = vector.broadcast %get3A_1745 : vector<1x512xf32> to vector<512x512xf32>
    %max3A_1764 = arith.maximumf %mul3A_1670, %max3A_1763 : vector<512x512xf32>
    %sub3A_1765 = arith.subf %min3A_1762, %max3A_1764 : vector<512x512xf32>
    %max3A_1766 = arith.constant 0.000000e+00 : f32
    %max3A_1767 = vector.broadcast %max3A_1766 : f32 to vector<512x512xf32>
    %max3A_1768 = arith.maximumf %sub3A_1765, %max3A_1767 : vector<512x512xf32>
    %min3A_1769 = vector.broadcast %get3A_1754 : vector<1x512xf32> to vector<512x512xf32>
    %min3A_1770 = arith.minimumf %mul3A_1685, %min3A_1769 : vector<512x512xf32>
    %max3A_1771 = vector.broadcast %get3A_1748 : vector<1x512xf32> to vector<512x512xf32>
    %max3A_1772 = arith.maximumf %mul3A_1675, %max3A_1771 : vector<512x512xf32>
    %sub3A_1773 = arith.subf %min3A_1770, %max3A_1772 : vector<512x512xf32>
    %max3A_1774 = arith.constant 0.000000e+00 : f32
    %max3A_1775 = vector.broadcast %max3A_1774 : f32 to vector<512x512xf32>
    %max3A_1776 = arith.maximumf %sub3A_1773, %max3A_1775 : vector<512x512xf32>
    %mul3A_1777 = arith.mulf %max3A_1768, %max3A_1776 : vector<512x512xf32>
    %mul3A_1778 = arith.constant 1.500000e+00 : f32
    %mul3A_1779 = vector.broadcast %mul3A_1778 : f32 to vector<512x512xf32>
    %mul3A_1780 = arith.mulf %mul3A_1779, %mul3A_1777 : vector<512x512xf32>
    %add3A_1781 = vector.broadcast %mul3A_1760 : vector<1x512xf32> to vector<512x512xf32>
    %add3A_1782 = arith.addf %mul3A_1691, %add3A_1781 : vector<512x512xf32>
    %gt3A_1783 = arith.cmpf ogt, %mul3A_1780, %add3A_1782 : vector<512x512xf32>
    %convert_element_type3A_1784 = arith.extui %gt3A_1783 : vector<512x512xi1> to vector<512x512xi32>
    %convert_element_type3A_1785 = arith.sitofp %convert_element_type3A_1784 : vector<512x512xi32> to vector<512x512xf32>
    %get3A_1786 = arith.constant 512 : index
    %get3A_1787 = arith.constant 0 : index
    %get3A_1788 = vector.load %arg3[%get3A_1786, %get3A_1787] : memref<5120x1xf32, #tpu.memory_space<vmem>>, vector<512x1xf32>
    %dot_general3A_1789 = arith.constant dense<0.000000e+00> : vector<512x1xf32>
    %dot_general3A_1790 = tpu.matmul %convert_element_type3A_1785, %get3A_1788, %dot_general3A_1789 {dimension_numbers = #tpu.dot_dimension_numbers<[1], [0], [0], [1], [0, 0, 1, 1], [], []>, transpose_lhs_hint = false} : vector<512x512xf32>, vector<512x1xf32>, vector<512x1xf32> -> vector<512x1xf32>
    %add3A_1791 = arith.addf %add3A_1742, %dot_general3A_1790 : vector<512x1xf32>
    %get3A_1792 = arith.constant 0 : index
    %get3A_1793 = arith.constant 1024 : index
    %get3A_1794 = vector.load %arg1[%get3A_1792, %get3A_1793] : memref<8x5120xf32, #tpu.memory_space<vmem>>, vector<1x512xf32>
    %get3A_1795 = arith.constant 1 : index
    %get3A_1796 = arith.constant 1024 : index
    %get3A_1797 = vector.load %arg1[%get3A_1795, %get3A_1796] : memref<8x5120xf32, #tpu.memory_space<vmem>>, vector<1x512xf32>
    %get3A_1798 = arith.constant 2 : index
    %get3A_1799 = arith.constant 1024 : index
    %get3A_1800 = vector.load %arg1[%get3A_1798, %get3A_1799] : memref<8x5120xf32, #tpu.memory_space<vmem>>, vector<1x512xf32>
    %get3A_1801 = arith.constant 3 : index
    %get3A_1802 = arith.constant 1024 : index
    %get3A_1803 = vector.load %arg1[%get3A_1801, %get3A_1802] : memref<8x5120xf32, #tpu.memory_space<vmem>>, vector<1x512xf32>
    %sub3A_1804 = arith.subf %get3A_1800, %get3A_1794 : vector<1x512xf32>
    %mul3A_1805 = arith.constant 5.000000e-01 : f32
    %mul3A_1806 = vector.broadcast %mul3A_1805 : f32 to vector<1x512xf32>
    %mul3A_1807 = arith.mulf %mul3A_1806, %sub3A_1804 : vector<1x512xf32>
    %sub3A_1808 = arith.subf %get3A_1803, %get3A_1797 : vector<1x512xf32>
    %mul3A_1809 = arith.mulf %mul3A_1807, %sub3A_1808 : vector<1x512xf32>
    %min3A_1810 = vector.broadcast %get3A_1800 : vector<1x512xf32> to vector<512x512xf32>
    %min3A_1811 = arith.minimumf %mul3A_1680, %min3A_1810 : vector<512x512xf32>
    %max3A_1812 = vector.broadcast %get3A_1794 : vector<1x512xf32> to vector<512x512xf32>
    %max3A_1813 = arith.maximumf %mul3A_1670, %max3A_1812 : vector<512x512xf32>
    %sub3A_1814 = arith.subf %min3A_1811, %max3A_1813 : vector<512x512xf32>
    %max3A_1815 = arith.constant 0.000000e+00 : f32
    %max3A_1816 = vector.broadcast %max3A_1815 : f32 to vector<512x512xf32>
    %max3A_1817 = arith.maximumf %sub3A_1814, %max3A_1816 : vector<512x512xf32>
    %min3A_1818 = vector.broadcast %get3A_1803 : vector<1x512xf32> to vector<512x512xf32>
    %min3A_1819 = arith.minimumf %mul3A_1685, %min3A_1818 : vector<512x512xf32>
    %max3A_1820 = vector.broadcast %get3A_1797 : vector<1x512xf32> to vector<512x512xf32>
    %max3A_1821 = arith.maximumf %mul3A_1675, %max3A_1820 : vector<512x512xf32>
    %sub3A_1822 = arith.subf %min3A_1819, %max3A_1821 : vector<512x512xf32>
    %max3A_1823 = arith.constant 0.000000e+00 : f32
    %max3A_1824 = vector.broadcast %max3A_1823 : f32 to vector<512x512xf32>
    %max3A_1825 = arith.maximumf %sub3A_1822, %max3A_1824 : vector<512x512xf32>
    %mul3A_1826 = arith.mulf %max3A_1817, %max3A_1825 : vector<512x512xf32>
    %mul3A_1827 = arith.constant 1.500000e+00 : f32
    %mul3A_1828 = vector.broadcast %mul3A_1827 : f32 to vector<512x512xf32>
    %mul3A_1829 = arith.mulf %mul3A_1828, %mul3A_1826 : vector<512x512xf32>
    %add3A_1830 = vector.broadcast %mul3A_1809 : vector<1x512xf32> to vector<512x512xf32>
    %add3A_1831 = arith.addf %mul3A_1691, %add3A_1830 : vector<512x512xf32>
    %gt3A_1832 = arith.cmpf ogt, %mul3A_1829, %add3A_1831 : vector<512x512xf32>
    %convert_element_type3A_1833 = arith.extui %gt3A_1832 : vector<512x512xi1> to vector<512x512xi32>
    %convert_element_type3A_1834 = arith.sitofp %convert_element_type3A_1833 : vector<512x512xi32> to vector<512x512xf32>
    %get3A_1835 = arith.constant 1024 : index
    %get3A_1836 = arith.constant 0 : index
    %get3A_1837 = vector.load %arg3[%get3A_1835, %get3A_1836] : memref<5120x1xf32, #tpu.memory_space<vmem>>, vector<512x1xf32>
    %dot_general3A_1838 = arith.constant dense<0.000000e+00> : vector<512x1xf32>
    %dot_general3A_1839 = tpu.matmul %convert_element_type3A_1834, %get3A_1837, %dot_general3A_1838 {dimension_numbers = #tpu.dot_dimension_numbers<[1], [0], [0], [1], [0, 0, 1, 1], [], []>, transpose_lhs_hint = false} : vector<512x512xf32>, vector<512x1xf32>, vector<512x1xf32> -> vector<512x1xf32>
    %add3A_1840 = arith.addf %add3A_1791, %dot_general3A_1839 : vector<512x1xf32>
    %get3A_1841 = arith.constant 0 : index
    %get3A_1842 = arith.constant 1536 : index
    %get3A_1843 = vector.load %arg1[%get3A_1841, %get3A_1842] : memref<8x5120xf32, #tpu.memory_space<vmem>>, vector<1x512xf32>
    %get3A_1844 = arith.constant 1 : index
    %get3A_1845 = arith.constant 1536 : index
    %get3A_1846 = vector.load %arg1[%get3A_1844, %get3A_1845] : memref<8x5120xf32, #tpu.memory_space<vmem>>, vector<1x512xf32>
    %get3A_1847 = arith.constant 2 : index
    %get3A_1848 = arith.constant 1536 : index
    %get3A_1849 = vector.load %arg1[%get3A_1847, %get3A_1848] : memref<8x5120xf32, #tpu.memory_space<vmem>>, vector<1x512xf32>
    %get3A_1850 = arith.constant 3 : index
    %get3A_1851 = arith.constant 1536 : index
    %get3A_1852 = vector.load %arg1[%get3A_1850, %get3A_1851] : memref<8x5120xf32, #tpu.memory_space<vmem>>, vector<1x512xf32>
    %sub3A_1853 = arith.subf %get3A_1849, %get3A_1843 : vector<1x512xf32>
    %mul3A_1854 = arith.constant 5.000000e-01 : f32
    %mul3A_1855 = vector.broadcast %mul3A_1854 : f32 to vector<1x512xf32>
    %mul3A_1856 = arith.mulf %mul3A_1855, %sub3A_1853 : vector<1x512xf32>
    %sub3A_1857 = arith.subf %get3A_1852, %get3A_1846 : vector<1x512xf32>
    %mul3A_1858 = arith.mulf %mul3A_1856, %sub3A_1857 : vector<1x512xf32>
    %min3A_1859 = vector.broadcast %get3A_1849 : vector<1x512xf32> to vector<512x512xf32>
    %min3A_1860 = arith.minimumf %mul3A_1680, %min3A_1859 : vector<512x512xf32>
    %max3A_1861 = vector.broadcast %get3A_1843 : vector<1x512xf32> to vector<512x512xf32>
    %max3A_1862 = arith.maximumf %mul3A_1670, %max3A_1861 : vector<512x512xf32>
    %sub3A_1863 = arith.subf %min3A_1860, %max3A_1862 : vector<512x512xf32>
    %max3A_1864 = arith.constant 0.000000e+00 : f32
    %max3A_1865 = vector.broadcast %max3A_1864 : f32 to vector<512x512xf32>
    %max3A_1866 = arith.maximumf %sub3A_1863, %max3A_1865 : vector<512x512xf32>
    %min3A_1867 = vector.broadcast %get3A_1852 : vector<1x512xf32> to vector<512x512xf32>
    %min3A_1868 = arith.minimumf %mul3A_1685, %min3A_1867 : vector<512x512xf32>
    %max3A_1869 = vector.broadcast %get3A_1846 : vector<1x512xf32> to vector<512x512xf32>
    %max3A_1870 = arith.maximumf %mul3A_1675, %max3A_1869 : vector<512x512xf32>
    %sub3A_1871 = arith.subf %min3A_1868, %max3A_1870 : vector<512x512xf32>
    %max3A_1872 = arith.constant 0.000000e+00 : f32
    %max3A_1873 = vector.broadcast %max3A_1872 : f32 to vector<512x512xf32>
    %max3A_1874 = arith.maximumf %sub3A_1871, %max3A_1873 : vector<512x512xf32>
    %mul3A_1875 = arith.mulf %max3A_1866, %max3A_1874 : vector<512x512xf32>
    %mul3A_1876 = arith.constant 1.500000e+00 : f32
    %mul3A_1877 = vector.broadcast %mul3A_1876 : f32 to vector<512x512xf32>
    %mul3A_1878 = arith.mulf %mul3A_1877, %mul3A_1875 : vector<512x512xf32>
    %add3A_1879 = vector.broadcast %mul3A_1858 : vector<1x512xf32> to vector<512x512xf32>
    %add3A_1880 = arith.addf %mul3A_1691, %add3A_1879 : vector<512x512xf32>
    %gt3A_1881 = arith.cmpf ogt, %mul3A_1878, %add3A_1880 : vector<512x512xf32>
    %convert_element_type3A_1882 = arith.extui %gt3A_1881 : vector<512x512xi1> to vector<512x512xi32>
    %convert_element_type3A_1883 = arith.sitofp %convert_element_type3A_1882 : vector<512x512xi32> to vector<512x512xf32>
    %get3A_1884 = arith.constant 1536 : index
    %get3A_1885 = arith.constant 0 : index
    %get3A_1886 = vector.load %arg3[%get3A_1884, %get3A_1885] : memref<5120x1xf32, #tpu.memory_space<vmem>>, vector<512x1xf32>
    %dot_general3A_1887 = arith.constant dense<0.000000e+00> : vector<512x1xf32>
    %dot_general3A_1888 = tpu.matmul %convert_element_type3A_1883, %get3A_1886, %dot_general3A_1887 {dimension_numbers = #tpu.dot_dimension_numbers<[1], [0], [0], [1], [0, 0, 1, 1], [], []>, transpose_lhs_hint = false} : vector<512x512xf32>, vector<512x1xf32>, vector<512x1xf32> -> vector<512x1xf32>
    %add3A_1889 = arith.addf %add3A_1840, %dot_general3A_1888 : vector<512x1xf32>
    %get3A_1890 = arith.constant 0 : index
    %get3A_1891 = arith.constant 2048 : index
    %get3A_1892 = vector.load %arg1[%get3A_1890, %get3A_1891] : memref<8x5120xf32, #tpu.memory_space<vmem>>, vector<1x512xf32>
    %get3A_1893 = arith.constant 1 : index
    %get3A_1894 = arith.constant 2048 : index
    %get3A_1895 = vector.load %arg1[%get3A_1893, %get3A_1894] : memref<8x5120xf32, #tpu.memory_space<vmem>>, vector<1x512xf32>
    %get3A_1896 = arith.constant 2 : index
    %get3A_1897 = arith.constant 2048 : index
    %get3A_1898 = vector.load %arg1[%get3A_1896, %get3A_1897] : memref<8x5120xf32, #tpu.memory_space<vmem>>, vector<1x512xf32>
    %get3A_1899 = arith.constant 3 : index
    %get3A_1900 = arith.constant 2048 : index
    %get3A_1901 = vector.load %arg1[%get3A_1899, %get3A_1900] : memref<8x5120xf32, #tpu.memory_space<vmem>>, vector<1x512xf32>
    %sub3A_1902 = arith.subf %get3A_1898, %get3A_1892 : vector<1x512xf32>
    %mul3A_1903 = arith.constant 5.000000e-01 : f32
    %mul3A_1904 = vector.broadcast %mul3A_1903 : f32 to vector<1x512xf32>
    %mul3A_1905 = arith.mulf %mul3A_1904, %sub3A_1902 : vector<1x512xf32>
    %sub3A_1906 = arith.subf %get3A_1901, %get3A_1895 : vector<1x512xf32>
    %mul3A_1907 = arith.mulf %mul3A_1905, %sub3A_1906 : vector<1x512xf32>
    %min3A_1908 = vector.broadcast %get3A_1898 : vector<1x512xf32> to vector<512x512xf32>
    %min3A_1909 = arith.minimumf %mul3A_1680, %min3A_1908 : vector<512x512xf32>
    %max3A_1910 = vector.broadcast %get3A_1892 : vector<1x512xf32> to vector<512x512xf32>
    %max3A_1911 = arith.maximumf %mul3A_1670, %max3A_1910 : vector<512x512xf32>
    %sub3A_1912 = arith.subf %min3A_1909, %max3A_1911 : vector<512x512xf32>
    %max3A_1913 = arith.constant 0.000000e+00 : f32
    %max3A_1914 = vector.broadcast %max3A_1913 : f32 to vector<512x512xf32>
    %max3A_1915 = arith.maximumf %sub3A_1912, %max3A_1914 : vector<512x512xf32>
    %min3A_1916 = vector.broadcast %get3A_1901 : vector<1x512xf32> to vector<512x512xf32>
    %min3A_1917 = arith.minimumf %mul3A_1685, %min3A_1916 : vector<512x512xf32>
    %max3A_1918 = vector.broadcast %get3A_1895 : vector<1x512xf32> to vector<512x512xf32>
    %max3A_1919 = arith.maximumf %mul3A_1675, %max3A_1918 : vector<512x512xf32>
    %sub3A_1920 = arith.subf %min3A_1917, %max3A_1919 : vector<512x512xf32>
    %max3A_1921 = arith.constant 0.000000e+00 : f32
    %max3A_1922 = vector.broadcast %max3A_1921 : f32 to vector<512x512xf32>
    %max3A_1923 = arith.maximumf %sub3A_1920, %max3A_1922 : vector<512x512xf32>
    %mul3A_1924 = arith.mulf %max3A_1915, %max3A_1923 : vector<512x512xf32>
    %mul3A_1925 = arith.constant 1.500000e+00 : f32
    %mul3A_1926 = vector.broadcast %mul3A_1925 : f32 to vector<512x512xf32>
    %mul3A_1927 = arith.mulf %mul3A_1926, %mul3A_1924 : vector<512x512xf32>
    %add3A_1928 = vector.broadcast %mul3A_1907 : vector<1x512xf32> to vector<512x512xf32>
    %add3A_1929 = arith.addf %mul3A_1691, %add3A_1928 : vector<512x512xf32>
    %gt3A_1930 = arith.cmpf ogt, %mul3A_1927, %add3A_1929 : vector<512x512xf32>
    %convert_element_type3A_1931 = arith.extui %gt3A_1930 : vector<512x512xi1> to vector<512x512xi32>
    %convert_element_type3A_1932 = arith.sitofp %convert_element_type3A_1931 : vector<512x512xi32> to vector<512x512xf32>
    %get3A_1933 = arith.constant 2048 : index
    %get3A_1934 = arith.constant 0 : index
    %get3A_1935 = vector.load %arg3[%get3A_1933, %get3A_1934] : memref<5120x1xf32, #tpu.memory_space<vmem>>, vector<512x1xf32>
    %dot_general3A_1936 = arith.constant dense<0.000000e+00> : vector<512x1xf32>
    %dot_general3A_1937 = tpu.matmul %convert_element_type3A_1932, %get3A_1935, %dot_general3A_1936 {dimension_numbers = #tpu.dot_dimension_numbers<[1], [0], [0], [1], [0, 0, 1, 1], [], []>, transpose_lhs_hint = false} : vector<512x512xf32>, vector<512x1xf32>, vector<512x1xf32> -> vector<512x1xf32>
    %add3A_1938 = arith.addf %add3A_1889, %dot_general3A_1937 : vector<512x1xf32>
    %get3A_1939 = arith.constant 0 : index
    %get3A_1940 = arith.constant 2560 : index
    %get3A_1941 = vector.load %arg1[%get3A_1939, %get3A_1940] : memref<8x5120xf32, #tpu.memory_space<vmem>>, vector<1x512xf32>
    %get3A_1942 = arith.constant 1 : index
    %get3A_1943 = arith.constant 2560 : index
    %get3A_1944 = vector.load %arg1[%get3A_1942, %get3A_1943] : memref<8x5120xf32, #tpu.memory_space<vmem>>, vector<1x512xf32>
    %get3A_1945 = arith.constant 2 : index
    %get3A_1946 = arith.constant 2560 : index
    %get3A_1947 = vector.load %arg1[%get3A_1945, %get3A_1946] : memref<8x5120xf32, #tpu.memory_space<vmem>>, vector<1x512xf32>
    %get3A_1948 = arith.constant 3 : index
    %get3A_1949 = arith.constant 2560 : index
    %get3A_1950 = vector.load %arg1[%get3A_1948, %get3A_1949] : memref<8x5120xf32, #tpu.memory_space<vmem>>, vector<1x512xf32>
    %sub3A_1951 = arith.subf %get3A_1947, %get3A_1941 : vector<1x512xf32>
    %mul3A_1952 = arith.constant 5.000000e-01 : f32
    %mul3A_1953 = vector.broadcast %mul3A_1952 : f32 to vector<1x512xf32>
    %mul3A_1954 = arith.mulf %mul3A_1953, %sub3A_1951 : vector<1x512xf32>
    %sub3A_1955 = arith.subf %get3A_1950, %get3A_1944 : vector<1x512xf32>
    %mul3A_1956 = arith.mulf %mul3A_1954, %sub3A_1955 : vector<1x512xf32>
    %min3A_1957 = vector.broadcast %get3A_1947 : vector<1x512xf32> to vector<512x512xf32>
    %min3A_1958 = arith.minimumf %mul3A_1680, %min3A_1957 : vector<512x512xf32>
    %max3A_1959 = vector.broadcast %get3A_1941 : vector<1x512xf32> to vector<512x512xf32>
    %max3A_1960 = arith.maximumf %mul3A_1670, %max3A_1959 : vector<512x512xf32>
    %sub3A_1961 = arith.subf %min3A_1958, %max3A_1960 : vector<512x512xf32>
    %max3A_1962 = arith.constant 0.000000e+00 : f32
    %max3A_1963 = vector.broadcast %max3A_1962 : f32 to vector<512x512xf32>
    %max3A_1964 = arith.maximumf %sub3A_1961, %max3A_1963 : vector<512x512xf32>
    %min3A_1965 = vector.broadcast %get3A_1950 : vector<1x512xf32> to vector<512x512xf32>
    %min3A_1966 = arith.minimumf %mul3A_1685, %min3A_1965 : vector<512x512xf32>
    %max3A_1967 = vector.broadcast %get3A_1944 : vector<1x512xf32> to vector<512x512xf32>
    %max3A_1968 = arith.maximumf %mul3A_1675, %max3A_1967 : vector<512x512xf32>
    %sub3A_1969 = arith.subf %min3A_1966, %max3A_1968 : vector<512x512xf32>
    %max3A_1970 = arith.constant 0.000000e+00 : f32
    %max3A_1971 = vector.broadcast %max3A_1970 : f32 to vector<512x512xf32>
    %max3A_1972 = arith.maximumf %sub3A_1969, %max3A_1971 : vector<512x512xf32>
    %mul3A_1973 = arith.mulf %max3A_1964, %max3A_1972 : vector<512x512xf32>
    %mul3A_1974 = arith.constant 1.500000e+00 : f32
    %mul3A_1975 = vector.broadcast %mul3A_1974 : f32 to vector<512x512xf32>
    %mul3A_1976 = arith.mulf %mul3A_1975, %mul3A_1973 : vector<512x512xf32>
    %add3A_1977 = vector.broadcast %mul3A_1956 : vector<1x512xf32> to vector<512x512xf32>
    %add3A_1978 = arith.addf %mul3A_1691, %add3A_1977 : vector<512x512xf32>
    %gt3A_1979 = arith.cmpf ogt, %mul3A_1976, %add3A_1978 : vector<512x512xf32>
    %convert_element_type3A_1980 = arith.extui %gt3A_1979 : vector<512x512xi1> to vector<512x512xi32>
    %convert_element_type3A_1981 = arith.sitofp %convert_element_type3A_1980 : vector<512x512xi32> to vector<512x512xf32>
    %get3A_1982 = arith.constant 2560 : index
    %get3A_1983 = arith.constant 0 : index
    %get3A_1984 = vector.load %arg3[%get3A_1982, %get3A_1983] : memref<5120x1xf32, #tpu.memory_space<vmem>>, vector<512x1xf32>
    %dot_general3A_1985 = arith.constant dense<0.000000e+00> : vector<512x1xf32>
    %dot_general3A_1986 = tpu.matmul %convert_element_type3A_1981, %get3A_1984, %dot_general3A_1985 {dimension_numbers = #tpu.dot_dimension_numbers<[1], [0], [0], [1], [0, 0, 1, 1], [], []>, transpose_lhs_hint = false} : vector<512x512xf32>, vector<512x1xf32>, vector<512x1xf32> -> vector<512x1xf32>
    %add3A_1987 = arith.addf %add3A_1938, %dot_general3A_1986 : vector<512x1xf32>
    %get3A_1988 = arith.constant 0 : index
    %get3A_1989 = arith.constant 3072 : index
    %get3A_1990 = vector.load %arg1[%get3A_1988, %get3A_1989] : memref<8x5120xf32, #tpu.memory_space<vmem>>, vector<1x512xf32>
    %get3A_1991 = arith.constant 1 : index
    %get3A_1992 = arith.constant 3072 : index
    %get3A_1993 = vector.load %arg1[%get3A_1991, %get3A_1992] : memref<8x5120xf32, #tpu.memory_space<vmem>>, vector<1x512xf32>
    %get3A_1994 = arith.constant 2 : index
    %get3A_1995 = arith.constant 3072 : index
    %get3A_1996 = vector.load %arg1[%get3A_1994, %get3A_1995] : memref<8x5120xf32, #tpu.memory_space<vmem>>, vector<1x512xf32>
    %get3A_1997 = arith.constant 3 : index
    %get3A_1998 = arith.constant 3072 : index
    %get3A_1999 = vector.load %arg1[%get3A_1997, %get3A_1998] : memref<8x5120xf32, #tpu.memory_space<vmem>>, vector<1x512xf32>
    %sub3A_2000 = arith.subf %get3A_1996, %get3A_1990 : vector<1x512xf32>
    %mul3A_2001 = arith.constant 5.000000e-01 : f32
    %mul3A_2002 = vector.broadcast %mul3A_2001 : f32 to vector<1x512xf32>
    %mul3A_2003 = arith.mulf %mul3A_2002, %sub3A_2000 : vector<1x512xf32>
    %sub3A_2004 = arith.subf %get3A_1999, %get3A_1993 : vector<1x512xf32>
    %mul3A_2005 = arith.mulf %mul3A_2003, %sub3A_2004 : vector<1x512xf32>
    %min3A_2006 = vector.broadcast %get3A_1996 : vector<1x512xf32> to vector<512x512xf32>
    %min3A_2007 = arith.minimumf %mul3A_1680, %min3A_2006 : vector<512x512xf32>
    %max3A_2008 = vector.broadcast %get3A_1990 : vector<1x512xf32> to vector<512x512xf32>
    %max3A_2009 = arith.maximumf %mul3A_1670, %max3A_2008 : vector<512x512xf32>
    %sub3A_2010 = arith.subf %min3A_2007, %max3A_2009 : vector<512x512xf32>
    %max3A_2011 = arith.constant 0.000000e+00 : f32
    %max3A_2012 = vector.broadcast %max3A_2011 : f32 to vector<512x512xf32>
    %max3A_2013 = arith.maximumf %sub3A_2010, %max3A_2012 : vector<512x512xf32>
    %min3A_2014 = vector.broadcast %get3A_1999 : vector<1x512xf32> to vector<512x512xf32>
    %min3A_2015 = arith.minimumf %mul3A_1685, %min3A_2014 : vector<512x512xf32>
    %max3A_2016 = vector.broadcast %get3A_1993 : vector<1x512xf32> to vector<512x512xf32>
    %max3A_2017 = arith.maximumf %mul3A_1675, %max3A_2016 : vector<512x512xf32>
    %sub3A_2018 = arith.subf %min3A_2015, %max3A_2017 : vector<512x512xf32>
    %max3A_2019 = arith.constant 0.000000e+00 : f32
    %max3A_2020 = vector.broadcast %max3A_2019 : f32 to vector<512x512xf32>
    %max3A_2021 = arith.maximumf %sub3A_2018, %max3A_2020 : vector<512x512xf32>
    %mul3A_2022 = arith.mulf %max3A_2013, %max3A_2021 : vector<512x512xf32>
    %mul3A_2023 = arith.constant 1.500000e+00 : f32
    %mul3A_2024 = vector.broadcast %mul3A_2023 : f32 to vector<512x512xf32>
    %mul3A_2025 = arith.mulf %mul3A_2024, %mul3A_2022 : vector<512x512xf32>
    %add3A_2026 = vector.broadcast %mul3A_2005 : vector<1x512xf32> to vector<512x512xf32>
    %add3A_2027 = arith.addf %mul3A_1691, %add3A_2026 : vector<512x512xf32>
    %gt3A_2028 = arith.cmpf ogt, %mul3A_2025, %add3A_2027 : vector<512x512xf32>
    %convert_element_type3A_2029 = arith.extui %gt3A_2028 : vector<512x512xi1> to vector<512x512xi32>
    %convert_element_type3A_2030 = arith.sitofp %convert_element_type3A_2029 : vector<512x512xi32> to vector<512x512xf32>
    %get3A_2031 = arith.constant 3072 : index
    %get3A_2032 = arith.constant 0 : index
    %get3A_2033 = vector.load %arg3[%get3A_2031, %get3A_2032] : memref<5120x1xf32, #tpu.memory_space<vmem>>, vector<512x1xf32>
    %dot_general3A_2034 = arith.constant dense<0.000000e+00> : vector<512x1xf32>
    %dot_general3A_2035 = tpu.matmul %convert_element_type3A_2030, %get3A_2033, %dot_general3A_2034 {dimension_numbers = #tpu.dot_dimension_numbers<[1], [0], [0], [1], [0, 0, 1, 1], [], []>, transpose_lhs_hint = false} : vector<512x512xf32>, vector<512x1xf32>, vector<512x1xf32> -> vector<512x1xf32>
    %add3A_2036 = arith.addf %add3A_1987, %dot_general3A_2035 : vector<512x1xf32>
    %eq3A_2037 = arith.constant 0.000000e+00 : f32
    %eq3A_2038 = vector.broadcast %eq3A_2037 : f32 to vector<512x1xf32>
    %eq3A_2039 = arith.cmpf oeq, %add3A_2036, %eq3A_2038 : vector<512x1xf32>
    %convert_element_type3A_2040 = arith.extui %eq3A_2039 : vector<512x1xi1> to vector<512x1xi32>
    %convert_element_type3A_2041 = arith.sitofp %convert_element_type3A_2040 : vector<512x1xi32> to vector<512x1xf32>
    %iota3A_2042 = tpu.iota {dimensions = array<i32: 0>} : vector<512x512xi32>
    %iota3A_2043 = tpu.iota {dimensions = array<i32: 1>} : vector<512x512xi32>
    %get3A_2044 = arith.constant 0 : index
    %get3A_2045 = arith.constant 3584 : index
    %get3A_2046 = vector.load %arg1[%get3A_2044, %get3A_2045] : memref<8x5120xf32, #tpu.memory_space<vmem>>, vector<1x512xf32>
    %get3A_2047 = arith.constant 1 : index
    %get3A_2048 = arith.constant 3584 : index
    %get3A_2049 = vector.load %arg1[%get3A_2047, %get3A_2048] : memref<8x5120xf32, #tpu.memory_space<vmem>>, vector<1x512xf32>
    %get3A_2050 = arith.constant 2 : index
    %get3A_2051 = arith.constant 3584 : index
    %get3A_2052 = vector.load %arg1[%get3A_2050, %get3A_2051] : memref<8x5120xf32, #tpu.memory_space<vmem>>, vector<1x512xf32>
    %get3A_2053 = arith.constant 3 : index
    %get3A_2054 = arith.constant 3584 : index
    %get3A_2055 = vector.load %arg1[%get3A_2053, %get3A_2054] : memref<8x5120xf32, #tpu.memory_space<vmem>>, vector<1x512xf32>
    %sub3A_2056 = arith.subf %get3A_2052, %get3A_2046 : vector<1x512xf32>
    %mul3A_2057 = arith.constant 5.000000e-01 : f32
    %mul3A_2058 = vector.broadcast %mul3A_2057 : f32 to vector<1x512xf32>
    %mul3A_2059 = arith.mulf %mul3A_2058, %sub3A_2056 : vector<1x512xf32>
    %sub3A_2060 = arith.subf %get3A_2055, %get3A_2049 : vector<1x512xf32>
    %mul3A_2061 = arith.mulf %mul3A_2059, %sub3A_2060 : vector<1x512xf32>
    %min3A_2062 = vector.broadcast %get3A_2052 : vector<1x512xf32> to vector<512x512xf32>
    %min3A_2063 = arith.minimumf %mul3A_1680, %min3A_2062 : vector<512x512xf32>
    %max3A_2064 = vector.broadcast %get3A_2046 : vector<1x512xf32> to vector<512x512xf32>
    %max3A_2065 = arith.maximumf %mul3A_1670, %max3A_2064 : vector<512x512xf32>
    %sub3A_2066 = arith.subf %min3A_2063, %max3A_2065 : vector<512x512xf32>
    %max3A_2067 = arith.constant 0.000000e+00 : f32
    %max3A_2068 = vector.broadcast %max3A_2067 : f32 to vector<512x512xf32>
    %max3A_2069 = arith.maximumf %sub3A_2066, %max3A_2068 : vector<512x512xf32>
    %min3A_2070 = vector.broadcast %get3A_2055 : vector<1x512xf32> to vector<512x512xf32>
    %min3A_2071 = arith.minimumf %mul3A_1685, %min3A_2070 : vector<512x512xf32>
    %max3A_2072 = vector.broadcast %get3A_2049 : vector<1x512xf32> to vector<512x512xf32>
    %max3A_2073 = arith.maximumf %mul3A_1675, %max3A_2072 : vector<512x512xf32>
    %sub3A_2074 = arith.subf %min3A_2071, %max3A_2073 : vector<512x512xf32>
    %max3A_2075 = arith.constant 0.000000e+00 : f32
    %max3A_2076 = vector.broadcast %max3A_2075 : f32 to vector<512x512xf32>
    %max3A_2077 = arith.maximumf %sub3A_2074, %max3A_2076 : vector<512x512xf32>
    %mul3A_2078 = arith.mulf %max3A_2069, %max3A_2077 : vector<512x512xf32>
    %mul3A_2079 = arith.constant 1.500000e+00 : f32
    %mul3A_2080 = vector.broadcast %mul3A_2079 : f32 to vector<512x512xf32>
    %mul3A_2081 = arith.mulf %mul3A_2080, %mul3A_2078 : vector<512x512xf32>
    %add3A_2082 = vector.broadcast %mul3A_2061 : vector<1x512xf32> to vector<512x512xf32>
    %add3A_2083 = arith.addf %mul3A_1691, %add3A_2082 : vector<512x512xf32>
    %gt3A_2084 = arith.cmpf ogt, %mul3A_2081, %add3A_2083 : vector<512x512xf32>
    %lt3A_2085 = arith.cmpi slt, %iota3A_2043, %iota3A_2042 : vector<512x512xi32>
    %and3A_2086 = arith.andi %gt3A_2084, %lt3A_2085 : vector<512x512xi1>
    %convert_element_type3A_2087 = arith.extui %and3A_2086 : vector<512x512xi1> to vector<512x512xi32>
    %convert_element_type3A_2088 = arith.sitofp %convert_element_type3A_2087 : vector<512x512xi32> to vector<512x512xf32>
    %while3A_2089 = arith.constant true
    %while3A_2090:2 = scf.while (%while3A_3121 = %convert_element_type3A_2041, %while3A_3122 = %while3A_2089) : (vector<512x1xf32>, i1) -> (vector<512x1xf32>, i1) {
      scf.condition(%while3A_3122) %while3A_3121, %while3A_3122 : vector<512x1xf32>, i1
    } do {
    ^bb0(%while3A_3121: vector<512x1xf32>, %while3A_3122: i1):
      %dot_general3A_3123 = arith.constant dense<0.000000e+00> : vector<512x1xf32>
      %dot_general3A_3124 = tpu.matmul %convert_element_type3A_2088, %while3A_3121, %dot_general3A_3123 {dimension_numbers = #tpu.dot_dimension_numbers<[1], [0], [0], [1], [0, 0, 1, 1], [], []>, transpose_lhs_hint = false} : vector<512x512xf32>, vector<512x1xf32>, vector<512x1xf32> -> vector<512x1xf32>
      %eq3A_3125 = arith.constant 0.000000e+00 : f32
      %eq3A_3126 = vector.broadcast %eq3A_3125 : f32 to vector<512x1xf32>
      %eq3A_3127 = arith.cmpf oeq, %dot_general3A_3124, %eq3A_3126 : vector<512x1xf32>
      %convert_element_type3A_3128 = arith.extui %eq3A_3127 : vector<512x1xi1> to vector<512x1xi32>
      %convert_element_type3A_3129 = arith.sitofp %convert_element_type3A_3128 : vector<512x1xi32> to vector<512x1xf32>
      %mul3A_3130 = arith.mulf %convert_element_type3A_2041, %convert_element_type3A_3129 : vector<512x1xf32>
      %dot_general3A_3131 = arith.constant dense<0.000000e+00> : vector<512x1xf32>
      %dot_general3A_3132 = tpu.matmul %convert_element_type3A_2088, %mul3A_3130, %dot_general3A_3131 {dimension_numbers = #tpu.dot_dimension_numbers<[1], [0], [0], [1], [0, 0, 1, 1], [], []>, transpose_lhs_hint = false} : vector<512x512xf32>, vector<512x1xf32>, vector<512x1xf32> -> vector<512x1xf32>
      %eq3A_3133 = arith.constant 0.000000e+00 : f32
      %eq3A_3134 = vector.broadcast %eq3A_3133 : f32 to vector<512x1xf32>
      %eq3A_3135 = arith.cmpf oeq, %dot_general3A_3132, %eq3A_3134 : vector<512x1xf32>
      %convert_element_type3A_3136 = arith.extui %eq3A_3135 : vector<512x1xi1> to vector<512x1xi32>
      %convert_element_type3A_3137 = arith.sitofp %convert_element_type3A_3136 : vector<512x1xi32> to vector<512x1xf32>
      %mul3A_3138 = arith.mulf %convert_element_type3A_2041, %convert_element_type3A_3137 : vector<512x1xf32>
      %ne3A = arith.cmpf one, %mul3A_3138, %while3A_3121 : vector<512x1xf32>
      %reduce_or3A = arith.constant 1.000000e+00 : f32
      %reduce_or3A_3139 = arith.constant 0.000000e+00 : f32
      %reduce_or3A_3140 = vector.broadcast %reduce_or3A : f32 to vector<512x1xf32>
      %reduce_or3A_3141 = vector.broadcast %reduce_or3A_3139 : f32 to vector<512x1xf32>
      %reduce_or3A_3142 = arith.select %ne3A, %reduce_or3A_3140, %reduce_or3A_3141 : vector<512x1xi1>, vector<512x1xf32>
      %reduce_or3A_3143 = vector.shape_cast %reduce_or3A_3142 : vector<512x1xf32> to vector<1x512x1xf32>
      %reduce_or3A_3144 = arith.constant dense<0xFF800000> : vector<1xf32>
      %reduce_or3A_3145 = vector.multi_reduction <maximumf>, %reduce_or3A_3143, %reduce_or3A_3144 [1, 2] : vector<1x512x1xf32> to vector<1xf32>
      %reduce_or3A_3146 = vector.shape_cast %reduce_or3A_3145 : vector<1xf32> to vector<1x1x1xf32>
      %reduce_or3A_3147 = vector.extract %reduce_or3A_3146[0, 0, 0] : f32 from vector<1x1x1xf32>
      %reduce_or3A_3148 = arith.constant 0.000000e+00 : f32
      %reduce_or3A_3149 = arith.cmpf ogt, %reduce_or3A_3147, %reduce_or3A_3148 : f32
      scf.yield %mul3A_3138, %reduce_or3A_3149 : vector<512x1xf32>, i1
    }
    %swap3A_2091 = arith.constant 3584 : index
    %swap3A_2092 = arith.constant 0 : index
    %swap3A_2093 = vector.load %arg3[%swap3A_2091, %swap3A_2092] : memref<5120x1xf32, #tpu.memory_space<vmem>>, vector<512x1xf32>
    tpu.vector_store %arg3[%swap3A_2091, %swap3A_2092], %while3A_2090#0 {strides = array<i32>} : memref<5120x1xf32, #tpu.memory_space<vmem>>, vector<512x1xf32>,
    %get3A_2094 = arith.constant 3584 : index
    %get3A_2095 = arith.constant 0 : index
    %get3A_2096 = vector.load %arg0[%get3A_2094, %get3A_2095] : memref<5120x128xf32, #tpu.memory_space<vmem>>, vector<512x5xf32>
    %mul3A_2097 = vector.broadcast %while3A_2090#0 : vector<512x1xf32> to vector<512x5xf32>
    %mul3A_2098 = arith.mulf %get3A_2096, %mul3A_2097 : vector<512x5xf32>
    %swap3A_2099 = arith.constant 3584 : index
    %swap3A_2100 = arith.constant 0 : index
    %swap3A_2101 = vector.load %arg2[%swap3A_2099, %swap3A_2100] : memref<5000x5xf32, #tpu.memory_space<vmem>>, vector<512x5xf32>
    tpu.vector_store %arg2[%swap3A_2099, %swap3A_2100], %mul3A_2098 {strides = array<i32>} : memref<5000x5xf32, #tpu.memory_space<vmem>>, vector<512x5xf32>,
    %get3A_2102 = arith.constant 4096 : index
    %get3A_2103 = arith.constant 0 : index
    %get3A_2104 = vector.load %arg0[%get3A_2102, %get3A_2103] : memref<5120x128xf32, #tpu.memory_space<vmem>>, vector<512x1xf32>
    %mul3A_2105 = vector.broadcast %get3A_2104 : vector<512x1xf32> to vector<512x512xf32>
    %mul3A_2106 = arith.mulf %mul3A_2105, %broadcast_in_dim3A_0 : vector<512x512xf32>
    %get3A_2107 = arith.constant 4096 : index
    %get3A_2108 = arith.constant 1 : index
    %get3A_2109 = vector.load %arg0[%get3A_2107, %get3A_2108] : memref<5120x128xf32, #tpu.memory_space<vmem>>, vector<512x1xf32>
    %mul3A_2110 = vector.broadcast %get3A_2109 : vector<512x1xf32> to vector<512x512xf32>
    %mul3A_2111 = arith.mulf %mul3A_2110, %broadcast_in_dim3A_0 : vector<512x512xf32>
    %get3A_2112 = arith.constant 4096 : index
    %get3A_2113 = arith.constant 2 : index
    %get3A_2114 = vector.load %arg0[%get3A_2112, %get3A_2113] : memref<5120x128xf32, #tpu.memory_space<vmem>>, vector<512x1xf32>
    %mul3A_2115 = vector.broadcast %get3A_2114 : vector<512x1xf32> to vector<512x512xf32>
    %mul3A_2116 = arith.mulf %mul3A_2115, %broadcast_in_dim3A_0 : vector<512x512xf32>
    %get3A_2117 = arith.constant 4096 : index
    %get3A_2118 = arith.constant 3 : index
    %get3A_2119 = vector.load %arg0[%get3A_2117, %get3A_2118] : memref<5120x128xf32, #tpu.memory_space<vmem>>, vector<512x1xf32>
    %mul3A_2120 = vector.broadcast %get3A_2119 : vector<512x1xf32> to vector<512x512xf32>
    %mul3A_2121 = arith.mulf %mul3A_2120, %broadcast_in_dim3A_0 : vector<512x512xf32>
    %sub3A_2122 = arith.subf %mul3A_2116, %mul3A_2106 : vector<512x512xf32>
    %mul3A_2123 = arith.constant 5.000000e-01 : f32
    %mul3A_2124 = vector.broadcast %mul3A_2123 : f32 to vector<512x512xf32>
    %mul3A_2125 = arith.mulf %mul3A_2124, %sub3A_2122 : vector<512x512xf32>
    %sub3A_2126 = arith.subf %mul3A_2121, %mul3A_2111 : vector<512x512xf32>
    %mul3A_2127 = arith.mulf %mul3A_2125, %sub3A_2126 : vector<512x512xf32>
    %broadcast_in_dim3A_2128 = arith.constant 0.000000e+00 : f32
    %broadcast_in_dim3A_2129 = vector.broadcast %broadcast_in_dim3A_2128 : f32 to vector<512x1xf32>
    %get3A_2130 = arith.constant 0 : index
    %get3A_2131 = arith.constant 0 : index
    %get3A_2132 = vector.load %arg1[%get3A_2130, %get3A_2131] : memref<8x5120xf32, #tpu.memory_space<vmem>>, vector<1x512xf32>
    %get3A_2133 = arith.constant 1 : index
    %get3A_2134 = arith.constant 0 : index
    %get3A_2135 = vector.load %arg1[%get3A_2133, %get3A_2134] : memref<8x5120xf32, #tpu.memory_space<vmem>>, vector<1x512xf32>
    %get3A_2136 = arith.constant 2 : index
    %get3A_2137 = arith.constant 0 : index
    %get3A_2138 = vector.load %arg1[%get3A_2136, %get3A_2137] : memref<8x5120xf32, #tpu.memory_space<vmem>>, vector<1x512xf32>
    %get3A_2139 = arith.constant 3 : index
    %get3A_2140 = arith.constant 0 : index
    %get3A_2141 = vector.load %arg1[%get3A_2139, %get3A_2140] : memref<8x5120xf32, #tpu.memory_space<vmem>>, vector<1x512xf32>
    %sub3A_2142 = arith.subf %get3A_2138, %get3A_2132 : vector<1x512xf32>
    %mul3A_2143 = arith.constant 5.000000e-01 : f32
    %mul3A_2144 = vector.broadcast %mul3A_2143 : f32 to vector<1x512xf32>
    %mul3A_2145 = arith.mulf %mul3A_2144, %sub3A_2142 : vector<1x512xf32>
    %sub3A_2146 = arith.subf %get3A_2141, %get3A_2135 : vector<1x512xf32>
    %mul3A_2147 = arith.mulf %mul3A_2145, %sub3A_2146 : vector<1x512xf32>
    %min3A_2148 = vector.broadcast %get3A_2138 : vector<1x512xf32> to vector<512x512xf32>
    %min3A_2149 = arith.minimumf %mul3A_2116, %min3A_2148 : vector<512x512xf32>
    %max3A_2150 = vector.broadcast %get3A_2132 : vector<1x512xf32> to vector<512x512xf32>
    %max3A_2151 = arith.maximumf %mul3A_2106, %max3A_2150 : vector<512x512xf32>
    %sub3A_2152 = arith.subf %min3A_2149, %max3A_2151 : vector<512x512xf32>
    %max3A_2153 = arith.constant 0.000000e+00 : f32
    %max3A_2154 = vector.broadcast %max3A_2153 : f32 to vector<512x512xf32>
    %max3A_2155 = arith.maximumf %sub3A_2152, %max3A_2154 : vector<512x512xf32>
    %min3A_2156 = vector.broadcast %get3A_2141 : vector<1x512xf32> to vector<512x512xf32>
    %min3A_2157 = arith.minimumf %mul3A_2121, %min3A_2156 : vector<512x512xf32>
    %max3A_2158 = vector.broadcast %get3A_2135 : vector<1x512xf32> to vector<512x512xf32>
    %max3A_2159 = arith.maximumf %mul3A_2111, %max3A_2158 : vector<512x512xf32>
    %sub3A_2160 = arith.subf %min3A_2157, %max3A_2159 : vector<512x512xf32>
    %max3A_2161 = arith.constant 0.000000e+00 : f32
    %max3A_2162 = vector.broadcast %max3A_2161 : f32 to vector<512x512xf32>
    %max3A_2163 = arith.maximumf %sub3A_2160, %max3A_2162 : vector<512x512xf32>
    %mul3A_2164 = arith.mulf %max3A_2155, %max3A_2163 : vector<512x512xf32>
    %mul3A_2165 = arith.constant 1.500000e+00 : f32
    %mul3A_2166 = vector.broadcast %mul3A_2165 : f32 to vector<512x512xf32>
    %mul3A_2167 = arith.mulf %mul3A_2166, %mul3A_2164 : vector<512x512xf32>
    %add3A_2168 = vector.broadcast %mul3A_2147 : vector<1x512xf32> to vector<512x512xf32>
    %add3A_2169 = arith.addf %mul3A_2127, %add3A_2168 : vector<512x512xf32>
    %gt3A_2170 = arith.cmpf ogt, %mul3A_2167, %add3A_2169 : vector<512x512xf32>
    %convert_element_type3A_2171 = arith.extui %gt3A_2170 : vector<512x512xi1> to vector<512x512xi32>
    %convert_element_type3A_2172 = arith.sitofp %convert_element_type3A_2171 : vector<512x512xi32> to vector<512x512xf32>
    %get3A_2173 = arith.constant 0 : index
    %get3A_2174 = arith.constant 0 : index
    %get3A_2175 = vector.load %arg3[%get3A_2173, %get3A_2174] : memref<5120x1xf32, #tpu.memory_space<vmem>>, vector<512x1xf32>
    %dot_general3A_2176 = arith.constant dense<0.000000e+00> : vector<512x1xf32>
    %dot_general3A_2177 = tpu.matmul %convert_element_type3A_2172, %get3A_2175, %dot_general3A_2176 {dimension_numbers = #tpu.dot_dimension_numbers<[1], [0], [0], [1], [0, 0, 1, 1], [], []>, transpose_lhs_hint = false} : vector<512x512xf32>, vector<512x1xf32>, vector<512x1xf32> -> vector<512x1xf32>
    %add3A_2178 = arith.addf %broadcast_in_dim3A_2129, %dot_general3A_2177 : vector<512x1xf32>
    %get3A_2179 = arith.constant 0 : index
    %get3A_2180 = arith.constant 512 : index
    %get3A_2181 = vector.load %arg1[%get3A_2179, %get3A_2180] : memref<8x5120xf32, #tpu.memory_space<vmem>>, vector<1x512xf32>
    %get3A_2182 = arith.constant 1 : index
    %get3A_2183 = arith.constant 512 : index
    %get3A_2184 = vector.load %arg1[%get3A_2182, %get3A_2183] : memref<8x5120xf32, #tpu.memory_space<vmem>>, vector<1x512xf32>
    %get3A_2185 = arith.constant 2 : index
    %get3A_2186 = arith.constant 512 : index
    %get3A_2187 = vector.load %arg1[%get3A_2185, %get3A_2186] : memref<8x5120xf32, #tpu.memory_space<vmem>>, vector<1x512xf32>
    %get3A_2188 = arith.constant 3 : index
    %get3A_2189 = arith.constant 512 : index
    %get3A_2190 = vector.load %arg1[%get3A_2188, %get3A_2189] : memref<8x5120xf32, #tpu.memory_space<vmem>>, vector<1x512xf32>
    %sub3A_2191 = arith.subf %get3A_2187, %get3A_2181 : vector<1x512xf32>
    %mul3A_2192 = arith.constant 5.000000e-01 : f32
    %mul3A_2193 = vector.broadcast %mul3A_2192 : f32 to vector<1x512xf32>
    %mul3A_2194 = arith.mulf %mul3A_2193, %sub3A_2191 : vector<1x512xf32>
    %sub3A_2195 = arith.subf %get3A_2190, %get3A_2184 : vector<1x512xf32>
    %mul3A_2196 = arith.mulf %mul3A_2194, %sub3A_2195 : vector<1x512xf32>
    %min3A_2197 = vector.broadcast %get3A_2187 : vector<1x512xf32> to vector<512x512xf32>
    %min3A_2198 = arith.minimumf %mul3A_2116, %min3A_2197 : vector<512x512xf32>
    %max3A_2199 = vector.broadcast %get3A_2181 : vector<1x512xf32> to vector<512x512xf32>
    %max3A_2200 = arith.maximumf %mul3A_2106, %max3A_2199 : vector<512x512xf32>
    %sub3A_2201 = arith.subf %min3A_2198, %max3A_2200 : vector<512x512xf32>
    %max3A_2202 = arith.constant 0.000000e+00 : f32
    %max3A_2203 = vector.broadcast %max3A_2202 : f32 to vector<512x512xf32>
    %max3A_2204 = arith.maximumf %sub3A_2201, %max3A_2203 : vector<512x512xf32>
    %min3A_2205 = vector.broadcast %get3A_2190 : vector<1x512xf32> to vector<512x512xf32>
    %min3A_2206 = arith.minimumf %mul3A_2121, %min3A_2205 : vector<512x512xf32>
    %max3A_2207 = vector.broadcast %get3A_2184 : vector<1x512xf32> to vector<512x512xf32>
    %max3A_2208 = arith.maximumf %mul3A_2111, %max3A_2207 : vector<512x512xf32>
    %sub3A_2209 = arith.subf %min3A_2206, %max3A_2208 : vector<512x512xf32>
    %max3A_2210 = arith.constant 0.000000e+00 : f32
    %max3A_2211 = vector.broadcast %max3A_2210 : f32 to vector<512x512xf32>
    %max3A_2212 = arith.maximumf %sub3A_2209, %max3A_2211 : vector<512x512xf32>
    %mul3A_2213 = arith.mulf %max3A_2204, %max3A_2212 : vector<512x512xf32>
    %mul3A_2214 = arith.constant 1.500000e+00 : f32
    %mul3A_2215 = vector.broadcast %mul3A_2214 : f32 to vector<512x512xf32>
    %mul3A_2216 = arith.mulf %mul3A_2215, %mul3A_2213 : vector<512x512xf32>
    %add3A_2217 = vector.broadcast %mul3A_2196 : vector<1x512xf32> to vector<512x512xf32>
    %add3A_2218 = arith.addf %mul3A_2127, %add3A_2217 : vector<512x512xf32>
    %gt3A_2219 = arith.cmpf ogt, %mul3A_2216, %add3A_2218 : vector<512x512xf32>
    %convert_element_type3A_2220 = arith.extui %gt3A_2219 : vector<512x512xi1> to vector<512x512xi32>
    %convert_element_type3A_2221 = arith.sitofp %convert_element_type3A_2220 : vector<512x512xi32> to vector<512x512xf32>
    %get3A_2222 = arith.constant 512 : index
    %get3A_2223 = arith.constant 0 : index
    %get3A_2224 = vector.load %arg3[%get3A_2222, %get3A_2223] : memref<5120x1xf32, #tpu.memory_space<vmem>>, vector<512x1xf32>
    %dot_general3A_2225 = arith.constant dense<0.000000e+00> : vector<512x1xf32>
    %dot_general3A_2226 = tpu.matmul %convert_element_type3A_2221, %get3A_2224, %dot_general3A_2225 {dimension_numbers = #tpu.dot_dimension_numbers<[1], [0], [0], [1], [0, 0, 1, 1], [], []>, transpose_lhs_hint = false} : vector<512x512xf32>, vector<512x1xf32>, vector<512x1xf32> -> vector<512x1xf32>
    %add3A_2227 = arith.addf %add3A_2178, %dot_general3A_2226 : vector<512x1xf32>
    %get3A_2228 = arith.constant 0 : index
    %get3A_2229 = arith.constant 1024 : index
    %get3A_2230 = vector.load %arg1[%get3A_2228, %get3A_2229] : memref<8x5120xf32, #tpu.memory_space<vmem>>, vector<1x512xf32>
    %get3A_2231 = arith.constant 1 : index
    %get3A_2232 = arith.constant 1024 : index
    %get3A_2233 = vector.load %arg1[%get3A_2231, %get3A_2232] : memref<8x5120xf32, #tpu.memory_space<vmem>>, vector<1x512xf32>
    %get3A_2234 = arith.constant 2 : index
    %get3A_2235 = arith.constant 1024 : index
    %get3A_2236 = vector.load %arg1[%get3A_2234, %get3A_2235] : memref<8x5120xf32, #tpu.memory_space<vmem>>, vector<1x512xf32>
    %get3A_2237 = arith.constant 3 : index
    %get3A_2238 = arith.constant 1024 : index
    %get3A_2239 = vector.load %arg1[%get3A_2237, %get3A_2238] : memref<8x5120xf32, #tpu.memory_space<vmem>>, vector<1x512xf32>
    %sub3A_2240 = arith.subf %get3A_2236, %get3A_2230 : vector<1x512xf32>
    %mul3A_2241 = arith.constant 5.000000e-01 : f32
    %mul3A_2242 = vector.broadcast %mul3A_2241 : f32 to vector<1x512xf32>
    %mul3A_2243 = arith.mulf %mul3A_2242, %sub3A_2240 : vector<1x512xf32>
    %sub3A_2244 = arith.subf %get3A_2239, %get3A_2233 : vector<1x512xf32>
    %mul3A_2245 = arith.mulf %mul3A_2243, %sub3A_2244 : vector<1x512xf32>
    %min3A_2246 = vector.broadcast %get3A_2236 : vector<1x512xf32> to vector<512x512xf32>
    %min3A_2247 = arith.minimumf %mul3A_2116, %min3A_2246 : vector<512x512xf32>
    %max3A_2248 = vector.broadcast %get3A_2230 : vector<1x512xf32> to vector<512x512xf32>
    %max3A_2249 = arith.maximumf %mul3A_2106, %max3A_2248 : vector<512x512xf32>
    %sub3A_2250 = arith.subf %min3A_2247, %max3A_2249 : vector<512x512xf32>
    %max3A_2251 = arith.constant 0.000000e+00 : f32
    %max3A_2252 = vector.broadcast %max3A_2251 : f32 to vector<512x512xf32>
    %max3A_2253 = arith.maximumf %sub3A_2250, %max3A_2252 : vector<512x512xf32>
    %min3A_2254 = vector.broadcast %get3A_2239 : vector<1x512xf32> to vector<512x512xf32>
    %min3A_2255 = arith.minimumf %mul3A_2121, %min3A_2254 : vector<512x512xf32>
    %max3A_2256 = vector.broadcast %get3A_2233 : vector<1x512xf32> to vector<512x512xf32>
    %max3A_2257 = arith.maximumf %mul3A_2111, %max3A_2256 : vector<512x512xf32>
    %sub3A_2258 = arith.subf %min3A_2255, %max3A_2257 : vector<512x512xf32>
    %max3A_2259 = arith.constant 0.000000e+00 : f32
    %max3A_2260 = vector.broadcast %max3A_2259 : f32 to vector<512x512xf32>
    %max3A_2261 = arith.maximumf %sub3A_2258, %max3A_2260 : vector<512x512xf32>
    %mul3A_2262 = arith.mulf %max3A_2253, %max3A_2261 : vector<512x512xf32>
    %mul3A_2263 = arith.constant 1.500000e+00 : f32
    %mul3A_2264 = vector.broadcast %mul3A_2263 : f32 to vector<512x512xf32>
    %mul3A_2265 = arith.mulf %mul3A_2264, %mul3A_2262 : vector<512x512xf32>
    %add3A_2266 = vector.broadcast %mul3A_2245 : vector<1x512xf32> to vector<512x512xf32>
    %add3A_2267 = arith.addf %mul3A_2127, %add3A_2266 : vector<512x512xf32>
    %gt3A_2268 = arith.cmpf ogt, %mul3A_2265, %add3A_2267 : vector<512x512xf32>
    %convert_element_type3A_2269 = arith.extui %gt3A_2268 : vector<512x512xi1> to vector<512x512xi32>
    %convert_element_type3A_2270 = arith.sitofp %convert_element_type3A_2269 : vector<512x512xi32> to vector<512x512xf32>
    %get3A_2271 = arith.constant 1024 : index
    %get3A_2272 = arith.constant 0 : index
    %get3A_2273 = vector.load %arg3[%get3A_2271, %get3A_2272] : memref<5120x1xf32, #tpu.memory_space<vmem>>, vector<512x1xf32>
    %dot_general3A_2274 = arith.constant dense<0.000000e+00> : vector<512x1xf32>
    %dot_general3A_2275 = tpu.matmul %convert_element_type3A_2270, %get3A_2273, %dot_general3A_2274 {dimension_numbers = #tpu.dot_dimension_numbers<[1], [0], [0], [1], [0, 0, 1, 1], [], []>, transpose_lhs_hint = false} : vector<512x512xf32>, vector<512x1xf32>, vector<512x1xf32> -> vector<512x1xf32>
    %add3A_2276 = arith.addf %add3A_2227, %dot_general3A_2275 : vector<512x1xf32>
    %get3A_2277 = arith.constant 0 : index
    %get3A_2278 = arith.constant 1536 : index
    %get3A_2279 = vector.load %arg1[%get3A_2277, %get3A_2278] : memref<8x5120xf32, #tpu.memory_space<vmem>>, vector<1x512xf32>
    %get3A_2280 = arith.constant 1 : index
    %get3A_2281 = arith.constant 1536 : index
    %get3A_2282 = vector.load %arg1[%get3A_2280, %get3A_2281] : memref<8x5120xf32, #tpu.memory_space<vmem>>, vector<1x512xf32>
    %get3A_2283 = arith.constant 2 : index
    %get3A_2284 = arith.constant 1536 : index
    %get3A_2285 = vector.load %arg1[%get3A_2283, %get3A_2284] : memref<8x5120xf32, #tpu.memory_space<vmem>>, vector<1x512xf32>
    %get3A_2286 = arith.constant 3 : index
    %get3A_2287 = arith.constant 1536 : index
    %get3A_2288 = vector.load %arg1[%get3A_2286, %get3A_2287] : memref<8x5120xf32, #tpu.memory_space<vmem>>, vector<1x512xf32>
    %sub3A_2289 = arith.subf %get3A_2285, %get3A_2279 : vector<1x512xf32>
    %mul3A_2290 = arith.constant 5.000000e-01 : f32
    %mul3A_2291 = vector.broadcast %mul3A_2290 : f32 to vector<1x512xf32>
    %mul3A_2292 = arith.mulf %mul3A_2291, %sub3A_2289 : vector<1x512xf32>
    %sub3A_2293 = arith.subf %get3A_2288, %get3A_2282 : vector<1x512xf32>
    %mul3A_2294 = arith.mulf %mul3A_2292, %sub3A_2293 : vector<1x512xf32>
    %min3A_2295 = vector.broadcast %get3A_2285 : vector<1x512xf32> to vector<512x512xf32>
    %min3A_2296 = arith.minimumf %mul3A_2116, %min3A_2295 : vector<512x512xf32>
    %max3A_2297 = vector.broadcast %get3A_2279 : vector<1x512xf32> to vector<512x512xf32>
    %max3A_2298 = arith.maximumf %mul3A_2106, %max3A_2297 : vector<512x512xf32>
    %sub3A_2299 = arith.subf %min3A_2296, %max3A_2298 : vector<512x512xf32>
    %max3A_2300 = arith.constant 0.000000e+00 : f32
    %max3A_2301 = vector.broadcast %max3A_2300 : f32 to vector<512x512xf32>
    %max3A_2302 = arith.maximumf %sub3A_2299, %max3A_2301 : vector<512x512xf32>
    %min3A_2303 = vector.broadcast %get3A_2288 : vector<1x512xf32> to vector<512x512xf32>
    %min3A_2304 = arith.minimumf %mul3A_2121, %min3A_2303 : vector<512x512xf32>
    %max3A_2305 = vector.broadcast %get3A_2282 : vector<1x512xf32> to vector<512x512xf32>
    %max3A_2306 = arith.maximumf %mul3A_2111, %max3A_2305 : vector<512x512xf32>
    %sub3A_2307 = arith.subf %min3A_2304, %max3A_2306 : vector<512x512xf32>
    %max3A_2308 = arith.constant 0.000000e+00 : f32
    %max3A_2309 = vector.broadcast %max3A_2308 : f32 to vector<512x512xf32>
    %max3A_2310 = arith.maximumf %sub3A_2307, %max3A_2309 : vector<512x512xf32>
    %mul3A_2311 = arith.mulf %max3A_2302, %max3A_2310 : vector<512x512xf32>
    %mul3A_2312 = arith.constant 1.500000e+00 : f32
    %mul3A_2313 = vector.broadcast %mul3A_2312 : f32 to vector<512x512xf32>
    %mul3A_2314 = arith.mulf %mul3A_2313, %mul3A_2311 : vector<512x512xf32>
    %add3A_2315 = vector.broadcast %mul3A_2294 : vector<1x512xf32> to vector<512x512xf32>
    %add3A_2316 = arith.addf %mul3A_2127, %add3A_2315 : vector<512x512xf32>
    %gt3A_2317 = arith.cmpf ogt, %mul3A_2314, %add3A_2316 : vector<512x512xf32>
    %convert_element_type3A_2318 = arith.extui %gt3A_2317 : vector<512x512xi1> to vector<512x512xi32>
    %convert_element_type3A_2319 = arith.sitofp %convert_element_type3A_2318 : vector<512x512xi32> to vector<512x512xf32>
    %get3A_2320 = arith.constant 1536 : index
    %get3A_2321 = arith.constant 0 : index
    %get3A_2322 = vector.load %arg3[%get3A_2320, %get3A_2321] : memref<5120x1xf32, #tpu.memory_space<vmem>>, vector<512x1xf32>
    %dot_general3A_2323 = arith.constant dense<0.000000e+00> : vector<512x1xf32>
    %dot_general3A_2324 = tpu.matmul %convert_element_type3A_2319, %get3A_2322, %dot_general3A_2323 {dimension_numbers = #tpu.dot_dimension_numbers<[1], [0], [0], [1], [0, 0, 1, 1], [], []>, transpose_lhs_hint = false} : vector<512x512xf32>, vector<512x1xf32>, vector<512x1xf32> -> vector<512x1xf32>
    %add3A_2325 = arith.addf %add3A_2276, %dot_general3A_2324 : vector<512x1xf32>
    %get3A_2326 = arith.constant 0 : index
    %get3A_2327 = arith.constant 2048 : index
    %get3A_2328 = vector.load %arg1[%get3A_2326, %get3A_2327] : memref<8x5120xf32, #tpu.memory_space<vmem>>, vector<1x512xf32>
    %get3A_2329 = arith.constant 1 : index
    %get3A_2330 = arith.constant 2048 : index
    %get3A_2331 = vector.load %arg1[%get3A_2329, %get3A_2330] : memref<8x5120xf32, #tpu.memory_space<vmem>>, vector<1x512xf32>
    %get3A_2332 = arith.constant 2 : index
    %get3A_2333 = arith.constant 2048 : index
    %get3A_2334 = vector.load %arg1[%get3A_2332, %get3A_2333] : memref<8x5120xf32, #tpu.memory_space<vmem>>, vector<1x512xf32>
    %get3A_2335 = arith.constant 3 : index
    %get3A_2336 = arith.constant 2048 : index
    %get3A_2337 = vector.load %arg1[%get3A_2335, %get3A_2336] : memref<8x5120xf32, #tpu.memory_space<vmem>>, vector<1x512xf32>
    %sub3A_2338 = arith.subf %get3A_2334, %get3A_2328 : vector<1x512xf32>
    %mul3A_2339 = arith.constant 5.000000e-01 : f32
    %mul3A_2340 = vector.broadcast %mul3A_2339 : f32 to vector<1x512xf32>
    %mul3A_2341 = arith.mulf %mul3A_2340, %sub3A_2338 : vector<1x512xf32>
    %sub3A_2342 = arith.subf %get3A_2337, %get3A_2331 : vector<1x512xf32>
    %mul3A_2343 = arith.mulf %mul3A_2341, %sub3A_2342 : vector<1x512xf32>
    %min3A_2344 = vector.broadcast %get3A_2334 : vector<1x512xf32> to vector<512x512xf32>
    %min3A_2345 = arith.minimumf %mul3A_2116, %min3A_2344 : vector<512x512xf32>
    %max3A_2346 = vector.broadcast %get3A_2328 : vector<1x512xf32> to vector<512x512xf32>
    %max3A_2347 = arith.maximumf %mul3A_2106, %max3A_2346 : vector<512x512xf32>
    %sub3A_2348 = arith.subf %min3A_2345, %max3A_2347 : vector<512x512xf32>
    %max3A_2349 = arith.constant 0.000000e+00 : f32
    %max3A_2350 = vector.broadcast %max3A_2349 : f32 to vector<512x512xf32>
    %max3A_2351 = arith.maximumf %sub3A_2348, %max3A_2350 : vector<512x512xf32>
    %min3A_2352 = vector.broadcast %get3A_2337 : vector<1x512xf32> to vector<512x512xf32>
    %min3A_2353 = arith.minimumf %mul3A_2121, %min3A_2352 : vector<512x512xf32>
    %max3A_2354 = vector.broadcast %get3A_2331 : vector<1x512xf32> to vector<512x512xf32>
    %max3A_2355 = arith.maximumf %mul3A_2111, %max3A_2354 : vector<512x512xf32>
    %sub3A_2356 = arith.subf %min3A_2353, %max3A_2355 : vector<512x512xf32>
    %max3A_2357 = arith.constant 0.000000e+00 : f32
    %max3A_2358 = vector.broadcast %max3A_2357 : f32 to vector<512x512xf32>
    %max3A_2359 = arith.maximumf %sub3A_2356, %max3A_2358 : vector<512x512xf32>
    %mul3A_2360 = arith.mulf %max3A_2351, %max3A_2359 : vector<512x512xf32>
    %mul3A_2361 = arith.constant 1.500000e+00 : f32
    %mul3A_2362 = vector.broadcast %mul3A_2361 : f32 to vector<512x512xf32>
    %mul3A_2363 = arith.mulf %mul3A_2362, %mul3A_2360 : vector<512x512xf32>
    %add3A_2364 = vector.broadcast %mul3A_2343 : vector<1x512xf32> to vector<512x512xf32>
    %add3A_2365 = arith.addf %mul3A_2127, %add3A_2364 : vector<512x512xf32>
    %gt3A_2366 = arith.cmpf ogt, %mul3A_2363, %add3A_2365 : vector<512x512xf32>
    %convert_element_type3A_2367 = arith.extui %gt3A_2366 : vector<512x512xi1> to vector<512x512xi32>
    %convert_element_type3A_2368 = arith.sitofp %convert_element_type3A_2367 : vector<512x512xi32> to vector<512x512xf32>
    %get3A_2369 = arith.constant 2048 : index
    %get3A_2370 = arith.constant 0 : index
    %get3A_2371 = vector.load %arg3[%get3A_2369, %get3A_2370] : memref<5120x1xf32, #tpu.memory_space<vmem>>, vector<512x1xf32>
    %dot_general3A_2372 = arith.constant dense<0.000000e+00> : vector<512x1xf32>
    %dot_general3A_2373 = tpu.matmul %convert_element_type3A_2368, %get3A_2371, %dot_general3A_2372 {dimension_numbers = #tpu.dot_dimension_numbers<[1], [0], [0], [1], [0, 0, 1, 1], [], []>, transpose_lhs_hint = false} : vector<512x512xf32>, vector<512x1xf32>, vector<512x1xf32> -> vector<512x1xf32>
    %add3A_2374 = arith.addf %add3A_2325, %dot_general3A_2373 : vector<512x1xf32>
    %get3A_2375 = arith.constant 0 : index
    %get3A_2376 = arith.constant 2560 : index
    %get3A_2377 = vector.load %arg1[%get3A_2375, %get3A_2376] : memref<8x5120xf32, #tpu.memory_space<vmem>>, vector<1x512xf32>
    %get3A_2378 = arith.constant 1 : index
    %get3A_2379 = arith.constant 2560 : index
    %get3A_2380 = vector.load %arg1[%get3A_2378, %get3A_2379] : memref<8x5120xf32, #tpu.memory_space<vmem>>, vector<1x512xf32>
    %get3A_2381 = arith.constant 2 : index
    %get3A_2382 = arith.constant 2560 : index
    %get3A_2383 = vector.load %arg1[%get3A_2381, %get3A_2382] : memref<8x5120xf32, #tpu.memory_space<vmem>>, vector<1x512xf32>
    %get3A_2384 = arith.constant 3 : index
    %get3A_2385 = arith.constant 2560 : index
    %get3A_2386 = vector.load %arg1[%get3A_2384, %get3A_2385] : memref<8x5120xf32, #tpu.memory_space<vmem>>, vector<1x512xf32>
    %sub3A_2387 = arith.subf %get3A_2383, %get3A_2377 : vector<1x512xf32>
    %mul3A_2388 = arith.constant 5.000000e-01 : f32
    %mul3A_2389 = vector.broadcast %mul3A_2388 : f32 to vector<1x512xf32>
    %mul3A_2390 = arith.mulf %mul3A_2389, %sub3A_2387 : vector<1x512xf32>
    %sub3A_2391 = arith.subf %get3A_2386, %get3A_2380 : vector<1x512xf32>
    %mul3A_2392 = arith.mulf %mul3A_2390, %sub3A_2391 : vector<1x512xf32>
    %min3A_2393 = vector.broadcast %get3A_2383 : vector<1x512xf32> to vector<512x512xf32>
    %min3A_2394 = arith.minimumf %mul3A_2116, %min3A_2393 : vector<512x512xf32>
    %max3A_2395 = vector.broadcast %get3A_2377 : vector<1x512xf32> to vector<512x512xf32>
    %max3A_2396 = arith.maximumf %mul3A_2106, %max3A_2395 : vector<512x512xf32>
    %sub3A_2397 = arith.subf %min3A_2394, %max3A_2396 : vector<512x512xf32>
    %max3A_2398 = arith.constant 0.000000e+00 : f32
    %max3A_2399 = vector.broadcast %max3A_2398 : f32 to vector<512x512xf32>
    %max3A_2400 = arith.maximumf %sub3A_2397, %max3A_2399 : vector<512x512xf32>
    %min3A_2401 = vector.broadcast %get3A_2386 : vector<1x512xf32> to vector<512x512xf32>
    %min3A_2402 = arith.minimumf %mul3A_2121, %min3A_2401 : vector<512x512xf32>
    %max3A_2403 = vector.broadcast %get3A_2380 : vector<1x512xf32> to vector<512x512xf32>
    %max3A_2404 = arith.maximumf %mul3A_2111, %max3A_2403 : vector<512x512xf32>
    %sub3A_2405 = arith.subf %min3A_2402, %max3A_2404 : vector<512x512xf32>
    %max3A_2406 = arith.constant 0.000000e+00 : f32
    %max3A_2407 = vector.broadcast %max3A_2406 : f32 to vector<512x512xf32>
    %max3A_2408 = arith.maximumf %sub3A_2405, %max3A_2407 : vector<512x512xf32>
    %mul3A_2409 = arith.mulf %max3A_2400, %max3A_2408 : vector<512x512xf32>
    %mul3A_2410 = arith.constant 1.500000e+00 : f32
    %mul3A_2411 = vector.broadcast %mul3A_2410 : f32 to vector<512x512xf32>
    %mul3A_2412 = arith.mulf %mul3A_2411, %mul3A_2409 : vector<512x512xf32>
    %add3A_2413 = vector.broadcast %mul3A_2392 : vector<1x512xf32> to vector<512x512xf32>
    %add3A_2414 = arith.addf %mul3A_2127, %add3A_2413 : vector<512x512xf32>
    %gt3A_2415 = arith.cmpf ogt, %mul3A_2412, %add3A_2414 : vector<512x512xf32>
    %convert_element_type3A_2416 = arith.extui %gt3A_2415 : vector<512x512xi1> to vector<512x512xi32>
    %convert_element_type3A_2417 = arith.sitofp %convert_element_type3A_2416 : vector<512x512xi32> to vector<512x512xf32>
    %get3A_2418 = arith.constant 2560 : index
    %get3A_2419 = arith.constant 0 : index
    %get3A_2420 = vector.load %arg3[%get3A_2418, %get3A_2419] : memref<5120x1xf32, #tpu.memory_space<vmem>>, vector<512x1xf32>
    %dot_general3A_2421 = arith.constant dense<0.000000e+00> : vector<512x1xf32>
    %dot_general3A_2422 = tpu.matmul %convert_element_type3A_2417, %get3A_2420, %dot_general3A_2421 {dimension_numbers = #tpu.dot_dimension_numbers<[1], [0], [0], [1], [0, 0, 1, 1], [], []>, transpose_lhs_hint = false} : vector<512x512xf32>, vector<512x1xf32>, vector<512x1xf32> -> vector<512x1xf32>
    %add3A_2423 = arith.addf %add3A_2374, %dot_general3A_2422 : vector<512x1xf32>
    %get3A_2424 = arith.constant 0 : index
    %get3A_2425 = arith.constant 3072 : index
    %get3A_2426 = vector.load %arg1[%get3A_2424, %get3A_2425] : memref<8x5120xf32, #tpu.memory_space<vmem>>, vector<1x512xf32>
    %get3A_2427 = arith.constant 1 : index
    %get3A_2428 = arith.constant 3072 : index
    %get3A_2429 = vector.load %arg1[%get3A_2427, %get3A_2428] : memref<8x5120xf32, #tpu.memory_space<vmem>>, vector<1x512xf32>
    %get3A_2430 = arith.constant 2 : index
    %get3A_2431 = arith.constant 3072 : index
    %get3A_2432 = vector.load %arg1[%get3A_2430, %get3A_2431] : memref<8x5120xf32, #tpu.memory_space<vmem>>, vector<1x512xf32>
    %get3A_2433 = arith.constant 3 : index
    %get3A_2434 = arith.constant 3072 : index
    %get3A_2435 = vector.load %arg1[%get3A_2433, %get3A_2434] : memref<8x5120xf32, #tpu.memory_space<vmem>>, vector<1x512xf32>
    %sub3A_2436 = arith.subf %get3A_2432, %get3A_2426 : vector<1x512xf32>
    %mul3A_2437 = arith.constant 5.000000e-01 : f32
    %mul3A_2438 = vector.broadcast %mul3A_2437 : f32 to vector<1x512xf32>
    %mul3A_2439 = arith.mulf %mul3A_2438, %sub3A_2436 : vector<1x512xf32>
    %sub3A_2440 = arith.subf %get3A_2435, %get3A_2429 : vector<1x512xf32>
    %mul3A_2441 = arith.mulf %mul3A_2439, %sub3A_2440 : vector<1x512xf32>
    %min3A_2442 = vector.broadcast %get3A_2432 : vector<1x512xf32> to vector<512x512xf32>
    %min3A_2443 = arith.minimumf %mul3A_2116, %min3A_2442 : vector<512x512xf32>
    %max3A_2444 = vector.broadcast %get3A_2426 : vector<1x512xf32> to vector<512x512xf32>
    %max3A_2445 = arith.maximumf %mul3A_2106, %max3A_2444 : vector<512x512xf32>
    %sub3A_2446 = arith.subf %min3A_2443, %max3A_2445 : vector<512x512xf32>
    %max3A_2447 = arith.constant 0.000000e+00 : f32
    %max3A_2448 = vector.broadcast %max3A_2447 : f32 to vector<512x512xf32>
    %max3A_2449 = arith.maximumf %sub3A_2446, %max3A_2448 : vector<512x512xf32>
    %min3A_2450 = vector.broadcast %get3A_2435 : vector<1x512xf32> to vector<512x512xf32>
    %min3A_2451 = arith.minimumf %mul3A_2121, %min3A_2450 : vector<512x512xf32>
    %max3A_2452 = vector.broadcast %get3A_2429 : vector<1x512xf32> to vector<512x512xf32>
    %max3A_2453 = arith.maximumf %mul3A_2111, %max3A_2452 : vector<512x512xf32>
    %sub3A_2454 = arith.subf %min3A_2451, %max3A_2453 : vector<512x512xf32>
    %max3A_2455 = arith.constant 0.000000e+00 : f32
    %max3A_2456 = vector.broadcast %max3A_2455 : f32 to vector<512x512xf32>
    %max3A_2457 = arith.maximumf %sub3A_2454, %max3A_2456 : vector<512x512xf32>
    %mul3A_2458 = arith.mulf %max3A_2449, %max3A_2457 : vector<512x512xf32>
    %mul3A_2459 = arith.constant 1.500000e+00 : f32
    %mul3A_2460 = vector.broadcast %mul3A_2459 : f32 to vector<512x512xf32>
    %mul3A_2461 = arith.mulf %mul3A_2460, %mul3A_2458 : vector<512x512xf32>
    %add3A_2462 = vector.broadcast %mul3A_2441 : vector<1x512xf32> to vector<512x512xf32>
    %add3A_2463 = arith.addf %mul3A_2127, %add3A_2462 : vector<512x512xf32>
    %gt3A_2464 = arith.cmpf ogt, %mul3A_2461, %add3A_2463 : vector<512x512xf32>
    %convert_element_type3A_2465 = arith.extui %gt3A_2464 : vector<512x512xi1> to vector<512x512xi32>
    %convert_element_type3A_2466 = arith.sitofp %convert_element_type3A_2465 : vector<512x512xi32> to vector<512x512xf32>
    %get3A_2467 = arith.constant 3072 : index
    %get3A_2468 = arith.constant 0 : index
    %get3A_2469 = vector.load %arg3[%get3A_2467, %get3A_2468] : memref<5120x1xf32, #tpu.memory_space<vmem>>, vector<512x1xf32>
    %dot_general3A_2470 = arith.constant dense<0.000000e+00> : vector<512x1xf32>
    %dot_general3A_2471 = tpu.matmul %convert_element_type3A_2466, %get3A_2469, %dot_general3A_2470 {dimension_numbers = #tpu.dot_dimension_numbers<[1], [0], [0], [1], [0, 0, 1, 1], [], []>, transpose_lhs_hint = false} : vector<512x512xf32>, vector<512x1xf32>, vector<512x1xf32> -> vector<512x1xf32>
    %add3A_2472 = arith.addf %add3A_2423, %dot_general3A_2471 : vector<512x1xf32>
    %get3A_2473 = arith.constant 0 : index
    %get3A_2474 = arith.constant 3584 : index
    %get3A_2475 = vector.load %arg1[%get3A_2473, %get3A_2474] : memref<8x5120xf32, #tpu.memory_space<vmem>>, vector<1x512xf32>
    %get3A_2476 = arith.constant 1 : index
    %get3A_2477 = arith.constant 3584 : index
    %get3A_2478 = vector.load %arg1[%get3A_2476, %get3A_2477] : memref<8x5120xf32, #tpu.memory_space<vmem>>, vector<1x512xf32>
    %get3A_2479 = arith.constant 2 : index
    %get3A_2480 = arith.constant 3584 : index
    %get3A_2481 = vector.load %arg1[%get3A_2479, %get3A_2480] : memref<8x5120xf32, #tpu.memory_space<vmem>>, vector<1x512xf32>
    %get3A_2482 = arith.constant 3 : index
    %get3A_2483 = arith.constant 3584 : index
    %get3A_2484 = vector.load %arg1[%get3A_2482, %get3A_2483] : memref<8x5120xf32, #tpu.memory_space<vmem>>, vector<1x512xf32>
    %sub3A_2485 = arith.subf %get3A_2481, %get3A_2475 : vector<1x512xf32>
    %mul3A_2486 = arith.constant 5.000000e-01 : f32
    %mul3A_2487 = vector.broadcast %mul3A_2486 : f32 to vector<1x512xf32>
    %mul3A_2488 = arith.mulf %mul3A_2487, %sub3A_2485 : vector<1x512xf32>
    %sub3A_2489 = arith.subf %get3A_2484, %get3A_2478 : vector<1x512xf32>
    %mul3A_2490 = arith.mulf %mul3A_2488, %sub3A_2489 : vector<1x512xf32>
    %min3A_2491 = vector.broadcast %get3A_2481 : vector<1x512xf32> to vector<512x512xf32>
    %min3A_2492 = arith.minimumf %mul3A_2116, %min3A_2491 : vector<512x512xf32>
    %max3A_2493 = vector.broadcast %get3A_2475 : vector<1x512xf32> to vector<512x512xf32>
    %max3A_2494 = arith.maximumf %mul3A_2106, %max3A_2493 : vector<512x512xf32>
    %sub3A_2495 = arith.subf %min3A_2492, %max3A_2494 : vector<512x512xf32>
    %max3A_2496 = arith.constant 0.000000e+00 : f32
    %max3A_2497 = vector.broadcast %max3A_2496 : f32 to vector<512x512xf32>
    %max3A_2498 = arith.maximumf %sub3A_2495, %max3A_2497 : vector<512x512xf32>
    %min3A_2499 = vector.broadcast %get3A_2484 : vector<1x512xf32> to vector<512x512xf32>
    %min3A_2500 = arith.minimumf %mul3A_2121, %min3A_2499 : vector<512x512xf32>
    %max3A_2501 = vector.broadcast %get3A_2478 : vector<1x512xf32> to vector<512x512xf32>
    %max3A_2502 = arith.maximumf %mul3A_2111, %max3A_2501 : vector<512x512xf32>
    %sub3A_2503 = arith.subf %min3A_2500, %max3A_2502 : vector<512x512xf32>
    %max3A_2504 = arith.constant 0.000000e+00 : f32
    %max3A_2505 = vector.broadcast %max3A_2504 : f32 to vector<512x512xf32>
    %max3A_2506 = arith.maximumf %sub3A_2503, %max3A_2505 : vector<512x512xf32>
    %mul3A_2507 = arith.mulf %max3A_2498, %max3A_2506 : vector<512x512xf32>
    %mul3A_2508 = arith.constant 1.500000e+00 : f32
    %mul3A_2509 = vector.broadcast %mul3A_2508 : f32 to vector<512x512xf32>
    %mul3A_2510 = arith.mulf %mul3A_2509, %mul3A_2507 : vector<512x512xf32>
    %add3A_2511 = vector.broadcast %mul3A_2490 : vector<1x512xf32> to vector<512x512xf32>
    %add3A_2512 = arith.addf %mul3A_2127, %add3A_2511 : vector<512x512xf32>
    %gt3A_2513 = arith.cmpf ogt, %mul3A_2510, %add3A_2512 : vector<512x512xf32>
    %convert_element_type3A_2514 = arith.extui %gt3A_2513 : vector<512x512xi1> to vector<512x512xi32>
    %convert_element_type3A_2515 = arith.sitofp %convert_element_type3A_2514 : vector<512x512xi32> to vector<512x512xf32>
    %get3A_2516 = arith.constant 3584 : index
    %get3A_2517 = arith.constant 0 : index
    %get3A_2518 = vector.load %arg3[%get3A_2516, %get3A_2517] : memref<5120x1xf32, #tpu.memory_space<vmem>>, vector<512x1xf32>
    %dot_general3A_2519 = arith.constant dense<0.000000e+00> : vector<512x1xf32>
    %dot_general3A_2520 = tpu.matmul %convert_element_type3A_2515, %get3A_2518, %dot_general3A_2519 {dimension_numbers = #tpu.dot_dimension_numbers<[1], [0], [0], [1], [0, 0, 1, 1], [], []>, transpose_lhs_hint = false} : vector<512x512xf32>, vector<512x1xf32>, vector<512x1xf32> -> vector<512x1xf32>
    %add3A_2521 = arith.addf %add3A_2472, %dot_general3A_2520 : vector<512x1xf32>
    %eq3A_2522 = arith.constant 0.000000e+00 : f32
    %eq3A_2523 = vector.broadcast %eq3A_2522 : f32 to vector<512x1xf32>
    %eq3A_2524 = arith.cmpf oeq, %add3A_2521, %eq3A_2523 : vector<512x1xf32>
    %convert_element_type3A_2525 = arith.extui %eq3A_2524 : vector<512x1xi1> to vector<512x1xi32>
    %convert_element_type3A_2526 = arith.sitofp %convert_element_type3A_2525 : vector<512x1xi32> to vector<512x1xf32>
    %iota3A_2527 = tpu.iota {dimensions = array<i32: 0>} : vector<512x512xi32>
    %iota3A_2528 = tpu.iota {dimensions = array<i32: 1>} : vector<512x512xi32>
    %get3A_2529 = arith.constant 0 : index
    %get3A_2530 = arith.constant 4096 : index
    %get3A_2531 = vector.load %arg1[%get3A_2529, %get3A_2530] : memref<8x5120xf32, #tpu.memory_space<vmem>>, vector<1x512xf32>
    %get3A_2532 = arith.constant 1 : index
    %get3A_2533 = arith.constant 4096 : index
    %get3A_2534 = vector.load %arg1[%get3A_2532, %get3A_2533] : memref<8x5120xf32, #tpu.memory_space<vmem>>, vector<1x512xf32>
    %get3A_2535 = arith.constant 2 : index
    %get3A_2536 = arith.constant 4096 : index
    %get3A_2537 = vector.load %arg1[%get3A_2535, %get3A_2536] : memref<8x5120xf32, #tpu.memory_space<vmem>>, vector<1x512xf32>
    %get3A_2538 = arith.constant 3 : index
    %get3A_2539 = arith.constant 4096 : index
    %get3A_2540 = vector.load %arg1[%get3A_2538, %get3A_2539] : memref<8x5120xf32, #tpu.memory_space<vmem>>, vector<1x512xf32>
    %sub3A_2541 = arith.subf %get3A_2537, %get3A_2531 : vector<1x512xf32>
    %mul3A_2542 = arith.constant 5.000000e-01 : f32
    %mul3A_2543 = vector.broadcast %mul3A_2542 : f32 to vector<1x512xf32>
    %mul3A_2544 = arith.mulf %mul3A_2543, %sub3A_2541 : vector<1x512xf32>
    %sub3A_2545 = arith.subf %get3A_2540, %get3A_2534 : vector<1x512xf32>
    %mul3A_2546 = arith.mulf %mul3A_2544, %sub3A_2545 : vector<1x512xf32>
    %min3A_2547 = vector.broadcast %get3A_2537 : vector<1x512xf32> to vector<512x512xf32>
    %min3A_2548 = arith.minimumf %mul3A_2116, %min3A_2547 : vector<512x512xf32>
    %max3A_2549 = vector.broadcast %get3A_2531 : vector<1x512xf32> to vector<512x512xf32>
    %max3A_2550 = arith.maximumf %mul3A_2106, %max3A_2549 : vector<512x512xf32>
    %sub3A_2551 = arith.subf %min3A_2548, %max3A_2550 : vector<512x512xf32>
    %max3A_2552 = arith.constant 0.000000e+00 : f32
    %max3A_2553 = vector.broadcast %max3A_2552 : f32 to vector<512x512xf32>
    %max3A_2554 = arith.maximumf %sub3A_2551, %max3A_2553 : vector<512x512xf32>
    %min3A_2555 = vector.broadcast %get3A_2540 : vector<1x512xf32> to vector<512x512xf32>
    %min3A_2556 = arith.minimumf %mul3A_2121, %min3A_2555 : vector<512x512xf32>
    %max3A_2557 = vector.broadcast %get3A_2534 : vector<1x512xf32> to vector<512x512xf32>
    %max3A_2558 = arith.maximumf %mul3A_2111, %max3A_2557 : vector<512x512xf32>
    %sub3A_2559 = arith.subf %min3A_2556, %max3A_2558 : vector<512x512xf32>
    %max3A_2560 = arith.constant 0.000000e+00 : f32
    %max3A_2561 = vector.broadcast %max3A_2560 : f32 to vector<512x512xf32>
    %max3A_2562 = arith.maximumf %sub3A_2559, %max3A_2561 : vector<512x512xf32>
    %mul3A_2563 = arith.mulf %max3A_2554, %max3A_2562 : vector<512x512xf32>
    %mul3A_2564 = arith.constant 1.500000e+00 : f32
    %mul3A_2565 = vector.broadcast %mul3A_2564 : f32 to vector<512x512xf32>
    %mul3A_2566 = arith.mulf %mul3A_2565, %mul3A_2563 : vector<512x512xf32>
    %add3A_2567 = vector.broadcast %mul3A_2546 : vector<1x512xf32> to vector<512x512xf32>
    %add3A_2568 = arith.addf %mul3A_2127, %add3A_2567 : vector<512x512xf32>
    %gt3A_2569 = arith.cmpf ogt, %mul3A_2566, %add3A_2568 : vector<512x512xf32>
    %lt3A_2570 = arith.cmpi slt, %iota3A_2528, %iota3A_2527 : vector<512x512xi32>
    %and3A_2571 = arith.andi %gt3A_2569, %lt3A_2570 : vector<512x512xi1>
    %convert_element_type3A_2572 = arith.extui %and3A_2571 : vector<512x512xi1> to vector<512x512xi32>
    %convert_element_type3A_2573 = arith.sitofp %convert_element_type3A_2572 : vector<512x512xi32> to vector<512x512xf32>
    %while3A_2574 = arith.constant true
    %while3A_2575:2 = scf.while (%while3A_3121 = %convert_element_type3A_2526, %while3A_3122 = %while3A_2574) : (vector<512x1xf32>, i1) -> (vector<512x1xf32>, i1) {
      scf.condition(%while3A_3122) %while3A_3121, %while3A_3122 : vector<512x1xf32>, i1
    } do {
    ^bb0(%while3A_3121: vector<512x1xf32>, %while3A_3122: i1):
      %dot_general3A_3123 = arith.constant dense<0.000000e+00> : vector<512x1xf32>
      %dot_general3A_3124 = tpu.matmul %convert_element_type3A_2573, %while3A_3121, %dot_general3A_3123 {dimension_numbers = #tpu.dot_dimension_numbers<[1], [0], [0], [1], [0, 0, 1, 1], [], []>, transpose_lhs_hint = false} : vector<512x512xf32>, vector<512x1xf32>, vector<512x1xf32> -> vector<512x1xf32>
      %eq3A_3125 = arith.constant 0.000000e+00 : f32
      %eq3A_3126 = vector.broadcast %eq3A_3125 : f32 to vector<512x1xf32>
      %eq3A_3127 = arith.cmpf oeq, %dot_general3A_3124, %eq3A_3126 : vector<512x1xf32>
      %convert_element_type3A_3128 = arith.extui %eq3A_3127 : vector<512x1xi1> to vector<512x1xi32>
      %convert_element_type3A_3129 = arith.sitofp %convert_element_type3A_3128 : vector<512x1xi32> to vector<512x1xf32>
      %mul3A_3130 = arith.mulf %convert_element_type3A_2526, %convert_element_type3A_3129 : vector<512x1xf32>
      %dot_general3A_3131 = arith.constant dense<0.000000e+00> : vector<512x1xf32>
      %dot_general3A_3132 = tpu.matmul %convert_element_type3A_2573, %mul3A_3130, %dot_general3A_3131 {dimension_numbers = #tpu.dot_dimension_numbers<[1], [0], [0], [1], [0, 0, 1, 1], [], []>, transpose_lhs_hint = false} : vector<512x512xf32>, vector<512x1xf32>, vector<512x1xf32> -> vector<512x1xf32>
      %eq3A_3133 = arith.constant 0.000000e+00 : f32
      %eq3A_3134 = vector.broadcast %eq3A_3133 : f32 to vector<512x1xf32>
      %eq3A_3135 = arith.cmpf oeq, %dot_general3A_3132, %eq3A_3134 : vector<512x1xf32>
      %convert_element_type3A_3136 = arith.extui %eq3A_3135 : vector<512x1xi1> to vector<512x1xi32>
      %convert_element_type3A_3137 = arith.sitofp %convert_element_type3A_3136 : vector<512x1xi32> to vector<512x1xf32>
      %mul3A_3138 = arith.mulf %convert_element_type3A_2526, %convert_element_type3A_3137 : vector<512x1xf32>
      %ne3A = arith.cmpf one, %mul3A_3138, %while3A_3121 : vector<512x1xf32>
      %reduce_or3A = arith.constant 1.000000e+00 : f32
      %reduce_or3A_3139 = arith.constant 0.000000e+00 : f32
      %reduce_or3A_3140 = vector.broadcast %reduce_or3A : f32 to vector<512x1xf32>
      %reduce_or3A_3141 = vector.broadcast %reduce_or3A_3139 : f32 to vector<512x1xf32>
      %reduce_or3A_3142 = arith.select %ne3A, %reduce_or3A_3140, %reduce_or3A_3141 : vector<512x1xi1>, vector<512x1xf32>
      %reduce_or3A_3143 = vector.shape_cast %reduce_or3A_3142 : vector<512x1xf32> to vector<1x512x1xf32>
      %reduce_or3A_3144 = arith.constant dense<0xFF800000> : vector<1xf32>
      %reduce_or3A_3145 = vector.multi_reduction <maximumf>, %reduce_or3A_3143, %reduce_or3A_3144 [1, 2] : vector<1x512x1xf32> to vector<1xf32>
      %reduce_or3A_3146 = vector.shape_cast %reduce_or3A_3145 : vector<1xf32> to vector<1x1x1xf32>
      %reduce_or3A_3147 = vector.extract %reduce_or3A_3146[0, 0, 0] : f32 from vector<1x1x1xf32>
      %reduce_or3A_3148 = arith.constant 0.000000e+00 : f32
      %reduce_or3A_3149 = arith.cmpf ogt, %reduce_or3A_3147, %reduce_or3A_3148 : f32
      scf.yield %mul3A_3138, %reduce_or3A_3149 : vector<512x1xf32>, i1
    }
    %swap3A_2576 = arith.constant 4096 : index
    %swap3A_2577 = arith.constant 0 : index
    %swap3A_2578 = vector.load %arg3[%swap3A_2576, %swap3A_2577] : memref<5120x1xf32, #tpu.memory_space<vmem>>, vector<512x1xf32>
    tpu.vector_store %arg3[%swap3A_2576, %swap3A_2577], %while3A_2575#0 {strides = array<i32>} : memref<5120x1xf32, #tpu.memory_space<vmem>>, vector<512x1xf32>,
    %get3A_2579 = arith.constant 4096 : index
    %get3A_2580 = arith.constant 0 : index
    %get3A_2581 = vector.load %arg0[%get3A_2579, %get3A_2580] : memref<5120x128xf32, #tpu.memory_space<vmem>>, vector<512x5xf32>
    %mul3A_2582 = vector.broadcast %while3A_2575#0 : vector<512x1xf32> to vector<512x5xf32>
    %mul3A_2583 = arith.mulf %get3A_2581, %mul3A_2582 : vector<512x5xf32>
    %swap3A_2584 = arith.constant 4096 : index
    %swap3A_2585 = arith.constant 0 : index
    %swap3A_2586 = vector.load %arg2[%swap3A_2584, %swap3A_2585] : memref<5000x5xf32, #tpu.memory_space<vmem>>, vector<512x5xf32>
    tpu.vector_store %arg2[%swap3A_2584, %swap3A_2585], %mul3A_2583 {strides = array<i32>} : memref<5000x5xf32, #tpu.memory_space<vmem>>, vector<512x5xf32>,
    %get3A_2587 = arith.constant 4608 : index
    %get3A_2588 = arith.constant 0 : index
    %get3A_2589 = vector.load %arg0[%get3A_2587, %get3A_2588] : memref<5120x128xf32, #tpu.memory_space<vmem>>, vector<512x1xf32>
    %mul3A_2590 = vector.broadcast %get3A_2589 : vector<512x1xf32> to vector<512x512xf32>
    %mul3A_2591 = arith.mulf %mul3A_2590, %broadcast_in_dim3A_0 : vector<512x512xf32>
    %get3A_2592 = arith.constant 4608 : index
    %get3A_2593 = arith.constant 1 : index
    %get3A_2594 = vector.load %arg0[%get3A_2592, %get3A_2593] : memref<5120x128xf32, #tpu.memory_space<vmem>>, vector<512x1xf32>
    %mul3A_2595 = vector.broadcast %get3A_2594 : vector<512x1xf32> to vector<512x512xf32>
    %mul3A_2596 = arith.mulf %mul3A_2595, %broadcast_in_dim3A_0 : vector<512x512xf32>
    %get3A_2597 = arith.constant 4608 : index
    %get3A_2598 = arith.constant 2 : index
    %get3A_2599 = vector.load %arg0[%get3A_2597, %get3A_2598] : memref<5120x128xf32, #tpu.memory_space<vmem>>, vector<512x1xf32>
    %mul3A_2600 = vector.broadcast %get3A_2599 : vector<512x1xf32> to vector<512x512xf32>
    %mul3A_2601 = arith.mulf %mul3A_2600, %broadcast_in_dim3A_0 : vector<512x512xf32>
    %get3A_2602 = arith.constant 4608 : index
    %get3A_2603 = arith.constant 3 : index
    %get3A_2604 = vector.load %arg0[%get3A_2602, %get3A_2603] : memref<5120x128xf32, #tpu.memory_space<vmem>>, vector<512x1xf32>
    %mul3A_2605 = vector.broadcast %get3A_2604 : vector<512x1xf32> to vector<512x512xf32>
    %mul3A_2606 = arith.mulf %mul3A_2605, %broadcast_in_dim3A_0 : vector<512x512xf32>
    %sub3A_2607 = arith.subf %mul3A_2601, %mul3A_2591 : vector<512x512xf32>
    %mul3A_2608 = arith.constant 5.000000e-01 : f32
    %mul3A_2609 = vector.broadcast %mul3A_2608 : f32 to vector<512x512xf32>
    %mul3A_2610 = arith.mulf %mul3A_2609, %sub3A_2607 : vector<512x512xf32>
    %sub3A_2611 = arith.subf %mul3A_2606, %mul3A_2596 : vector<512x512xf32>
    %mul3A_2612 = arith.mulf %mul3A_2610, %sub3A_2611 : vector<512x512xf32>
    %broadcast_in_dim3A_2613 = arith.constant 0.000000e+00 : f32
    %broadcast_in_dim3A_2614 = vector.broadcast %broadcast_in_dim3A_2613 : f32 to vector<512x1xf32>
    %get3A_2615 = arith.constant 0 : index
    %get3A_2616 = arith.constant 0 : index
    %get3A_2617 = vector.load %arg1[%get3A_2615, %get3A_2616] : memref<8x5120xf32, #tpu.memory_space<vmem>>, vector<1x512xf32>
    %get3A_2618 = arith.constant 1 : index
    %get3A_2619 = arith.constant 0 : index
    %get3A_2620 = vector.load %arg1[%get3A_2618, %get3A_2619] : memref<8x5120xf32, #tpu.memory_space<vmem>>, vector<1x512xf32>
    %get3A_2621 = arith.constant 2 : index
    %get3A_2622 = arith.constant 0 : index
    %get3A_2623 = vector.load %arg1[%get3A_2621, %get3A_2622] : memref<8x5120xf32, #tpu.memory_space<vmem>>, vector<1x512xf32>
    %get3A_2624 = arith.constant 3 : index
    %get3A_2625 = arith.constant 0 : index
    %get3A_2626 = vector.load %arg1[%get3A_2624, %get3A_2625] : memref<8x5120xf32, #tpu.memory_space<vmem>>, vector<1x512xf32>
    %sub3A_2627 = arith.subf %get3A_2623, %get3A_2617 : vector<1x512xf32>
    %mul3A_2628 = arith.constant 5.000000e-01 : f32
    %mul3A_2629 = vector.broadcast %mul3A_2628 : f32 to vector<1x512xf32>
    %mul3A_2630 = arith.mulf %mul3A_2629, %sub3A_2627 : vector<1x512xf32>
    %sub3A_2631 = arith.subf %get3A_2626, %get3A_2620 : vector<1x512xf32>
    %mul3A_2632 = arith.mulf %mul3A_2630, %sub3A_2631 : vector<1x512xf32>
    %min3A_2633 = vector.broadcast %get3A_2623 : vector<1x512xf32> to vector<512x512xf32>
    %min3A_2634 = arith.minimumf %mul3A_2601, %min3A_2633 : vector<512x512xf32>
    %max3A_2635 = vector.broadcast %get3A_2617 : vector<1x512xf32> to vector<512x512xf32>
    %max3A_2636 = arith.maximumf %mul3A_2591, %max3A_2635 : vector<512x512xf32>
    %sub3A_2637 = arith.subf %min3A_2634, %max3A_2636 : vector<512x512xf32>
    %max3A_2638 = arith.constant 0.000000e+00 : f32
    %max3A_2639 = vector.broadcast %max3A_2638 : f32 to vector<512x512xf32>
    %max3A_2640 = arith.maximumf %sub3A_2637, %max3A_2639 : vector<512x512xf32>
    %min3A_2641 = vector.broadcast %get3A_2626 : vector<1x512xf32> to vector<512x512xf32>
    %min3A_2642 = arith.minimumf %mul3A_2606, %min3A_2641 : vector<512x512xf32>
    %max3A_2643 = vector.broadcast %get3A_2620 : vector<1x512xf32> to vector<512x512xf32>
    %max3A_2644 = arith.maximumf %mul3A_2596, %max3A_2643 : vector<512x512xf32>
    %sub3A_2645 = arith.subf %min3A_2642, %max3A_2644 : vector<512x512xf32>
    %max3A_2646 = arith.constant 0.000000e+00 : f32
    %max3A_2647 = vector.broadcast %max3A_2646 : f32 to vector<512x512xf32>
    %max3A_2648 = arith.maximumf %sub3A_2645, %max3A_2647 : vector<512x512xf32>
    %mul3A_2649 = arith.mulf %max3A_2640, %max3A_2648 : vector<512x512xf32>
    %mul3A_2650 = arith.constant 1.500000e+00 : f32
    %mul3A_2651 = vector.broadcast %mul3A_2650 : f32 to vector<512x512xf32>
    %mul3A_2652 = arith.mulf %mul3A_2651, %mul3A_2649 : vector<512x512xf32>
    %add3A_2653 = vector.broadcast %mul3A_2632 : vector<1x512xf32> to vector<512x512xf32>
    %add3A_2654 = arith.addf %mul3A_2612, %add3A_2653 : vector<512x512xf32>
    %gt3A_2655 = arith.cmpf ogt, %mul3A_2652, %add3A_2654 : vector<512x512xf32>
    %convert_element_type3A_2656 = arith.extui %gt3A_2655 : vector<512x512xi1> to vector<512x512xi32>
    %convert_element_type3A_2657 = arith.sitofp %convert_element_type3A_2656 : vector<512x512xi32> to vector<512x512xf32>
    %get3A_2658 = arith.constant 0 : index
    %get3A_2659 = arith.constant 0 : index
    %get3A_2660 = vector.load %arg3[%get3A_2658, %get3A_2659] : memref<5120x1xf32, #tpu.memory_space<vmem>>, vector<512x1xf32>
    %dot_general3A_2661 = arith.constant dense<0.000000e+00> : vector<512x1xf32>
    %dot_general3A_2662 = tpu.matmul %convert_element_type3A_2657, %get3A_2660, %dot_general3A_2661 {dimension_numbers = #tpu.dot_dimension_numbers<[1], [0], [0], [1], [0, 0, 1, 1], [], []>, transpose_lhs_hint = false} : vector<512x512xf32>, vector<512x1xf32>, vector<512x1xf32> -> vector<512x1xf32>
    %add3A_2663 = arith.addf %broadcast_in_dim3A_2614, %dot_general3A_2662 : vector<512x1xf32>
    %get3A_2664 = arith.constant 0 : index
    %get3A_2665 = arith.constant 512 : index
    %get3A_2666 = vector.load %arg1[%get3A_2664, %get3A_2665] : memref<8x5120xf32, #tpu.memory_space<vmem>>, vector<1x512xf32>
    %get3A_2667 = arith.constant 1 : index
    %get3A_2668 = arith.constant 512 : index
    %get3A_2669 = vector.load %arg1[%get3A_2667, %get3A_2668] : memref<8x5120xf32, #tpu.memory_space<vmem>>, vector<1x512xf32>
    %get3A_2670 = arith.constant 2 : index
    %get3A_2671 = arith.constant 512 : index
    %get3A_2672 = vector.load %arg1[%get3A_2670, %get3A_2671] : memref<8x5120xf32, #tpu.memory_space<vmem>>, vector<1x512xf32>
    %get3A_2673 = arith.constant 3 : index
    %get3A_2674 = arith.constant 512 : index
    %get3A_2675 = vector.load %arg1[%get3A_2673, %get3A_2674] : memref<8x5120xf32, #tpu.memory_space<vmem>>, vector<1x512xf32>
    %sub3A_2676 = arith.subf %get3A_2672, %get3A_2666 : vector<1x512xf32>
    %mul3A_2677 = arith.constant 5.000000e-01 : f32
    %mul3A_2678 = vector.broadcast %mul3A_2677 : f32 to vector<1x512xf32>
    %mul3A_2679 = arith.mulf %mul3A_2678, %sub3A_2676 : vector<1x512xf32>
    %sub3A_2680 = arith.subf %get3A_2675, %get3A_2669 : vector<1x512xf32>
    %mul3A_2681 = arith.mulf %mul3A_2679, %sub3A_2680 : vector<1x512xf32>
    %min3A_2682 = vector.broadcast %get3A_2672 : vector<1x512xf32> to vector<512x512xf32>
    %min3A_2683 = arith.minimumf %mul3A_2601, %min3A_2682 : vector<512x512xf32>
    %max3A_2684 = vector.broadcast %get3A_2666 : vector<1x512xf32> to vector<512x512xf32>
    %max3A_2685 = arith.maximumf %mul3A_2591, %max3A_2684 : vector<512x512xf32>
    %sub3A_2686 = arith.subf %min3A_2683, %max3A_2685 : vector<512x512xf32>
    %max3A_2687 = arith.constant 0.000000e+00 : f32
    %max3A_2688 = vector.broadcast %max3A_2687 : f32 to vector<512x512xf32>
    %max3A_2689 = arith.maximumf %sub3A_2686, %max3A_2688 : vector<512x512xf32>
    %min3A_2690 = vector.broadcast %get3A_2675 : vector<1x512xf32> to vector<512x512xf32>
    %min3A_2691 = arith.minimumf %mul3A_2606, %min3A_2690 : vector<512x512xf32>
    %max3A_2692 = vector.broadcast %get3A_2669 : vector<1x512xf32> to vector<512x512xf32>
    %max3A_2693 = arith.maximumf %mul3A_2596, %max3A_2692 : vector<512x512xf32>
    %sub3A_2694 = arith.subf %min3A_2691, %max3A_2693 : vector<512x512xf32>
    %max3A_2695 = arith.constant 0.000000e+00 : f32
    %max3A_2696 = vector.broadcast %max3A_2695 : f32 to vector<512x512xf32>
    %max3A_2697 = arith.maximumf %sub3A_2694, %max3A_2696 : vector<512x512xf32>
    %mul3A_2698 = arith.mulf %max3A_2689, %max3A_2697 : vector<512x512xf32>
    %mul3A_2699 = arith.constant 1.500000e+00 : f32
    %mul3A_2700 = vector.broadcast %mul3A_2699 : f32 to vector<512x512xf32>
    %mul3A_2701 = arith.mulf %mul3A_2700, %mul3A_2698 : vector<512x512xf32>
    %add3A_2702 = vector.broadcast %mul3A_2681 : vector<1x512xf32> to vector<512x512xf32>
    %add3A_2703 = arith.addf %mul3A_2612, %add3A_2702 : vector<512x512xf32>
    %gt3A_2704 = arith.cmpf ogt, %mul3A_2701, %add3A_2703 : vector<512x512xf32>
    %convert_element_type3A_2705 = arith.extui %gt3A_2704 : vector<512x512xi1> to vector<512x512xi32>
    %convert_element_type3A_2706 = arith.sitofp %convert_element_type3A_2705 : vector<512x512xi32> to vector<512x512xf32>
    %get3A_2707 = arith.constant 512 : index
    %get3A_2708 = arith.constant 0 : index
    %get3A_2709 = vector.load %arg3[%get3A_2707, %get3A_2708] : memref<5120x1xf32, #tpu.memory_space<vmem>>, vector<512x1xf32>
    %dot_general3A_2710 = arith.constant dense<0.000000e+00> : vector<512x1xf32>
    %dot_general3A_2711 = tpu.matmul %convert_element_type3A_2706, %get3A_2709, %dot_general3A_2710 {dimension_numbers = #tpu.dot_dimension_numbers<[1], [0], [0], [1], [0, 0, 1, 1], [], []>, transpose_lhs_hint = false} : vector<512x512xf32>, vector<512x1xf32>, vector<512x1xf32> -> vector<512x1xf32>
    %add3A_2712 = arith.addf %add3A_2663, %dot_general3A_2711 : vector<512x1xf32>
    %get3A_2713 = arith.constant 0 : index
    %get3A_2714 = arith.constant 1024 : index
    %get3A_2715 = vector.load %arg1[%get3A_2713, %get3A_2714] : memref<8x5120xf32, #tpu.memory_space<vmem>>, vector<1x512xf32>
    %get3A_2716 = arith.constant 1 : index
    %get3A_2717 = arith.constant 1024 : index
    %get3A_2718 = vector.load %arg1[%get3A_2716, %get3A_2717] : memref<8x5120xf32, #tpu.memory_space<vmem>>, vector<1x512xf32>
    %get3A_2719 = arith.constant 2 : index
    %get3A_2720 = arith.constant 1024 : index
    %get3A_2721 = vector.load %arg1[%get3A_2719, %get3A_2720] : memref<8x5120xf32, #tpu.memory_space<vmem>>, vector<1x512xf32>
    %get3A_2722 = arith.constant 3 : index
    %get3A_2723 = arith.constant 1024 : index
    %get3A_2724 = vector.load %arg1[%get3A_2722, %get3A_2723] : memref<8x5120xf32, #tpu.memory_space<vmem>>, vector<1x512xf32>
    %sub3A_2725 = arith.subf %get3A_2721, %get3A_2715 : vector<1x512xf32>
    %mul3A_2726 = arith.constant 5.000000e-01 : f32
    %mul3A_2727 = vector.broadcast %mul3A_2726 : f32 to vector<1x512xf32>
    %mul3A_2728 = arith.mulf %mul3A_2727, %sub3A_2725 : vector<1x512xf32>
    %sub3A_2729 = arith.subf %get3A_2724, %get3A_2718 : vector<1x512xf32>
    %mul3A_2730 = arith.mulf %mul3A_2728, %sub3A_2729 : vector<1x512xf32>
    %min3A_2731 = vector.broadcast %get3A_2721 : vector<1x512xf32> to vector<512x512xf32>
    %min3A_2732 = arith.minimumf %mul3A_2601, %min3A_2731 : vector<512x512xf32>
    %max3A_2733 = vector.broadcast %get3A_2715 : vector<1x512xf32> to vector<512x512xf32>
    %max3A_2734 = arith.maximumf %mul3A_2591, %max3A_2733 : vector<512x512xf32>
    %sub3A_2735 = arith.subf %min3A_2732, %max3A_2734 : vector<512x512xf32>
    %max3A_2736 = arith.constant 0.000000e+00 : f32
    %max3A_2737 = vector.broadcast %max3A_2736 : f32 to vector<512x512xf32>
    %max3A_2738 = arith.maximumf %sub3A_2735, %max3A_2737 : vector<512x512xf32>
    %min3A_2739 = vector.broadcast %get3A_2724 : vector<1x512xf32> to vector<512x512xf32>
    %min3A_2740 = arith.minimumf %mul3A_2606, %min3A_2739 : vector<512x512xf32>
    %max3A_2741 = vector.broadcast %get3A_2718 : vector<1x512xf32> to vector<512x512xf32>
    %max3A_2742 = arith.maximumf %mul3A_2596, %max3A_2741 : vector<512x512xf32>
    %sub3A_2743 = arith.subf %min3A_2740, %max3A_2742 : vector<512x512xf32>
    %max3A_2744 = arith.constant 0.000000e+00 : f32
    %max3A_2745 = vector.broadcast %max3A_2744 : f32 to vector<512x512xf32>
    %max3A_2746 = arith.maximumf %sub3A_2743, %max3A_2745 : vector<512x512xf32>
    %mul3A_2747 = arith.mulf %max3A_2738, %max3A_2746 : vector<512x512xf32>
    %mul3A_2748 = arith.constant 1.500000e+00 : f32
    %mul3A_2749 = vector.broadcast %mul3A_2748 : f32 to vector<512x512xf32>
    %mul3A_2750 = arith.mulf %mul3A_2749, %mul3A_2747 : vector<512x512xf32>
    %add3A_2751 = vector.broadcast %mul3A_2730 : vector<1x512xf32> to vector<512x512xf32>
    %add3A_2752 = arith.addf %mul3A_2612, %add3A_2751 : vector<512x512xf32>
    %gt3A_2753 = arith.cmpf ogt, %mul3A_2750, %add3A_2752 : vector<512x512xf32>
    %convert_element_type3A_2754 = arith.extui %gt3A_2753 : vector<512x512xi1> to vector<512x512xi32>
    %convert_element_type3A_2755 = arith.sitofp %convert_element_type3A_2754 : vector<512x512xi32> to vector<512x512xf32>
    %get3A_2756 = arith.constant 1024 : index
    %get3A_2757 = arith.constant 0 : index
    %get3A_2758 = vector.load %arg3[%get3A_2756, %get3A_2757] : memref<5120x1xf32, #tpu.memory_space<vmem>>, vector<512x1xf32>
    %dot_general3A_2759 = arith.constant dense<0.000000e+00> : vector<512x1xf32>
    %dot_general3A_2760 = tpu.matmul %convert_element_type3A_2755, %get3A_2758, %dot_general3A_2759 {dimension_numbers = #tpu.dot_dimension_numbers<[1], [0], [0], [1], [0, 0, 1, 1], [], []>, transpose_lhs_hint = false} : vector<512x512xf32>, vector<512x1xf32>, vector<512x1xf32> -> vector<512x1xf32>
    %add3A_2761 = arith.addf %add3A_2712, %dot_general3A_2760 : vector<512x1xf32>
    %get3A_2762 = arith.constant 0 : index
    %get3A_2763 = arith.constant 1536 : index
    %get3A_2764 = vector.load %arg1[%get3A_2762, %get3A_2763] : memref<8x5120xf32, #tpu.memory_space<vmem>>, vector<1x512xf32>
    %get3A_2765 = arith.constant 1 : index
    %get3A_2766 = arith.constant 1536 : index
    %get3A_2767 = vector.load %arg1[%get3A_2765, %get3A_2766] : memref<8x5120xf32, #tpu.memory_space<vmem>>, vector<1x512xf32>
    %get3A_2768 = arith.constant 2 : index
    %get3A_2769 = arith.constant 1536 : index
    %get3A_2770 = vector.load %arg1[%get3A_2768, %get3A_2769] : memref<8x5120xf32, #tpu.memory_space<vmem>>, vector<1x512xf32>
    %get3A_2771 = arith.constant 3 : index
    %get3A_2772 = arith.constant 1536 : index
    %get3A_2773 = vector.load %arg1[%get3A_2771, %get3A_2772] : memref<8x5120xf32, #tpu.memory_space<vmem>>, vector<1x512xf32>
    %sub3A_2774 = arith.subf %get3A_2770, %get3A_2764 : vector<1x512xf32>
    %mul3A_2775 = arith.constant 5.000000e-01 : f32
    %mul3A_2776 = vector.broadcast %mul3A_2775 : f32 to vector<1x512xf32>
    %mul3A_2777 = arith.mulf %mul3A_2776, %sub3A_2774 : vector<1x512xf32>
    %sub3A_2778 = arith.subf %get3A_2773, %get3A_2767 : vector<1x512xf32>
    %mul3A_2779 = arith.mulf %mul3A_2777, %sub3A_2778 : vector<1x512xf32>
    %min3A_2780 = vector.broadcast %get3A_2770 : vector<1x512xf32> to vector<512x512xf32>
    %min3A_2781 = arith.minimumf %mul3A_2601, %min3A_2780 : vector<512x512xf32>
    %max3A_2782 = vector.broadcast %get3A_2764 : vector<1x512xf32> to vector<512x512xf32>
    %max3A_2783 = arith.maximumf %mul3A_2591, %max3A_2782 : vector<512x512xf32>
    %sub3A_2784 = arith.subf %min3A_2781, %max3A_2783 : vector<512x512xf32>
    %max3A_2785 = arith.constant 0.000000e+00 : f32
    %max3A_2786 = vector.broadcast %max3A_2785 : f32 to vector<512x512xf32>
    %max3A_2787 = arith.maximumf %sub3A_2784, %max3A_2786 : vector<512x512xf32>
    %min3A_2788 = vector.broadcast %get3A_2773 : vector<1x512xf32> to vector<512x512xf32>
    %min3A_2789 = arith.minimumf %mul3A_2606, %min3A_2788 : vector<512x512xf32>
    %max3A_2790 = vector.broadcast %get3A_2767 : vector<1x512xf32> to vector<512x512xf32>
    %max3A_2791 = arith.maximumf %mul3A_2596, %max3A_2790 : vector<512x512xf32>
    %sub3A_2792 = arith.subf %min3A_2789, %max3A_2791 : vector<512x512xf32>
    %max3A_2793 = arith.constant 0.000000e+00 : f32
    %max3A_2794 = vector.broadcast %max3A_2793 : f32 to vector<512x512xf32>
    %max3A_2795 = arith.maximumf %sub3A_2792, %max3A_2794 : vector<512x512xf32>
    %mul3A_2796 = arith.mulf %max3A_2787, %max3A_2795 : vector<512x512xf32>
    %mul3A_2797 = arith.constant 1.500000e+00 : f32
    %mul3A_2798 = vector.broadcast %mul3A_2797 : f32 to vector<512x512xf32>
    %mul3A_2799 = arith.mulf %mul3A_2798, %mul3A_2796 : vector<512x512xf32>
    %add3A_2800 = vector.broadcast %mul3A_2779 : vector<1x512xf32> to vector<512x512xf32>
    %add3A_2801 = arith.addf %mul3A_2612, %add3A_2800 : vector<512x512xf32>
    %gt3A_2802 = arith.cmpf ogt, %mul3A_2799, %add3A_2801 : vector<512x512xf32>
    %convert_element_type3A_2803 = arith.extui %gt3A_2802 : vector<512x512xi1> to vector<512x512xi32>
    %convert_element_type3A_2804 = arith.sitofp %convert_element_type3A_2803 : vector<512x512xi32> to vector<512x512xf32>
    %get3A_2805 = arith.constant 1536 : index
    %get3A_2806 = arith.constant 0 : index
    %get3A_2807 = vector.load %arg3[%get3A_2805, %get3A_2806] : memref<5120x1xf32, #tpu.memory_space<vmem>>, vector<512x1xf32>
    %dot_general3A_2808 = arith.constant dense<0.000000e+00> : vector<512x1xf32>
    %dot_general3A_2809 = tpu.matmul %convert_element_type3A_2804, %get3A_2807, %dot_general3A_2808 {dimension_numbers = #tpu.dot_dimension_numbers<[1], [0], [0], [1], [0, 0, 1, 1], [], []>, transpose_lhs_hint = false} : vector<512x512xf32>, vector<512x1xf32>, vector<512x1xf32> -> vector<512x1xf32>
    %add3A_2810 = arith.addf %add3A_2761, %dot_general3A_2809 : vector<512x1xf32>
    %get3A_2811 = arith.constant 0 : index
    %get3A_2812 = arith.constant 2048 : index
    %get3A_2813 = vector.load %arg1[%get3A_2811, %get3A_2812] : memref<8x5120xf32, #tpu.memory_space<vmem>>, vector<1x512xf32>
    %get3A_2814 = arith.constant 1 : index
    %get3A_2815 = arith.constant 2048 : index
    %get3A_2816 = vector.load %arg1[%get3A_2814, %get3A_2815] : memref<8x5120xf32, #tpu.memory_space<vmem>>, vector<1x512xf32>
    %get3A_2817 = arith.constant 2 : index
    %get3A_2818 = arith.constant 2048 : index
    %get3A_2819 = vector.load %arg1[%get3A_2817, %get3A_2818] : memref<8x5120xf32, #tpu.memory_space<vmem>>, vector<1x512xf32>
    %get3A_2820 = arith.constant 3 : index
    %get3A_2821 = arith.constant 2048 : index
    %get3A_2822 = vector.load %arg1[%get3A_2820, %get3A_2821] : memref<8x5120xf32, #tpu.memory_space<vmem>>, vector<1x512xf32>
    %sub3A_2823 = arith.subf %get3A_2819, %get3A_2813 : vector<1x512xf32>
    %mul3A_2824 = arith.constant 5.000000e-01 : f32
    %mul3A_2825 = vector.broadcast %mul3A_2824 : f32 to vector<1x512xf32>
    %mul3A_2826 = arith.mulf %mul3A_2825, %sub3A_2823 : vector<1x512xf32>
    %sub3A_2827 = arith.subf %get3A_2822, %get3A_2816 : vector<1x512xf32>
    %mul3A_2828 = arith.mulf %mul3A_2826, %sub3A_2827 : vector<1x512xf32>
    %min3A_2829 = vector.broadcast %get3A_2819 : vector<1x512xf32> to vector<512x512xf32>
    %min3A_2830 = arith.minimumf %mul3A_2601, %min3A_2829 : vector<512x512xf32>
    %max3A_2831 = vector.broadcast %get3A_2813 : vector<1x512xf32> to vector<512x512xf32>
    %max3A_2832 = arith.maximumf %mul3A_2591, %max3A_2831 : vector<512x512xf32>
    %sub3A_2833 = arith.subf %min3A_2830, %max3A_2832 : vector<512x512xf32>
    %max3A_2834 = arith.constant 0.000000e+00 : f32
    %max3A_2835 = vector.broadcast %max3A_2834 : f32 to vector<512x512xf32>
    %max3A_2836 = arith.maximumf %sub3A_2833, %max3A_2835 : vector<512x512xf32>
    %min3A_2837 = vector.broadcast %get3A_2822 : vector<1x512xf32> to vector<512x512xf32>
    %min3A_2838 = arith.minimumf %mul3A_2606, %min3A_2837 : vector<512x512xf32>
    %max3A_2839 = vector.broadcast %get3A_2816 : vector<1x512xf32> to vector<512x512xf32>
    %max3A_2840 = arith.maximumf %mul3A_2596, %max3A_2839 : vector<512x512xf32>
    %sub3A_2841 = arith.subf %min3A_2838, %max3A_2840 : vector<512x512xf32>
    %max3A_2842 = arith.constant 0.000000e+00 : f32
    %max3A_2843 = vector.broadcast %max3A_2842 : f32 to vector<512x512xf32>
    %max3A_2844 = arith.maximumf %sub3A_2841, %max3A_2843 : vector<512x512xf32>
    %mul3A_2845 = arith.mulf %max3A_2836, %max3A_2844 : vector<512x512xf32>
    %mul3A_2846 = arith.constant 1.500000e+00 : f32
    %mul3A_2847 = vector.broadcast %mul3A_2846 : f32 to vector<512x512xf32>
    %mul3A_2848 = arith.mulf %mul3A_2847, %mul3A_2845 : vector<512x512xf32>
    %add3A_2849 = vector.broadcast %mul3A_2828 : vector<1x512xf32> to vector<512x512xf32>
    %add3A_2850 = arith.addf %mul3A_2612, %add3A_2849 : vector<512x512xf32>
    %gt3A_2851 = arith.cmpf ogt, %mul3A_2848, %add3A_2850 : vector<512x512xf32>
    %convert_element_type3A_2852 = arith.extui %gt3A_2851 : vector<512x512xi1> to vector<512x512xi32>
    %convert_element_type3A_2853 = arith.sitofp %convert_element_type3A_2852 : vector<512x512xi32> to vector<512x512xf32>
    %get3A_2854 = arith.constant 2048 : index
    %get3A_2855 = arith.constant 0 : index
    %get3A_2856 = vector.load %arg3[%get3A_2854, %get3A_2855] : memref<5120x1xf32, #tpu.memory_space<vmem>>, vector<512x1xf32>
    %dot_general3A_2857 = arith.constant dense<0.000000e+00> : vector<512x1xf32>
    %dot_general3A_2858 = tpu.matmul %convert_element_type3A_2853, %get3A_2856, %dot_general3A_2857 {dimension_numbers = #tpu.dot_dimension_numbers<[1], [0], [0], [1], [0, 0, 1, 1], [], []>, transpose_lhs_hint = false} : vector<512x512xf32>, vector<512x1xf32>, vector<512x1xf32> -> vector<512x1xf32>
    %add3A_2859 = arith.addf %add3A_2810, %dot_general3A_2858 : vector<512x1xf32>
    %get3A_2860 = arith.constant 0 : index
    %get3A_2861 = arith.constant 2560 : index
    %get3A_2862 = vector.load %arg1[%get3A_2860, %get3A_2861] : memref<8x5120xf32, #tpu.memory_space<vmem>>, vector<1x512xf32>
    %get3A_2863 = arith.constant 1 : index
    %get3A_2864 = arith.constant 2560 : index
    %get3A_2865 = vector.load %arg1[%get3A_2863, %get3A_2864] : memref<8x5120xf32, #tpu.memory_space<vmem>>, vector<1x512xf32>
    %get3A_2866 = arith.constant 2 : index
    %get3A_2867 = arith.constant 2560 : index
    %get3A_2868 = vector.load %arg1[%get3A_2866, %get3A_2867] : memref<8x5120xf32, #tpu.memory_space<vmem>>, vector<1x512xf32>
    %get3A_2869 = arith.constant 3 : index
    %get3A_2870 = arith.constant 2560 : index
    %get3A_2871 = vector.load %arg1[%get3A_2869, %get3A_2870] : memref<8x5120xf32, #tpu.memory_space<vmem>>, vector<1x512xf32>
    %sub3A_2872 = arith.subf %get3A_2868, %get3A_2862 : vector<1x512xf32>
    %mul3A_2873 = arith.constant 5.000000e-01 : f32
    %mul3A_2874 = vector.broadcast %mul3A_2873 : f32 to vector<1x512xf32>
    %mul3A_2875 = arith.mulf %mul3A_2874, %sub3A_2872 : vector<1x512xf32>
    %sub3A_2876 = arith.subf %get3A_2871, %get3A_2865 : vector<1x512xf32>
    %mul3A_2877 = arith.mulf %mul3A_2875, %sub3A_2876 : vector<1x512xf32>
    %min3A_2878 = vector.broadcast %get3A_2868 : vector<1x512xf32> to vector<512x512xf32>
    %min3A_2879 = arith.minimumf %mul3A_2601, %min3A_2878 : vector<512x512xf32>
    %max3A_2880 = vector.broadcast %get3A_2862 : vector<1x512xf32> to vector<512x512xf32>
    %max3A_2881 = arith.maximumf %mul3A_2591, %max3A_2880 : vector<512x512xf32>
    %sub3A_2882 = arith.subf %min3A_2879, %max3A_2881 : vector<512x512xf32>
    %max3A_2883 = arith.constant 0.000000e+00 : f32
    %max3A_2884 = vector.broadcast %max3A_2883 : f32 to vector<512x512xf32>
    %max3A_2885 = arith.maximumf %sub3A_2882, %max3A_2884 : vector<512x512xf32>
    %min3A_2886 = vector.broadcast %get3A_2871 : vector<1x512xf32> to vector<512x512xf32>
    %min3A_2887 = arith.minimumf %mul3A_2606, %min3A_2886 : vector<512x512xf32>
    %max3A_2888 = vector.broadcast %get3A_2865 : vector<1x512xf32> to vector<512x512xf32>
    %max3A_2889 = arith.maximumf %mul3A_2596, %max3A_2888 : vector<512x512xf32>
    %sub3A_2890 = arith.subf %min3A_2887, %max3A_2889 : vector<512x512xf32>
    %max3A_2891 = arith.constant 0.000000e+00 : f32
    %max3A_2892 = vector.broadcast %max3A_2891 : f32 to vector<512x512xf32>
    %max3A_2893 = arith.maximumf %sub3A_2890, %max3A_2892 : vector<512x512xf32>
    %mul3A_2894 = arith.mulf %max3A_2885, %max3A_2893 : vector<512x512xf32>
    %mul3A_2895 = arith.constant 1.500000e+00 : f32
    %mul3A_2896 = vector.broadcast %mul3A_2895 : f32 to vector<512x512xf32>
    %mul3A_2897 = arith.mulf %mul3A_2896, %mul3A_2894 : vector<512x512xf32>
    %add3A_2898 = vector.broadcast %mul3A_2877 : vector<1x512xf32> to vector<512x512xf32>
    %add3A_2899 = arith.addf %mul3A_2612, %add3A_2898 : vector<512x512xf32>
    %gt3A_2900 = arith.cmpf ogt, %mul3A_2897, %add3A_2899 : vector<512x512xf32>
    %convert_element_type3A_2901 = arith.extui %gt3A_2900 : vector<512x512xi1> to vector<512x512xi32>
    %convert_element_type3A_2902 = arith.sitofp %convert_element_type3A_2901 : vector<512x512xi32> to vector<512x512xf32>
    %get3A_2903 = arith.constant 2560 : index
    %get3A_2904 = arith.constant 0 : index
    %get3A_2905 = vector.load %arg3[%get3A_2903, %get3A_2904] : memref<5120x1xf32, #tpu.memory_space<vmem>>, vector<512x1xf32>
    %dot_general3A_2906 = arith.constant dense<0.000000e+00> : vector<512x1xf32>
    %dot_general3A_2907 = tpu.matmul %convert_element_type3A_2902, %get3A_2905, %dot_general3A_2906 {dimension_numbers = #tpu.dot_dimension_numbers<[1], [0], [0], [1], [0, 0, 1, 1], [], []>, transpose_lhs_hint = false} : vector<512x512xf32>, vector<512x1xf32>, vector<512x1xf32> -> vector<512x1xf32>
    %add3A_2908 = arith.addf %add3A_2859, %dot_general3A_2907 : vector<512x1xf32>
    %get3A_2909 = arith.constant 0 : index
    %get3A_2910 = arith.constant 3072 : index
    %get3A_2911 = vector.load %arg1[%get3A_2909, %get3A_2910] : memref<8x5120xf32, #tpu.memory_space<vmem>>, vector<1x512xf32>
    %get3A_2912 = arith.constant 1 : index
    %get3A_2913 = arith.constant 3072 : index
    %get3A_2914 = vector.load %arg1[%get3A_2912, %get3A_2913] : memref<8x5120xf32, #tpu.memory_space<vmem>>, vector<1x512xf32>
    %get3A_2915 = arith.constant 2 : index
    %get3A_2916 = arith.constant 3072 : index
    %get3A_2917 = vector.load %arg1[%get3A_2915, %get3A_2916] : memref<8x5120xf32, #tpu.memory_space<vmem>>, vector<1x512xf32>
    %get3A_2918 = arith.constant 3 : index
    %get3A_2919 = arith.constant 3072 : index
    %get3A_2920 = vector.load %arg1[%get3A_2918, %get3A_2919] : memref<8x5120xf32, #tpu.memory_space<vmem>>, vector<1x512xf32>
    %sub3A_2921 = arith.subf %get3A_2917, %get3A_2911 : vector<1x512xf32>
    %mul3A_2922 = arith.constant 5.000000e-01 : f32
    %mul3A_2923 = vector.broadcast %mul3A_2922 : f32 to vector<1x512xf32>
    %mul3A_2924 = arith.mulf %mul3A_2923, %sub3A_2921 : vector<1x512xf32>
    %sub3A_2925 = arith.subf %get3A_2920, %get3A_2914 : vector<1x512xf32>
    %mul3A_2926 = arith.mulf %mul3A_2924, %sub3A_2925 : vector<1x512xf32>
    %min3A_2927 = vector.broadcast %get3A_2917 : vector<1x512xf32> to vector<512x512xf32>
    %min3A_2928 = arith.minimumf %mul3A_2601, %min3A_2927 : vector<512x512xf32>
    %max3A_2929 = vector.broadcast %get3A_2911 : vector<1x512xf32> to vector<512x512xf32>
    %max3A_2930 = arith.maximumf %mul3A_2591, %max3A_2929 : vector<512x512xf32>
    %sub3A_2931 = arith.subf %min3A_2928, %max3A_2930 : vector<512x512xf32>
    %max3A_2932 = arith.constant 0.000000e+00 : f32
    %max3A_2933 = vector.broadcast %max3A_2932 : f32 to vector<512x512xf32>
    %max3A_2934 = arith.maximumf %sub3A_2931, %max3A_2933 : vector<512x512xf32>
    %min3A_2935 = vector.broadcast %get3A_2920 : vector<1x512xf32> to vector<512x512xf32>
    %min3A_2936 = arith.minimumf %mul3A_2606, %min3A_2935 : vector<512x512xf32>
    %max3A_2937 = vector.broadcast %get3A_2914 : vector<1x512xf32> to vector<512x512xf32>
    %max3A_2938 = arith.maximumf %mul3A_2596, %max3A_2937 : vector<512x512xf32>
    %sub3A_2939 = arith.subf %min3A_2936, %max3A_2938 : vector<512x512xf32>
    %max3A_2940 = arith.constant 0.000000e+00 : f32
    %max3A_2941 = vector.broadcast %max3A_2940 : f32 to vector<512x512xf32>
    %max3A_2942 = arith.maximumf %sub3A_2939, %max3A_2941 : vector<512x512xf32>
    %mul3A_2943 = arith.mulf %max3A_2934, %max3A_2942 : vector<512x512xf32>
    %mul3A_2944 = arith.constant 1.500000e+00 : f32
    %mul3A_2945 = vector.broadcast %mul3A_2944 : f32 to vector<512x512xf32>
    %mul3A_2946 = arith.mulf %mul3A_2945, %mul3A_2943 : vector<512x512xf32>
    %add3A_2947 = vector.broadcast %mul3A_2926 : vector<1x512xf32> to vector<512x512xf32>
    %add3A_2948 = arith.addf %mul3A_2612, %add3A_2947 : vector<512x512xf32>
    %gt3A_2949 = arith.cmpf ogt, %mul3A_2946, %add3A_2948 : vector<512x512xf32>
    %convert_element_type3A_2950 = arith.extui %gt3A_2949 : vector<512x512xi1> to vector<512x512xi32>
    %convert_element_type3A_2951 = arith.sitofp %convert_element_type3A_2950 : vector<512x512xi32> to vector<512x512xf32>
    %get3A_2952 = arith.constant 3072 : index
    %get3A_2953 = arith.constant 0 : index
    %get3A_2954 = vector.load %arg3[%get3A_2952, %get3A_2953] : memref<5120x1xf32, #tpu.memory_space<vmem>>, vector<512x1xf32>
    %dot_general3A_2955 = arith.constant dense<0.000000e+00> : vector<512x1xf32>
    %dot_general3A_2956 = tpu.matmul %convert_element_type3A_2951, %get3A_2954, %dot_general3A_2955 {dimension_numbers = #tpu.dot_dimension_numbers<[1], [0], [0], [1], [0, 0, 1, 1], [], []>, transpose_lhs_hint = false} : vector<512x512xf32>, vector<512x1xf32>, vector<512x1xf32> -> vector<512x1xf32>
    %add3A_2957 = arith.addf %add3A_2908, %dot_general3A_2956 : vector<512x1xf32>
    %get3A_2958 = arith.constant 0 : index
    %get3A_2959 = arith.constant 3584 : index
    %get3A_2960 = vector.load %arg1[%get3A_2958, %get3A_2959] : memref<8x5120xf32, #tpu.memory_space<vmem>>, vector<1x512xf32>
    %get3A_2961 = arith.constant 1 : index
    %get3A_2962 = arith.constant 3584 : index
    %get3A_2963 = vector.load %arg1[%get3A_2961, %get3A_2962] : memref<8x5120xf32, #tpu.memory_space<vmem>>, vector<1x512xf32>
    %get3A_2964 = arith.constant 2 : index
    %get3A_2965 = arith.constant 3584 : index
    %get3A_2966 = vector.load %arg1[%get3A_2964, %get3A_2965] : memref<8x5120xf32, #tpu.memory_space<vmem>>, vector<1x512xf32>
    %get3A_2967 = arith.constant 3 : index
    %get3A_2968 = arith.constant 3584 : index
    %get3A_2969 = vector.load %arg1[%get3A_2967, %get3A_2968] : memref<8x5120xf32, #tpu.memory_space<vmem>>, vector<1x512xf32>
    %sub3A_2970 = arith.subf %get3A_2966, %get3A_2960 : vector<1x512xf32>
    %mul3A_2971 = arith.constant 5.000000e-01 : f32
    %mul3A_2972 = vector.broadcast %mul3A_2971 : f32 to vector<1x512xf32>
    %mul3A_2973 = arith.mulf %mul3A_2972, %sub3A_2970 : vector<1x512xf32>
    %sub3A_2974 = arith.subf %get3A_2969, %get3A_2963 : vector<1x512xf32>
    %mul3A_2975 = arith.mulf %mul3A_2973, %sub3A_2974 : vector<1x512xf32>
    %min3A_2976 = vector.broadcast %get3A_2966 : vector<1x512xf32> to vector<512x512xf32>
    %min3A_2977 = arith.minimumf %mul3A_2601, %min3A_2976 : vector<512x512xf32>
    %max3A_2978 = vector.broadcast %get3A_2960 : vector<1x512xf32> to vector<512x512xf32>
    %max3A_2979 = arith.maximumf %mul3A_2591, %max3A_2978 : vector<512x512xf32>
    %sub3A_2980 = arith.subf %min3A_2977, %max3A_2979 : vector<512x512xf32>
    %max3A_2981 = arith.constant 0.000000e+00 : f32
    %max3A_2982 = vector.broadcast %max3A_2981 : f32 to vector<512x512xf32>
    %max3A_2983 = arith.maximumf %sub3A_2980, %max3A_2982 : vector<512x512xf32>
    %min3A_2984 = vector.broadcast %get3A_2969 : vector<1x512xf32> to vector<512x512xf32>
    %min3A_2985 = arith.minimumf %mul3A_2606, %min3A_2984 : vector<512x512xf32>
    %max3A_2986 = vector.broadcast %get3A_2963 : vector<1x512xf32> to vector<512x512xf32>
    %max3A_2987 = arith.maximumf %mul3A_2596, %max3A_2986 : vector<512x512xf32>
    %sub3A_2988 = arith.subf %min3A_2985, %max3A_2987 : vector<512x512xf32>
    %max3A_2989 = arith.constant 0.000000e+00 : f32
    %max3A_2990 = vector.broadcast %max3A_2989 : f32 to vector<512x512xf32>
    %max3A_2991 = arith.maximumf %sub3A_2988, %max3A_2990 : vector<512x512xf32>
    %mul3A_2992 = arith.mulf %max3A_2983, %max3A_2991 : vector<512x512xf32>
    %mul3A_2993 = arith.constant 1.500000e+00 : f32
    %mul3A_2994 = vector.broadcast %mul3A_2993 : f32 to vector<512x512xf32>
    %mul3A_2995 = arith.mulf %mul3A_2994, %mul3A_2992 : vector<512x512xf32>
    %add3A_2996 = vector.broadcast %mul3A_2975 : vector<1x512xf32> to vector<512x512xf32>
    %add3A_2997 = arith.addf %mul3A_2612, %add3A_2996 : vector<512x512xf32>
    %gt3A_2998 = arith.cmpf ogt, %mul3A_2995, %add3A_2997 : vector<512x512xf32>
    %convert_element_type3A_2999 = arith.extui %gt3A_2998 : vector<512x512xi1> to vector<512x512xi32>
    %convert_element_type3A_3000 = arith.sitofp %convert_element_type3A_2999 : vector<512x512xi32> to vector<512x512xf32>
    %get3A_3001 = arith.constant 3584 : index
    %get3A_3002 = arith.constant 0 : index
    %get3A_3003 = vector.load %arg3[%get3A_3001, %get3A_3002] : memref<5120x1xf32, #tpu.memory_space<vmem>>, vector<512x1xf32>
    %dot_general3A_3004 = arith.constant dense<0.000000e+00> : vector<512x1xf32>
    %dot_general3A_3005 = tpu.matmul %convert_element_type3A_3000, %get3A_3003, %dot_general3A_3004 {dimension_numbers = #tpu.dot_dimension_numbers<[1], [0], [0], [1], [0, 0, 1, 1], [], []>, transpose_lhs_hint = false} : vector<512x512xf32>, vector<512x1xf32>, vector<512x1xf32> -> vector<512x1xf32>
    %add3A_3006 = arith.addf %add3A_2957, %dot_general3A_3005 : vector<512x1xf32>
    %get3A_3007 = arith.constant 0 : index
    %get3A_3008 = arith.constant 4096 : index
    %get3A_3009 = vector.load %arg1[%get3A_3007, %get3A_3008] : memref<8x5120xf32, #tpu.memory_space<vmem>>, vector<1x512xf32>
    %get3A_3010 = arith.constant 1 : index
    %get3A_3011 = arith.constant 4096 : index
    %get3A_3012 = vector.load %arg1[%get3A_3010, %get3A_3011] : memref<8x5120xf32, #tpu.memory_space<vmem>>, vector<1x512xf32>
    %get3A_3013 = arith.constant 2 : index
    %get3A_3014 = arith.constant 4096 : index
    %get3A_3015 = vector.load %arg1[%get3A_3013, %get3A_3014] : memref<8x5120xf32, #tpu.memory_space<vmem>>, vector<1x512xf32>
    %get3A_3016 = arith.constant 3 : index
    %get3A_3017 = arith.constant 4096 : index
    %get3A_3018 = vector.load %arg1[%get3A_3016, %get3A_3017] : memref<8x5120xf32, #tpu.memory_space<vmem>>, vector<1x512xf32>
    %sub3A_3019 = arith.subf %get3A_3015, %get3A_3009 : vector<1x512xf32>
    %mul3A_3020 = arith.constant 5.000000e-01 : f32
    %mul3A_3021 = vector.broadcast %mul3A_3020 : f32 to vector<1x512xf32>
    %mul3A_3022 = arith.mulf %mul3A_3021, %sub3A_3019 : vector<1x512xf32>
    %sub3A_3023 = arith.subf %get3A_3018, %get3A_3012 : vector<1x512xf32>
    %mul3A_3024 = arith.mulf %mul3A_3022, %sub3A_3023 : vector<1x512xf32>
    %min3A_3025 = vector.broadcast %get3A_3015 : vector<1x512xf32> to vector<512x512xf32>
    %min3A_3026 = arith.minimumf %mul3A_2601, %min3A_3025 : vector<512x512xf32>
    %max3A_3027 = vector.broadcast %get3A_3009 : vector<1x512xf32> to vector<512x512xf32>
    %max3A_3028 = arith.maximumf %mul3A_2591, %max3A_3027 : vector<512x512xf32>
    %sub3A_3029 = arith.subf %min3A_3026, %max3A_3028 : vector<512x512xf32>
    %max3A_3030 = arith.constant 0.000000e+00 : f32
    %max3A_3031 = vector.broadcast %max3A_3030 : f32 to vector<512x512xf32>
    %max3A_3032 = arith.maximumf %sub3A_3029, %max3A_3031 : vector<512x512xf32>
    %min3A_3033 = vector.broadcast %get3A_3018 : vector<1x512xf32> to vector<512x512xf32>
    %min3A_3034 = arith.minimumf %mul3A_2606, %min3A_3033 : vector<512x512xf32>
    %max3A_3035 = vector.broadcast %get3A_3012 : vector<1x512xf32> to vector<512x512xf32>
    %max3A_3036 = arith.maximumf %mul3A_2596, %max3A_3035 : vector<512x512xf32>
    %sub3A_3037 = arith.subf %min3A_3034, %max3A_3036 : vector<512x512xf32>
    %max3A_3038 = arith.constant 0.000000e+00 : f32
    %max3A_3039 = vector.broadcast %max3A_3038 : f32 to vector<512x512xf32>
    %max3A_3040 = arith.maximumf %sub3A_3037, %max3A_3039 : vector<512x512xf32>
    %mul3A_3041 = arith.mulf %max3A_3032, %max3A_3040 : vector<512x512xf32>
    %mul3A_3042 = arith.constant 1.500000e+00 : f32
    %mul3A_3043 = vector.broadcast %mul3A_3042 : f32 to vector<512x512xf32>
    %mul3A_3044 = arith.mulf %mul3A_3043, %mul3A_3041 : vector<512x512xf32>
    %add3A_3045 = vector.broadcast %mul3A_3024 : vector<1x512xf32> to vector<512x512xf32>
    %add3A_3046 = arith.addf %mul3A_2612, %add3A_3045 : vector<512x512xf32>
    %gt3A_3047 = arith.cmpf ogt, %mul3A_3044, %add3A_3046 : vector<512x512xf32>
    %convert_element_type3A_3048 = arith.extui %gt3A_3047 : vector<512x512xi1> to vector<512x512xi32>
    %convert_element_type3A_3049 = arith.sitofp %convert_element_type3A_3048 : vector<512x512xi32> to vector<512x512xf32>
    %get3A_3050 = arith.constant 4096 : index
    %get3A_3051 = arith.constant 0 : index
    %get3A_3052 = vector.load %arg3[%get3A_3050, %get3A_3051] : memref<5120x1xf32, #tpu.memory_space<vmem>>, vector<512x1xf32>
    %dot_general3A_3053 = arith.constant dense<0.000000e+00> : vector<512x1xf32>
    %dot_general3A_3054 = tpu.matmul %convert_element_type3A_3049, %get3A_3052, %dot_general3A_3053 {dimension_numbers = #tpu.dot_dimension_numbers<[1], [0], [0], [1], [0, 0, 1, 1], [], []>, transpose_lhs_hint = false} : vector<512x512xf32>, vector<512x1xf32>, vector<512x1xf32> -> vector<512x1xf32>
    %add3A_3055 = arith.addf %add3A_3006, %dot_general3A_3054 : vector<512x1xf32>
    %eq3A_3056 = arith.constant 0.000000e+00 : f32
    %eq3A_3057 = vector.broadcast %eq3A_3056 : f32 to vector<512x1xf32>
    %eq3A_3058 = arith.cmpf oeq, %add3A_3055, %eq3A_3057 : vector<512x1xf32>
    %convert_element_type3A_3059 = arith.extui %eq3A_3058 : vector<512x1xi1> to vector<512x1xi32>
    %convert_element_type3A_3060 = arith.sitofp %convert_element_type3A_3059 : vector<512x1xi32> to vector<512x1xf32>
    %iota3A_3061 = tpu.iota {dimensions = array<i32: 0>} : vector<512x512xi32>
    %iota3A_3062 = tpu.iota {dimensions = array<i32: 1>} : vector<512x512xi32>
    %get3A_3063 = arith.constant 0 : index
    %get3A_3064 = arith.constant 4608 : index
    %get3A_3065 = vector.load %arg1[%get3A_3063, %get3A_3064] : memref<8x5120xf32, #tpu.memory_space<vmem>>, vector<1x512xf32>
    %get3A_3066 = arith.constant 1 : index
    %get3A_3067 = arith.constant 4608 : index
    %get3A_3068 = vector.load %arg1[%get3A_3066, %get3A_3067] : memref<8x5120xf32, #tpu.memory_space<vmem>>, vector<1x512xf32>
    %get3A_3069 = arith.constant 2 : index
    %get3A_3070 = arith.constant 4608 : index
    %get3A_3071 = vector.load %arg1[%get3A_3069, %get3A_3070] : memref<8x5120xf32, #tpu.memory_space<vmem>>, vector<1x512xf32>
    %get3A_3072 = arith.constant 3 : index
    %get3A_3073 = arith.constant 4608 : index
    %get3A_3074 = vector.load %arg1[%get3A_3072, %get3A_3073] : memref<8x5120xf32, #tpu.memory_space<vmem>>, vector<1x512xf32>
    %sub3A_3075 = arith.subf %get3A_3071, %get3A_3065 : vector<1x512xf32>
    %mul3A_3076 = arith.constant 5.000000e-01 : f32
    %mul3A_3077 = vector.broadcast %mul3A_3076 : f32 to vector<1x512xf32>
    %mul3A_3078 = arith.mulf %mul3A_3077, %sub3A_3075 : vector<1x512xf32>
    %sub3A_3079 = arith.subf %get3A_3074, %get3A_3068 : vector<1x512xf32>
    %mul3A_3080 = arith.mulf %mul3A_3078, %sub3A_3079 : vector<1x512xf32>
    %min3A_3081 = vector.broadcast %get3A_3071 : vector<1x512xf32> to vector<512x512xf32>
    %min3A_3082 = arith.minimumf %mul3A_2601, %min3A_3081 : vector<512x512xf32>
    %max3A_3083 = vector.broadcast %get3A_3065 : vector<1x512xf32> to vector<512x512xf32>
    %max3A_3084 = arith.maximumf %mul3A_2591, %max3A_3083 : vector<512x512xf32>
    %sub3A_3085 = arith.subf %min3A_3082, %max3A_3084 : vector<512x512xf32>
    %max3A_3086 = arith.constant 0.000000e+00 : f32
    %max3A_3087 = vector.broadcast %max3A_3086 : f32 to vector<512x512xf32>
    %max3A_3088 = arith.maximumf %sub3A_3085, %max3A_3087 : vector<512x512xf32>
    %min3A_3089 = vector.broadcast %get3A_3074 : vector<1x512xf32> to vector<512x512xf32>
    %min3A_3090 = arith.minimumf %mul3A_2606, %min3A_3089 : vector<512x512xf32>
    %max3A_3091 = vector.broadcast %get3A_3068 : vector<1x512xf32> to vector<512x512xf32>
    %max3A_3092 = arith.maximumf %mul3A_2596, %max3A_3091 : vector<512x512xf32>
    %sub3A_3093 = arith.subf %min3A_3090, %max3A_3092 : vector<512x512xf32>
    %max3A_3094 = arith.constant 0.000000e+00 : f32
    %max3A_3095 = vector.broadcast %max3A_3094 : f32 to vector<512x512xf32>
    %max3A_3096 = arith.maximumf %sub3A_3093, %max3A_3095 : vector<512x512xf32>
    %mul3A_3097 = arith.mulf %max3A_3088, %max3A_3096 : vector<512x512xf32>
    %mul3A_3098 = arith.constant 1.500000e+00 : f32
    %mul3A_3099 = vector.broadcast %mul3A_3098 : f32 to vector<512x512xf32>
    %mul3A_3100 = arith.mulf %mul3A_3099, %mul3A_3097 : vector<512x512xf32>
    %add3A_3101 = vector.broadcast %mul3A_3080 : vector<1x512xf32> to vector<512x512xf32>
    %add3A_3102 = arith.addf %mul3A_2612, %add3A_3101 : vector<512x512xf32>
    %gt3A_3103 = arith.cmpf ogt, %mul3A_3100, %add3A_3102 : vector<512x512xf32>
    %lt3A_3104 = arith.cmpi slt, %iota3A_3062, %iota3A_3061 : vector<512x512xi32>
    %and3A_3105 = arith.andi %gt3A_3103, %lt3A_3104 : vector<512x512xi1>
    %convert_element_type3A_3106 = arith.extui %and3A_3105 : vector<512x512xi1> to vector<512x512xi32>
    %convert_element_type3A_3107 = arith.sitofp %convert_element_type3A_3106 : vector<512x512xi32> to vector<512x512xf32>
    %while3A_3108 = arith.constant true
    %while3A_3109:2 = scf.while (%while3A_3121 = %convert_element_type3A_3060, %while3A_3122 = %while3A_3108) : (vector<512x1xf32>, i1) -> (vector<512x1xf32>, i1) {
      scf.condition(%while3A_3122) %while3A_3121, %while3A_3122 : vector<512x1xf32>, i1
    } do {
    ^bb0(%while3A_3121: vector<512x1xf32>, %while3A_3122: i1):
      %dot_general3A_3123 = arith.constant dense<0.000000e+00> : vector<512x1xf32>
      %dot_general3A_3124 = tpu.matmul %convert_element_type3A_3107, %while3A_3121, %dot_general3A_3123 {dimension_numbers = #tpu.dot_dimension_numbers<[1], [0], [0], [1], [0, 0, 1, 1], [], []>, transpose_lhs_hint = false} : vector<512x512xf32>, vector<512x1xf32>, vector<512x1xf32> -> vector<512x1xf32>
      %eq3A_3125 = arith.constant 0.000000e+00 : f32
      %eq3A_3126 = vector.broadcast %eq3A_3125 : f32 to vector<512x1xf32>
      %eq3A_3127 = arith.cmpf oeq, %dot_general3A_3124, %eq3A_3126 : vector<512x1xf32>
      %convert_element_type3A_3128 = arith.extui %eq3A_3127 : vector<512x1xi1> to vector<512x1xi32>
      %convert_element_type3A_3129 = arith.sitofp %convert_element_type3A_3128 : vector<512x1xi32> to vector<512x1xf32>
      %mul3A_3130 = arith.mulf %convert_element_type3A_3060, %convert_element_type3A_3129 : vector<512x1xf32>
      %dot_general3A_3131 = arith.constant dense<0.000000e+00> : vector<512x1xf32>
      %dot_general3A_3132 = tpu.matmul %convert_element_type3A_3107, %mul3A_3130, %dot_general3A_3131 {dimension_numbers = #tpu.dot_dimension_numbers<[1], [0], [0], [1], [0, 0, 1, 1], [], []>, transpose_lhs_hint = false} : vector<512x512xf32>, vector<512x1xf32>, vector<512x1xf32> -> vector<512x1xf32>
      %eq3A_3133 = arith.constant 0.000000e+00 : f32
      %eq3A_3134 = vector.broadcast %eq3A_3133 : f32 to vector<512x1xf32>
      %eq3A_3135 = arith.cmpf oeq, %dot_general3A_3132, %eq3A_3134 : vector<512x1xf32>
      %convert_element_type3A_3136 = arith.extui %eq3A_3135 : vector<512x1xi1> to vector<512x1xi32>
      %convert_element_type3A_3137 = arith.sitofp %convert_element_type3A_3136 : vector<512x1xi32> to vector<512x1xf32>
      %mul3A_3138 = arith.mulf %convert_element_type3A_3060, %convert_element_type3A_3137 : vector<512x1xf32>
      %ne3A = arith.cmpf one, %mul3A_3138, %while3A_3121 : vector<512x1xf32>
      %reduce_or3A = arith.constant 1.000000e+00 : f32
      %reduce_or3A_3139 = arith.constant 0.000000e+00 : f32
      %reduce_or3A_3140 = vector.broadcast %reduce_or3A : f32 to vector<512x1xf32>
      %reduce_or3A_3141 = vector.broadcast %reduce_or3A_3139 : f32 to vector<512x1xf32>
      %reduce_or3A_3142 = arith.select %ne3A, %reduce_or3A_3140, %reduce_or3A_3141 : vector<512x1xi1>, vector<512x1xf32>
      %reduce_or3A_3143 = vector.shape_cast %reduce_or3A_3142 : vector<512x1xf32> to vector<1x512x1xf32>
      %reduce_or3A_3144 = arith.constant dense<0xFF800000> : vector<1xf32>
      %reduce_or3A_3145 = vector.multi_reduction <maximumf>, %reduce_or3A_3143, %reduce_or3A_3144 [1, 2] : vector<1x512x1xf32> to vector<1xf32>
      %reduce_or3A_3146 = vector.shape_cast %reduce_or3A_3145 : vector<1xf32> to vector<1x1x1xf32>
      %reduce_or3A_3147 = vector.extract %reduce_or3A_3146[0, 0, 0] : f32 from vector<1x1x1xf32>
      %reduce_or3A_3148 = arith.constant 0.000000e+00 : f32
      %reduce_or3A_3149 = arith.cmpf ogt, %reduce_or3A_3147, %reduce_or3A_3148 : f32
      scf.yield %mul3A_3138, %reduce_or3A_3149 : vector<512x1xf32>, i1
    }
    %swap3A_3110 = arith.constant 4608 : index
    %swap3A_3111 = arith.constant 0 : index
    %swap3A_3112 = vector.load %arg3[%swap3A_3110, %swap3A_3111] : memref<5120x1xf32, #tpu.memory_space<vmem>>, vector<512x1xf32>
    tpu.vector_store %arg3[%swap3A_3110, %swap3A_3111], %while3A_3109#0 {strides = array<i32>} : memref<5120x1xf32, #tpu.memory_space<vmem>>, vector<512x1xf32>,
    %get3A_3113 = arith.constant 4608 : index
    %get3A_3114 = arith.constant 0 : index
    %get3A_3115 = vector.load %arg0[%get3A_3113, %get3A_3114] : memref<5120x128xf32, #tpu.memory_space<vmem>>, vector<512x5xf32>
    %mul3A_3116 = vector.broadcast %while3A_3109#0 : vector<512x1xf32> to vector<512x5xf32>
    %mul3A_3117 = arith.mulf %get3A_3115, %mul3A_3116 : vector<512x5xf32>
    %slice3A = vector.extract_strided_slice %mul3A_3117 {offsets = [0, 0], sizes = [392, 5], strides = [1, 1]} : vector<512x5xf32> to vector<392x5xf32>
    %swap3A_3118 = arith.constant 4608 : index
    %swap3A_3119 = arith.constant 0 : index
    %swap3A_3120 = vector.load %arg2[%swap3A_3118, %swap3A_3119] : memref<5000x5xf32, #tpu.memory_space<vmem>>, vector<392x5xf32>
    tpu.vector_store %arg2[%swap3A_3118, %swap3A_3119], %slice3A {strides = array<i32>} : memref<5000x5xf32, #tpu.memory_space<vmem>>, vector<392x5xf32>,
    return
  }
}

</mosaic_0001>

<sc_bundles>
// kernel: kernel.5.cloned.1.call-start
scs
__scs_entry_jumppad:
0x0: {  	(pc) =	sbr.rel $0x88, $3  }
0x1: {  	(tag) =	ssettag $0x0;
	lr =	simm.s32 $0x1  }
0x2: {  	[smem:$0x3F9F] =	sst lr;
	_ =	strace $0xD0000000  }
0x3: {  	_ = 	snop  }
0x4: {  	_ = 	snop  }
0x5: {  	_ = 	snop  }
0x6: {  	_ = 	snop  }
0x7: {  	_ = 	snop  }
__scs_overlays_trampoline_lowered:
0x8: {  	[smem:$0x3FAE] =	sst s0  }
0x9: {  	[smem:$0x3FAF] =	sst s1  }
0xa: {  	[smem:$0x3FB0] =	sst s2  }
0xb: {  	[smem:$0x3FB1] =	sst s3  }
0xc: {  	[smem:$0x3FB2] =	sst s4  }
0xd: {  	[smem:$0x3FB3] =	sst s5  }
0xe: {  	[smem:$0x3FB4] =	sst s6  }
0xf: {  	[smem:$0x3FB5] =	sst s7  }
0x10: {  	[smem:$0x3FB6] =	sst s8  }
0x11: {  	[smem:$0x3FB7] =	sst s9;
	s0 =	simm.s32 @!p0 $0x0  }
0x12: {  	s1 =	sld [smem:$0x3F9D];
	s0 =	simm.s32 @p0 $0x1  }
0x13: {  	[smem:$0x3FB8] =	sst s0;
	s0 =	simm.s32 @!p1 $0x0  }
0x14: {  	s2 =	sld [smem:$0x3F9C];
	s0 =	simm.s32 @p1 $0x1  }
0x15: {  	[smem:$0x3FB9] =	sst s0;
	s0 =	simm.s32 @!p2 $0x0  }
0x16: {  	s3 =	sld [smem:$0x3FDB];
	s0 =	simm.s32 @p2 $0x1  }
0x17: {  	s4 =	simm.s32 $0x1BF5;
	[smem:$0x3FBB] =	sst s0  }
0x18: {  	s0 =	sld [smem:$0x3F9E];
	_ =	swait.ge [sflag:s4], $0x0  }
0x19: {  	s7 =	sld [smem:$0x3F9F]  }
0x1a: {  	s8 =	sadd.s32 $0xFFFFE003, lr  }
0x1b: {  	s9 =	sadd.s32 $0xFFFFFEF7, lr;
	s5 =	simm.s32 $0xFFFFFFFF;
	p2 =	slt.u32 s8, $0xFFFFF086  }
0x1c: {  	p1 =	slt.u32 s9, $0xF7A;
	s5 =	simm.s32 @!p2 $0x0  }
0x1d: {  	s5 =	simm.s32 @p1 $0x1;
	p0 =	seq.s32 s7, s2  }
0x1e: {  	s7 =	smul.u32 @!p0 $0xF7A, s2;
	p2 =	seq.s32 @!p0 s5, $0x0  }
0x1f: {  	s9 =	smul.u32 $0xF7A, s1;
	s8 =	simm.s32 @!p0 $0x1BF5;
	p2 =	por !p2, p0  }
0x20: {  	[sflag:s8] =	ssyncset.s32 @!p0 $0xFFFFF086;
	s6 =	sadd.s32 @!p0 s3, s7;
	s7 =	simm.s32 @!p0 $0x108  }
0x21: {  	s3 =	sadd.s32 s3, s9;
	s6 =	sadd.s32 @!p0 $0x88, s6;
	s7 =	simm.s32 @p2 $0x1082  }
0x22: {  	[simem:s7], [sflag:s8] =	dma.local @!p0 [hbm:s6], $0xF7A  }
0x23: {  	s9 =	sor.u32 $0xD0000000, s2;
	s6 =	simm.s32 $0x108;
	_ =	swait.ge @!p0 [sflag:s8], $0x0  }
0x24: {  	s3 =	sadd.s32 $0x88, s3;
	s6 =	simm.s32 @!p1 $0x1082;
	[sflag:s4] =	ssyncset.s32 $0xFFFFF086  }
0x25: {  	[simem:s6], [sflag:s4] =	dma.local [hbm:s3], $0xF7A  }
0x26: {  	[smem:$0x3F9F] =	sst s1;
	(tag) =	ssettag s2;
	_ =	strace s9  }
0x27: {  	s1 =	sld [smem:$0x3FAF]  }
0x28: {  	s2 =	sld [smem:$0x3FB0]  }
0x29: {  	s4 =	sld [smem:$0x3FB2]  }
0x2a: {  	p0 =	seq.s32 s5, $0x0;
	s5 =	sld [smem:$0x3FB3]  }
0x2b: {  	s6 =	sld [smem:$0x3FB4]  }
0x2c: {  	s7 =	sld [smem:$0x3FB5]  }
0x2d: {  	s3 =	simm.s32 $0x108;
	s8 =	sld [smem:$0x3FB6]  }
0x2e: {  	s3 =	simm.s32 @!p0 $0x1082;
	s9 =	sld [smem:$0x3FB7]  }
0x2f: {  	lr =	sadd.s32 s0, s3;
	s0 =	sld [smem:$0x3FAE]  }
0x30: {  	s3 =	sld [smem:$0x3FB1]  }
0x31: {  	[smem:$0x3FBA] =	sst s10  }
0x32: {  	s10 =	sld [smem:$0x3FB8];
	_ =	sdelay $0x3  }
0x33: {  	p0 =	seq.s32 s10, $0x1;
	s10 =	sld [smem:$0x3FBA];
	_ =	sdelay $0x3  }
0x34: {  	[smem:$0x3FBA] =	sst s10  }
0x35: {  	s10 =	sld [smem:$0x3FB9];
	_ =	sdelay $0x3  }
0x36: {  	p1 =	seq.s32 s10, $0x1;
	s10 =	sld [smem:$0x3FBA];
	_ =	sdelay $0x3  }
0x37: {  	[smem:$0x3FBA] =	sst s10  }
0x38: {  	s10 =	sld [smem:$0x3FBB]  }
0x39: {  	_ = 	snop;
	(pc) =	sbr.ind lr, $3  }
0x3a: {  	_ = 	snop  }
0x3b: {  	_ = 	snop  }
0x3c: {  	p2 =	seq.s32 s10, $0x1;
	s10 =	sld [smem:$0x3FBA]  }
0x3d: {  	_ =	shalt  }
0x3e: {  	_ =	shalt  }
0x3f: {  	_ =	shalt  }
0x40: {  	_ =	shalt  }
0x41: {  	_ =	shalt  }
0x42: {  	_ =	shalt  }
0x43: {  	_ =	shalt  }
0x44: {  	_ =	shalt  }
0x45: {  	_ =	shalt  }
0x46: {  	_ =	shalt  }
0x47: {  	_ =	shalt  }
0x48: {  	_ =	shalt  }
0x49: {  	_ =	shalt  }
0x4a: {  	_ =	shalt  }
0x4b: {  	_ =	shalt  }
0x4c: {  	_ =	shalt  }
0x4d: {  	_ =	shalt  }
0x4e: {  	_ =	shalt  }
0x4f: {  	_ =	shalt  }
0x50: {  	_ =	shalt  }
0x51: {  	_ =	shalt  }
0x52: {  	_ =	shalt  }
0x53: {  	_ =	shalt  }
0x54: {  	_ =	shalt  }
0x55: {  	_ =	shalt  }
0x56: {  	_ =	shalt  }
0x57: {  	_ =	shalt  }
0x58: {  	_ =	shalt  }
0x59: {  	_ =	shalt  }
0x5a: {  	_ =	shalt  }
0x5b: {  	_ =	shalt  }
0x5c: {  	_ =	shalt  }
0x5d: {  	_ =	shalt  }
0x5e: {  	_ =	shalt  }
0x5f: {  	_ =	shalt  }
0x60: {  	_ =	shalt  }
0x61: {  	_ =	shalt  }
0x62: {  	_ =	shalt  }
0x63: {  	_ =	shalt  }
0x64: {  	_ =	shalt  }
0x65: {  	_ =	shalt  }
0x66: {  	_ =	shalt  }
0x67: {  	_ =	shalt  }
0x68: {  	_ =	shalt  }
0x69: {  	_ =	shalt  }
0x6a: {  	_ =	shalt  }
0x6b: {  	_ =	shalt  }
0x6c: {  	_ =	shalt  }
0x6d: {  	_ =	shalt  }
0x6e: {  	_ =	shalt  }
0x6f: {  	_ =	shalt  }
0x70: {  	_ =	shalt  }
0x71: {  	_ =	shalt  }
0x72: {  	_ =	shalt  }
0x73: {  	_ =	shalt  }
0x74: {  	_ =	shalt  }
0x75: {  	_ =	shalt  }
0x76: {  	_ =	shalt  }
0x77: {  	_ =	shalt  }
0x78: {  	_ =	shalt  }
0x79: {  	_ =	shalt  }
0x7a: {  	_ =	shalt  }
0x7b: {  	_ =	shalt  }
0x7c: {  	_ =	shalt  }
0x7d: {  	_ =	shalt  }
0x7e: {  	_ =	shalt  }
0x7f: {  	_ =	shalt  }
0x80: {  	_ =	shalt  }
0x81: {  	_ =	shalt  }
0x82: {  	_ =	shalt  }
0x83: {  	_ =	shalt  }
0x84: {  	_ =	shalt  }
0x85: {  	_ =	shalt  }
0x86: {  	_ =	shalt  }
0x87: {  	_ =	shalt  }
.Lfunc_end0:
.L_simem_size_0:
called_computation_lowered:
.L_overlay_start_0:
0x88: {  	s2 =	sld [smem:$0x3FD9]  }
0x89: {  	s3 =	sld [smem:$0x3FFE];
	_ =	sdelay $0x1  }
0x8a: {  	s1 =	srdreg.scid  }
0x8b: {  	s0 =	sand.u32 $0x1, s1  }
0x8c: {  	s17 =	sshll.u32 s0, $0xA;
	s2 =	sadd.s32 s3, s2  }
0x8d: {  	s2 =	sadd.s32 s2, s17  }
0x8e: {  	[smem:$0x3FC6] =	sst s2  }
0x8f: {  	_ = 	snop  }
0x90: {  	s2 =	sld [smem:$0x3FD0];
	(tm) =	ssettm $0x1  }
0x91: {  	s18 =	sld [smem:$0x3FFB];
	_ =	sdelay $0x3  }
0x92: {  	_ =	strace s18  }
0x93: {  	s3 =	sld [smem:$0x3FFC];
	_ =	sdelay $0x3  }
0x94: {  	_ =	strace s3  }
0x95: {  	s3 =	sld [smem:$0x3FFD];
	_ =	sdelay $0x3  }
0x96: {  	_ =	strace s3  }
0x97: {  	_ =	strace $0x8FFFFFFF  }
0x98: {  	s19 =	sld [smem:$0x3FDB];
	_ =	sdelay $0x1  }
0x99: {  	s4 =	simm.s32 $_scs_section_size  }
0x9a: {  	s5 =	simm.s32 $_size__tile_overlayer_lowered;
	s6 =	simm.s32 $_tile_overlayer_lowered  }
0x9b: {  	s22 =	simm.s32 $0x1BFF;
	s21 =	sshll.u32 s6, $0x1;
	s3 =	sadd.s32 s4, s19  }
0x9c: {  	s7 =	simm.s32 $0x0;
	s20 =	sshll.u32 s5, $0x1;
	s5 =	sadd.s32 s21, s3  }
0x9d: {  	[timem:s7], [sflag:s22] =	dma.local [hbm:s5], s20  }
0x9e: {  	_ =	swait.ge [sflag:s22], s20  }
0x9f: {  	s4 =	ssub.s32 $0x0, s20;
	[sflag:s22] =	ssyncset.done $0x0  }
0xa0: {  	[sflag:s22] =	ssyncadd.s32 s4;
	_ =	sdelay $0x1  }
0xa1: {  	s23 =	simm.s32 $0x1B8B  }
0xa2: {  	_ =	swait.ge [sflag:s23], $0x1  }
0xa3: {  	[sflag:s23] =	ssyncset.done $0x0  }
0xa4: {  	s25 =	simm.s32 $0x1B8E;
	s24 =	sld [smem:$0x3FFE];
	[sflag:s23] =	ssyncadd.s32 $0xFFFFFFFF  }
0xa5: {  	s26 =	simm.s32 $execute0_lowered;
	[smem:$0x3FD2] =	sst s25  }
0xa6: {  	s5 =	sshll.u32 s26, $0x1;
	_ =	strace $0x80000046;
	[dreg:$0x1] =	wrdreg $0xFFFFFFFF  }
0xa7: {  	s28 =	simm.s32 $_size_execute0_lowered;
	s3 =	sadd.s32 s3, s5;
	[dreg:$0x0] =	wrdreg $0x0  }
0xa8: {  	s5 =	sshll.u32 s28, $0x1;
	[dreg:$0x2] =	wrdreg s3  }
0xa9: {  	[dreg:$0x3] =	wrdreg s5  }
0xaa: {  	[dreg:$0x4] =	wrdreg $0xC0  }
0xab: {  	_ =	task [dreg:s7], $0x5FFFF  }
0xac: {  	[dreg:$0x1] =	wrdreg $0xFFFFFFFF  }
0xad: {  	[dreg:$0x0] =	wrdreg $0x60  }
0xae: {  	[dreg:$0x2] =	wrdreg s24  }
0xaf: {  	[dreg:$0x3] =	wrdreg s2  }
0xb0: {  	[dreg:$0x4] =	wrdreg $0x9  }
0xb1: {  	_ =	task.clear_ibuf [dreg:s7], $0x5FFFF;
	_ =	strace $0x90000046  }
0xb2: {  	s29 =	simm.s32 $0x9;
	_ =	strace $0x80000048  }
0xb3: {  	_ =	swait.ge [sflag:s29], $0x1  }
0xb4: {  	[sflag:s29] =	ssyncadd.s32 $0xFFFFFFFF  }
0xb5: {  	_ =	strace $0x90000048  }
0xb6: {  	_ =	sfence  }
0xb7: {  	s30 =	sld [smem:$0x0];
	_ =	sdelay $0x2  }
0xb8: {  	s31 =	sshll.u32 s1, $0xD;
	s1 =	sshrl.u32 s1, $0x2  }
0xb9: {  	s3 =	sand.u32 $0x4000, s31;
	s1 =	sadd.s32 s1, s30  }
0xba: {  	s0 =	sor.u32 s3, s0;
	s1 =	sshll.u32 s1, $0x11  }
0xbb: {  	s0 =	sor.u32 s1, s0  }
0xbc: {  	s0 =	sadd.s32 $0x8F2B, s0  }
0xbd: {  	[sflag:s0] =	ssyncadd.remote.s32 $0x1  }
0xbe: {  	_ =	sfence.sel $0xFFFF  }
0xbf: {  	[dreg:$0x0] =	wrdreg $0xFFFFFFFF;
	(pc) =	sbr.abs _section_cstart, $3  }
0xc0: {  	[dreg:$0x1] =	wrdreg $0xFFFFFFFF  }
0xc1: {  	_ =	task.clear_ibuf [dreg:s7], $0x2FFFF;
	_ =	strace $0x9FFFFFFF  }
0xc2: {  	(tm) =	ssettm $0x7FFFFFFF  }
0xc3: {  	_ =	shalt  }
tec
execute0_lowered:
.L_overlay_start_1:
0x0: {  	(tag) =	ssettag $0x1  }
0x1: {  	s1 =	srdreg.scid;
	s2 =	rddreg [dreg:$0x0]  }
0x2: {  	s0 =	stileid.u32;
	s4 =	rddreg [dreg:$0x1]  }
0x3: {  	s7 =	simm.s32 $0x0;
	s3 =	sand.u32 $0x1, s1;
	s31 =	sshll.u32 s0, $0x1  }
0x4: {  	s12 =	simm.s32 $0x100;
	s1 =	rddreg [dreg:$0x2];
	s5 =	sor.u32 s3, s31  }
0x5: {  	[smem:$0x7FF] =	sst s7;
	s3 =	ssub.s32 $0x2, s3;
	s6 =	smul.u32 $0xA00, s5  }
0x6: {  	_ =	strace $0x80000047;
	s5 =	smul.u32 $0x14, s5;
	s8 =	sshrl.u32 s3, $0x1  }
0x7: {  	s3 =	ssub.s32 s3, s8;
	s8 =	simm.s32 $0x2;
	s6 =	sadd.s32 s6, s2  }
0x8: {  	s10 =	sadd.s32 s5, s2;
	s9 =	sadd.s32 s4, s5;
	s13 =	smax.u32 s3, $0x1  }
0x9: {  	[tilespmem:s7], [sflag:$0x2] =	stream.linear.gather [hbm4b:s9+s7], $0xA0, $0x38;
	[tilespmem:$0x5300] =	vst v63  }
0xa: {  	s2 =	sadd.s32 $0x14E00, s2;
	p0 =	sne.s32 s13, $0x1;
	_ =	swait.ge [sflag:s8], $0xA0  }
.Ltmp0:
0xb: {  	s3 =	simm.s32 $0x300;
	[sflag:s8] =	ssyncset.done $0x0;
	(pc) =	sbr.rel @!p0 .LBB2_2-.Ltmp0, $4  }
0xc: {  	s4 =	simm.s32 $0xA0;
	s11 =	sadd.s32 $0x14A00, s10;
	[sflag:s8] =	ssyncadd.s32 $0xFFFFFF60  }
0xd: {  	[tilespmem:s12], [sflag:$0x2] =	stream.linear.gather [hbm4b:s11+s7], $0xA0, $0x38;
	[tilespmem:$0x5300] =	vst v63  }
0xe: {  	s5 =	simm.s32 $0x200;
	s10 =	sadd.s32 $0xA00, s6;
	_ =	swait.ge [sflag:s8], $0xA0  }
0xf: {  	s6 =	simm.s32 $0x1;
	s13 =	sadd.s32 $0xFFFFFFFF, s13;
	[sflag:s8] =	ssyncset.done $0x0  }
.LBB2_1:
0x10: {  	p0 =	sne.s32 s13, $0x1;
	s13 =	sadd.s32 $0xFFFFFFFF, s13;
	[sflag:s8] =	ssyncadd.s32 $0xFFFFFF60  }
0x11: {  	[tilespmem:s3], [sflag:$0x2] =	stream.linear.gather [hbm4b:s10+s7], $0x5000, $0x38;
	[tilespmem:$0x5300] =	vst v63  }
0x12: {  	_ =	swait.ge [sflag:s8], $0x5000  }
0x13: {  	[sflag:s8] =	ssyncset.done $0x0  }
0x14: {  	[sflag:s8] =	ssyncadd.s32 $0xFFFFB000  }
0x15: {  	v0 =	vld [tilespmem:$0x180]  }
0x16: {  	v1 =	vld [tilespmem:$0x80]  }
0x17: {  	v2 =	vld [tilespmem:$0x160]  }
0x18: {  	v3 =	vld [tilespmem:$0x60]  }
0x19: {  	v4 =	vld [tilespmem:$0x190]  }
0x1a: {  	v5 =	vld [tilespmem:$0x50]  }
0x1b: {  	v6 =	vld [tilespmem:$0x140]  }
0x1c: {  	v7 =	vld [tilespmem:$0x150]  }
0x1d: {  	v8 =	vld [tilespmem:$0x130];
	v2 =	vadd.s32 v3, v2  }
0x1e: {  	[tilespmem:$0x260] =	vst v2;
	v2 =	vld [tilespmem:$0x170]  }
0x1f: {  	v3 =	vld [tilespmem:$0x120]  }
0x20: {  	v9 =	vld [tilespmem:$0x40]  }
0x21: {  	v10 =	vld [tilespmem:$0x30];
	v5 =	vadd.s32 v5, v7  }
0x22: {  	v7 =	vld [tilespmem:$0x0];
	[tilespmem:$0x250] =	vst v5  }
0x23: {  	v5 =	vld [tilespmem:$0x110]  }
0x24: {  	v11 =	vld [tilespmem:$0x20]  }
0x25: {  	v12 =	vld [tilespmem:$0x10];
	v6 =	vadd.s32 v9, v6  }
0x26: {  	v0 =	vadd.s32 v1, v0;
	v8 =	vadd.s32 v10, v8;
	v1 =	vld [tilespmem:$0x90]  }
0x27: {  	v9 =	vld [tilespmem:$0x70];
	[tilespmem:$0x280] =	vst v0  }
0x28: {  	v0 =	vld [tilespmem:$0x100];
	[tilespmem:$0x240] =	vst v6  }
0x29: {  	v3 =	vadd.s32 v11, v3;
	[tilespmem:$0x230] =	vst v8  }
0x2a: {  	v5 =	vadd.s32 v12, v5;
	[tilespmem:$0x220] =	vst v3  }
0x2b: {  	[tilespmem:$0x210] =	vst v5;
	v1 =	vadd.s32 v1, v4  }
0x2c: {  	v2 =	vadd.s32 v9, v2;
	[tilespmem:$0x290] =	vst v1  }
0x2d: {  	v0 =	vadd.s32 v7, v0;
	[tilespmem:$0x270] =	vst v2  }
0x2e: {  	[tilespmem:$0x200] =	vst v0  }
0x2f: {  	[hbm4b:s2+s4] =	stream.indirect.scatter [tilespmem:s3], [sflag:$0x1], $0x80, s5, s4, $0xb8;
	[tilespmem:$0x5300] =	vst v63  }
0x30: {  	_ =	swait.ge [sflag:s6], $0x5000  }
0x31: {  	[sflag:s6] =	ssyncset.done $0x0  }
0x32: {  	[sflag:s6] =	ssyncadd.s32 $0xFFFFB000  }
0x33: {  	[tilespmem:s7], [sflag:$0x2] =	stream.linear.gather [hbm4b:s9+s7], $0xA0, $0x38;
	[tilespmem:$0x5300] =	vst v63  }
0x34: {  	_ =	swait.ge [sflag:s8], $0xA0  }
.Ltmp1:
0x35: {  	[sflag:s8] =	ssyncset.done $0x0;
	(pc) =	sbr.rel @p0 .LBB2_1-.Ltmp1, $4  }
0x36: {  	[sflag:s8] =	ssyncadd.s32 $0xFFFFFF60  }
0x37: {  	[tilespmem:s12], [sflag:$0x2] =	stream.linear.gather [hbm4b:s11+s7], $0xA0, $0x38;
	[tilespmem:$0x5300] =	vst v63  }
0x38: {  	_ =	swait.ge [sflag:s8], $0xA0  }
0x39: {  	[sflag:s8] =	ssyncset.done $0x0  }
.LBB2_2:
0x3a: {  	[sflag:s8] =	ssyncadd.s32 $0xFFFFFF60  }
0x3b: {  	[tilespmem:s3], [sflag:$0x2] =	stream.linear.gather [hbm4b:s10+s7], $0x5000, $0x38;
	[tilespmem:$0x5300] =	vst v63  }
0x3c: {  	_ =	swait.ge [sflag:s8], $0x5000  }
0x3d: {  	[sflag:s8] =	ssyncset.done $0x0  }
0x3e: {  	[sflag:s8] =	ssyncadd.s32 $0xFFFFB000  }
0x3f: {  	v0 =	vld [tilespmem:$0x180]  }
0x40: {  	v1 =	vld [tilespmem:$0x80]  }
0x41: {  	v2 =	vld [tilespmem:$0x160]  }
0x42: {  	v3 =	vld [tilespmem:$0x60]  }
0x43: {  	v4 =	vld [tilespmem:$0x190]  }
0x44: {  	v5 =	vld [tilespmem:$0x50]  }
0x45: {  	v6 =	vld [tilespmem:$0x140]  }
0x46: {  	v7 =	vld [tilespmem:$0x150]  }
0x47: {  	v8 =	vld [tilespmem:$0x130]  }
0x48: {  	v9 =	vld [tilespmem:$0x170]  }
0x49: {  	v10 =	vld [tilespmem:$0x120]  }
0x4a: {  	v11 =	vld [tilespmem:$0x40]  }
0x4b: {  	v12 =	vld [tilespmem:$0x30]  }
0x4c: {  	v13 =	vld [tilespmem:$0x0]  }
0x4d: {  	v14 =	vld [tilespmem:$0x110]  }
0x4e: {  	v51 =	vld [tilespmem:$0x20];
	v2 =	vadd.s32 v3, v2  }
0x4f: {  	v53 =	vld [tilespmem:$0x10];
	v52 =	vadd.s32 v5, v7;
	[tilespmem:$0x260] =	vst v2  }
0x50: {  	v54 =	vld [tilespmem:$0x90];
	v0 =	vadd.s32 v1, v0;
	[tilespmem:$0x250] =	vst v52  }
0x51: {  	v56 =	vld [tilespmem:$0x70];
	v55 =	vadd.s32 v11, v6;
	[tilespmem:$0x280] =	vst v0  }
0x52: {  	v58 =	vld [tilespmem:$0x100];
	v57 =	vadd.s32 v12, v8;
	[tilespmem:$0x240] =	vst v55  }
0x53: {  	v59 =	vadd.s32 v51, v10;
	[tilespmem:$0x230] =	vst v57  }
0x54: {  	v60 =	vadd.s32 v53, v14;
	[tilespmem:$0x220] =	vst v59  }
0x55: {  	v61 =	vadd.s32 v54, v4;
	[tilespmem:$0x210] =	vst v60  }
0x56: {  	v62 =	vadd.s32 v56, v9;
	[tilespmem:$0x290] =	vst v61  }
0x57: {  	v63 =	vadd.s32 v13, v58;
	[tilespmem:$0x270] =	vst v62  }
0x58: {  	[tilespmem:$0x200] =	vst v63  }
0x59: {  	[hbm4b:s2+s4] =	stream.indirect.scatter [tilespmem:s3], [sflag:$0x1], $0x80, s5, s4, $0xb8;
	[tilespmem:$0x5300] =	vst v63  }
0x5a: {  	_ =	swait.ge [sflag:s6], $0x5000  }
0x5b: {  	[sflag:s6] =	ssyncset.done $0x0  }
0x5c: {  	[sflag:s6] =	ssyncadd.s32 $0xFFFFB000  }
0x5d: {  	_ =	sfence.sel $0x180000  }
0x5e: {  	[bflag:$0x0] =	sbarrier.arrive $0xFFFF  }
0x5f: {  	p0 =	sne.s32 s0, $0x0;
	_ =	strace $0x90000047  }
0x60: {  	s0 =	sadd.s32 @!p0 $0x100000, s1;
	[bflag:$0x2] =	sbarrier.arrive $0xFFFF  }
0x61: {  	[sflag:s0] =	ssyncadd.tile.s32 @!p0 $0x1;
	_ =	shalt  }
.Lfunc_end2:
_tile_overlayer_lowered:
.L_overlay_start_2:
0x62: {  	(tag) =	ssettag $0x2  }
0x63: {  	s0 =	rddreg [dreg:$0x0];
	s2 =	stileid.u32  }
0x64: {  	s1 =	rddreg [dreg:$0x1];
	p0 =	sne.s32 s2, $0x0  }
0x65: {  	s3 =	rddreg [dreg:$0x2];
	[bflag:$0x3] =	sbarrier.arrive $0xFFFF;
	s2 =	simm.s32 @!p0 $0x1C02  }
0x66: {  	[timem:s3], [sflag:s2] =	dma.local @!p0 [hbm:s0], s1  }
0x67: {  	s0 =	simm.s32 @!p0 $0x2  }
0x68: {  	_ =	swait.ge @!p0 [sflag:s0], s1  }
0x69: {  	s1 =	ssub.s32 @!p0 $0x0, s1;
	[sflag:s0] =	ssyncset.done @!p0 $0x0  }
0x6a: {  	[sflag:s0] =	ssyncadd.s32 @!p0 s1  }
0x6b: {  	[bflag:$0x3] =	sbarrier.arrive $0xFFFF  }
0x6c: {  	_ =	shalt  }

</sc_bundles>
